<compile_context>
chip_gen: v7x
topology: tpu7x:2x2x1
jax: 0.10.2.dev20260603
libtpu: 0.0.44.dev20260713+nightly
codegen_flags: <defaults>
</compile_context>

<pallas_src>
import functools

import jax
import jax.numpy as jnp
from jax import lax
from jax.experimental import pallas as pl
from jax.experimental.pallas import tpu as pltpu
from jax.experimental.pallas import tpu_sc as plsc

N = 10000
D = 128
HID = 8
HEADS = 8
OUT = 7
E = 320000

NC, NS, L = 2, 16, 16
NW = NC * NS
CHUNK = 128
NP = 10112
RPT = NP // NS
ETOT = E + N
CPT = 82
EP = NW * CHUNK * CPT
S2 = 2
C2 = S2 * CHUNK
CPT2 = CPT // S2

F1 = HEADS * HID
W1R = F1 + L


def _dense1_body(x_ref, m1_ref, wad_ref, hbf_ref, asil_ref, dstt_ref,
                 bs_ref, bd_ref):
    p = jnp.dot(x_ref[...], m1_ref[...], preferred_element_type=jnp.float32)
    q = jnp.dot(x_ref[...], wad_ref[...], preferred_element_type=jnp.float32)
    hbf_ref[...] = p[:, 0:F1].astype(jnp.bfloat16)
    asil_ref[...] = p[:, F1:W1R]
    dstt_ref[...] = q
    bs_ref[0, :, :] = jnp.max(p[:, F1:W1R], axis=0, keepdims=True)
    bd_ref[0, :, :] = jnp.max(q, axis=0, keepdims=True)


def _dense1(x_p, M1, WAd):
    rb = 1264
    grid = NP // rb
    return pl.pallas_call(
        _dense1_body,
        grid=(grid,),
        in_specs=[
            pl.BlockSpec((rb, D), lambda i: (i, 0)),
            pl.BlockSpec((D, W1R), lambda i: (0, 0)),
            pl.BlockSpec((D, L), lambda i: (0, 0)),
        ],
        out_specs=[
            pl.BlockSpec((rb, F1), lambda i: (i, 0)),
            pl.BlockSpec((rb, L), lambda i: (i, 0)),
            pl.BlockSpec((rb, L), lambda i: (i, 0)),
            pl.BlockSpec((1, 1, L), lambda i: (i, 0, 0)),
            pl.BlockSpec((1, 1, L), lambda i: (i, 0, 0)),
        ],
        out_shape=[
            jax.ShapeDtypeStruct((NP, F1), jnp.bfloat16),
            jax.ShapeDtypeStruct((NP, L), jnp.float32),
            jax.ShapeDtypeStruct((NP, L), jnp.float32),
            jax.ShapeDtypeStruct((grid, 1, L), jnp.float32),
            jax.ShapeDtypeStruct((grid, 1, L), jnp.float32),
        ],
    )(x_p, M1, WAd)


def _edge1_body(si3, di3, srct_hbm, dstt_hbm, cv_hbm, z_hbm, out_hbm,
                sidx_all, didx_all, srows0, srows1, drows0, drows1,
                orows0, orows1, cv, acc, gs0, gs1, gd0, gd1, sc0, sc1):
    ci = lax.axis_index("c")
    sid = lax.axis_index("s")
    wid = sid * NC + ci

    pltpu.sync_copy(z_hbm, acc.at[pl.ds(sid * RPT, RPT)])
    pltpu.sync_copy(cv_hbm, cv)
    pltpu.sync_copy(si3.at[wid], sidx_all)
    pltpu.sync_copy(di3.at[wid], didx_all)
    plsc.subcore_barrier()

    srows = (srows0, srows1)
    drows = (drows0, drows1)
    orows = (orows0, orows1)
    gs = (gs0, gs1)
    gd = (gd0, gd1)
    sc = (sc0, sc1)
    cvr = cv[pl.ds(0, L)]

    def start_g(c, b):
        pltpu.async_copy(srct_hbm.at[sidx_all.at[c]], srows[b], gs[b])
        pltpu.async_copy(dstt_hbm.at[didx_all.at[c]], drows[b], gd[b])

    def wait_g(c, b):
        pltpu.make_async_copy(srct_hbm.at[sidx_all.at[c]], srows[b],
                              gs[b]).wait()
        pltpu.make_async_copy(dstt_hbm.at[didx_all.at[c]], drows[b],
                              gd[b]).wait()

    def start_s(c, b):
        pltpu.async_copy(orows[b], acc.at[didx_all.at[c]], sc[b], add=True)

    def wait_s(c, b):
        pltpu.make_async_copy(orows[b], acc.at[didx_all.at[c]], sc[b]).wait()

    def compute(b):
        sr, dr, orr = srows[b], drows[b], orows[b]

        @plsc.parallel_loop(0, CHUNK, step=1, unroll=4)
        def edge_body(i):
            asil = plsc.bitcast(sr[i, pl.ds(0, 2 * L)], jnp.float32)
            t = asil + dr[i, pl.ds(0, L)]
            t = jnp.where(t > 0, t, t * jnp.float32(0.2))
            ex = jnp.exp(t - cvr)
            for v in range(2):
                hv = sr[i, pl.ds(2 * L + 2 * v * L, 2 * L)]
                ha, hb = plsc.unpack(hv, format=plsc.PackFormat.INTERLEAVED)
                orr[i, pl.ds(2 * v * L, L)] = ha * ex
                orr[i, pl.ds(2 * v * L + L, L)] = hb * ex
            orr[i, pl.ds(F1, L)] = ex

    start_g(0, 0)
    start_g(1, 1)
    wait_g(0, 0)
    compute(0)
    start_s(0, 0)
    start_g(2, 0)
    wait_g(1, 1)
    compute(1)
    start_s(1, 1)
    start_g(3, 1)

    def pair(k, carry):
        ca = 2 * k
        cb = 2 * k + 1
        wait_g(ca, 0)
        wait_s(ca - 2, 0)
        compute(0)
        start_s(ca, 0)

        @pl.when(ca + 2 < CPT)
        def _():
            start_g(ca + 2, 0)

        wait_g(cb, 1)
        wait_s(cb - 2, 1)
        compute(1)
        start_s(cb, 1)

        @pl.when(cb + 2 < CPT)
        def _():
            start_g(cb + 2, 1)

        return carry

    lax.fori_loop(1, CPT // 2, pair, 0)
    wait_s(CPT - 2, 0)
    wait_s(CPT - 1, 1)
    plsc.subcore_barrier()
    pltpu.sync_copy(acc.at[pl.ds(sid * RPT, RPT)],
                    out_hbm.at[ci, pl.ds(sid * RPT, RPT)])


@functools.cache
def _edge1():
  return pl.kernel(
    _edge1_body,
    out_type=jax.ShapeDtypeStruct((NC, NP, W1R), jnp.float32),
    compiler_params=pltpu.CompilerParams(use_tc_tiling_on_sc=False,
                                         needs_layout_passes=False),
    mesh=plsc.VectorSubcoreMesh(core_axis_name="c", subcore_axis_name="s",
                                num_cores=NC, num_subcores=NS),
    scratch_types=[
        pltpu.VMEM((CPT, CHUNK), jnp.int32),
        pltpu.VMEM((CPT, CHUNK), jnp.int32),
        pltpu.VMEM((CHUNK, 6 * L), jnp.bfloat16),
        pltpu.VMEM((CHUNK, 6 * L), jnp.bfloat16),
        pltpu.VMEM((CHUNK, L), jnp.float32),
        pltpu.VMEM((CHUNK, L), jnp.float32),
        pltpu.VMEM((CHUNK, W1R), jnp.float32),
        pltpu.VMEM((CHUNK, W1R), jnp.float32),
        pltpu.VMEM((L,), jnp.float32),
        pltpu.VMEM_SHARED((NP, W1R), jnp.float32),
        pltpu.SemaphoreType.DMA,
        pltpu.SemaphoreType.DMA,
        pltpu.SemaphoreType.DMA,
        pltpu.SemaphoreType.DMA,
        pltpu.SemaphoreType.DMA,
        pltpu.SemaphoreType.DMA,
    ],
  )


def _dense2_body(acc_ref, b1_ref, et_ref, m2_ref, src2_ref, dst2_ref,
                 bs_ref, bd_ref):
    s = acc_ref[0] + acc_ref[1]
    den = jnp.dot(s[:, F1:W1R], et_ref[...],
                  preferred_element_type=jnp.float32)
    o = s[:, 0:F1] / (den + jnp.float32(1e-16)) + b1_ref[...]
    g = jnp.where(o > 0, o, jnp.exp(o) - jnp.float32(1.0))
    p = jnp.dot(g, m2_ref[...], preferred_element_type=jnp.float32)
    lane = lax.broadcasted_iota(jnp.int32, (RPT, 2 * L), 1)
    src2_ref[...] = p[:, 0:2 * L] + jnp.where(lane == OUT, 1.0, 0.0)
    dst2_ref[...] = p[:, 2 * L:3 * L]
    bs_ref[0, :, :] = jnp.max(p[:, L:2 * L], axis=0, keepdims=True)
    bd_ref[0, :, :] = jnp.max(p[:, 2 * L:3 * L], axis=0, keepdims=True)


def _dense2(acc1, b1t, Et, M2t):
    grid = NP // RPT
    return pl.pallas_call(
        _dense2_body,
        grid=(grid,),
        in_specs=[
            pl.BlockSpec((NC, RPT, W1R), lambda i: (0, i, 0)),
            pl.BlockSpec((F1,), lambda i: (0,)),
            pl.BlockSpec((L, F1), lambda i: (0, 0)),
            pl.BlockSpec((F1, 3 * L), lambda i: (0, 0)),
        ],
        out_specs=[
            pl.BlockSpec((RPT, 2 * L), lambda i: (i, 0)),
            pl.BlockSpec((RPT, L), lambda i: (i, 0)),
            pl.BlockSpec((1, 1, L), lambda i: (i, 0, 0)),
            pl.BlockSpec((1, 1, L), lambda i: (i, 0, 0)),
        ],
        out_shape=[
            jax.ShapeDtypeStruct((NP, 2 * L), jnp.float32),
            jax.ShapeDtypeStruct((NP, L), jnp.float32),
            jax.ShapeDtypeStruct((grid, 1, L), jnp.float32),
            jax.ShapeDtypeStruct((grid, 1, L), jnp.float32),
        ],
    )(acc1, b1t, Et, M2t)


def _edge2_body(si3, di3, srct_hbm, dstt_hbm, cv_hbm, z_hbm, out_hbm,
                sidx_all, didx_all, srows0, srows1, drows0, drows1,
                orows0, orows1, cv, acc, gs0, gs1, gd0, gd1, sc0, sc1):
    ci = lax.axis_index("c")
    sid = lax.axis_index("s")
    wid = sid * NC + ci

    pltpu.sync_copy(z_hbm, acc.at[pl.ds(sid * RPT, RPT)])
    pltpu.sync_copy(cv_hbm, cv)
    pltpu.sync_copy(si3.at[wid], sidx_all)
    pltpu.sync_copy(di3.at[wid], didx_all)
    plsc.subcore_barrier()

    srows = (srows0, srows1)
    drows = (drows0, drows1)
    orows = (orows0, orows1)
    gs = (gs0, gs1)
    gd = (gd0, gd1)
    sc = (sc0, sc1)
    cvr = cv[pl.ds(0, L)]

    def start_g(c, b):
        for j in range(S2):
            pltpu.async_copy(srct_hbm.at[sidx_all.at[S2 * c + j]],
                             srows[b].at[pl.ds(j * CHUNK, CHUNK)], gs[b])
            pltpu.async_copy(dstt_hbm.at[didx_all.at[S2 * c + j]],
                             drows[b].at[pl.ds(j * CHUNK, CHUNK)], gd[b])

    def wait_g(c, b):
        for j in range(S2):
            pltpu.make_async_copy(srct_hbm.at[sidx_all.at[S2 * c + j]],
                                  srows[b].at[pl.ds(j * CHUNK, CHUNK)],
                                  gs[b]).wait()
            pltpu.make_async_copy(dstt_hbm.at[didx_all.at[S2 * c + j]],
                                  drows[b].at[pl.ds(j * CHUNK, CHUNK)],
                                  gd[b]).wait()

    def start_s(c, b):
        for j in range(S2):
            pltpu.async_copy(orows[b].at[pl.ds(j * CHUNK, CHUNK)],
                             acc.at[didx_all.at[S2 * c + j]], sc[b], add=True)

    def wait_s(c, b):
        for j in range(S2):
            pltpu.make_async_copy(orows[b].at[pl.ds(j * CHUNK, CHUNK)],
                                  acc.at[didx_all.at[S2 * c + j]],
                                  sc[b]).wait()

    def compute(b):
        sr, dr, orr = srows[b], drows[b], orows[b]

        @plsc.parallel_loop(0, C2, step=1, unroll=8)
        def edge_body(i):
            s0 = sr[i, pl.ds(0, L)]
            s1 = sr[i, pl.ds(L, L)]
            dd = dr[i, pl.ds(0, L)]
            t = s1 + dd
            t = jnp.where(t > 0, t, t * jnp.float32(0.2))
            ex = jnp.exp(t - cvr)
            orr[i, pl.ds(0, L)] = s0 * ex

    start_g(0, 0)
    start_g(1, 1)
    wait_g(0, 0)
    compute(0)
    start_s(0, 0)
    start_g(2, 0)
    wait_g(1, 1)
    compute(1)
    start_s(1, 1)
    start_g(3, 1)

    def pair(k, carry):
        ca = 2 * k
        cb = 2 * k + 1
        wait_g(ca, 0)
        wait_s(ca - 2, 0)
        compute(0)
        start_s(ca, 0)

        @pl.when(ca + 2 < CPT2)
        def _():
            start_g(ca + 2, 0)

        wait_g(cb, 1)
        wait_s(cb - 2, 1)
        compute(1)
        start_s(cb, 1)

        @pl.when(cb + 2 < CPT2)
        def _():
            start_g(cb + 2, 1)

        return carry

    lax.fori_loop(1, (CPT2 - 1) // 2, pair, 0)
    wait_g(CPT2 - 1, 0)
    wait_s(CPT2 - 3, 0)
    compute(0)
    start_s(CPT2 - 1, 0)
    wait_s(CPT2 - 2, 1)
    wait_s(CPT2 - 1, 0)
    plsc.subcore_barrier()
    pltpu.sync_copy(acc.at[pl.ds(sid * RPT, RPT)],
                    out_hbm.at[ci, pl.ds(sid * RPT, RPT)])


@functools.cache
def _edge2():
  return pl.kernel(
    _edge2_body,
    out_type=jax.ShapeDtypeStruct((NC, NP, L), jnp.float32),
    compiler_params=pltpu.CompilerParams(use_tc_tiling_on_sc=False),
    mesh=plsc.VectorSubcoreMesh(core_axis_name="c", subcore_axis_name="s",
                                num_cores=NC, num_subcores=NS),
    scratch_types=[
        pltpu.VMEM((CPT, CHUNK), jnp.int32),
        pltpu.VMEM((CPT, CHUNK), jnp.int32),
        pltpu.VMEM((C2, 2 * L), jnp.float32),
        pltpu.VMEM((C2, 2 * L), jnp.float32),
        pltpu.VMEM((C2, L), jnp.float32),
        pltpu.VMEM((C2, L), jnp.float32),
        pltpu.VMEM((C2, L), jnp.float32),
        pltpu.VMEM((C2, L), jnp.float32),
        pltpu.VMEM((L,), jnp.float32),
        pltpu.VMEM_SHARED((NP, L), jnp.float32),
        pltpu.SemaphoreType.DMA,
        pltpu.SemaphoreType.DMA,
        pltpu.SemaphoreType.DMA,
        pltpu.SemaphoreType.DMA,
        pltpu.SemaphoreType.DMA,
        pltpu.SemaphoreType.DMA,
    ],
  )


def _final_body(acc_ref, b2_ref, out_ref):
    s = acc_ref[0] + acc_ref[1]
    den = s[:, OUT:OUT + 1]
    out_ref[...] = s / (den + jnp.float32(1e-16)) + b2_ref[...]


def _final(acc2, b2p):
    grid = NP // RPT
    return pl.pallas_call(
        _final_body,
        grid=(grid,),
        in_specs=[
            pl.BlockSpec((NC, RPT, L), lambda i: (0, i, 0)),
            pl.BlockSpec((L,), lambda i: (0,)),
        ],
        out_specs=pl.BlockSpec((RPT, L), lambda i: (i, 0)),
        out_shape=jax.ShapeDtypeStruct((NP, L), jnp.float32),
    )(acc2, b2p)


def _leaky(v):
    return jnp.where(v > 0, v, v * jnp.float32(0.2))


def kernel(x, edge_index, W1, att_src1, att_dst1, b1, W2, att_src2, att_dst2,
           b2):
    f32 = jnp.float32
    i32 = jnp.int32

    loops = jnp.arange(N, dtype=i32)
    padv = jnp.full((EP - ETOT,), N, dtype=i32)
    srcp = jnp.concatenate([edge_index[0].astype(i32), loops, padv])
    dstp = jnp.concatenate([edge_index[1].astype(i32), loops, padv])
    si3 = srcp.reshape(NW, CPT, CHUNK)
    di3 = dstp.reshape(NW, CPT, CHUNK)

    k64 = jnp.arange(F1)
    perm_t = (k64 % HEADS) * HID + k64 // HEADS
    jl = jnp.arange(L)
    head_of = k64 // HID
    A_src = (head_of[:, None] == (jl[None, :] % HEADS)).astype(f32) \
        * att_src1.reshape(F1)[:, None]
    A_dst = (head_of[:, None] == (jl[None, :] % HEADS)).astype(f32) \
        * att_dst1.reshape(F1)[:, None]
    W1f = W1.astype(f32)
    kk = k64 % 32
    hcol = 32 * (k64 // 32) + 16 * (kk % 2) + kk // 2
    M1 = jnp.concatenate([W1f[:, perm_t[hcol]], W1f @ A_src], axis=1)
    WAd = W1f @ A_dst

    x_p = jnp.pad(x.astype(f32), ((0, NP - N), (0, 0)))
    hbf, asil, dstt, bs1, bd1 = _dense1(x_p, M1, WAd)
    srct = jnp.concatenate(
        [lax.bitcast_convert_type(asil, jnp.bfloat16).reshape(NP, 2 * L),
         hbf], axis=1)
    cv1 = _leaky(jnp.max(bs1[:, 0], axis=0) + jnp.max(bd1[:, 0], axis=0))

    z1 = jnp.zeros((RPT, W1R), f32)
    acc1 = _edge1()(si3, di3, srct, dstt, cv1, z1)

    Et = (jl[:, None] == (k64[None, :] % HEADS)).astype(f32)
    w_as2 = (W2 @ att_src2[0]).astype(f32)
    w_ad2 = (W2 @ att_dst2[0]).astype(f32)
    M2 = jnp.concatenate([
        W2.astype(f32), jnp.zeros((F1, L - OUT), f32),
        jnp.broadcast_to(w_as2[:, None], (F1, L)),
        jnp.broadcast_to(w_ad2[:, None], (F1, L)),
    ], axis=1)
    M2t = M2[perm_t]
    b1t = b1.astype(f32)[perm_t]

    src2, dst2, bs2, bd2 = _dense2(acc1, b1t, Et, M2t)
    cv2 = _leaky(jnp.max(bs2[:, 0], axis=0) + jnp.max(bd2[:, 0], axis=0))

    z2 = jnp.zeros((RPT, L), f32)
    acc2 = _edge2()(si3, di3, src2, dst2, cv2, z2)

    b2p = jnp.zeros((L,), f32).at[:OUT].set(b2.astype(f32))
    outp = _final(acc2, b2p)
    return outp[:N, :OUT]

# --- scband reference (transcript-rebuilt; emitter-appended) ---
"""Pipeline reference for scband-gat-50586124812836 (READ-ONLY COPY).

The authoritative reference and input builder live on the scoring server;
editing this copy changes nothing except your own understanding.
"""

import jax, jax.numpy as jnp
import numpy as np

N = 10000
E = 320000
D = 128
HID = 8
HEADS = 8
OUT = 7


def setup_inputs(seed: int = 0) -> dict:
    key = jax.random.key(seed)
    ks = jax.random.split(key, 12)
    x = jax.random.normal(ks[0], (N, D), dtype=jnp.float32)
    edge_index = jax.random.randint(ks[1], (2, E), 0, N, dtype=jnp.int32)
    s1 = 1.0 / np.sqrt(D)
    W1 = jax.random.uniform(ks[2], (D, HEADS * HID), dtype=jnp.float32, minval=-s1, maxval=s1)
    att_src1 = jax.random.uniform(ks[3], (HEADS, HID), dtype=jnp.float32, minval=-1.0, maxval=1.0) / np.sqrt(HID)
    att_dst1 = jax.random.uniform(ks[4], (HEADS, HID), dtype=jnp.float32, minval=-1.0, maxval=1.0) / np.sqrt(HID)
    b1 = jnp.zeros((HEADS * HID,), dtype=jnp.float32)
    s2 = 1.0 / np.sqrt(HEADS * HID)
    W2 = jax.random.uniform(ks[5], (HEADS * HID, 1 * OUT), dtype=jnp.float32, minval=-s2, maxval=s2)
    att_src2 = jax.random.uniform(ks[6], (1, OUT), dtype=jnp.float32, minval=-1.0, maxval=1.0) / np.sqrt(OUT)
    att_dst2 = jax.random.uniform(ks[7], (1, OUT), dtype=jnp.float32, minval=-1.0, maxval=1.0) / np.sqrt(OUT)
    b2 = jnp.zeros((OUT,), dtype=jnp.float32)
    return {"x": x, "edge_index": edge_index, "W1": W1, "att_src1": att_src1,
            "att_dst1": att_dst1, "b1": b1, "W2": W2, "att_src2": att_src2,
            "att_dst2": att_dst2, "b2": b2}


def _gat_conv(x, src, dst, W, a_src, a_dst, b, heads, ch, concat):
    n = x.shape[0]
    h = (x @ W).reshape(n, heads, ch)
    alpha_src = jnp.sum(h * a_src, axis=-1)  # [N, H]
    alpha_dst = jnp.sum(h * a_dst, axis=-1)  # [N, H]
    e = jax.nn.leaky_relu(alpha_src[src] + alpha_dst[dst], negative_slope=0.2)  # [E, H]
    m = jax.ops.segment_max(e, dst, num_segments=n)
    ex = jnp.exp(e - m[dst])
    denom = jax.ops.segment_sum(ex, dst, num_segments=n)
    alpha = ex / (denom[dst] + 1e-16)
    out = jax.ops.segment_sum(h[src] * alpha[:, :, None], dst, num_segments=n)
    if concat:
        out = out.reshape(n, heads * ch)
    else:
        out = jnp.mean(out, axis=1)
    return out + b


def reference(x, edge_index, W1, att_src1, att_dst1, b1, W2, att_src2, att_dst2, b2):
    # dropout layers are identity in eval mode
    n = x.shape[0]
    loops = jnp.arange(n, dtype=edge_index.dtype)
    ei = jnp.concatenate([edge_index, jnp.stack([loops, loops])], axis=1)  # add_self_loops=True
    src, dst = ei[0], ei[1]
    h = _gat_conv(x, src, dst, W1, att_src1, att_dst1, b1, HEADS, HID, True)
    h = jax.nn.elu(h)
    out = _gat_conv(h, src, dst, W2, att_src2, att_dst2, b2, 1, OUT, False)
    return out

if __name__ == "__main__":
    import jax
    _d = setup_inputs()
    print(jax.jit(kernel)(*tuple(_d.values())))

</pallas_src>

<mosaic_0001>
#map = affine_map<(d0, d1) -> (0, 0, 0)>
#map1 = affine_map<(d0, d1) -> (0, 0)>
#map2 = affine_map<(d0, d1) -> (0)>
module attributes {stable_mosaic.version = 14 : i64} {
  func.func @_edge1_body(%arg0: i32, %arg1: i32, %arg2: memref<32x82x128xi32, #tpu.memory_space<hbm>>, %arg3: memref<32x82x128xi32, #tpu.memory_space<hbm>>, %arg4: memref<10112x96xbf16, #tpu.memory_space<hbm>>, %arg5: memref<10112x16xf32, #tpu.memory_space<hbm>>, %arg6: memref<16xf32, #tpu.memory_space<hbm>>, %arg7: memref<632x80xf32, #tpu.memory_space<hbm>>, %arg8: memref<2x10112x80xf32, #tpu.memory_space<hbm>>, %arg9: memref<82x128xi32, #tpu.memory_space<vmem>>, %arg10: memref<82x128xi32, #tpu.memory_space<vmem>>, %arg11: memref<128x96xbf16, #tpu.memory_space<vmem>>, %arg12: memref<128x96xbf16, #tpu.memory_space<vmem>>, %arg13: memref<128x16xf32, #tpu.memory_space<vmem>>, %arg14: memref<128x16xf32, #tpu.memory_space<vmem>>, %arg15: memref<128x80xf32, #tpu.memory_space<vmem>>, %arg16: memref<128x80xf32, #tpu.memory_space<vmem>>, %arg17: memref<16xf32, #tpu.memory_space<vmem>>, %arg18: memref<10112x80xf32, #tpu.memory_space<vmem_shared>>, %arg19: memref<!tpu.dma_semaphore, #tpu.memory_space<semaphore_mem>>, %arg20: memref<!tpu.dma_semaphore, #tpu.memory_space<semaphore_mem>>, %arg21: memref<!tpu.dma_semaphore, #tpu.memory_space<semaphore_mem>>, %arg22: memref<!tpu.dma_semaphore, #tpu.memory_space<semaphore_mem>>, %arg23: memref<!tpu.dma_semaphore, #tpu.memory_space<semaphore_mem>>, %arg24: memref<!tpu.dma_semaphore, #tpu.memory_space<semaphore_mem>>) attributes {dimension_semantics = [#tpu.dimension_semantics<core_parallel>, #tpu.dimension_semantics<subcore_parallel>], iteration_bounds = array<i64: 2, 16>, scalar_prefetch = 0 : i64, scratch_operands = 16 : i64, tpu.core_type = #tpu.core_type<sc_vector_subcore>, window_params = [{transform_indices = #map}, {transform_indices = #map}, {transform_indices = #map1}, {transform_indices = #map1}, {transform_indices = #map2}, {transform_indices = #map1}, {transform_indices = #map}]} {
    %mul3A = arith.constant 2 : i32
    %mul3A_0 = arith.muli %arg1, %mul3A : i32
    %add3A = arith.addi %mul3A_0, %arg0 : i32
    %mul3A_1 = arith.constant 632 : i32
    %mul3A_2 = arith.muli %arg1, %mul3A_1 : i32
    "tpu.region"() ({
      %run_scoped3A = tpu.sem_alloc : memref<!tpu.dma_semaphore, #tpu.memory_space<semaphore_mem>>
      %dma_start3A_129 = arith.constant 0 : i32
      %dma_start3A_130 = tpu.memref_slice %arg18[%mul3A_2, %dma_start3A_129] : memref<10112x80xf32, #tpu.memory_space<vmem_shared>> -> memref<632x80xf32, #tpu.memory_space<vmem_shared>>
      tpu.enqueue_dma source(%arg7 : memref<632x80xf32, #tpu.memory_space<hbm>>) target(%dma_start3A_130 : memref<632x80xf32, #tpu.memory_space<vmem_shared>>) target_semaphore(%run_scoped3A : memref<!tpu.dma_semaphore, #tpu.memory_space<semaphore_mem>>)
      %dma_wait3A_131 = arith.constant 0 : i32
      %dma_wait3A_132 = tpu.memref_slice %arg18[%mul3A_2, %dma_wait3A_131] : memref<10112x80xf32, #tpu.memory_space<vmem_shared>> -> memref<632x80xf32, #tpu.memory_space<vmem_shared>>
      tpu.wait_dma2 semaphore(%run_scoped3A : memref<!tpu.dma_semaphore, #tpu.memory_space<semaphore_mem>>) src(%arg7 : memref<632x80xf32, #tpu.memory_space<hbm>>) dst(%dma_wait3A_132 : memref<632x80xf32, #tpu.memory_space<vmem_shared>>)
      tpu.yield
    }) : () -> ()
    "tpu.region"() ({
      %run_scoped3A = tpu.sem_alloc : memref<!tpu.dma_semaphore, #tpu.memory_space<semaphore_mem>>
      tpu.enqueue_dma source(%arg6 : memref<16xf32, #tpu.memory_space<hbm>>) target(%arg17 : memref<16xf32, #tpu.memory_space<vmem>>) target_semaphore(%run_scoped3A : memref<!tpu.dma_semaphore, #tpu.memory_space<semaphore_mem>>)
      tpu.wait_dma2 semaphore(%run_scoped3A : memref<!tpu.dma_semaphore, #tpu.memory_space<semaphore_mem>>) src(%arg6 : memref<16xf32, #tpu.memory_space<hbm>>) dst(%arg17 : memref<16xf32, #tpu.memory_space<vmem>>)
      tpu.yield
    }) : () -> ()
    "tpu.region"() ({
      %run_scoped3A = tpu.sem_alloc : memref<!tpu.dma_semaphore, #tpu.memory_space<semaphore_mem>>
      %dma_start3A_129 = arith.constant 0 : i32
      %dma_start3A_130 = arith.constant 0 : i32
      %dma_start3A_131 = tpu.memref_slice %arg2[%add3A, %dma_start3A_129, %dma_start3A_130] : memref<32x82x128xi32, #tpu.memory_space<hbm>> -> memref<1x82x128xi32, #tpu.memory_space<hbm>>
      %dma_start3A_132 = tpu.memref_squeeze %dma_start3A_131 : memref<1x82x128xi32, #tpu.memory_space<hbm>> -> memref<82x128xi32, #tpu.memory_space<hbm>>
      %dma_start3A_133 = arith.constant 0 : i32
      %dma_start3A_134 = arith.constant 0 : i32
      %dma_start3A_135 = tpu.memref_slice %arg2[%add3A, %dma_start3A_133, %dma_start3A_134] : memref<32x82x128xi32, #tpu.memory_space<hbm>> -> memref<1x82x128xi32, #tpu.memory_space<hbm>>
      %dma_start3A_136 = tpu.memref_squeeze %dma_start3A_135 : memref<1x82x128xi32, #tpu.memory_space<hbm>> -> memref<82x128xi32, #tpu.memory_space<hbm>>
      tpu.enqueue_dma source(%dma_start3A_136 : memref<82x128xi32, #tpu.memory_space<hbm>>) target(%arg9 : memref<82x128xi32, #tpu.memory_space<vmem>>) target_semaphore(%run_scoped3A : memref<!tpu.dma_semaphore, #tpu.memory_space<semaphore_mem>>)
      %dma_wait3A_137 = arith.constant 0 : i32
      %dma_wait3A_138 = arith.constant 0 : i32
      %dma_wait3A_139 = tpu.memref_slice %arg2[%add3A, %dma_wait3A_137, %dma_wait3A_138] : memref<32x82x128xi32, #tpu.memory_space<hbm>> -> memref<1x82x128xi32, #tpu.memory_space<hbm>>
      %dma_wait3A_140 = tpu.memref_squeeze %dma_wait3A_139 : memref<1x82x128xi32, #tpu.memory_space<hbm>> -> memref<82x128xi32, #tpu.memory_space<hbm>>
      %dma_wait3A_141 = arith.constant 0 : i32
      %dma_wait3A_142 = arith.constant 0 : i32
      %dma_wait3A_143 = tpu.memref_slice %arg2[%add3A, %dma_wait3A_141, %dma_wait3A_142] : memref<32x82x128xi32, #tpu.memory_space<hbm>> -> memref<1x82x128xi32, #tpu.memory_space<hbm>>
      %dma_wait3A_144 = tpu.memref_squeeze %dma_wait3A_143 : memref<1x82x128xi32, #tpu.memory_space<hbm>> -> memref<82x128xi32, #tpu.memory_space<hbm>>
      tpu.wait_dma2 semaphore(%run_scoped3A : memref<!tpu.dma_semaphore, #tpu.memory_space<semaphore_mem>>) src(%dma_wait3A_144 : memref<82x128xi32, #tpu.memory_space<hbm>>) dst(%arg9 : memref<82x128xi32, #tpu.memory_space<vmem>>)
      tpu.yield
    }) : () -> ()
    "tpu.region"() ({
      %run_scoped3A = tpu.sem_alloc : memref<!tpu.dma_semaphore, #tpu.memory_space<semaphore_mem>>
      %dma_start3A_129 = arith.constant 0 : i32
      %dma_start3A_130 = arith.constant 0 : i32
      %dma_start3A_131 = tpu.memref_slice %arg3[%add3A, %dma_start3A_129, %dma_start3A_130] : memref<32x82x128xi32, #tpu.memory_space<hbm>> -> memref<1x82x128xi32, #tpu.memory_space<hbm>>
      %dma_start3A_132 = tpu.memref_squeeze %dma_start3A_131 : memref<1x82x128xi32, #tpu.memory_space<hbm>> -> memref<82x128xi32, #tpu.memory_space<hbm>>
      %dma_start3A_133 = arith.constant 0 : i32
      %dma_start3A_134 = arith.constant 0 : i32
      %dma_start3A_135 = tpu.memref_slice %arg3[%add3A, %dma_start3A_133, %dma_start3A_134] : memref<32x82x128xi32, #tpu.memory_space<hbm>> -> memref<1x82x128xi32, #tpu.memory_space<hbm>>
      %dma_start3A_136 = tpu.memref_squeeze %dma_start3A_135 : memref<1x82x128xi32, #tpu.memory_space<hbm>> -> memref<82x128xi32, #tpu.memory_space<hbm>>
      tpu.enqueue_dma source(%dma_start3A_136 : memref<82x128xi32, #tpu.memory_space<hbm>>) target(%arg10 : memref<82x128xi32, #tpu.memory_space<vmem>>) target_semaphore(%run_scoped3A : memref<!tpu.dma_semaphore, #tpu.memory_space<semaphore_mem>>)
      %dma_wait3A_137 = arith.constant 0 : i32
      %dma_wait3A_138 = arith.constant 0 : i32
      %dma_wait3A_139 = tpu.memref_slice %arg3[%add3A, %dma_wait3A_137, %dma_wait3A_138] : memref<32x82x128xi32, #tpu.memory_space<hbm>> -> memref<1x82x128xi32, #tpu.memory_space<hbm>>
      %dma_wait3A_140 = tpu.memref_squeeze %dma_wait3A_139 : memref<1x82x128xi32, #tpu.memory_space<hbm>> -> memref<82x128xi32, #tpu.memory_space<hbm>>
      %dma_wait3A_141 = arith.constant 0 : i32
      %dma_wait3A_142 = arith.constant 0 : i32
      %dma_wait3A_143 = tpu.memref_slice %arg3[%add3A, %dma_wait3A_141, %dma_wait3A_142] : memref<32x82x128xi32, #tpu.memory_space<hbm>> -> memref<1x82x128xi32, #tpu.memory_space<hbm>>
      %dma_wait3A_144 = tpu.memref_squeeze %dma_wait3A_143 : memref<1x82x128xi32, #tpu.memory_space<hbm>> -> memref<82x128xi32, #tpu.memory_space<hbm>>
      tpu.wait_dma2 semaphore(%run_scoped3A : memref<!tpu.dma_semaphore, #tpu.memory_space<semaphore_mem>>) src(%dma_wait3A_144 : memref<82x128xi32, #tpu.memory_space<hbm>>) dst(%arg10 : memref<82x128xi32, #tpu.memory_space<vmem>>)
      tpu.yield
    }) : () -> ()
    %barrier3A = arith.constant 0 : index
    tpu.barrier barrier_id(%barrier3A)
    %get3A = arith.constant 0 : index
    %get3A_3 = tpu.vector_load %arg17[%get3A] {strides = array<i32>} : memref<16xf32, #tpu.memory_space<vmem>>, vector<16xf32>,
    %dma_start3A = arith.constant 0 : i32
    %dma_start3A_4 = arith.constant 0 : i32
    %dma_start3A_5 = tpu.memref_slice %arg9[%dma_start3A, %dma_start3A_4] : memref<82x128xi32, #tpu.memory_space<vmem>> -> memref<1x128xi32, #tpu.memory_space<vmem>>
    %dma_start3A_6 = tpu.memref_squeeze %dma_start3A_5 : memref<1x128xi32, #tpu.memory_space<vmem>> -> memref<128xi32, #tpu.memory_space<vmem>>
    %dma_start3A_7 = arith.constant 0 : i32
    %dma_start3A_8 = arith.constant 0 : i32
    %dma_start3A_9 = tpu.memref_slice %arg4[%dma_start3A_7, %dma_start3A_8] : memref<10112x96xbf16, #tpu.memory_space<hbm>> -> memref<10112x96xbf16, #tpu.memory_space<hbm>>
    tpu.enqueue_indirect_dma source(%dma_start3A_9 : memref<10112x96xbf16, #tpu.memory_space<hbm>>) target(%arg11 : memref<128x96xbf16, #tpu.memory_space<vmem>>) offsets(%dma_start3A_6 : memref<128xi32, #tpu.memory_space<vmem>>) semaphore(%arg19 : memref<!tpu.dma_semaphore, #tpu.memory_space<semaphore_mem>>)
    %dma_start3A_10 = arith.constant 0 : i32
    %dma_start3A_11 = arith.constant 0 : i32
    %dma_start3A_12 = tpu.memref_slice %arg10[%dma_start3A_10, %dma_start3A_11] : memref<82x128xi32, #tpu.memory_space<vmem>> -> memref<1x128xi32, #tpu.memory_space<vmem>>
    %dma_start3A_13 = tpu.memref_squeeze %dma_start3A_12 : memref<1x128xi32, #tpu.memory_space<vmem>> -> memref<128xi32, #tpu.memory_space<vmem>>
    %dma_start3A_14 = arith.constant 0 : i32
    %dma_start3A_15 = arith.constant 0 : i32
    %dma_start3A_16 = tpu.memref_slice %arg5[%dma_start3A_14, %dma_start3A_15] : memref<10112x16xf32, #tpu.memory_space<hbm>> -> memref<10112x16xf32, #tpu.memory_space<hbm>>
    tpu.enqueue_indirect_dma source(%dma_start3A_16 : memref<10112x16xf32, #tpu.memory_space<hbm>>) target(%arg13 : memref<128x16xf32, #tpu.memory_space<vmem>>) offsets(%dma_start3A_13 : memref<128xi32, #tpu.memory_space<vmem>>) semaphore(%arg21 : memref<!tpu.dma_semaphore, #tpu.memory_space<semaphore_mem>>)
    %dma_start3A_17 = arith.constant 1 : i32
    %dma_start3A_18 = arith.constant 0 : i32
    %dma_start3A_19 = tpu.memref_slice %arg9[%dma_start3A_17, %dma_start3A_18] : memref<82x128xi32, #tpu.memory_space<vmem>> -> memref<1x128xi32, #tpu.memory_space<vmem>>
    %dma_start3A_20 = tpu.memref_squeeze %dma_start3A_19 : memref<1x128xi32, #tpu.memory_space<vmem>> -> memref<128xi32, #tpu.memory_space<vmem>>
    %dma_start3A_21 = arith.constant 0 : i32
    %dma_start3A_22 = arith.constant 0 : i32
    %dma_start3A_23 = tpu.memref_slice %arg4[%dma_start3A_21, %dma_start3A_22] : memref<10112x96xbf16, #tpu.memory_space<hbm>> -> memref<10112x96xbf16, #tpu.memory_space<hbm>>
    tpu.enqueue_indirect_dma source(%dma_start3A_23 : memref<10112x96xbf16, #tpu.memory_space<hbm>>) target(%arg12 : memref<128x96xbf16, #tpu.memory_space<vmem>>) offsets(%dma_start3A_20 : memref<128xi32, #tpu.memory_space<vmem>>) semaphore(%arg20 : memref<!tpu.dma_semaphore, #tpu.memory_space<semaphore_mem>>)
    %dma_start3A_24 = arith.constant 1 : i32
    %dma_start3A_25 = arith.constant 0 : i32
    %dma_start3A_26 = tpu.memref_slice %arg10[%dma_start3A_24, %dma_start3A_25] : memref<82x128xi32, #tpu.memory_space<vmem>> -> memref<1x128xi32, #tpu.memory_space<vmem>>
    %dma_start3A_27 = tpu.memref_squeeze %dma_start3A_26 : memref<1x128xi32, #tpu.memory_space<vmem>> -> memref<128xi32, #tpu.memory_space<vmem>>
    %dma_start3A_28 = arith.constant 0 : i32
    %dma_start3A_29 = arith.constant 0 : i32
    %dma_start3A_30 = tpu.memref_slice %arg5[%dma_start3A_28, %dma_start3A_29] : memref<10112x16xf32, #tpu.memory_space<hbm>> -> memref<10112x16xf32, #tpu.memory_space<hbm>>
    tpu.enqueue_indirect_dma source(%dma_start3A_30 : memref<10112x16xf32, #tpu.memory_space<hbm>>) target(%arg14 : memref<128x16xf32, #tpu.memory_space<vmem>>) offsets(%dma_start3A_27 : memref<128xi32, #tpu.memory_space<vmem>>) semaphore(%arg22 : memref<!tpu.dma_semaphore, #tpu.memory_space<semaphore_mem>>)
    %dma_wait3A = arith.constant 0 : i32
    %dma_wait3A_31 = arith.constant 0 : i32
    %dma_wait3A_32 = tpu.memref_slice %arg9[%dma_wait3A, %dma_wait3A_31] : memref<82x128xi32, #tpu.memory_space<vmem>> -> memref<1x128xi32, #tpu.memory_space<vmem>>
    %dma_wait3A_33 = tpu.memref_squeeze %dma_wait3A_32 : memref<1x128xi32, #tpu.memory_space<vmem>> -> memref<128xi32, #tpu.memory_space<vmem>>
    %dma_wait3A_34 = arith.constant 0 : i32
    %dma_wait3A_35 = arith.constant 0 : i32
    %dma_wait3A_36 = tpu.memref_slice %arg4[%dma_wait3A_34, %dma_wait3A_35] : memref<10112x96xbf16, #tpu.memory_space<hbm>> -> memref<10112x96xbf16, #tpu.memory_space<hbm>>
    tpu.wait_indirect_dma semaphore(%arg19 : memref<!tpu.dma_semaphore, #tpu.memory_space<semaphore_mem>>) src(%dma_wait3A_36 : memref<10112x96xbf16, #tpu.memory_space<hbm>>) dst(%arg11 : memref<128x96xbf16, #tpu.memory_space<vmem>>)
    %dma_wait3A_37 = arith.constant 0 : i32
    %dma_wait3A_38 = arith.constant 0 : i32
    %dma_wait3A_39 = tpu.memref_slice %arg10[%dma_wait3A_37, %dma_wait3A_38] : memref<82x128xi32, #tpu.memory_space<vmem>> -> memref<1x128xi32, #tpu.memory_space<vmem>>
    %dma_wait3A_40 = tpu.memref_squeeze %dma_wait3A_39 : memref<1x128xi32, #tpu.memory_space<vmem>> -> memref<128xi32, #tpu.memory_space<vmem>>
    %dma_wait3A_41 = arith.constant 0 : i32
    %dma_wait3A_42 = arith.constant 0 : i32
    %dma_wait3A_43 = tpu.memref_slice %arg5[%dma_wait3A_41, %dma_wait3A_42] : memref<10112x16xf32, #tpu.memory_space<hbm>> -> memref<10112x16xf32, #tpu.memory_space<hbm>>
    tpu.wait_indirect_dma semaphore(%arg21 : memref<!tpu.dma_semaphore, #tpu.memory_space<semaphore_mem>>) src(%dma_wait3A_43 : memref<10112x16xf32, #tpu.memory_space<hbm>>) dst(%arg13 : memref<128x16xf32, #tpu.memory_space<vmem>>)
    %parallel_loop3A = arith.constant 0 : i32
    %parallel_loop3A_44 = arith.constant 128 : i32
    %parallel_loop3A_45 = arith.constant 1 : i32
    scf.for %parallel_loop3A_129 = %parallel_loop3A to %parallel_loop3A_44 step %parallel_loop3A_45  : i32 {
      %parallel_loop3A_130 = arith.index_cast %parallel_loop3A_129 : i32 to index
      %parallel_loop3A_131 = arith.constant 0 : index
      %parallel_loop3A_132 = tpu.vector_load %arg11[%parallel_loop3A_130, %parallel_loop3A_131] {strides = array<i32>} : memref<128x96xbf16, #tpu.memory_space<vmem>>, vector<32xbf16>,
      %parallel_loop3A_133 = vector.bitcast %parallel_loop3A_132 : vector<32xbf16> to vector<16xf32>
      %parallel_loop3A_134 = arith.index_cast %parallel_loop3A_129 : i32 to index
      %parallel_loop3A_135 = arith.constant 0 : index
      %parallel_loop3A_136 = tpu.vector_load %arg13[%parallel_loop3A_134, %parallel_loop3A_135] {strides = array<i32>} : memref<128x16xf32, #tpu.memory_space<vmem>>, vector<16xf32>,
      %parallel_loop3A_137 = arith.addf %parallel_loop3A_133, %parallel_loop3A_136 : vector<16xf32>
      %parallel_loop3A_138 = arith.constant 0.000000e+00 : f32
      %parallel_loop3A_139 = vector.broadcast %parallel_loop3A_138 : f32 to vector<16xf32>
      %parallel_loop3A_140 = arith.cmpf ogt, %parallel_loop3A_137, %parallel_loop3A_139 : vector<16xf32>
      %parallel_loop3A_141 = arith.constant 2.000000e-01 : f32
      %parallel_loop3A_142 = vector.broadcast %parallel_loop3A_141 : f32 to vector<16xf32>
      %parallel_loop3A_143 = arith.mulf %parallel_loop3A_137, %parallel_loop3A_142 : vector<16xf32>
      %parallel_loop3A_144 = arith.select %parallel_loop3A_140, %parallel_loop3A_137, %parallel_loop3A_143 : vector<16xi1>, vector<16xf32>
      %parallel_loop3A_145 = arith.subf %parallel_loop3A_144, %get3A_3 : vector<16xf32>
      %parallel_loop3A_146 = math.exp %parallel_loop3A_145 : vector<16xf32>
      %parallel_loop3A_147 = arith.index_cast %parallel_loop3A_129 : i32 to index
      %parallel_loop3A_148 = arith.constant 32 : index
      %parallel_loop3A_149 = tpu.vector_load %arg11[%parallel_loop3A_147, %parallel_loop3A_148] {strides = array<i32>} : memref<128x96xbf16, #tpu.memory_space<vmem>>, vector<32xbf16>,
      %parallel_loop3A_150 = tpu.unpack_subelements %parallel_loop3A_149, 0 {pack_format = #tpu.pack_format<interleaved>} : vector<32xbf16> -> vector<16xf32>
      %parallel_loop3A_151 = tpu.unpack_subelements %parallel_loop3A_149, 1 {pack_format = #tpu.pack_format<interleaved>} : vector<32xbf16> -> vector<16xf32>
      %parallel_loop3A_152 = arith.mulf %parallel_loop3A_150, %parallel_loop3A_146 : vector<16xf32>
      %parallel_loop3A_153 = arith.index_cast %parallel_loop3A_129 : i32 to index
      %parallel_loop3A_154 = arith.constant 0 : index
      %parallel_loop3A_155 = tpu.vector_load %arg15[%parallel_loop3A_153, %parallel_loop3A_154] {strides = array<i32>} : memref<128x80xf32, #tpu.memory_space<vmem>>, vector<16xf32>,
      tpu.vector_store %arg15[%parallel_loop3A_153, %parallel_loop3A_154], %parallel_loop3A_152 {strides = array<i32>} : memref<128x80xf32, #tpu.memory_space<vmem>>, vector<16xf32>,
      %parallel_loop3A_156 = arith.mulf %parallel_loop3A_151, %parallel_loop3A_146 : vector<16xf32>
      %parallel_loop3A_157 = arith.index_cast %parallel_loop3A_129 : i32 to index
      %parallel_loop3A_158 = arith.constant 16 : index
      %parallel_loop3A_159 = tpu.vector_load %arg15[%parallel_loop3A_157, %parallel_loop3A_158] {strides = array<i32>} : memref<128x80xf32, #tpu.memory_space<vmem>>, vector<16xf32>,
      tpu.vector_store %arg15[%parallel_loop3A_157, %parallel_loop3A_158], %parallel_loop3A_156 {strides = array<i32>} : memref<128x80xf32, #tpu.memory_space<vmem>>, vector<16xf32>,
      %parallel_loop3A_160 = arith.index_cast %parallel_loop3A_129 : i32 to index
      %parallel_loop3A_161 = arith.constant 64 : index
      %parallel_loop3A_162 = tpu.vector_load %arg11[%parallel_loop3A_160, %parallel_loop3A_161] {strides = array<i32>} : memref<128x96xbf16, #tpu.memory_space<vmem>>, vector<32xbf16>,
      %parallel_loop3A_163 = tpu.unpack_subelements %parallel_loop3A_162, 0 {pack_format = #tpu.pack_format<interleaved>} : vector<32xbf16> -> vector<16xf32>
      %parallel_loop3A_164 = tpu.unpack_subelements %parallel_loop3A_162, 1 {pack_format = #tpu.pack_format<interleaved>} : vector<32xbf16> -> vector<16xf32>
      %parallel_loop3A_165 = arith.mulf %parallel_loop3A_163, %parallel_loop3A_146 : vector<16xf32>
      %parallel_loop3A_166 = arith.index_cast %parallel_loop3A_129 : i32 to index
      %parallel_loop3A_167 = arith.constant 32 : index
      %parallel_loop3A_168 = tpu.vector_load %arg15[%parallel_loop3A_166, %parallel_loop3A_167] {strides = array<i32>} : memref<128x80xf32, #tpu.memory_space<vmem>>, vector<16xf32>,
      tpu.vector_store %arg15[%parallel_loop3A_166, %parallel_loop3A_167], %parallel_loop3A_165 {strides = array<i32>} : memref<128x80xf32, #tpu.memory_space<vmem>>, vector<16xf32>,
      %parallel_loop3A_169 = arith.mulf %parallel_loop3A_164, %parallel_loop3A_146 : vector<16xf32>
      %parallel_loop3A_170 = arith.index_cast %parallel_loop3A_129 : i32 to index
      %parallel_loop3A_171 = arith.constant 48 : index
      %parallel_loop3A_172 = tpu.vector_load %arg15[%parallel_loop3A_170, %parallel_loop3A_171] {strides = array<i32>} : memref<128x80xf32, #tpu.memory_space<vmem>>, vector<16xf32>,
      tpu.vector_store %arg15[%parallel_loop3A_170, %parallel_loop3A_171], %parallel_loop3A_169 {strides = array<i32>} : memref<128x80xf32, #tpu.memory_space<vmem>>, vector<16xf32>,
      %parallel_loop3A_173 = arith.index_cast %parallel_loop3A_129 : i32 to index
      %parallel_loop3A_174 = arith.constant 64 : index
      %parallel_loop3A_175 = tpu.vector_load %arg15[%parallel_loop3A_173, %parallel_loop3A_174] {strides = array<i32>} : memref<128x80xf32, #tpu.memory_space<vmem>>, vector<16xf32>,
      tpu.vector_store %arg15[%parallel_loop3A_173, %parallel_loop3A_174], %parallel_loop3A_146 {strides = array<i32>} : memref<128x80xf32, #tpu.memory_space<vmem>>, vector<16xf32>,
    } {sc.loop_unroll_factor = 4 : i64, sc.parallel_access}
    %dma_start3A_46 = arith.constant 0 : i32
    %dma_start3A_47 = arith.constant 0 : i32
    %dma_start3A_48 = tpu.memref_slice %arg10[%dma_start3A_46, %dma_start3A_47] : memref<82x128xi32, #tpu.memory_space<vmem>> -> memref<1x128xi32, #tpu.memory_space<vmem>>
    %dma_start3A_49 = tpu.memref_squeeze %dma_start3A_48 : memref<1x128xi32, #tpu.memory_space<vmem>> -> memref<128xi32, #tpu.memory_space<vmem>>
    %dma_start3A_50 = arith.constant 0 : i32
    %dma_start3A_51 = arith.constant 0 : i32
    %dma_start3A_52 = tpu.memref_slice %arg18[%dma_start3A_50, %dma_start3A_51] : memref<10112x80xf32, #tpu.memory_space<vmem_shared>> -> memref<10112x80xf32, #tpu.memory_space<vmem_shared>>
    tpu.enqueue_indirect_dma source(%arg15 : memref<128x80xf32, #tpu.memory_space<vmem>>) target(%dma_start3A_52 : memref<10112x80xf32, #tpu.memory_space<vmem_shared>>) offsets(%dma_start3A_49 : memref<128xi32, #tpu.memory_space<vmem>>) semaphore(%arg23 : memref<!tpu.dma_semaphore, #tpu.memory_space<semaphore_mem>>) {add = true}
    %dma_start3A_53 = arith.constant 2 : i32
    %dma_start3A_54 = arith.constant 0 : i32
    %dma_start3A_55 = tpu.memref_slice %arg9[%dma_start3A_53, %dma_start3A_54] : memref<82x128xi32, #tpu.memory_space<vmem>> -> memref<1x128xi32, #tpu.memory_space<vmem>>
    %dma_start3A_56 = tpu.memref_squeeze %dma_start3A_55 : memref<1x128xi32, #tpu.memory_space<vmem>> -> memref<128xi32, #tpu.memory_space<vmem>>
    %dma_start3A_57 = arith.constant 0 : i32
    %dma_start3A_58 = arith.constant 0 : i32
    %dma_start3A_59 = tpu.memref_slice %arg4[%dma_start3A_57, %dma_start3A_58] : memref<10112x96xbf16, #tpu.memory_space<hbm>> -> memref<10112x96xbf16, #tpu.memory_space<hbm>>
    tpu.enqueue_indirect_dma source(%dma_start3A_59 : memref<10112x96xbf16, #tpu.memory_space<hbm>>) target(%arg11 : memref<128x96xbf16, #tpu.memory_space<vmem>>) offsets(%dma_start3A_56 : memref<128xi32, #tpu.memory_space<vmem>>) semaphore(%arg19 : memref<!tpu.dma_semaphore, #tpu.memory_space<semaphore_mem>>)
    %dma_start3A_60 = arith.constant 2 : i32
    %dma_start3A_61 = arith.constant 0 : i32
    %dma_start3A_62 = tpu.memref_slice %arg10[%dma_start3A_60, %dma_start3A_61] : memref<82x128xi32, #tpu.memory_space<vmem>> -> memref<1x128xi32, #tpu.memory_space<vmem>>
    %dma_start3A_63 = tpu.memref_squeeze %dma_start3A_62 : memref<1x128xi32, #tpu.memory_space<vmem>> -> memref<128xi32, #tpu.memory_space<vmem>>
    %dma_start3A_64 = arith.constant 0 : i32
    %dma_start3A_65 = arith.constant 0 : i32
    %dma_start3A_66 = tpu.memref_slice %arg5[%dma_start3A_64, %dma_start3A_65] : memref<10112x16xf32, #tpu.memory_space<hbm>> -> memref<10112x16xf32, #tpu.memory_space<hbm>>
    tpu.enqueue_indirect_dma source(%dma_start3A_66 : memref<10112x16xf32, #tpu.memory_space<hbm>>) target(%arg13 : memref<128x16xf32, #tpu.memory_space<vmem>>) offsets(%dma_start3A_63 : memref<128xi32, #tpu.memory_space<vmem>>) semaphore(%arg21 : memref<!tpu.dma_semaphore, #tpu.memory_space<semaphore_mem>>)
    %dma_wait3A_67 = arith.constant 1 : i32
    %dma_wait3A_68 = arith.constant 0 : i32
    %dma_wait3A_69 = tpu.memref_slice %arg9[%dma_wait3A_67, %dma_wait3A_68] : memref<82x128xi32, #tpu.memory_space<vmem>> -> memref<1x128xi32, #tpu.memory_space<vmem>>
    %dma_wait3A_70 = tpu.memref_squeeze %dma_wait3A_69 : memref<1x128xi32, #tpu.memory_space<vmem>> -> memref<128xi32, #tpu.memory_space<vmem>>
    %dma_wait3A_71 = arith.constant 0 : i32
    %dma_wait3A_72 = arith.constant 0 : i32
    %dma_wait3A_73 = tpu.memref_slice %arg4[%dma_wait3A_71, %dma_wait3A_72] : memref<10112x96xbf16, #tpu.memory_space<hbm>> -> memref<10112x96xbf16, #tpu.memory_space<hbm>>
    tpu.wait_indirect_dma semaphore(%arg20 : memref<!tpu.dma_semaphore, #tpu.memory_space<semaphore_mem>>) src(%dma_wait3A_73 : memref<10112x96xbf16, #tpu.memory_space<hbm>>) dst(%arg12 : memref<128x96xbf16, #tpu.memory_space<vmem>>)
    %dma_wait3A_74 = arith.constant 1 : i32
    %dma_wait3A_75 = arith.constant 0 : i32
    %dma_wait3A_76 = tpu.memref_slice %arg10[%dma_wait3A_74, %dma_wait3A_75] : memref<82x128xi32, #tpu.memory_space<vmem>> -> memref<1x128xi32, #tpu.memory_space<vmem>>
    %dma_wait3A_77 = tpu.memref_squeeze %dma_wait3A_76 : memref<1x128xi32, #tpu.memory_space<vmem>> -> memref<128xi32, #tpu.memory_space<vmem>>
    %dma_wait3A_78 = arith.constant 0 : i32
    %dma_wait3A_79 = arith.constant 0 : i32
    %dma_wait3A_80 = tpu.memref_slice %arg5[%dma_wait3A_78, %dma_wait3A_79] : memref<10112x16xf32, #tpu.memory_space<hbm>> -> memref<10112x16xf32, #tpu.memory_space<hbm>>
    tpu.wait_indirect_dma semaphore(%arg22 : memref<!tpu.dma_semaphore, #tpu.memory_space<semaphore_mem>>) src(%dma_wait3A_80 : memref<10112x16xf32, #tpu.memory_space<hbm>>) dst(%arg14 : memref<128x16xf32, #tpu.memory_space<vmem>>)
    %parallel_loop3A_81 = arith.constant 0 : i32
    %parallel_loop3A_82 = arith.constant 128 : i32
    %parallel_loop3A_83 = arith.constant 1 : i32
    scf.for %parallel_loop3A_129 = %parallel_loop3A_81 to %parallel_loop3A_82 step %parallel_loop3A_83  : i32 {
      %parallel_loop3A_130 = arith.index_cast %parallel_loop3A_129 : i32 to index
      %parallel_loop3A_131 = arith.constant 0 : index
      %parallel_loop3A_132 = tpu.vector_load %arg12[%parallel_loop3A_130, %parallel_loop3A_131] {strides = array<i32>} : memref<128x96xbf16, #tpu.memory_space<vmem>>, vector<32xbf16>,
      %parallel_loop3A_133 = vector.bitcast %parallel_loop3A_132 : vector<32xbf16> to vector<16xf32>
      %parallel_loop3A_134 = arith.index_cast %parallel_loop3A_129 : i32 to index
      %parallel_loop3A_135 = arith.constant 0 : index
      %parallel_loop3A_136 = tpu.vector_load %arg14[%parallel_loop3A_134, %parallel_loop3A_135] {strides = array<i32>} : memref<128x16xf32, #tpu.memory_space<vmem>>, vector<16xf32>,
      %parallel_loop3A_137 = arith.addf %parallel_loop3A_133, %parallel_loop3A_136 : vector<16xf32>
      %parallel_loop3A_138 = arith.constant 0.000000e+00 : f32
      %parallel_loop3A_139 = vector.broadcast %parallel_loop3A_138 : f32 to vector<16xf32>
      %parallel_loop3A_140 = arith.cmpf ogt, %parallel_loop3A_137, %parallel_loop3A_139 : vector<16xf32>
      %parallel_loop3A_141 = arith.constant 2.000000e-01 : f32
      %parallel_loop3A_142 = vector.broadcast %parallel_loop3A_141 : f32 to vector<16xf32>
      %parallel_loop3A_143 = arith.mulf %parallel_loop3A_137, %parallel_loop3A_142 : vector<16xf32>
      %parallel_loop3A_144 = arith.select %parallel_loop3A_140, %parallel_loop3A_137, %parallel_loop3A_143 : vector<16xi1>, vector<16xf32>
      %parallel_loop3A_145 = arith.subf %parallel_loop3A_144, %get3A_3 : vector<16xf32>
      %parallel_loop3A_146 = math.exp %parallel_loop3A_145 : vector<16xf32>
      %parallel_loop3A_147 = arith.index_cast %parallel_loop3A_129 : i32 to index
      %parallel_loop3A_148 = arith.constant 32 : index
      %parallel_loop3A_149 = tpu.vector_load %arg12[%parallel_loop3A_147, %parallel_loop3A_148] {strides = array<i32>} : memref<128x96xbf16, #tpu.memory_space<vmem>>, vector<32xbf16>,
      %parallel_loop3A_150 = tpu.unpack_subelements %parallel_loop3A_149, 0 {pack_format = #tpu.pack_format<interleaved>} : vector<32xbf16> -> vector<16xf32>
      %parallel_loop3A_151 = tpu.unpack_subelements %parallel_loop3A_149, 1 {pack_format = #tpu.pack_format<interleaved>} : vector<32xbf16> -> vector<16xf32>
      %parallel_loop3A_152 = arith.mulf %parallel_loop3A_150, %parallel_loop3A_146 : vector<16xf32>
      %parallel_loop3A_153 = arith.index_cast %parallel_loop3A_129 : i32 to index
      %parallel_loop3A_154 = arith.constant 0 : index
      %parallel_loop3A_155 = tpu.vector_load %arg16[%parallel_loop3A_153, %parallel_loop3A_154] {strides = array<i32>} : memref<128x80xf32, #tpu.memory_space<vmem>>, vector<16xf32>,
      tpu.vector_store %arg16[%parallel_loop3A_153, %parallel_loop3A_154], %parallel_loop3A_152 {strides = array<i32>} : memref<128x80xf32, #tpu.memory_space<vmem>>, vector<16xf32>,
      %parallel_loop3A_156 = arith.mulf %parallel_loop3A_151, %parallel_loop3A_146 : vector<16xf32>
      %parallel_loop3A_157 = arith.index_cast %parallel_loop3A_129 : i32 to index
      %parallel_loop3A_158 = arith.constant 16 : index
      %parallel_loop3A_159 = tpu.vector_load %arg16[%parallel_loop3A_157, %parallel_loop3A_158] {strides = array<i32>} : memref<128x80xf32, #tpu.memory_space<vmem>>, vector<16xf32>,
      tpu.vector_store %arg16[%parallel_loop3A_157, %parallel_loop3A_158], %parallel_loop3A_156 {strides = array<i32>} : memref<128x80xf32, #tpu.memory_space<vmem>>, vector<16xf32>,
      %parallel_loop3A_160 = arith.index_cast %parallel_loop3A_129 : i32 to index
      %parallel_loop3A_161 = arith.constant 64 : index
      %parallel_loop3A_162 = tpu.vector_load %arg12[%parallel_loop3A_160, %parallel_loop3A_161] {strides = array<i32>} : memref<128x96xbf16, #tpu.memory_space<vmem>>, vector<32xbf16>,
      %parallel_loop3A_163 = tpu.unpack_subelements %parallel_loop3A_162, 0 {pack_format = #tpu.pack_format<interleaved>} : vector<32xbf16> -> vector<16xf32>
      %parallel_loop3A_164 = tpu.unpack_subelements %parallel_loop3A_162, 1 {pack_format = #tpu.pack_format<interleaved>} : vector<32xbf16> -> vector<16xf32>
      %parallel_loop3A_165 = arith.mulf %parallel_loop3A_163, %parallel_loop3A_146 : vector<16xf32>
      %parallel_loop3A_166 = arith.index_cast %parallel_loop3A_129 : i32 to index
      %parallel_loop3A_167 = arith.constant 32 : index
      %parallel_loop3A_168 = tpu.vector_load %arg16[%parallel_loop3A_166, %parallel_loop3A_167] {strides = array<i32>} : memref<128x80xf32, #tpu.memory_space<vmem>>, vector<16xf32>,
      tpu.vector_store %arg16[%parallel_loop3A_166, %parallel_loop3A_167], %parallel_loop3A_165 {strides = array<i32>} : memref<128x80xf32, #tpu.memory_space<vmem>>, vector<16xf32>,
      %parallel_loop3A_169 = arith.mulf %parallel_loop3A_164, %parallel_loop3A_146 : vector<16xf32>
      %parallel_loop3A_170 = arith.index_cast %parallel_loop3A_129 : i32 to index
      %parallel_loop3A_171 = arith.constant 48 : index
      %parallel_loop3A_172 = tpu.vector_load %arg16[%parallel_loop3A_170, %parallel_loop3A_171] {strides = array<i32>} : memref<128x80xf32, #tpu.memory_space<vmem>>, vector<16xf32>,
      tpu.vector_store %arg16[%parallel_loop3A_170, %parallel_loop3A_171], %parallel_loop3A_169 {strides = array<i32>} : memref<128x80xf32, #tpu.memory_space<vmem>>, vector<16xf32>,
      %parallel_loop3A_173 = arith.index_cast %parallel_loop3A_129 : i32 to index
      %parallel_loop3A_174 = arith.constant 64 : index
      %parallel_loop3A_175 = tpu.vector_load %arg16[%parallel_loop3A_173, %parallel_loop3A_174] {strides = array<i32>} : memref<128x80xf32, #tpu.memory_space<vmem>>, vector<16xf32>,
      tpu.vector_store %arg16[%parallel_loop3A_173, %parallel_loop3A_174], %parallel_loop3A_146 {strides = array<i32>} : memref<128x80xf32, #tpu.memory_space<vmem>>, vector<16xf32>,
    } {sc.loop_unroll_factor = 4 : i64, sc.parallel_access}
    %dma_start3A_84 = arith.constant 1 : i32
    %dma_start3A_85 = arith.constant 0 : i32
    %dma_start3A_86 = tpu.memref_slice %arg10[%dma_start3A_84, %dma_start3A_85] : memref<82x128xi32, #tpu.memory_space<vmem>> -> memref<1x128xi32, #tpu.memory_space<vmem>>
    %dma_start3A_87 = tpu.memref_squeeze %dma_start3A_86 : memref<1x128xi32, #tpu.memory_space<vmem>> -> memref<128xi32, #tpu.memory_space<vmem>>
    %dma_start3A_88 = arith.constant 0 : i32
    %dma_start3A_89 = arith.constant 0 : i32
    %dma_start3A_90 = tpu.memref_slice %arg18[%dma_start3A_88, %dma_start3A_89] : memref<10112x80xf32, #tpu.memory_space<vmem_shared>> -> memref<10112x80xf32, #tpu.memory_space<vmem_shared>>
    tpu.enqueue_indirect_dma source(%arg16 : memref<128x80xf32, #tpu.memory_space<vmem>>) target(%dma_start3A_90 : memref<10112x80xf32, #tpu.memory_space<vmem_shared>>) offsets(%dma_start3A_87 : memref<128xi32, #tpu.memory_space<vmem>>) semaphore(%arg24 : memref<!tpu.dma_semaphore, #tpu.memory_space<semaphore_mem>>) {add = true}
    %dma_start3A_91 = arith.constant 3 : i32
    %dma_start3A_92 = arith.constant 0 : i32
    %dma_start3A_93 = tpu.memref_slice %arg9[%dma_start3A_91, %dma_start3A_92] : memref<82x128xi32, #tpu.memory_space<vmem>> -> memref<1x128xi32, #tpu.memory_space<vmem>>
    %dma_start3A_94 = tpu.memref_squeeze %dma_start3A_93 : memref<1x128xi32, #tpu.memory_space<vmem>> -> memref<128xi32, #tpu.memory_space<vmem>>
    %dma_start3A_95 = arith.constant 0 : i32
    %dma_start3A_96 = arith.constant 0 : i32
    %dma_start3A_97 = tpu.memref_slice %arg4[%dma_start3A_95, %dma_start3A_96] : memref<10112x96xbf16, #tpu.memory_space<hbm>> -> memref<10112x96xbf16, #tpu.memory_space<hbm>>
    tpu.enqueue_indirect_dma source(%dma_start3A_97 : memref<10112x96xbf16, #tpu.memory_space<hbm>>) target(%arg12 : memref<128x96xbf16, #tpu.memory_space<vmem>>) offsets(%dma_start3A_94 : memref<128xi32, #tpu.memory_space<vmem>>) semaphore(%arg20 : memref<!tpu.dma_semaphore, #tpu.memory_space<semaphore_mem>>)
    %dma_start3A_98 = arith.constant 3 : i32
    %dma_start3A_99 = arith.constant 0 : i32
    %dma_start3A_100 = tpu.memref_slice %arg10[%dma_start3A_98, %dma_start3A_99] : memref<82x128xi32, #tpu.memory_space<vmem>> -> memref<1x128xi32, #tpu.memory_space<vmem>>
    %dma_start3A_101 = tpu.memref_squeeze %dma_start3A_100 : memref<1x128xi32, #tpu.memory_space<vmem>> -> memref<128xi32, #tpu.memory_space<vmem>>
    %dma_start3A_102 = arith.constant 0 : i32
    %dma_start3A_103 = arith.constant 0 : i32
    %dma_start3A_104 = tpu.memref_slice %arg5[%dma_start3A_102, %dma_start3A_103] : memref<10112x16xf32, #tpu.memory_space<hbm>> -> memref<10112x16xf32, #tpu.memory_space<hbm>>
    tpu.enqueue_indirect_dma source(%dma_start3A_104 : memref<10112x16xf32, #tpu.memory_space<hbm>>) target(%arg14 : memref<128x16xf32, #tpu.memory_space<vmem>>) offsets(%dma_start3A_101 : memref<128xi32, #tpu.memory_space<vmem>>) semaphore(%arg22 : memref<!tpu.dma_semaphore, #tpu.memory_space<semaphore_mem>>)
    %scan3A = arith.constant 0 : i32
    %scan3A_105 = arith.constant 1 : i32
    %scan3A_106 = arith.constant 40 : i32
    %scan3A_107 = arith.addi %scan3A_105, %scan3A_106 : i32
    %scan3A_108 = arith.constant 1 : i32
    scf.for %scan3A_129 = %scan3A_105 to %scan3A_107 step %scan3A_108  : i32 {
      %mul3A_130 = arith.constant 2 : i32
      %mul3A_131 = arith.muli %mul3A_130, %scan3A_129 : i32
      %mul3A_132 = arith.constant 2 : i32
      %mul3A_133 = arith.muli %mul3A_132, %scan3A_129 : i32
      %add3A_134 = arith.constant 1 : i32
      %add3A_135 = arith.addi %mul3A_133, %add3A_134 : i32
      %dma_wait3A_136 = arith.constant 0 : i32
      %dma_wait3A_137 = tpu.memref_slice %arg9[%mul3A_131, %dma_wait3A_136] : memref<82x128xi32, #tpu.memory_space<vmem>> -> memref<1x128xi32, #tpu.memory_space<vmem>>
      %dma_wait3A_138 = tpu.memref_squeeze %dma_wait3A_137 : memref<1x128xi32, #tpu.memory_space<vmem>> -> memref<128xi32, #tpu.memory_space<vmem>>
      %dma_wait3A_139 = arith.constant 0 : i32
      %dma_wait3A_140 = arith.constant 0 : i32
      %dma_wait3A_141 = tpu.memref_slice %arg4[%dma_wait3A_139, %dma_wait3A_140] : memref<10112x96xbf16, #tpu.memory_space<hbm>> -> memref<10112x96xbf16, #tpu.memory_space<hbm>>
      tpu.wait_indirect_dma semaphore(%arg19 : memref<!tpu.dma_semaphore, #tpu.memory_space<semaphore_mem>>) src(%dma_wait3A_141 : memref<10112x96xbf16, #tpu.memory_space<hbm>>) dst(%arg11 : memref<128x96xbf16, #tpu.memory_space<vmem>>)
      %dma_wait3A_142 = arith.constant 0 : i32
      %dma_wait3A_143 = tpu.memref_slice %arg10[%mul3A_131, %dma_wait3A_142] : memref<82x128xi32, #tpu.memory_space<vmem>> -> memref<1x128xi32, #tpu.memory_space<vmem>>
      %dma_wait3A_144 = tpu.memref_squeeze %dma_wait3A_143 : memref<1x128xi32, #tpu.memory_space<vmem>> -> memref<128xi32, #tpu.memory_space<vmem>>
      %dma_wait3A_145 = arith.constant 0 : i32
      %dma_wait3A_146 = arith.constant 0 : i32
      %dma_wait3A_147 = tpu.memref_slice %arg5[%dma_wait3A_145, %dma_wait3A_146] : memref<10112x16xf32, #tpu.memory_space<hbm>> -> memref<10112x16xf32, #tpu.memory_space<hbm>>
      tpu.wait_indirect_dma semaphore(%arg21 : memref<!tpu.dma_semaphore, #tpu.memory_space<semaphore_mem>>) src(%dma_wait3A_147 : memref<10112x16xf32, #tpu.memory_space<hbm>>) dst(%arg13 : memref<128x16xf32, #tpu.memory_space<vmem>>)
      %sub3A = arith.constant 2 : i32
      %sub3A_148 = arith.subi %mul3A_131, %sub3A : i32
      %dma_wait3A_149 = arith.constant 0 : i32
      %dma_wait3A_150 = tpu.memref_slice %arg10[%sub3A_148, %dma_wait3A_149] : memref<82x128xi32, #tpu.memory_space<vmem>> -> memref<1x128xi32, #tpu.memory_space<vmem>>
      %dma_wait3A_151 = tpu.memref_squeeze %dma_wait3A_150 : memref<1x128xi32, #tpu.memory_space<vmem>> -> memref<128xi32, #tpu.memory_space<vmem>>
      %dma_wait3A_152 = arith.constant 0 : i32
      %dma_wait3A_153 = arith.constant 0 : i32
      %dma_wait3A_154 = tpu.memref_slice %arg18[%dma_wait3A_152, %dma_wait3A_153] : memref<10112x80xf32, #tpu.memory_space<vmem_shared>> -> memref<10112x80xf32, #tpu.memory_space<vmem_shared>>
      tpu.wait_indirect_dma semaphore(%arg23 : memref<!tpu.dma_semaphore, #tpu.memory_space<semaphore_mem>>) src(%arg15 : memref<128x80xf32, #tpu.memory_space<vmem>>) dst(%dma_wait3A_154 : memref<10112x80xf32, #tpu.memory_space<vmem_shared>>)
      %parallel_loop3A_155 = arith.constant 0 : i32
      %parallel_loop3A_156 = arith.constant 128 : i32
      %parallel_loop3A_157 = arith.constant 1 : i32
      scf.for %parallel_loop3A_204 = %parallel_loop3A_155 to %parallel_loop3A_156 step %parallel_loop3A_157  : i32 {
        %parallel_loop3A_205 = arith.index_cast %parallel_loop3A_204 : i32 to index
        %parallel_loop3A_206 = arith.constant 0 : index
        %parallel_loop3A_207 = tpu.vector_load %arg11[%parallel_loop3A_205, %parallel_loop3A_206] {strides = array<i32>} : memref<128x96xbf16, #tpu.memory_space<vmem>>, vector<32xbf16>,
        %parallel_loop3A_208 = vector.bitcast %parallel_loop3A_207 : vector<32xbf16> to vector<16xf32>
        %parallel_loop3A_209 = arith.index_cast %parallel_loop3A_204 : i32 to index
        %parallel_loop3A_210 = arith.constant 0 : index
        %parallel_loop3A_211 = tpu.vector_load %arg13[%parallel_loop3A_209, %parallel_loop3A_210] {strides = array<i32>} : memref<128x16xf32, #tpu.memory_space<vmem>>, vector<16xf32>,
        %parallel_loop3A_212 = arith.addf %parallel_loop3A_208, %parallel_loop3A_211 : vector<16xf32>
        %parallel_loop3A_213 = arith.constant 0.000000e+00 : f32
        %parallel_loop3A_214 = vector.broadcast %parallel_loop3A_213 : f32 to vector<16xf32>
        %parallel_loop3A_215 = arith.cmpf ogt, %parallel_loop3A_212, %parallel_loop3A_214 : vector<16xf32>
        %parallel_loop3A_216 = arith.constant 2.000000e-01 : f32
        %parallel_loop3A_217 = vector.broadcast %parallel_loop3A_216 : f32 to vector<16xf32>
        %parallel_loop3A_218 = arith.mulf %parallel_loop3A_212, %parallel_loop3A_217 : vector<16xf32>
        %parallel_loop3A_219 = arith.select %parallel_loop3A_215, %parallel_loop3A_212, %parallel_loop3A_218 : vector<16xi1>, vector<16xf32>
        %parallel_loop3A_220 = arith.subf %parallel_loop3A_219, %get3A_3 : vector<16xf32>
        %parallel_loop3A_221 = math.exp %parallel_loop3A_220 : vector<16xf32>
        %parallel_loop3A_222 = arith.index_cast %parallel_loop3A_204 : i32 to index
        %parallel_loop3A_223 = arith.constant 32 : index
        %parallel_loop3A_224 = tpu.vector_load %arg11[%parallel_loop3A_222, %parallel_loop3A_223] {strides = array<i32>} : memref<128x96xbf16, #tpu.memory_space<vmem>>, vector<32xbf16>,
        %parallel_loop3A_225 = tpu.unpack_subelements %parallel_loop3A_224, 0 {pack_format = #tpu.pack_format<interleaved>} : vector<32xbf16> -> vector<16xf32>
        %parallel_loop3A_226 = tpu.unpack_subelements %parallel_loop3A_224, 1 {pack_format = #tpu.pack_format<interleaved>} : vector<32xbf16> -> vector<16xf32>
        %parallel_loop3A_227 = arith.mulf %parallel_loop3A_225, %parallel_loop3A_221 : vector<16xf32>
        %parallel_loop3A_228 = arith.index_cast %parallel_loop3A_204 : i32 to index
        %parallel_loop3A_229 = arith.constant 0 : index
        %parallel_loop3A_230 = tpu.vector_load %arg15[%parallel_loop3A_228, %parallel_loop3A_229] {strides = array<i32>} : memref<128x80xf32, #tpu.memory_space<vmem>>, vector<16xf32>,
        tpu.vector_store %arg15[%parallel_loop3A_228, %parallel_loop3A_229], %parallel_loop3A_227 {strides = array<i32>} : memref<128x80xf32, #tpu.memory_space<vmem>>, vector<16xf32>,
        %parallel_loop3A_231 = arith.mulf %parallel_loop3A_226, %parallel_loop3A_221 : vector<16xf32>
        %parallel_loop3A_232 = arith.index_cast %parallel_loop3A_204 : i32 to index
        %parallel_loop3A_233 = arith.constant 16 : index
        %parallel_loop3A_234 = tpu.vector_load %arg15[%parallel_loop3A_232, %parallel_loop3A_233] {strides = array<i32>} : memref<128x80xf32, #tpu.memory_space<vmem>>, vector<16xf32>,
        tpu.vector_store %arg15[%parallel_loop3A_232, %parallel_loop3A_233], %parallel_loop3A_231 {strides = array<i32>} : memref<128x80xf32, #tpu.memory_space<vmem>>, vector<16xf32>,
        %parallel_loop3A_235 = arith.index_cast %parallel_loop3A_204 : i32 to index
        %parallel_loop3A_236 = arith.constant 64 : index
        %parallel_loop3A_237 = tpu.vector_load %arg11[%parallel_loop3A_235, %parallel_loop3A_236] {strides = array<i32>} : memref<128x96xbf16, #tpu.memory_space<vmem>>, vector<32xbf16>,
        %parallel_loop3A_238 = tpu.unpack_subelements %parallel_loop3A_237, 0 {pack_format = #tpu.pack_format<interleaved>} : vector<32xbf16> -> vector<16xf32>
        %parallel_loop3A_239 = tpu.unpack_subelements %parallel_loop3A_237, 1 {pack_format = #tpu.pack_format<interleaved>} : vector<32xbf16> -> vector<16xf32>
        %parallel_loop3A_240 = arith.mulf %parallel_loop3A_238, %parallel_loop3A_221 : vector<16xf32>
        %parallel_loop3A_241 = arith.index_cast %parallel_loop3A_204 : i32 to index
        %parallel_loop3A_242 = arith.constant 32 : index
        %parallel_loop3A_243 = tpu.vector_load %arg15[%parallel_loop3A_241, %parallel_loop3A_242] {strides = array<i32>} : memref<128x80xf32, #tpu.memory_space<vmem>>, vector<16xf32>,
        tpu.vector_store %arg15[%parallel_loop3A_241, %parallel_loop3A_242], %parallel_loop3A_240 {strides = array<i32>} : memref<128x80xf32, #tpu.memory_space<vmem>>, vector<16xf32>,
        %parallel_loop3A_244 = arith.mulf %parallel_loop3A_239, %parallel_loop3A_221 : vector<16xf32>
        %parallel_loop3A_245 = arith.index_cast %parallel_loop3A_204 : i32 to index
        %parallel_loop3A_246 = arith.constant 48 : index
        %parallel_loop3A_247 = tpu.vector_load %arg15[%parallel_loop3A_245, %parallel_loop3A_246] {strides = array<i32>} : memref<128x80xf32, #tpu.memory_space<vmem>>, vector<16xf32>,
        tpu.vector_store %arg15[%parallel_loop3A_245, %parallel_loop3A_246], %parallel_loop3A_244 {strides = array<i32>} : memref<128x80xf32, #tpu.memory_space<vmem>>, vector<16xf32>,
        %parallel_loop3A_248 = arith.index_cast %parallel_loop3A_204 : i32 to index
        %parallel_loop3A_249 = arith.constant 64 : index
        %parallel_loop3A_250 = tpu.vector_load %arg15[%parallel_loop3A_248, %parallel_loop3A_249] {strides = array<i32>} : memref<128x80xf32, #tpu.memory_space<vmem>>, vector<16xf32>,
        tpu.vector_store %arg15[%parallel_loop3A_248, %parallel_loop3A_249], %parallel_loop3A_221 {strides = array<i32>} : memref<128x80xf32, #tpu.memory_space<vmem>>, vector<16xf32>,
      } {sc.loop_unroll_factor = 4 : i64, sc.parallel_access}
      %dma_start3A_158 = arith.constant 0 : i32
      %dma_start3A_159 = tpu.memref_slice %arg10[%mul3A_131, %dma_start3A_158] : memref<82x128xi32, #tpu.memory_space<vmem>> -> memref<1x128xi32, #tpu.memory_space<vmem>>
      %dma_start3A_160 = tpu.memref_squeeze %dma_start3A_159 : memref<1x128xi32, #tpu.memory_space<vmem>> -> memref<128xi32, #tpu.memory_space<vmem>>
      %dma_start3A_161 = arith.constant 0 : i32
      %dma_start3A_162 = arith.constant 0 : i32
      %dma_start3A_163 = tpu.memref_slice %arg18[%dma_start3A_161, %dma_start3A_162] : memref<10112x80xf32, #tpu.memory_space<vmem_shared>> -> memref<10112x80xf32, #tpu.memory_space<vmem_shared>>
      tpu.enqueue_indirect_dma source(%arg15 : memref<128x80xf32, #tpu.memory_space<vmem>>) target(%dma_start3A_163 : memref<10112x80xf32, #tpu.memory_space<vmem_shared>>) offsets(%dma_start3A_160 : memref<128xi32, #tpu.memory_space<vmem>>) semaphore(%arg23 : memref<!tpu.dma_semaphore, #tpu.memory_space<semaphore_mem>>) {add = true}
      %add3A_164 = arith.constant 2 : i32
      %add3A_165 = arith.addi %mul3A_131, %add3A_164 : i32
      %lt3A = arith.constant 82 : i32
      %lt3A_166 = arith.cmpi slt, %add3A_165, %lt3A : i32
      %convert_element_type3A = arith.extui %lt3A_166 : i1 to i32
      %cond3A = arith.constant 0 : i32
      %cond3A_167 = arith.cmpi ne, %convert_element_type3A, %cond3A : i32
      scf.if %cond3A_167 {
        %add3A_204 = arith.constant 2 : i32
        %add3A_205 = arith.addi %mul3A_131, %add3A_204 : i32
        %dma_start3A_206 = arith.constant 0 : i32
        %dma_start3A_207 = tpu.memref_slice %arg9[%add3A_205, %dma_start3A_206] : memref<82x128xi32, #tpu.memory_space<vmem>> -> memref<1x128xi32, #tpu.memory_space<vmem>>
        %dma_start3A_208 = tpu.memref_squeeze %dma_start3A_207 : memref<1x128xi32, #tpu.memory_space<vmem>> -> memref<128xi32, #tpu.memory_space<vmem>>
        %dma_start3A_209 = arith.constant 0 : i32
        %dma_start3A_210 = arith.constant 0 : i32
        %dma_start3A_211 = tpu.memref_slice %arg4[%dma_start3A_209, %dma_start3A_210] : memref<10112x96xbf16, #tpu.memory_space<hbm>> -> memref<10112x96xbf16, #tpu.memory_space<hbm>>
        tpu.enqueue_indirect_dma source(%dma_start3A_211 : memref<10112x96xbf16, #tpu.memory_space<hbm>>) target(%arg11 : memref<128x96xbf16, #tpu.memory_space<vmem>>) offsets(%dma_start3A_208 : memref<128xi32, #tpu.memory_space<vmem>>) semaphore(%arg19 : memref<!tpu.dma_semaphore, #tpu.memory_space<semaphore_mem>>)
        %dma_start3A_212 = arith.constant 0 : i32
        %dma_start3A_213 = tpu.memref_slice %arg10[%add3A_205, %dma_start3A_212] : memref<82x128xi32, #tpu.memory_space<vmem>> -> memref<1x128xi32, #tpu.memory_space<vmem>>
        %dma_start3A_214 = tpu.memref_squeeze %dma_start3A_213 : memref<1x128xi32, #tpu.memory_space<vmem>> -> memref<128xi32, #tpu.memory_space<vmem>>
        %dma_start3A_215 = arith.constant 0 : i32
        %dma_start3A_216 = arith.constant 0 : i32
        %dma_start3A_217 = tpu.memref_slice %arg5[%dma_start3A_215, %dma_start3A_216] : memref<10112x16xf32, #tpu.memory_space<hbm>> -> memref<10112x16xf32, #tpu.memory_space<hbm>>
        tpu.enqueue_indirect_dma source(%dma_start3A_217 : memref<10112x16xf32, #tpu.memory_space<hbm>>) target(%arg13 : memref<128x16xf32, #tpu.memory_space<vmem>>) offsets(%dma_start3A_214 : memref<128xi32, #tpu.memory_space<vmem>>) semaphore(%arg21 : memref<!tpu.dma_semaphore, #tpu.memory_space<semaphore_mem>>)
      } else {
      }
      %dma_wait3A_168 = arith.constant 0 : i32
      %dma_wait3A_169 = tpu.memref_slice %arg9[%add3A_135, %dma_wait3A_168] : memref<82x128xi32, #tpu.memory_space<vmem>> -> memref<1x128xi32, #tpu.memory_space<vmem>>
      %dma_wait3A_170 = tpu.memref_squeeze %dma_wait3A_169 : memref<1x128xi32, #tpu.memory_space<vmem>> -> memref<128xi32, #tpu.memory_space<vmem>>
      %dma_wait3A_171 = arith.constant 0 : i32
      %dma_wait3A_172 = arith.constant 0 : i32
      %dma_wait3A_173 = tpu.memref_slice %arg4[%dma_wait3A_171, %dma_wait3A_172] : memref<10112x96xbf16, #tpu.memory_space<hbm>> -> memref<10112x96xbf16, #tpu.memory_space<hbm>>
      tpu.wait_indirect_dma semaphore(%arg20 : memref<!tpu.dma_semaphore, #tpu.memory_space<semaphore_mem>>) src(%dma_wait3A_173 : memref<10112x96xbf16, #tpu.memory_space<hbm>>) dst(%arg12 : memref<128x96xbf16, #tpu.memory_space<vmem>>)
      %dma_wait3A_174 = arith.constant 0 : i32
      %dma_wait3A_175 = tpu.memref_slice %arg10[%add3A_135, %dma_wait3A_174] : memref<82x128xi32, #tpu.memory_space<vmem>> -> memref<1x128xi32, #tpu.memory_space<vmem>>
      %dma_wait3A_176 = tpu.memref_squeeze %dma_wait3A_175 : memref<1x128xi32, #tpu.memory_space<vmem>> -> memref<128xi32, #tpu.memory_space<vmem>>
      %dma_wait3A_177 = arith.constant 0 : i32
      %dma_wait3A_178 = arith.constant 0 : i32
      %dma_wait3A_179 = tpu.memref_slice %arg5[%dma_wait3A_177, %dma_wait3A_178] : memref<10112x16xf32, #tpu.memory_space<hbm>> -> memref<10112x16xf32, #tpu.memory_space<hbm>>
      tpu.wait_indirect_dma semaphore(%arg22 : memref<!tpu.dma_semaphore, #tpu.memory_space<semaphore_mem>>) src(%dma_wait3A_179 : memref<10112x16xf32, #tpu.memory_space<hbm>>) dst(%arg14 : memref<128x16xf32, #tpu.memory_space<vmem>>)
      %sub3A_180 = arith.constant 2 : i32
      %sub3A_181 = arith.subi %add3A_135, %sub3A_180 : i32
      %dma_wait3A_182 = arith.constant 0 : i32
      %dma_wait3A_183 = tpu.memref_slice %arg10[%sub3A_181, %dma_wait3A_182] : memref<82x128xi32, #tpu.memory_space<vmem>> -> memref<1x128xi32, #tpu.memory_space<vmem>>
      %dma_wait3A_184 = tpu.memref_squeeze %dma_wait3A_183 : memref<1x128xi32, #tpu.memory_space<vmem>> -> memref<128xi32, #tpu.memory_space<vmem>>
      %dma_wait3A_185 = arith.constant 0 : i32
      %dma_wait3A_186 = arith.constant 0 : i32
      %dma_wait3A_187 = tpu.memref_slice %arg18[%dma_wait3A_185, %dma_wait3A_186] : memref<10112x80xf32, #tpu.memory_space<vmem_shared>> -> memref<10112x80xf32, #tpu.memory_space<vmem_shared>>
      tpu.wait_indirect_dma semaphore(%arg24 : memref<!tpu.dma_semaphore, #tpu.memory_space<semaphore_mem>>) src(%arg16 : memref<128x80xf32, #tpu.memory_space<vmem>>) dst(%dma_wait3A_187 : memref<10112x80xf32, #tpu.memory_space<vmem_shared>>)
      %parallel_loop3A_188 = arith.constant 0 : i32
      %parallel_loop3A_189 = arith.constant 128 : i32
      %parallel_loop3A_190 = arith.constant 1 : i32
      scf.for %parallel_loop3A_204 = %parallel_loop3A_188 to %parallel_loop3A_189 step %parallel_loop3A_190  : i32 {
        %parallel_loop3A_205 = arith.index_cast %parallel_loop3A_204 : i32 to index
        %parallel_loop3A_206 = arith.constant 0 : index
        %parallel_loop3A_207 = tpu.vector_load %arg12[%parallel_loop3A_205, %parallel_loop3A_206] {strides = array<i32>} : memref<128x96xbf16, #tpu.memory_space<vmem>>, vector<32xbf16>,
        %parallel_loop3A_208 = vector.bitcast %parallel_loop3A_207 : vector<32xbf16> to vector<16xf32>
        %parallel_loop3A_209 = arith.index_cast %parallel_loop3A_204 : i32 to index
        %parallel_loop3A_210 = arith.constant 0 : index
        %parallel_loop3A_211 = tpu.vector_load %arg14[%parallel_loop3A_209, %parallel_loop3A_210] {strides = array<i32>} : memref<128x16xf32, #tpu.memory_space<vmem>>, vector<16xf32>,
        %parallel_loop3A_212 = arith.addf %parallel_loop3A_208, %parallel_loop3A_211 : vector<16xf32>
        %parallel_loop3A_213 = arith.constant 0.000000e+00 : f32
        %parallel_loop3A_214 = vector.broadcast %parallel_loop3A_213 : f32 to vector<16xf32>
        %parallel_loop3A_215 = arith.cmpf ogt, %parallel_loop3A_212, %parallel_loop3A_214 : vector<16xf32>
        %parallel_loop3A_216 = arith.constant 2.000000e-01 : f32
        %parallel_loop3A_217 = vector.broadcast %parallel_loop3A_216 : f32 to vector<16xf32>
        %parallel_loop3A_218 = arith.mulf %parallel_loop3A_212, %parallel_loop3A_217 : vector<16xf32>
        %parallel_loop3A_219 = arith.select %parallel_loop3A_215, %parallel_loop3A_212, %parallel_loop3A_218 : vector<16xi1>, vector<16xf32>
        %parallel_loop3A_220 = arith.subf %parallel_loop3A_219, %get3A_3 : vector<16xf32>
        %parallel_loop3A_221 = math.exp %parallel_loop3A_220 : vector<16xf32>
        %parallel_loop3A_222 = arith.index_cast %parallel_loop3A_204 : i32 to index
        %parallel_loop3A_223 = arith.constant 32 : index
        %parallel_loop3A_224 = tpu.vector_load %arg12[%parallel_loop3A_222, %parallel_loop3A_223] {strides = array<i32>} : memref<128x96xbf16, #tpu.memory_space<vmem>>, vector<32xbf16>,
        %parallel_loop3A_225 = tpu.unpack_subelements %parallel_loop3A_224, 0 {pack_format = #tpu.pack_format<interleaved>} : vector<32xbf16> -> vector<16xf32>
        %parallel_loop3A_226 = tpu.unpack_subelements %parallel_loop3A_224, 1 {pack_format = #tpu.pack_format<interleaved>} : vector<32xbf16> -> vector<16xf32>
        %parallel_loop3A_227 = arith.mulf %parallel_loop3A_225, %parallel_loop3A_221 : vector<16xf32>
        %parallel_loop3A_228 = arith.index_cast %parallel_loop3A_204 : i32 to index
        %parallel_loop3A_229 = arith.constant 0 : index
        %parallel_loop3A_230 = tpu.vector_load %arg16[%parallel_loop3A_228, %parallel_loop3A_229] {strides = array<i32>} : memref<128x80xf32, #tpu.memory_space<vmem>>, vector<16xf32>,
        tpu.vector_store %arg16[%parallel_loop3A_228, %parallel_loop3A_229], %parallel_loop3A_227 {strides = array<i32>} : memref<128x80xf32, #tpu.memory_space<vmem>>, vector<16xf32>,
        %parallel_loop3A_231 = arith.mulf %parallel_loop3A_226, %parallel_loop3A_221 : vector<16xf32>
        %parallel_loop3A_232 = arith.index_cast %parallel_loop3A_204 : i32 to index
        %parallel_loop3A_233 = arith.constant 16 : index
        %parallel_loop3A_234 = tpu.vector_load %arg16[%parallel_loop3A_232, %parallel_loop3A_233] {strides = array<i32>} : memref<128x80xf32, #tpu.memory_space<vmem>>, vector<16xf32>,
        tpu.vector_store %arg16[%parallel_loop3A_232, %parallel_loop3A_233], %parallel_loop3A_231 {strides = array<i32>} : memref<128x80xf32, #tpu.memory_space<vmem>>, vector<16xf32>,
        %parallel_loop3A_235 = arith.index_cast %parallel_loop3A_204 : i32 to index
        %parallel_loop3A_236 = arith.constant 64 : index
        %parallel_loop3A_237 = tpu.vector_load %arg12[%parallel_loop3A_235, %parallel_loop3A_236] {strides = array<i32>} : memref<128x96xbf16, #tpu.memory_space<vmem>>, vector<32xbf16>,
        %parallel_loop3A_238 = tpu.unpack_subelements %parallel_loop3A_237, 0 {pack_format = #tpu.pack_format<interleaved>} : vector<32xbf16> -> vector<16xf32>
        %parallel_loop3A_239 = tpu.unpack_subelements %parallel_loop3A_237, 1 {pack_format = #tpu.pack_format<interleaved>} : vector<32xbf16> -> vector<16xf32>
        %parallel_loop3A_240 = arith.mulf %parallel_loop3A_238, %parallel_loop3A_221 : vector<16xf32>
        %parallel_loop3A_241 = arith.index_cast %parallel_loop3A_204 : i32 to index
        %parallel_loop3A_242 = arith.constant 32 : index
        %parallel_loop3A_243 = tpu.vector_load %arg16[%parallel_loop3A_241, %parallel_loop3A_242] {strides = array<i32>} : memref<128x80xf32, #tpu.memory_space<vmem>>, vector<16xf32>,
        tpu.vector_store %arg16[%parallel_loop3A_241, %parallel_loop3A_242], %parallel_loop3A_240 {strides = array<i32>} : memref<128x80xf32, #tpu.memory_space<vmem>>, vector<16xf32>,
        %parallel_loop3A_244 = arith.mulf %parallel_loop3A_239, %parallel_loop3A_221 : vector<16xf32>
        %parallel_loop3A_245 = arith.index_cast %parallel_loop3A_204 : i32 to index
        %parallel_loop3A_246 = arith.constant 48 : index
        %parallel_loop3A_247 = tpu.vector_load %arg16[%parallel_loop3A_245, %parallel_loop3A_246] {strides = array<i32>} : memref<128x80xf32, #tpu.memory_space<vmem>>, vector<16xf32>,
        tpu.vector_store %arg16[%parallel_loop3A_245, %parallel_loop3A_246], %parallel_loop3A_244 {strides = array<i32>} : memref<128x80xf32, #tpu.memory_space<vmem>>, vector<16xf32>,
        %parallel_loop3A_248 = arith.index_cast %parallel_loop3A_204 : i32 to index
        %parallel_loop3A_249 = arith.constant 64 : index
        %parallel_loop3A_250 = tpu.vector_load %arg16[%parallel_loop3A_248, %parallel_loop3A_249] {strides = array<i32>} : memref<128x80xf32, #tpu.memory_space<vmem>>, vector<16xf32>,
        tpu.vector_store %arg16[%parallel_loop3A_248, %parallel_loop3A_249], %parallel_loop3A_221 {strides = array<i32>} : memref<128x80xf32, #tpu.memory_space<vmem>>, vector<16xf32>,
      } {sc.loop_unroll_factor = 4 : i64, sc.parallel_access}
      %dma_start3A_191 = arith.constant 0 : i32
      %dma_start3A_192 = tpu.memref_slice %arg10[%add3A_135, %dma_start3A_191] : memref<82x128xi32, #tpu.memory_space<vmem>> -> memref<1x128xi32, #tpu.memory_space<vmem>>
      %dma_start3A_193 = tpu.memref_squeeze %dma_start3A_192 : memref<1x128xi32, #tpu.memory_space<vmem>> -> memref<128xi32, #tpu.memory_space<vmem>>
      %dma_start3A_194 = arith.constant 0 : i32
      %dma_start3A_195 = arith.constant 0 : i32
      %dma_start3A_196 = tpu.memref_slice %arg18[%dma_start3A_194, %dma_start3A_195] : memref<10112x80xf32, #tpu.memory_space<vmem_shared>> -> memref<10112x80xf32, #tpu.memory_space<vmem_shared>>
      tpu.enqueue_indirect_dma source(%arg16 : memref<128x80xf32, #tpu.memory_space<vmem>>) target(%dma_start3A_196 : memref<10112x80xf32, #tpu.memory_space<vmem_shared>>) offsets(%dma_start3A_193 : memref<128xi32, #tpu.memory_space<vmem>>) semaphore(%arg24 : memref<!tpu.dma_semaphore, #tpu.memory_space<semaphore_mem>>) {add = true}
      %add3A_197 = arith.constant 2 : i32
      %add3A_198 = arith.addi %add3A_135, %add3A_197 : i32
      %lt3A_199 = arith.constant 82 : i32
      %lt3A_200 = arith.cmpi slt, %add3A_198, %lt3A_199 : i32
      %convert_element_type3A_201 = arith.extui %lt3A_200 : i1 to i32
      %cond3A_202 = arith.constant 0 : i32
      %cond3A_203 = arith.cmpi ne, %convert_element_type3A_201, %cond3A_202 : i32
      scf.if %cond3A_203 {
        %add3A_204 = arith.constant 2 : i32
        %add3A_205 = arith.addi %add3A_135, %add3A_204 : i32
        %dma_start3A_206 = arith.constant 0 : i32
        %dma_start3A_207 = tpu.memref_slice %arg9[%add3A_205, %dma_start3A_206] : memref<82x128xi32, #tpu.memory_space<vmem>> -> memref<1x128xi32, #tpu.memory_space<vmem>>
        %dma_start3A_208 = tpu.memref_squeeze %dma_start3A_207 : memref<1x128xi32, #tpu.memory_space<vmem>> -> memref<128xi32, #tpu.memory_space<vmem>>
        %dma_start3A_209 = arith.constant 0 : i32
        %dma_start3A_210 = arith.constant 0 : i32
        %dma_start3A_211 = tpu.memref_slice %arg4[%dma_start3A_209, %dma_start3A_210] : memref<10112x96xbf16, #tpu.memory_space<hbm>> -> memref<10112x96xbf16, #tpu.memory_space<hbm>>
        tpu.enqueue_indirect_dma source(%dma_start3A_211 : memref<10112x96xbf16, #tpu.memory_space<hbm>>) target(%arg12 : memref<128x96xbf16, #tpu.memory_space<vmem>>) offsets(%dma_start3A_208 : memref<128xi32, #tpu.memory_space<vmem>>) semaphore(%arg20 : memref<!tpu.dma_semaphore, #tpu.memory_space<semaphore_mem>>)
        %dma_start3A_212 = arith.constant 0 : i32
        %dma_start3A_213 = tpu.memref_slice %arg10[%add3A_205, %dma_start3A_212] : memref<82x128xi32, #tpu.memory_space<vmem>> -> memref<1x128xi32, #tpu.memory_space<vmem>>
        %dma_start3A_214 = tpu.memref_squeeze %dma_start3A_213 : memref<1x128xi32, #tpu.memory_space<vmem>> -> memref<128xi32, #tpu.memory_space<vmem>>
        %dma_start3A_215 = arith.constant 0 : i32
        %dma_start3A_216 = arith.constant 0 : i32
        %dma_start3A_217 = tpu.memref_slice %arg5[%dma_start3A_215, %dma_start3A_216] : memref<10112x16xf32, #tpu.memory_space<hbm>> -> memref<10112x16xf32, #tpu.memory_space<hbm>>
        tpu.enqueue_indirect_dma source(%dma_start3A_217 : memref<10112x16xf32, #tpu.memory_space<hbm>>) target(%arg14 : memref<128x16xf32, #tpu.memory_space<vmem>>) offsets(%dma_start3A_214 : memref<128xi32, #tpu.memory_space<vmem>>) semaphore(%arg22 : memref<!tpu.dma_semaphore, #tpu.memory_space<semaphore_mem>>)
      } else {
      }
    }
    %scan3A_109 = arith.constant 40 : i32
    %dma_wait3A_110 = arith.constant 80 : i32
    %dma_wait3A_111 = arith.constant 0 : i32
    %dma_wait3A_112 = tpu.memref_slice %arg10[%dma_wait3A_110, %dma_wait3A_111] : memref<82x128xi32, #tpu.memory_space<vmem>> -> memref<1x128xi32, #tpu.memory_space<vmem>>
    %dma_wait3A_113 = tpu.memref_squeeze %dma_wait3A_112 : memref<1x128xi32, #tpu.memory_space<vmem>> -> memref<128xi32, #tpu.memory_space<vmem>>
    %dma_wait3A_114 = arith.constant 0 : i32
    %dma_wait3A_115 = arith.constant 0 : i32
    %dma_wait3A_116 = tpu.memref_slice %arg18[%dma_wait3A_114, %dma_wait3A_115] : memref<10112x80xf32, #tpu.memory_space<vmem_shared>> -> memref<10112x80xf32, #tpu.memory_space<vmem_shared>>
    tpu.wait_indirect_dma semaphore(%arg23 : memref<!tpu.dma_semaphore, #tpu.memory_space<semaphore_mem>>) src(%arg15 : memref<128x80xf32, #tpu.memory_space<vmem>>) dst(%dma_wait3A_116 : memref<10112x80xf32, #tpu.memory_space<vmem_shared>>)
    %dma_wait3A_117 = arith.constant 81 : i32
    %dma_wait3A_118 = arith.constant 0 : i32
    %dma_wait3A_119 = tpu.memref_slice %arg10[%dma_wait3A_117, %dma_wait3A_118] : memref<82x128xi32, #tpu.memory_space<vmem>> -> memref<1x128xi32, #tpu.memory_space<vmem>>
    %dma_wait3A_120 = tpu.memref_squeeze %dma_wait3A_119 : memref<1x128xi32, #tpu.memory_space<vmem>> -> memref<128xi32, #tpu.memory_space<vmem>>
    %dma_wait3A_121 = arith.constant 0 : i32
    %dma_wait3A_122 = arith.constant 0 : i32
    %dma_wait3A_123 = tpu.memref_slice %arg18[%dma_wait3A_121, %dma_wait3A_122] : memref<10112x80xf32, #tpu.memory_space<vmem_shared>> -> memref<10112x80xf32, #tpu.memory_space<vmem_shared>>
    tpu.wait_indirect_dma semaphore(%arg24 : memref<!tpu.dma_semaphore, #tpu.memory_space<semaphore_mem>>) src(%arg16 : memref<128x80xf32, #tpu.memory_space<vmem>>) dst(%dma_wait3A_123 : memref<10112x80xf32, #tpu.memory_space<vmem_shared>>)
    %barrier3A_124 = arith.constant 0 : index
    tpu.barrier barrier_id(%barrier3A_124)
    %mul3A_125 = arith.constant 632 : i32
    %mul3A_126 = arith.muli %arg1, %mul3A_125 : i32
    %mul3A_127 = arith.constant 632 : i32
    %mul3A_128 = arith.muli %arg1, %mul3A_127 : i32
    "tpu.region"() ({
      %run_scoped3A = tpu.sem_alloc : memref<!tpu.dma_semaphore, #tpu.memory_space<semaphore_mem>>
      %dma_start3A_129 = arith.constant 0 : i32
      %dma_start3A_130 = tpu.memref_slice %arg8[%arg0, %mul3A_128, %dma_start3A_129] : memref<2x10112x80xf32, #tpu.memory_space<hbm>> -> memref<1x632x80xf32, #tpu.memory_space<hbm>>
      %dma_start3A_131 = tpu.memref_squeeze %dma_start3A_130 : memref<1x632x80xf32, #tpu.memory_space<hbm>> -> memref<632x80xf32, #tpu.memory_space<hbm>>
      %dma_start3A_132 = arith.constant 0 : i32
      %dma_start3A_133 = tpu.memref_slice %arg18[%mul3A_126, %dma_start3A_132] : memref<10112x80xf32, #tpu.memory_space<vmem_shared>> -> memref<632x80xf32, #tpu.memory_space<vmem_shared>>
      tpu.enqueue_dma source(%dma_start3A_133 : memref<632x80xf32, #tpu.memory_space<vmem_shared>>) target(%dma_start3A_131 : memref<632x80xf32, #tpu.memory_space<hbm>>) target_semaphore(%run_scoped3A : memref<!tpu.dma_semaphore, #tpu.memory_space<semaphore_mem>>)
      %dma_wait3A_134 = arith.constant 0 : i32
      %dma_wait3A_135 = tpu.memref_slice %arg8[%arg0, %mul3A_128, %dma_wait3A_134] : memref<2x10112x80xf32, #tpu.memory_space<hbm>> -> memref<1x632x80xf32, #tpu.memory_space<hbm>>
      %dma_wait3A_136 = tpu.memref_squeeze %dma_wait3A_135 : memref<1x632x80xf32, #tpu.memory_space<hbm>> -> memref<632x80xf32, #tpu.memory_space<hbm>>
      %dma_wait3A_137 = arith.constant 0 : i32
      %dma_wait3A_138 = tpu.memref_slice %arg18[%mul3A_126, %dma_wait3A_137] : memref<10112x80xf32, #tpu.memory_space<vmem_shared>> -> memref<632x80xf32, #tpu.memory_space<vmem_shared>>
      tpu.wait_dma2 semaphore(%run_scoped3A : memref<!tpu.dma_semaphore, #tpu.memory_space<semaphore_mem>>) src(%dma_wait3A_138 : memref<632x80xf32, #tpu.memory_space<vmem_shared>>) dst(%dma_wait3A_136 : memref<632x80xf32, #tpu.memory_space<hbm>>)
      tpu.yield
    }) : () -> ()
    return
  }
}

#map = affine_map<(d0, d1) -> (0, 0, 0)>
#map1 = affine_map<(d0, d1) -> (0, 0)>
#map2 = affine_map<(d0, d1) -> (0)>
module attributes {stable_mosaic.version = 14 : i64} {
  func.func @_edge2_body(%arg0: i32, %arg1: i32, %arg2: memref<32x82x128xi32, #tpu.memory_space<hbm>>, %arg3: memref<32x82x128xi32, #tpu.memory_space<hbm>>, %arg4: memref<10112x32xf32, #tpu.memory_space<hbm>>, %arg5: memref<10112x16xf32, #tpu.memory_space<hbm>>, %arg6: memref<16xf32, #tpu.memory_space<hbm>>, %arg7: memref<632x16xf32, #tpu.memory_space<hbm>>, %arg8: memref<2x10112x16xf32, #tpu.memory_space<hbm>>, %arg9: memref<82x128xi32, #tpu.memory_space<vmem>>, %arg10: memref<82x128xi32, #tpu.memory_space<vmem>>, %arg11: memref<256x32xf32, #tpu.memory_space<vmem>>, %arg12: memref<256x32xf32, #tpu.memory_space<vmem>>, %arg13: memref<256x16xf32, #tpu.memory_space<vmem>>, %arg14: memref<256x16xf32, #tpu.memory_space<vmem>>, %arg15: memref<256x16xf32, #tpu.memory_space<vmem>>, %arg16: memref<256x16xf32, #tpu.memory_space<vmem>>, %arg17: memref<16xf32, #tpu.memory_space<vmem>>, %arg18: memref<10112x16xf32, #tpu.memory_space<vmem_shared>>, %arg19: memref<!tpu.dma_semaphore, #tpu.memory_space<semaphore_mem>>, %arg20: memref<!tpu.dma_semaphore, #tpu.memory_space<semaphore_mem>>, %arg21: memref<!tpu.dma_semaphore, #tpu.memory_space<semaphore_mem>>, %arg22: memref<!tpu.dma_semaphore, #tpu.memory_space<semaphore_mem>>, %arg23: memref<!tpu.dma_semaphore, #tpu.memory_space<semaphore_mem>>, %arg24: memref<!tpu.dma_semaphore, #tpu.memory_space<semaphore_mem>>) attributes {dimension_semantics = [#tpu.dimension_semantics<core_parallel>, #tpu.dimension_semantics<subcore_parallel>], iteration_bounds = array<i64: 2, 16>, scalar_prefetch = 0 : i64, scratch_operands = 16 : i64, tpu.core_type = #tpu.core_type<sc_vector_subcore>, window_params = [{transform_indices = #map}, {transform_indices = #map}, {transform_indices = #map1}, {transform_indices = #map1}, {transform_indices = #map2}, {transform_indices = #map1}, {transform_indices = #map}]} {
    %mul3A = arith.constant 2 : i32
    %mul3A_0 = arith.muli %arg1, %mul3A : i32
    %add3A = arith.addi %mul3A_0, %arg0 : i32
    %mul3A_1 = arith.constant 632 : i32
    %mul3A_2 = arith.muli %arg1, %mul3A_1 : i32
    "tpu.region"() ({
      %run_scoped3A = tpu.sem_alloc : memref<!tpu.dma_semaphore, #tpu.memory_space<semaphore_mem>>
      %dma_start3A_420 = arith.constant 0 : i32
      %dma_start3A_421 = tpu.memref_slice %arg18[%mul3A_2, %dma_start3A_420] : memref<10112x16xf32, #tpu.memory_space<vmem_shared>> -> memref<632x16xf32, #tpu.memory_space<vmem_shared>>
      tpu.enqueue_dma source(%arg7 : memref<632x16xf32, #tpu.memory_space<hbm>>) target(%dma_start3A_421 : memref<632x16xf32, #tpu.memory_space<vmem_shared>>) target_semaphore(%run_scoped3A : memref<!tpu.dma_semaphore, #tpu.memory_space<semaphore_mem>>)
      %dma_wait3A_422 = arith.constant 0 : i32
      %dma_wait3A_423 = tpu.memref_slice %arg18[%mul3A_2, %dma_wait3A_422] : memref<10112x16xf32, #tpu.memory_space<vmem_shared>> -> memref<632x16xf32, #tpu.memory_space<vmem_shared>>
      tpu.wait_dma2 semaphore(%run_scoped3A : memref<!tpu.dma_semaphore, #tpu.memory_space<semaphore_mem>>) src(%arg7 : memref<632x16xf32, #tpu.memory_space<hbm>>) dst(%dma_wait3A_423 : memref<632x16xf32, #tpu.memory_space<vmem_shared>>)
      tpu.yield
    }) : () -> ()
    "tpu.region"() ({
      %run_scoped3A = tpu.sem_alloc : memref<!tpu.dma_semaphore, #tpu.memory_space<semaphore_mem>>
      tpu.enqueue_dma source(%arg6 : memref<16xf32, #tpu.memory_space<hbm>>) target(%arg17 : memref<16xf32, #tpu.memory_space<vmem>>) target_semaphore(%run_scoped3A : memref<!tpu.dma_semaphore, #tpu.memory_space<semaphore_mem>>)
      tpu.wait_dma2 semaphore(%run_scoped3A : memref<!tpu.dma_semaphore, #tpu.memory_space<semaphore_mem>>) src(%arg6 : memref<16xf32, #tpu.memory_space<hbm>>) dst(%arg17 : memref<16xf32, #tpu.memory_space<vmem>>)
      tpu.yield
    }) : () -> ()
    "tpu.region"() ({
      %run_scoped3A = tpu.sem_alloc : memref<!tpu.dma_semaphore, #tpu.memory_space<semaphore_mem>>
      %dma_start3A_420 = arith.constant 0 : i32
      %dma_start3A_421 = arith.constant 0 : i32
      %dma_start3A_422 = tpu.memref_slice %arg2[%add3A, %dma_start3A_420, %dma_start3A_421] : memref<32x82x128xi32, #tpu.memory_space<hbm>> -> memref<1x82x128xi32, #tpu.memory_space<hbm>>
      %dma_start3A_423 = tpu.memref_squeeze %dma_start3A_422 : memref<1x82x128xi32, #tpu.memory_space<hbm>> -> memref<82x128xi32, #tpu.memory_space<hbm>>
      %dma_start3A_424 = arith.constant 0 : i32
      %dma_start3A_425 = arith.constant 0 : i32
      %dma_start3A_426 = tpu.memref_slice %arg2[%add3A, %dma_start3A_424, %dma_start3A_425] : memref<32x82x128xi32, #tpu.memory_space<hbm>> -> memref<1x82x128xi32, #tpu.memory_space<hbm>>
      %dma_start3A_427 = tpu.memref_squeeze %dma_start3A_426 : memref<1x82x128xi32, #tpu.memory_space<hbm>> -> memref<82x128xi32, #tpu.memory_space<hbm>>
      tpu.enqueue_dma source(%dma_start3A_427 : memref<82x128xi32, #tpu.memory_space<hbm>>) target(%arg9 : memref<82x128xi32, #tpu.memory_space<vmem>>) target_semaphore(%run_scoped3A : memref<!tpu.dma_semaphore, #tpu.memory_space<semaphore_mem>>)
      %dma_wait3A_428 = arith.constant 0 : i32
      %dma_wait3A_429 = arith.constant 0 : i32
      %dma_wait3A_430 = tpu.memref_slice %arg2[%add3A, %dma_wait3A_428, %dma_wait3A_429] : memref<32x82x128xi32, #tpu.memory_space<hbm>> -> memref<1x82x128xi32, #tpu.memory_space<hbm>>
      %dma_wait3A_431 = tpu.memref_squeeze %dma_wait3A_430 : memref<1x82x128xi32, #tpu.memory_space<hbm>> -> memref<82x128xi32, #tpu.memory_space<hbm>>
      %dma_wait3A_432 = arith.constant 0 : i32
      %dma_wait3A_433 = arith.constant 0 : i32
      %dma_wait3A_434 = tpu.memref_slice %arg2[%add3A, %dma_wait3A_432, %dma_wait3A_433] : memref<32x82x128xi32, #tpu.memory_space<hbm>> -> memref<1x82x128xi32, #tpu.memory_space<hbm>>
      %dma_wait3A_435 = tpu.memref_squeeze %dma_wait3A_434 : memref<1x82x128xi32, #tpu.memory_space<hbm>> -> memref<82x128xi32, #tpu.memory_space<hbm>>
      tpu.wait_dma2 semaphore(%run_scoped3A : memref<!tpu.dma_semaphore, #tpu.memory_space<semaphore_mem>>) src(%dma_wait3A_435 : memref<82x128xi32, #tpu.memory_space<hbm>>) dst(%arg9 : memref<82x128xi32, #tpu.memory_space<vmem>>)
      tpu.yield
    }) : () -> ()
    "tpu.region"() ({
      %run_scoped3A = tpu.sem_alloc : memref<!tpu.dma_semaphore, #tpu.memory_space<semaphore_mem>>
      %dma_start3A_420 = arith.constant 0 : i32
      %dma_start3A_421 = arith.constant 0 : i32
      %dma_start3A_422 = tpu.memref_slice %arg3[%add3A, %dma_start3A_420, %dma_start3A_421] : memref<32x82x128xi32, #tpu.memory_space<hbm>> -> memref<1x82x128xi32, #tpu.memory_space<hbm>>
      %dma_start3A_423 = tpu.memref_squeeze %dma_start3A_422 : memref<1x82x128xi32, #tpu.memory_space<hbm>> -> memref<82x128xi32, #tpu.memory_space<hbm>>
      %dma_start3A_424 = arith.constant 0 : i32
      %dma_start3A_425 = arith.constant 0 : i32
      %dma_start3A_426 = tpu.memref_slice %arg3[%add3A, %dma_start3A_424, %dma_start3A_425] : memref<32x82x128xi32, #tpu.memory_space<hbm>> -> memref<1x82x128xi32, #tpu.memory_space<hbm>>
      %dma_start3A_427 = tpu.memref_squeeze %dma_start3A_426 : memref<1x82x128xi32, #tpu.memory_space<hbm>> -> memref<82x128xi32, #tpu.memory_space<hbm>>
      tpu.enqueue_dma source(%dma_start3A_427 : memref<82x128xi32, #tpu.memory_space<hbm>>) target(%arg10 : memref<82x128xi32, #tpu.memory_space<vmem>>) target_semaphore(%run_scoped3A : memref<!tpu.dma_semaphore, #tpu.memory_space<semaphore_mem>>)
      %dma_wait3A_428 = arith.constant 0 : i32
      %dma_wait3A_429 = arith.constant 0 : i32
      %dma_wait3A_430 = tpu.memref_slice %arg3[%add3A, %dma_wait3A_428, %dma_wait3A_429] : memref<32x82x128xi32, #tpu.memory_space<hbm>> -> memref<1x82x128xi32, #tpu.memory_space<hbm>>
      %dma_wait3A_431 = tpu.memref_squeeze %dma_wait3A_430 : memref<1x82x128xi32, #tpu.memory_space<hbm>> -> memref<82x128xi32, #tpu.memory_space<hbm>>
      %dma_wait3A_432 = arith.constant 0 : i32
      %dma_wait3A_433 = arith.constant 0 : i32
      %dma_wait3A_434 = tpu.memref_slice %arg3[%add3A, %dma_wait3A_432, %dma_wait3A_433] : memref<32x82x128xi32, #tpu.memory_space<hbm>> -> memref<1x82x128xi32, #tpu.memory_space<hbm>>
      %dma_wait3A_435 = tpu.memref_squeeze %dma_wait3A_434 : memref<1x82x128xi32, #tpu.memory_space<hbm>> -> memref<82x128xi32, #tpu.memory_space<hbm>>
      tpu.wait_dma2 semaphore(%run_scoped3A : memref<!tpu.dma_semaphore, #tpu.memory_space<semaphore_mem>>) src(%dma_wait3A_435 : memref<82x128xi32, #tpu.memory_space<hbm>>) dst(%arg10 : memref<82x128xi32, #tpu.memory_space<vmem>>)
      tpu.yield
    }) : () -> ()
    %barrier3A = arith.constant 0 : index
    tpu.barrier barrier_id(%barrier3A)
    %get3A = arith.constant 0 : index
    %get3A_3 = tpu.vector_load %arg17[%get3A] {strides = array<i32>} : memref<16xf32, #tpu.memory_space<vmem>>, vector<16xf32>,
    %dma_start3A = arith.constant 0 : i32
    %dma_start3A_4 = arith.constant 0 : i32
    %dma_start3A_5 = arith.constant 0 : i32
    %dma_start3A_6 = tpu.memref_slice %arg11[%dma_start3A_4, %dma_start3A_5] : memref<256x32xf32, #tpu.memory_space<vmem>> -> memref<128x32xf32, #tpu.memory_space<vmem>>
    %dma_start3A_7 = arith.constant 0 : i32
    %dma_start3A_8 = tpu.memref_slice %arg9[%dma_start3A, %dma_start3A_7] : memref<82x128xi32, #tpu.memory_space<vmem>> -> memref<1x128xi32, #tpu.memory_space<vmem>>
    %dma_start3A_9 = tpu.memref_squeeze %dma_start3A_8 : memref<1x128xi32, #tpu.memory_space<vmem>> -> memref<128xi32, #tpu.memory_space<vmem>>
    %dma_start3A_10 = arith.constant 0 : i32
    %dma_start3A_11 = arith.constant 0 : i32
    %dma_start3A_12 = tpu.memref_slice %arg4[%dma_start3A_10, %dma_start3A_11] : memref<10112x32xf32, #tpu.memory_space<hbm>> -> memref<10112x32xf32, #tpu.memory_space<hbm>>
    tpu.enqueue_indirect_dma source(%dma_start3A_12 : memref<10112x32xf32, #tpu.memory_space<hbm>>) target(%dma_start3A_6 : memref<128x32xf32, #tpu.memory_space<vmem>>) offsets(%dma_start3A_9 : memref<128xi32, #tpu.memory_space<vmem>>) semaphore(%arg19 : memref<!tpu.dma_semaphore, #tpu.memory_space<semaphore_mem>>)
    %dma_start3A_13 = arith.constant 0 : i32
    %dma_start3A_14 = arith.constant 0 : i32
    %dma_start3A_15 = arith.constant 0 : i32
    %dma_start3A_16 = tpu.memref_slice %arg13[%dma_start3A_14, %dma_start3A_15] : memref<256x16xf32, #tpu.memory_space<vmem>> -> memref<128x16xf32, #tpu.memory_space<vmem>>
    %dma_start3A_17 = arith.constant 0 : i32
    %dma_start3A_18 = tpu.memref_slice %arg10[%dma_start3A_13, %dma_start3A_17] : memref<82x128xi32, #tpu.memory_space<vmem>> -> memref<1x128xi32, #tpu.memory_space<vmem>>
    %dma_start3A_19 = tpu.memref_squeeze %dma_start3A_18 : memref<1x128xi32, #tpu.memory_space<vmem>> -> memref<128xi32, #tpu.memory_space<vmem>>
    %dma_start3A_20 = arith.constant 0 : i32
    %dma_start3A_21 = arith.constant 0 : i32
    %dma_start3A_22 = tpu.memref_slice %arg5[%dma_start3A_20, %dma_start3A_21] : memref<10112x16xf32, #tpu.memory_space<hbm>> -> memref<10112x16xf32, #tpu.memory_space<hbm>>
    tpu.enqueue_indirect_dma source(%dma_start3A_22 : memref<10112x16xf32, #tpu.memory_space<hbm>>) target(%dma_start3A_16 : memref<128x16xf32, #tpu.memory_space<vmem>>) offsets(%dma_start3A_19 : memref<128xi32, #tpu.memory_space<vmem>>) semaphore(%arg21 : memref<!tpu.dma_semaphore, #tpu.memory_space<semaphore_mem>>)
    %dma_start3A_23 = arith.constant 1 : i32
    %dma_start3A_24 = arith.constant 128 : i32
    %dma_start3A_25 = arith.constant 0 : i32
    %dma_start3A_26 = tpu.memref_slice %arg11[%dma_start3A_24, %dma_start3A_25] : memref<256x32xf32, #tpu.memory_space<vmem>> -> memref<128x32xf32, #tpu.memory_space<vmem>>
    %dma_start3A_27 = arith.constant 0 : i32
    %dma_start3A_28 = tpu.memref_slice %arg9[%dma_start3A_23, %dma_start3A_27] : memref<82x128xi32, #tpu.memory_space<vmem>> -> memref<1x128xi32, #tpu.memory_space<vmem>>
    %dma_start3A_29 = tpu.memref_squeeze %dma_start3A_28 : memref<1x128xi32, #tpu.memory_space<vmem>> -> memref<128xi32, #tpu.memory_space<vmem>>
    %dma_start3A_30 = arith.constant 0 : i32
    %dma_start3A_31 = arith.constant 0 : i32
    %dma_start3A_32 = tpu.memref_slice %arg4[%dma_start3A_30, %dma_start3A_31] : memref<10112x32xf32, #tpu.memory_space<hbm>> -> memref<10112x32xf32, #tpu.memory_space<hbm>>
    tpu.enqueue_indirect_dma source(%dma_start3A_32 : memref<10112x32xf32, #tpu.memory_space<hbm>>) target(%dma_start3A_26 : memref<128x32xf32, #tpu.memory_space<vmem>>) offsets(%dma_start3A_29 : memref<128xi32, #tpu.memory_space<vmem>>) semaphore(%arg19 : memref<!tpu.dma_semaphore, #tpu.memory_space<semaphore_mem>>)
    %dma_start3A_33 = arith.constant 1 : i32
    %dma_start3A_34 = arith.constant 128 : i32
    %dma_start3A_35 = arith.constant 0 : i32
    %dma_start3A_36 = tpu.memref_slice %arg13[%dma_start3A_34, %dma_start3A_35] : memref<256x16xf32, #tpu.memory_space<vmem>> -> memref<128x16xf32, #tpu.memory_space<vmem>>
    %dma_start3A_37 = arith.constant 0 : i32
    %dma_start3A_38 = tpu.memref_slice %arg10[%dma_start3A_33, %dma_start3A_37] : memref<82x128xi32, #tpu.memory_space<vmem>> -> memref<1x128xi32, #tpu.memory_space<vmem>>
    %dma_start3A_39 = tpu.memref_squeeze %dma_start3A_38 : memref<1x128xi32, #tpu.memory_space<vmem>> -> memref<128xi32, #tpu.memory_space<vmem>>
    %dma_start3A_40 = arith.constant 0 : i32
    %dma_start3A_41 = arith.constant 0 : i32
    %dma_start3A_42 = tpu.memref_slice %arg5[%dma_start3A_40, %dma_start3A_41] : memref<10112x16xf32, #tpu.memory_space<hbm>> -> memref<10112x16xf32, #tpu.memory_space<hbm>>
    tpu.enqueue_indirect_dma source(%dma_start3A_42 : memref<10112x16xf32, #tpu.memory_space<hbm>>) target(%dma_start3A_36 : memref<128x16xf32, #tpu.memory_space<vmem>>) offsets(%dma_start3A_39 : memref<128xi32, #tpu.memory_space<vmem>>) semaphore(%arg21 : memref<!tpu.dma_semaphore, #tpu.memory_space<semaphore_mem>>)
    %dma_start3A_43 = arith.constant 2 : i32
    %dma_start3A_44 = arith.constant 0 : i32
    %dma_start3A_45 = arith.constant 0 : i32
    %dma_start3A_46 = tpu.memref_slice %arg12[%dma_start3A_44, %dma_start3A_45] : memref<256x32xf32, #tpu.memory_space<vmem>> -> memref<128x32xf32, #tpu.memory_space<vmem>>
    %dma_start3A_47 = arith.constant 0 : i32
    %dma_start3A_48 = tpu.memref_slice %arg9[%dma_start3A_43, %dma_start3A_47] : memref<82x128xi32, #tpu.memory_space<vmem>> -> memref<1x128xi32, #tpu.memory_space<vmem>>
    %dma_start3A_49 = tpu.memref_squeeze %dma_start3A_48 : memref<1x128xi32, #tpu.memory_space<vmem>> -> memref<128xi32, #tpu.memory_space<vmem>>
    %dma_start3A_50 = arith.constant 0 : i32
    %dma_start3A_51 = arith.constant 0 : i32
    %dma_start3A_52 = tpu.memref_slice %arg4[%dma_start3A_50, %dma_start3A_51] : memref<10112x32xf32, #tpu.memory_space<hbm>> -> memref<10112x32xf32, #tpu.memory_space<hbm>>
    tpu.enqueue_indirect_dma source(%dma_start3A_52 : memref<10112x32xf32, #tpu.memory_space<hbm>>) target(%dma_start3A_46 : memref<128x32xf32, #tpu.memory_space<vmem>>) offsets(%dma_start3A_49 : memref<128xi32, #tpu.memory_space<vmem>>) semaphore(%arg20 : memref<!tpu.dma_semaphore, #tpu.memory_space<semaphore_mem>>)
    %dma_start3A_53 = arith.constant 2 : i32
    %dma_start3A_54 = arith.constant 0 : i32
    %dma_start3A_55 = arith.constant 0 : i32
    %dma_start3A_56 = tpu.memref_slice %arg14[%dma_start3A_54, %dma_start3A_55] : memref<256x16xf32, #tpu.memory_space<vmem>> -> memref<128x16xf32, #tpu.memory_space<vmem>>
    %dma_start3A_57 = arith.constant 0 : i32
    %dma_start3A_58 = tpu.memref_slice %arg10[%dma_start3A_53, %dma_start3A_57] : memref<82x128xi32, #tpu.memory_space<vmem>> -> memref<1x128xi32, #tpu.memory_space<vmem>>
    %dma_start3A_59 = tpu.memref_squeeze %dma_start3A_58 : memref<1x128xi32, #tpu.memory_space<vmem>> -> memref<128xi32, #tpu.memory_space<vmem>>
    %dma_start3A_60 = arith.constant 0 : i32
    %dma_start3A_61 = arith.constant 0 : i32
    %dma_start3A_62 = tpu.memref_slice %arg5[%dma_start3A_60, %dma_start3A_61] : memref<10112x16xf32, #tpu.memory_space<hbm>> -> memref<10112x16xf32, #tpu.memory_space<hbm>>
    tpu.enqueue_indirect_dma source(%dma_start3A_62 : memref<10112x16xf32, #tpu.memory_space<hbm>>) target(%dma_start3A_56 : memref<128x16xf32, #tpu.memory_space<vmem>>) offsets(%dma_start3A_59 : memref<128xi32, #tpu.memory_space<vmem>>) semaphore(%arg22 : memref<!tpu.dma_semaphore, #tpu.memory_space<semaphore_mem>>)
    %dma_start3A_63 = arith.constant 3 : i32
    %dma_start3A_64 = arith.constant 128 : i32
    %dma_start3A_65 = arith.constant 0 : i32
    %dma_start3A_66 = tpu.memref_slice %arg12[%dma_start3A_64, %dma_start3A_65] : memref<256x32xf32, #tpu.memory_space<vmem>> -> memref<128x32xf32, #tpu.memory_space<vmem>>
    %dma_start3A_67 = arith.constant 0 : i32
    %dma_start3A_68 = tpu.memref_slice %arg9[%dma_start3A_63, %dma_start3A_67] : memref<82x128xi32, #tpu.memory_space<vmem>> -> memref<1x128xi32, #tpu.memory_space<vmem>>
    %dma_start3A_69 = tpu.memref_squeeze %dma_start3A_68 : memref<1x128xi32, #tpu.memory_space<vmem>> -> memref<128xi32, #tpu.memory_space<vmem>>
    %dma_start3A_70 = arith.constant 0 : i32
    %dma_start3A_71 = arith.constant 0 : i32
    %dma_start3A_72 = tpu.memref_slice %arg4[%dma_start3A_70, %dma_start3A_71] : memref<10112x32xf32, #tpu.memory_space<hbm>> -> memref<10112x32xf32, #tpu.memory_space<hbm>>
    tpu.enqueue_indirect_dma source(%dma_start3A_72 : memref<10112x32xf32, #tpu.memory_space<hbm>>) target(%dma_start3A_66 : memref<128x32xf32, #tpu.memory_space<vmem>>) offsets(%dma_start3A_69 : memref<128xi32, #tpu.memory_space<vmem>>) semaphore(%arg20 : memref<!tpu.dma_semaphore, #tpu.memory_space<semaphore_mem>>)
    %dma_start3A_73 = arith.constant 3 : i32
    %dma_start3A_74 = arith.constant 128 : i32
    %dma_start3A_75 = arith.constant 0 : i32
    %dma_start3A_76 = tpu.memref_slice %arg14[%dma_start3A_74, %dma_start3A_75] : memref<256x16xf32, #tpu.memory_space<vmem>> -> memref<128x16xf32, #tpu.memory_space<vmem>>
    %dma_start3A_77 = arith.constant 0 : i32
    %dma_start3A_78 = tpu.memref_slice %arg10[%dma_start3A_73, %dma_start3A_77] : memref<82x128xi32, #tpu.memory_space<vmem>> -> memref<1x128xi32, #tpu.memory_space<vmem>>
    %dma_start3A_79 = tpu.memref_squeeze %dma_start3A_78 : memref<1x128xi32, #tpu.memory_space<vmem>> -> memref<128xi32, #tpu.memory_space<vmem>>
    %dma_start3A_80 = arith.constant 0 : i32
    %dma_start3A_81 = arith.constant 0 : i32
    %dma_start3A_82 = tpu.memref_slice %arg5[%dma_start3A_80, %dma_start3A_81] : memref<10112x16xf32, #tpu.memory_space<hbm>> -> memref<10112x16xf32, #tpu.memory_space<hbm>>
    tpu.enqueue_indirect_dma source(%dma_start3A_82 : memref<10112x16xf32, #tpu.memory_space<hbm>>) target(%dma_start3A_76 : memref<128x16xf32, #tpu.memory_space<vmem>>) offsets(%dma_start3A_79 : memref<128xi32, #tpu.memory_space<vmem>>) semaphore(%arg22 : memref<!tpu.dma_semaphore, #tpu.memory_space<semaphore_mem>>)
    %dma_wait3A = arith.constant 0 : i32
    %dma_wait3A_83 = arith.constant 0 : i32
    %dma_wait3A_84 = arith.constant 0 : i32
    %dma_wait3A_85 = tpu.memref_slice %arg11[%dma_wait3A_83, %dma_wait3A_84] : memref<256x32xf32, #tpu.memory_space<vmem>> -> memref<128x32xf32, #tpu.memory_space<vmem>>
    %dma_wait3A_86 = arith.constant 0 : i32
    %dma_wait3A_87 = tpu.memref_slice %arg9[%dma_wait3A, %dma_wait3A_86] : memref<82x128xi32, #tpu.memory_space<vmem>> -> memref<1x128xi32, #tpu.memory_space<vmem>>
    %dma_wait3A_88 = tpu.memref_squeeze %dma_wait3A_87 : memref<1x128xi32, #tpu.memory_space<vmem>> -> memref<128xi32, #tpu.memory_space<vmem>>
    %dma_wait3A_89 = arith.constant 0 : i32
    %dma_wait3A_90 = arith.constant 0 : i32
    %dma_wait3A_91 = tpu.memref_slice %arg4[%dma_wait3A_89, %dma_wait3A_90] : memref<10112x32xf32, #tpu.memory_space<hbm>> -> memref<10112x32xf32, #tpu.memory_space<hbm>>
    tpu.wait_indirect_dma semaphore(%arg19 : memref<!tpu.dma_semaphore, #tpu.memory_space<semaphore_mem>>) src(%dma_wait3A_91 : memref<10112x32xf32, #tpu.memory_space<hbm>>) dst(%dma_wait3A_85 : memref<128x32xf32, #tpu.memory_space<vmem>>)
    %dma_wait3A_92 = arith.constant 0 : i32
    %dma_wait3A_93 = arith.constant 0 : i32
    %dma_wait3A_94 = arith.constant 0 : i32
    %dma_wait3A_95 = tpu.memref_slice %arg13[%dma_wait3A_93, %dma_wait3A_94] : memref<256x16xf32, #tpu.memory_space<vmem>> -> memref<128x16xf32, #tpu.memory_space<vmem>>
    %dma_wait3A_96 = arith.constant 0 : i32
    %dma_wait3A_97 = tpu.memref_slice %arg10[%dma_wait3A_92, %dma_wait3A_96] : memref<82x128xi32, #tpu.memory_space<vmem>> -> memref<1x128xi32, #tpu.memory_space<vmem>>
    %dma_wait3A_98 = tpu.memref_squeeze %dma_wait3A_97 : memref<1x128xi32, #tpu.memory_space<vmem>> -> memref<128xi32, #tpu.memory_space<vmem>>
    %dma_wait3A_99 = arith.constant 0 : i32
    %dma_wait3A_100 = arith.constant 0 : i32
    %dma_wait3A_101 = tpu.memref_slice %arg5[%dma_wait3A_99, %dma_wait3A_100] : memref<10112x16xf32, #tpu.memory_space<hbm>> -> memref<10112x16xf32, #tpu.memory_space<hbm>>
    tpu.wait_indirect_dma semaphore(%arg21 : memref<!tpu.dma_semaphore, #tpu.memory_space<semaphore_mem>>) src(%dma_wait3A_101 : memref<10112x16xf32, #tpu.memory_space<hbm>>) dst(%dma_wait3A_95 : memref<128x16xf32, #tpu.memory_space<vmem>>)
    %dma_wait3A_102 = arith.constant 1 : i32
    %dma_wait3A_103 = arith.constant 128 : i32
    %dma_wait3A_104 = arith.constant 0 : i32
    %dma_wait3A_105 = tpu.memref_slice %arg11[%dma_wait3A_103, %dma_wait3A_104] : memref<256x32xf32, #tpu.memory_space<vmem>> -> memref<128x32xf32, #tpu.memory_space<vmem>>
    %dma_wait3A_106 = arith.constant 0 : i32
    %dma_wait3A_107 = tpu.memref_slice %arg9[%dma_wait3A_102, %dma_wait3A_106] : memref<82x128xi32, #tpu.memory_space<vmem>> -> memref<1x128xi32, #tpu.memory_space<vmem>>
    %dma_wait3A_108 = tpu.memref_squeeze %dma_wait3A_107 : memref<1x128xi32, #tpu.memory_space<vmem>> -> memref<128xi32, #tpu.memory_space<vmem>>
    %dma_wait3A_109 = arith.constant 0 : i32
    %dma_wait3A_110 = arith.constant 0 : i32
    %dma_wait3A_111 = tpu.memref_slice %arg4[%dma_wait3A_109, %dma_wait3A_110] : memref<10112x32xf32, #tpu.memory_space<hbm>> -> memref<10112x32xf32, #tpu.memory_space<hbm>>
    tpu.wait_indirect_dma semaphore(%arg19 : memref<!tpu.dma_semaphore, #tpu.memory_space<semaphore_mem>>) src(%dma_wait3A_111 : memref<10112x32xf32, #tpu.memory_space<hbm>>) dst(%dma_wait3A_105 : memref<128x32xf32, #tpu.memory_space<vmem>>)
    %dma_wait3A_112 = arith.constant 1 : i32
    %dma_wait3A_113 = arith.constant 128 : i32
    %dma_wait3A_114 = arith.constant 0 : i32
    %dma_wait3A_115 = tpu.memref_slice %arg13[%dma_wait3A_113, %dma_wait3A_114] : memref<256x16xf32, #tpu.memory_space<vmem>> -> memref<128x16xf32, #tpu.memory_space<vmem>>
    %dma_wait3A_116 = arith.constant 0 : i32
    %dma_wait3A_117 = tpu.memref_slice %arg10[%dma_wait3A_112, %dma_wait3A_116] : memref<82x128xi32, #tpu.memory_space<vmem>> -> memref<1x128xi32, #tpu.memory_space<vmem>>
    %dma_wait3A_118 = tpu.memref_squeeze %dma_wait3A_117 : memref<1x128xi32, #tpu.memory_space<vmem>> -> memref<128xi32, #tpu.memory_space<vmem>>
    %dma_wait3A_119 = arith.constant 0 : i32
    %dma_wait3A_120 = arith.constant 0 : i32
    %dma_wait3A_121 = tpu.memref_slice %arg5[%dma_wait3A_119, %dma_wait3A_120] : memref<10112x16xf32, #tpu.memory_space<hbm>> -> memref<10112x16xf32, #tpu.memory_space<hbm>>
    tpu.wait_indirect_dma semaphore(%arg21 : memref<!tpu.dma_semaphore, #tpu.memory_space<semaphore_mem>>) src(%dma_wait3A_121 : memref<10112x16xf32, #tpu.memory_space<hbm>>) dst(%dma_wait3A_115 : memref<128x16xf32, #tpu.memory_space<vmem>>)
    %parallel_loop3A = arith.constant 0 : i32
    %parallel_loop3A_122 = arith.constant 256 : i32
    %parallel_loop3A_123 = arith.constant 1 : i32
    scf.for %parallel_loop3A_420 = %parallel_loop3A to %parallel_loop3A_122 step %parallel_loop3A_123  : i32 {
      %parallel_loop3A_421 = arith.index_cast %parallel_loop3A_420 : i32 to index
      %parallel_loop3A_422 = arith.constant 0 : index
      %parallel_loop3A_423 = tpu.vector_load %arg11[%parallel_loop3A_421, %parallel_loop3A_422] {strides = array<i32>} : memref<256x32xf32, #tpu.memory_space<vmem>>, vector<1x16xf32>,
      %parallel_loop3A_424 = vector.shape_cast %parallel_loop3A_423 : vector<1x16xf32> to vector<16xf32>
      %parallel_loop3A_425 = arith.index_cast %parallel_loop3A_420 : i32 to index
      %parallel_loop3A_426 = arith.constant 16 : index
      %parallel_loop3A_427 = tpu.vector_load %arg11[%parallel_loop3A_425, %parallel_loop3A_426] {strides = array<i32>} : memref<256x32xf32, #tpu.memory_space<vmem>>, vector<1x16xf32>,
      %parallel_loop3A_428 = vector.shape_cast %parallel_loop3A_427 : vector<1x16xf32> to vector<16xf32>
      %parallel_loop3A_429 = arith.index_cast %parallel_loop3A_420 : i32 to index
      %parallel_loop3A_430 = arith.constant 0 : index
      %parallel_loop3A_431 = tpu.vector_load %arg13[%parallel_loop3A_429, %parallel_loop3A_430] {strides = array<i32>} : memref<256x16xf32, #tpu.memory_space<vmem>>, vector<1x16xf32>,
      %parallel_loop3A_432 = vector.shape_cast %parallel_loop3A_431 : vector<1x16xf32> to vector<16xf32>
      %parallel_loop3A_433 = arith.addf %parallel_loop3A_428, %parallel_loop3A_432 : vector<16xf32>
      %parallel_loop3A_434 = arith.constant 0.000000e+00 : f32
      %parallel_loop3A_435 = vector.broadcast %parallel_loop3A_434 : f32 to vector<16xf32>
      %parallel_loop3A_436 = arith.cmpf ogt, %parallel_loop3A_433, %parallel_loop3A_435 : vector<16xf32>
      %parallel_loop3A_437 = arith.constant 2.000000e-01 : f32
      %parallel_loop3A_438 = vector.broadcast %parallel_loop3A_437 : f32 to vector<16xf32>
      %parallel_loop3A_439 = arith.mulf %parallel_loop3A_433, %parallel_loop3A_438 : vector<16xf32>
      %parallel_loop3A_440 = arith.select %parallel_loop3A_436, %parallel_loop3A_433, %parallel_loop3A_439 : vector<16xi1>, vector<16xf32>
      %parallel_loop3A_441 = arith.subf %parallel_loop3A_440, %get3A_3 : vector<16xf32>
      %parallel_loop3A_442 = math.exp %parallel_loop3A_441 : vector<16xf32>
      %parallel_loop3A_443 = arith.mulf %parallel_loop3A_424, %parallel_loop3A_442 : vector<16xf32>
      %parallel_loop3A_444 = arith.index_cast %parallel_loop3A_420 : i32 to index
      %parallel_loop3A_445 = arith.constant 0 : index
      %parallel_loop3A_446 = tpu.vector_load %arg15[%parallel_loop3A_444, %parallel_loop3A_445] {strides = array<i32>} : memref<256x16xf32, #tpu.memory_space<vmem>>, vector<1x16xf32>,
      %parallel_loop3A_447 = vector.shape_cast %parallel_loop3A_446 : vector<1x16xf32> to vector<16xf32>
      %parallel_loop3A_448 = vector.shape_cast %parallel_loop3A_443 : vector<16xf32> to vector<1x16xf32>
      tpu.vector_store %arg15[%parallel_loop3A_444, %parallel_loop3A_445], %parallel_loop3A_448 {strides = array<i32>} : memref<256x16xf32, #tpu.memory_space<vmem>>, vector<1x16xf32>,
    } {sc.loop_unroll_factor = 8 : i64, sc.parallel_access}
    %dma_start3A_124 = arith.constant 0 : i32
    %dma_start3A_125 = arith.constant 0 : i32
    %dma_start3A_126 = arith.constant 0 : i32
    %dma_start3A_127 = tpu.memref_slice %arg15[%dma_start3A_125, %dma_start3A_126] : memref<256x16xf32, #tpu.memory_space<vmem>> -> memref<128x16xf32, #tpu.memory_space<vmem>>
    %dma_start3A_128 = arith.constant 0 : i32
    %dma_start3A_129 = tpu.memref_slice %arg10[%dma_start3A_124, %dma_start3A_128] : memref<82x128xi32, #tpu.memory_space<vmem>> -> memref<1x128xi32, #tpu.memory_space<vmem>>
    %dma_start3A_130 = tpu.memref_squeeze %dma_start3A_129 : memref<1x128xi32, #tpu.memory_space<vmem>> -> memref<128xi32, #tpu.memory_space<vmem>>
    %dma_start3A_131 = arith.constant 0 : i32
    %dma_start3A_132 = arith.constant 0 : i32
    %dma_start3A_133 = tpu.memref_slice %arg18[%dma_start3A_131, %dma_start3A_132] : memref<10112x16xf32, #tpu.memory_space<vmem_shared>> -> memref<10112x16xf32, #tpu.memory_space<vmem_shared>>
    tpu.enqueue_indirect_dma source(%dma_start3A_127 : memref<128x16xf32, #tpu.memory_space<vmem>>) target(%dma_start3A_133 : memref<10112x16xf32, #tpu.memory_space<vmem_shared>>) offsets(%dma_start3A_130 : memref<128xi32, #tpu.memory_space<vmem>>) semaphore(%arg23 : memref<!tpu.dma_semaphore, #tpu.memory_space<semaphore_mem>>) {add = true}
    %dma_start3A_134 = arith.constant 1 : i32
    %dma_start3A_135 = arith.constant 128 : i32
    %dma_start3A_136 = arith.constant 0 : i32
    %dma_start3A_137 = tpu.memref_slice %arg15[%dma_start3A_135, %dma_start3A_136] : memref<256x16xf32, #tpu.memory_space<vmem>> -> memref<128x16xf32, #tpu.memory_space<vmem>>
    %dma_start3A_138 = arith.constant 0 : i32
    %dma_start3A_139 = tpu.memref_slice %arg10[%dma_start3A_134, %dma_start3A_138] : memref<82x128xi32, #tpu.memory_space<vmem>> -> memref<1x128xi32, #tpu.memory_space<vmem>>
    %dma_start3A_140 = tpu.memref_squeeze %dma_start3A_139 : memref<1x128xi32, #tpu.memory_space<vmem>> -> memref<128xi32, #tpu.memory_space<vmem>>
    %dma_start3A_141 = arith.constant 0 : i32
    %dma_start3A_142 = arith.constant 0 : i32
    %dma_start3A_143 = tpu.memref_slice %arg18[%dma_start3A_141, %dma_start3A_142] : memref<10112x16xf32, #tpu.memory_space<vmem_shared>> -> memref<10112x16xf32, #tpu.memory_space<vmem_shared>>
    tpu.enqueue_indirect_dma source(%dma_start3A_137 : memref<128x16xf32, #tpu.memory_space<vmem>>) target(%dma_start3A_143 : memref<10112x16xf32, #tpu.memory_space<vmem_shared>>) offsets(%dma_start3A_140 : memref<128xi32, #tpu.memory_space<vmem>>) semaphore(%arg23 : memref<!tpu.dma_semaphore, #tpu.memory_space<semaphore_mem>>) {add = true}
    %dma_start3A_144 = arith.constant 4 : i32
    %dma_start3A_145 = arith.constant 0 : i32
    %dma_start3A_146 = arith.constant 0 : i32
    %dma_start3A_147 = tpu.memref_slice %arg11[%dma_start3A_145, %dma_start3A_146] : memref<256x32xf32, #tpu.memory_space<vmem>> -> memref<128x32xf32, #tpu.memory_space<vmem>>
    %dma_start3A_148 = arith.constant 0 : i32
    %dma_start3A_149 = tpu.memref_slice %arg9[%dma_start3A_144, %dma_start3A_148] : memref<82x128xi32, #tpu.memory_space<vmem>> -> memref<1x128xi32, #tpu.memory_space<vmem>>
    %dma_start3A_150 = tpu.memref_squeeze %dma_start3A_149 : memref<1x128xi32, #tpu.memory_space<vmem>> -> memref<128xi32, #tpu.memory_space<vmem>>
    %dma_start3A_151 = arith.constant 0 : i32
    %dma_start3A_152 = arith.constant 0 : i32
    %dma_start3A_153 = tpu.memref_slice %arg4[%dma_start3A_151, %dma_start3A_152] : memref<10112x32xf32, #tpu.memory_space<hbm>> -> memref<10112x32xf32, #tpu.memory_space<hbm>>
    tpu.enqueue_indirect_dma source(%dma_start3A_153 : memref<10112x32xf32, #tpu.memory_space<hbm>>) target(%dma_start3A_147 : memref<128x32xf32, #tpu.memory_space<vmem>>) offsets(%dma_start3A_150 : memref<128xi32, #tpu.memory_space<vmem>>) semaphore(%arg19 : memref<!tpu.dma_semaphore, #tpu.memory_space<semaphore_mem>>)
    %dma_start3A_154 = arith.constant 4 : i32
    %dma_start3A_155 = arith.constant 0 : i32
    %dma_start3A_156 = arith.constant 0 : i32
    %dma_start3A_157 = tpu.memref_slice %arg13[%dma_start3A_155, %dma_start3A_156] : memref<256x16xf32, #tpu.memory_space<vmem>> -> memref<128x16xf32, #tpu.memory_space<vmem>>
    %dma_start3A_158 = arith.constant 0 : i32
    %dma_start3A_159 = tpu.memref_slice %arg10[%dma_start3A_154, %dma_start3A_158] : memref<82x128xi32, #tpu.memory_space<vmem>> -> memref<1x128xi32, #tpu.memory_space<vmem>>
    %dma_start3A_160 = tpu.memref_squeeze %dma_start3A_159 : memref<1x128xi32, #tpu.memory_space<vmem>> -> memref<128xi32, #tpu.memory_space<vmem>>
    %dma_start3A_161 = arith.constant 0 : i32
    %dma_start3A_162 = arith.constant 0 : i32
    %dma_start3A_163 = tpu.memref_slice %arg5[%dma_start3A_161, %dma_start3A_162] : memref<10112x16xf32, #tpu.memory_space<hbm>> -> memref<10112x16xf32, #tpu.memory_space<hbm>>
    tpu.enqueue_indirect_dma source(%dma_start3A_163 : memref<10112x16xf32, #tpu.memory_space<hbm>>) target(%dma_start3A_157 : memref<128x16xf32, #tpu.memory_space<vmem>>) offsets(%dma_start3A_160 : memref<128xi32, #tpu.memory_space<vmem>>) semaphore(%arg21 : memref<!tpu.dma_semaphore, #tpu.memory_space<semaphore_mem>>)
    %dma_start3A_164 = arith.constant 5 : i32
    %dma_start3A_165 = arith.constant 128 : i32
    %dma_start3A_166 = arith.constant 0 : i32
    %dma_start3A_167 = tpu.memref_slice %arg11[%dma_start3A_165, %dma_start3A_166] : memref<256x32xf32, #tpu.memory_space<vmem>> -> memref<128x32xf32, #tpu.memory_space<vmem>>
    %dma_start3A_168 = arith.constant 0 : i32
    %dma_start3A_169 = tpu.memref_slice %arg9[%dma_start3A_164, %dma_start3A_168] : memref<82x128xi32, #tpu.memory_space<vmem>> -> memref<1x128xi32, #tpu.memory_space<vmem>>
    %dma_start3A_170 = tpu.memref_squeeze %dma_start3A_169 : memref<1x128xi32, #tpu.memory_space<vmem>> -> memref<128xi32, #tpu.memory_space<vmem>>
    %dma_start3A_171 = arith.constant 0 : i32
    %dma_start3A_172 = arith.constant 0 : i32
    %dma_start3A_173 = tpu.memref_slice %arg4[%dma_start3A_171, %dma_start3A_172] : memref<10112x32xf32, #tpu.memory_space<hbm>> -> memref<10112x32xf32, #tpu.memory_space<hbm>>
    tpu.enqueue_indirect_dma source(%dma_start3A_173 : memref<10112x32xf32, #tpu.memory_space<hbm>>) target(%dma_start3A_167 : memref<128x32xf32, #tpu.memory_space<vmem>>) offsets(%dma_start3A_170 : memref<128xi32, #tpu.memory_space<vmem>>) semaphore(%arg19 : memref<!tpu.dma_semaphore, #tpu.memory_space<semaphore_mem>>)
    %dma_start3A_174 = arith.constant 5 : i32
    %dma_start3A_175 = arith.constant 128 : i32
    %dma_start3A_176 = arith.constant 0 : i32
    %dma_start3A_177 = tpu.memref_slice %arg13[%dma_start3A_175, %dma_start3A_176] : memref<256x16xf32, #tpu.memory_space<vmem>> -> memref<128x16xf32, #tpu.memory_space<vmem>>
    %dma_start3A_178 = arith.constant 0 : i32
    %dma_start3A_179 = tpu.memref_slice %arg10[%dma_start3A_174, %dma_start3A_178] : memref<82x128xi32, #tpu.memory_space<vmem>> -> memref<1x128xi32, #tpu.memory_space<vmem>>
    %dma_start3A_180 = tpu.memref_squeeze %dma_start3A_179 : memref<1x128xi32, #tpu.memory_space<vmem>> -> memref<128xi32, #tpu.memory_space<vmem>>
    %dma_start3A_181 = arith.constant 0 : i32
    %dma_start3A_182 = arith.constant 0 : i32
    %dma_start3A_183 = tpu.memref_slice %arg5[%dma_start3A_181, %dma_start3A_182] : memref<10112x16xf32, #tpu.memory_space<hbm>> -> memref<10112x16xf32, #tpu.memory_space<hbm>>
    tpu.enqueue_indirect_dma source(%dma_start3A_183 : memref<10112x16xf32, #tpu.memory_space<hbm>>) target(%dma_start3A_177 : memref<128x16xf32, #tpu.memory_space<vmem>>) offsets(%dma_start3A_180 : memref<128xi32, #tpu.memory_space<vmem>>) semaphore(%arg21 : memref<!tpu.dma_semaphore, #tpu.memory_space<semaphore_mem>>)
    %dma_wait3A_184 = arith.constant 2 : i32
    %dma_wait3A_185 = arith.constant 0 : i32
    %dma_wait3A_186 = arith.constant 0 : i32
    %dma_wait3A_187 = tpu.memref_slice %arg12[%dma_wait3A_185, %dma_wait3A_186] : memref<256x32xf32, #tpu.memory_space<vmem>> -> memref<128x32xf32, #tpu.memory_space<vmem>>
    %dma_wait3A_188 = arith.constant 0 : i32
    %dma_wait3A_189 = tpu.memref_slice %arg9[%dma_wait3A_184, %dma_wait3A_188] : memref<82x128xi32, #tpu.memory_space<vmem>> -> memref<1x128xi32, #tpu.memory_space<vmem>>
    %dma_wait3A_190 = tpu.memref_squeeze %dma_wait3A_189 : memref<1x128xi32, #tpu.memory_space<vmem>> -> memref<128xi32, #tpu.memory_space<vmem>>
    %dma_wait3A_191 = arith.constant 0 : i32
    %dma_wait3A_192 = arith.constant 0 : i32
    %dma_wait3A_193 = tpu.memref_slice %arg4[%dma_wait3A_191, %dma_wait3A_192] : memref<10112x32xf32, #tpu.memory_space<hbm>> -> memref<10112x32xf32, #tpu.memory_space<hbm>>
    tpu.wait_indirect_dma semaphore(%arg20 : memref<!tpu.dma_semaphore, #tpu.memory_space<semaphore_mem>>) src(%dma_wait3A_193 : memref<10112x32xf32, #tpu.memory_space<hbm>>) dst(%dma_wait3A_187 : memref<128x32xf32, #tpu.memory_space<vmem>>)
    %dma_wait3A_194 = arith.constant 2 : i32
    %dma_wait3A_195 = arith.constant 0 : i32
    %dma_wait3A_196 = arith.constant 0 : i32
    %dma_wait3A_197 = tpu.memref_slice %arg14[%dma_wait3A_195, %dma_wait3A_196] : memref<256x16xf32, #tpu.memory_space<vmem>> -> memref<128x16xf32, #tpu.memory_space<vmem>>
    %dma_wait3A_198 = arith.constant 0 : i32
    %dma_wait3A_199 = tpu.memref_slice %arg10[%dma_wait3A_194, %dma_wait3A_198] : memref<82x128xi32, #tpu.memory_space<vmem>> -> memref<1x128xi32, #tpu.memory_space<vmem>>
    %dma_wait3A_200 = tpu.memref_squeeze %dma_wait3A_199 : memref<1x128xi32, #tpu.memory_space<vmem>> -> memref<128xi32, #tpu.memory_space<vmem>>
    %dma_wait3A_201 = arith.constant 0 : i32
    %dma_wait3A_202 = arith.constant 0 : i32
    %dma_wait3A_203 = tpu.memref_slice %arg5[%dma_wait3A_201, %dma_wait3A_202] : memref<10112x16xf32, #tpu.memory_space<hbm>> -> memref<10112x16xf32, #tpu.memory_space<hbm>>
    tpu.wait_indirect_dma semaphore(%arg22 : memref<!tpu.dma_semaphore, #tpu.memory_space<semaphore_mem>>) src(%dma_wait3A_203 : memref<10112x16xf32, #tpu.memory_space<hbm>>) dst(%dma_wait3A_197 : memref<128x16xf32, #tpu.memory_space<vmem>>)
    %dma_wait3A_204 = arith.constant 3 : i32
    %dma_wait3A_205 = arith.constant 128 : i32
    %dma_wait3A_206 = arith.constant 0 : i32
    %dma_wait3A_207 = tpu.memref_slice %arg12[%dma_wait3A_205, %dma_wait3A_206] : memref<256x32xf32, #tpu.memory_space<vmem>> -> memref<128x32xf32, #tpu.memory_space<vmem>>
    %dma_wait3A_208 = arith.constant 0 : i32
    %dma_wait3A_209 = tpu.memref_slice %arg9[%dma_wait3A_204, %dma_wait3A_208] : memref<82x128xi32, #tpu.memory_space<vmem>> -> memref<1x128xi32, #tpu.memory_space<vmem>>
    %dma_wait3A_210 = tpu.memref_squeeze %dma_wait3A_209 : memref<1x128xi32, #tpu.memory_space<vmem>> -> memref<128xi32, #tpu.memory_space<vmem>>
    %dma_wait3A_211 = arith.constant 0 : i32
    %dma_wait3A_212 = arith.constant 0 : i32
    %dma_wait3A_213 = tpu.memref_slice %arg4[%dma_wait3A_211, %dma_wait3A_212] : memref<10112x32xf32, #tpu.memory_space<hbm>> -> memref<10112x32xf32, #tpu.memory_space<hbm>>
    tpu.wait_indirect_dma semaphore(%arg20 : memref<!tpu.dma_semaphore, #tpu.memory_space<semaphore_mem>>) src(%dma_wait3A_213 : memref<10112x32xf32, #tpu.memory_space<hbm>>) dst(%dma_wait3A_207 : memref<128x32xf32, #tpu.memory_space<vmem>>)
    %dma_wait3A_214 = arith.constant 3 : i32
    %dma_wait3A_215 = arith.constant 128 : i32
    %dma_wait3A_216 = arith.constant 0 : i32
    %dma_wait3A_217 = tpu.memref_slice %arg14[%dma_wait3A_215, %dma_wait3A_216] : memref<256x16xf32, #tpu.memory_space<vmem>> -> memref<128x16xf32, #tpu.memory_space<vmem>>
    %dma_wait3A_218 = arith.constant 0 : i32
    %dma_wait3A_219 = tpu.memref_slice %arg10[%dma_wait3A_214, %dma_wait3A_218] : memref<82x128xi32, #tpu.memory_space<vmem>> -> memref<1x128xi32, #tpu.memory_space<vmem>>
    %dma_wait3A_220 = tpu.memref_squeeze %dma_wait3A_219 : memref<1x128xi32, #tpu.memory_space<vmem>> -> memref<128xi32, #tpu.memory_space<vmem>>
    %dma_wait3A_221 = arith.constant 0 : i32
    %dma_wait3A_222 = arith.constant 0 : i32
    %dma_wait3A_223 = tpu.memref_slice %arg5[%dma_wait3A_221, %dma_wait3A_222] : memref<10112x16xf32, #tpu.memory_space<hbm>> -> memref<10112x16xf32, #tpu.memory_space<hbm>>
    tpu.wait_indirect_dma semaphore(%arg22 : memref<!tpu.dma_semaphore, #tpu.memory_space<semaphore_mem>>) src(%dma_wait3A_223 : memref<10112x16xf32, #tpu.memory_space<hbm>>) dst(%dma_wait3A_217 : memref<128x16xf32, #tpu.memory_space<vmem>>)
    %parallel_loop3A_224 = arith.constant 0 : i32
    %parallel_loop3A_225 = arith.constant 256 : i32
    %parallel_loop3A_226 = arith.constant 1 : i32
    scf.for %parallel_loop3A_420 = %parallel_loop3A_224 to %parallel_loop3A_225 step %parallel_loop3A_226  : i32 {
      %parallel_loop3A_421 = arith.index_cast %parallel_loop3A_420 : i32 to index
      %parallel_loop3A_422 = arith.constant 0 : index
      %parallel_loop3A_423 = tpu.vector_load %arg12[%parallel_loop3A_421, %parallel_loop3A_422] {strides = array<i32>} : memref<256x32xf32, #tpu.memory_space<vmem>>, vector<1x16xf32>,
      %parallel_loop3A_424 = vector.shape_cast %parallel_loop3A_423 : vector<1x16xf32> to vector<16xf32>
      %parallel_loop3A_425 = arith.index_cast %parallel_loop3A_420 : i32 to index
      %parallel_loop3A_426 = arith.constant 16 : index
      %parallel_loop3A_427 = tpu.vector_load %arg12[%parallel_loop3A_425, %parallel_loop3A_426] {strides = array<i32>} : memref<256x32xf32, #tpu.memory_space<vmem>>, vector<1x16xf32>,
      %parallel_loop3A_428 = vector.shape_cast %parallel_loop3A_427 : vector<1x16xf32> to vector<16xf32>
      %parallel_loop3A_429 = arith.index_cast %parallel_loop3A_420 : i32 to index
      %parallel_loop3A_430 = arith.constant 0 : index
      %parallel_loop3A_431 = tpu.vector_load %arg14[%parallel_loop3A_429, %parallel_loop3A_430] {strides = array<i32>} : memref<256x16xf32, #tpu.memory_space<vmem>>, vector<1x16xf32>,
      %parallel_loop3A_432 = vector.shape_cast %parallel_loop3A_431 : vector<1x16xf32> to vector<16xf32>
      %parallel_loop3A_433 = arith.addf %parallel_loop3A_428, %parallel_loop3A_432 : vector<16xf32>
      %parallel_loop3A_434 = arith.constant 0.000000e+00 : f32
      %parallel_loop3A_435 = vector.broadcast %parallel_loop3A_434 : f32 to vector<16xf32>
      %parallel_loop3A_436 = arith.cmpf ogt, %parallel_loop3A_433, %parallel_loop3A_435 : vector<16xf32>
      %parallel_loop3A_437 = arith.constant 2.000000e-01 : f32
      %parallel_loop3A_438 = vector.broadcast %parallel_loop3A_437 : f32 to vector<16xf32>
      %parallel_loop3A_439 = arith.mulf %parallel_loop3A_433, %parallel_loop3A_438 : vector<16xf32>
      %parallel_loop3A_440 = arith.select %parallel_loop3A_436, %parallel_loop3A_433, %parallel_loop3A_439 : vector<16xi1>, vector<16xf32>
      %parallel_loop3A_441 = arith.subf %parallel_loop3A_440, %get3A_3 : vector<16xf32>
      %parallel_loop3A_442 = math.exp %parallel_loop3A_441 : vector<16xf32>
      %parallel_loop3A_443 = arith.mulf %parallel_loop3A_424, %parallel_loop3A_442 : vector<16xf32>
      %parallel_loop3A_444 = arith.index_cast %parallel_loop3A_420 : i32 to index
      %parallel_loop3A_445 = arith.constant 0 : index
      %parallel_loop3A_446 = tpu.vector_load %arg16[%parallel_loop3A_444, %parallel_loop3A_445] {strides = array<i32>} : memref<256x16xf32, #tpu.memory_space<vmem>>, vector<1x16xf32>,
      %parallel_loop3A_447 = vector.shape_cast %parallel_loop3A_446 : vector<1x16xf32> to vector<16xf32>
      %parallel_loop3A_448 = vector.shape_cast %parallel_loop3A_443 : vector<16xf32> to vector<1x16xf32>
      tpu.vector_store %arg16[%parallel_loop3A_444, %parallel_loop3A_445], %parallel_loop3A_448 {strides = array<i32>} : memref<256x16xf32, #tpu.memory_space<vmem>>, vector<1x16xf32>,
    } {sc.loop_unroll_factor = 8 : i64, sc.parallel_access}
    %dma_start3A_227 = arith.constant 2 : i32
    %dma_start3A_228 = arith.constant 0 : i32
    %dma_start3A_229 = arith.constant 0 : i32
    %dma_start3A_230 = tpu.memref_slice %arg16[%dma_start3A_228, %dma_start3A_229] : memref<256x16xf32, #tpu.memory_space<vmem>> -> memref<128x16xf32, #tpu.memory_space<vmem>>
    %dma_start3A_231 = arith.constant 0 : i32
    %dma_start3A_232 = tpu.memref_slice %arg10[%dma_start3A_227, %dma_start3A_231] : memref<82x128xi32, #tpu.memory_space<vmem>> -> memref<1x128xi32, #tpu.memory_space<vmem>>
    %dma_start3A_233 = tpu.memref_squeeze %dma_start3A_232 : memref<1x128xi32, #tpu.memory_space<vmem>> -> memref<128xi32, #tpu.memory_space<vmem>>
    %dma_start3A_234 = arith.constant 0 : i32
    %dma_start3A_235 = arith.constant 0 : i32
    %dma_start3A_236 = tpu.memref_slice %arg18[%dma_start3A_234, %dma_start3A_235] : memref<10112x16xf32, #tpu.memory_space<vmem_shared>> -> memref<10112x16xf32, #tpu.memory_space<vmem_shared>>
    tpu.enqueue_indirect_dma source(%dma_start3A_230 : memref<128x16xf32, #tpu.memory_space<vmem>>) target(%dma_start3A_236 : memref<10112x16xf32, #tpu.memory_space<vmem_shared>>) offsets(%dma_start3A_233 : memref<128xi32, #tpu.memory_space<vmem>>) semaphore(%arg24 : memref<!tpu.dma_semaphore, #tpu.memory_space<semaphore_mem>>) {add = true}
    %dma_start3A_237 = arith.constant 3 : i32
    %dma_start3A_238 = arith.constant 128 : i32
    %dma_start3A_239 = arith.constant 0 : i32
    %dma_start3A_240 = tpu.memref_slice %arg16[%dma_start3A_238, %dma_start3A_239] : memref<256x16xf32, #tpu.memory_space<vmem>> -> memref<128x16xf32, #tpu.memory_space<vmem>>
    %dma_start3A_241 = arith.constant 0 : i32
    %dma_start3A_242 = tpu.memref_slice %arg10[%dma_start3A_237, %dma_start3A_241] : memref<82x128xi32, #tpu.memory_space<vmem>> -> memref<1x128xi32, #tpu.memory_space<vmem>>
    %dma_start3A_243 = tpu.memref_squeeze %dma_start3A_242 : memref<1x128xi32, #tpu.memory_space<vmem>> -> memref<128xi32, #tpu.memory_space<vmem>>
    %dma_start3A_244 = arith.constant 0 : i32
    %dma_start3A_245 = arith.constant 0 : i32
    %dma_start3A_246 = tpu.memref_slice %arg18[%dma_start3A_244, %dma_start3A_245] : memref<10112x16xf32, #tpu.memory_space<vmem_shared>> -> memref<10112x16xf32, #tpu.memory_space<vmem_shared>>
    tpu.enqueue_indirect_dma source(%dma_start3A_240 : memref<128x16xf32, #tpu.memory_space<vmem>>) target(%dma_start3A_246 : memref<10112x16xf32, #tpu.memory_space<vmem_shared>>) offsets(%dma_start3A_243 : memref<128xi32, #tpu.memory_space<vmem>>) semaphore(%arg24 : memref<!tpu.dma_semaphore, #tpu.memory_space<semaphore_mem>>) {add = true}
    %dma_start3A_247 = arith.constant 6 : i32
    %dma_start3A_248 = arith.constant 0 : i32
    %dma_start3A_249 = arith.constant 0 : i32
    %dma_start3A_250 = tpu.memref_slice %arg12[%dma_start3A_248, %dma_start3A_249] : memref<256x32xf32, #tpu.memory_space<vmem>> -> memref<128x32xf32, #tpu.memory_space<vmem>>
    %dma_start3A_251 = arith.constant 0 : i32
    %dma_start3A_252 = tpu.memref_slice %arg9[%dma_start3A_247, %dma_start3A_251] : memref<82x128xi32, #tpu.memory_space<vmem>> -> memref<1x128xi32, #tpu.memory_space<vmem>>
    %dma_start3A_253 = tpu.memref_squeeze %dma_start3A_252 : memref<1x128xi32, #tpu.memory_space<vmem>> -> memref<128xi32, #tpu.memory_space<vmem>>
    %dma_start3A_254 = arith.constant 0 : i32
    %dma_start3A_255 = arith.constant 0 : i32
    %dma_start3A_256 = tpu.memref_slice %arg4[%dma_start3A_254, %dma_start3A_255] : memref<10112x32xf32, #tpu.memory_space<hbm>> -> memref<10112x32xf32, #tpu.memory_space<hbm>>
    tpu.enqueue_indirect_dma source(%dma_start3A_256 : memref<10112x32xf32, #tpu.memory_space<hbm>>) target(%dma_start3A_250 : memref<128x32xf32, #tpu.memory_space<vmem>>) offsets(%dma_start3A_253 : memref<128xi32, #tpu.memory_space<vmem>>) semaphore(%arg20 : memref<!tpu.dma_semaphore, #tpu.memory_space<semaphore_mem>>)
    %dma_start3A_257 = arith.constant 6 : i32
    %dma_start3A_258 = arith.constant 0 : i32
    %dma_start3A_259 = arith.constant 0 : i32
    %dma_start3A_260 = tpu.memref_slice %arg14[%dma_start3A_258, %dma_start3A_259] : memref<256x16xf32, #tpu.memory_space<vmem>> -> memref<128x16xf32, #tpu.memory_space<vmem>>
    %dma_start3A_261 = arith.constant 0 : i32
    %dma_start3A_262 = tpu.memref_slice %arg10[%dma_start3A_257, %dma_start3A_261] : memref<82x128xi32, #tpu.memory_space<vmem>> -> memref<1x128xi32, #tpu.memory_space<vmem>>
    %dma_start3A_263 = tpu.memref_squeeze %dma_start3A_262 : memref<1x128xi32, #tpu.memory_space<vmem>> -> memref<128xi32, #tpu.memory_space<vmem>>
    %dma_start3A_264 = arith.constant 0 : i32
    %dma_start3A_265 = arith.constant 0 : i32
    %dma_start3A_266 = tpu.memref_slice %arg5[%dma_start3A_264, %dma_start3A_265] : memref<10112x16xf32, #tpu.memory_space<hbm>> -> memref<10112x16xf32, #tpu.memory_space<hbm>>
    tpu.enqueue_indirect_dma source(%dma_start3A_266 : memref<10112x16xf32, #tpu.memory_space<hbm>>) target(%dma_start3A_260 : memref<128x16xf32, #tpu.memory_space<vmem>>) offsets(%dma_start3A_263 : memref<128xi32, #tpu.memory_space<vmem>>) semaphore(%arg22 : memref<!tpu.dma_semaphore, #tpu.memory_space<semaphore_mem>>)
    %dma_start3A_267 = arith.constant 7 : i32
    %dma_start3A_268 = arith.constant 128 : i32
    %dma_start3A_269 = arith.constant 0 : i32
    %dma_start3A_270 = tpu.memref_slice %arg12[%dma_start3A_268, %dma_start3A_269] : memref<256x32xf32, #tpu.memory_space<vmem>> -> memref<128x32xf32, #tpu.memory_space<vmem>>
    %dma_start3A_271 = arith.constant 0 : i32
    %dma_start3A_272 = tpu.memref_slice %arg9[%dma_start3A_267, %dma_start3A_271] : memref<82x128xi32, #tpu.memory_space<vmem>> -> memref<1x128xi32, #tpu.memory_space<vmem>>
    %dma_start3A_273 = tpu.memref_squeeze %dma_start3A_272 : memref<1x128xi32, #tpu.memory_space<vmem>> -> memref<128xi32, #tpu.memory_space<vmem>>
    %dma_start3A_274 = arith.constant 0 : i32
    %dma_start3A_275 = arith.constant 0 : i32
    %dma_start3A_276 = tpu.memref_slice %arg4[%dma_start3A_274, %dma_start3A_275] : memref<10112x32xf32, #tpu.memory_space<hbm>> -> memref<10112x32xf32, #tpu.memory_space<hbm>>
    tpu.enqueue_indirect_dma source(%dma_start3A_276 : memref<10112x32xf32, #tpu.memory_space<hbm>>) target(%dma_start3A_270 : memref<128x32xf32, #tpu.memory_space<vmem>>) offsets(%dma_start3A_273 : memref<128xi32, #tpu.memory_space<vmem>>) semaphore(%arg20 : memref<!tpu.dma_semaphore, #tpu.memory_space<semaphore_mem>>)
    %dma_start3A_277 = arith.constant 7 : i32
    %dma_start3A_278 = arith.constant 128 : i32
    %dma_start3A_279 = arith.constant 0 : i32
    %dma_start3A_280 = tpu.memref_slice %arg14[%dma_start3A_278, %dma_start3A_279] : memref<256x16xf32, #tpu.memory_space<vmem>> -> memref<128x16xf32, #tpu.memory_space<vmem>>
    %dma_start3A_281 = arith.constant 0 : i32
    %dma_start3A_282 = tpu.memref_slice %arg10[%dma_start3A_277, %dma_start3A_281] : memref<82x128xi32, #tpu.memory_space<vmem>> -> memref<1x128xi32, #tpu.memory_space<vmem>>
    %dma_start3A_283 = tpu.memref_squeeze %dma_start3A_282 : memref<1x128xi32, #tpu.memory_space<vmem>> -> memref<128xi32, #tpu.memory_space<vmem>>
    %dma_start3A_284 = arith.constant 0 : i32
    %dma_start3A_285 = arith.constant 0 : i32
    %dma_start3A_286 = tpu.memref_slice %arg5[%dma_start3A_284, %dma_start3A_285] : memref<10112x16xf32, #tpu.memory_space<hbm>> -> memref<10112x16xf32, #tpu.memory_space<hbm>>
    tpu.enqueue_indirect_dma source(%dma_start3A_286 : memref<10112x16xf32, #tpu.memory_space<hbm>>) target(%dma_start3A_280 : memref<128x16xf32, #tpu.memory_space<vmem>>) offsets(%dma_start3A_283 : memref<128xi32, #tpu.memory_space<vmem>>) semaphore(%arg22 : memref<!tpu.dma_semaphore, #tpu.memory_space<semaphore_mem>>)
    %scan3A = arith.constant 0 : i32
    %scan3A_287 = arith.constant 1 : i32
    %scan3A_288 = arith.constant 19 : i32
    %scan3A_289 = arith.addi %scan3A_287, %scan3A_288 : i32
    %scan3A_290 = arith.constant 1 : i32
    scf.for %scan3A_420 = %scan3A_287 to %scan3A_289 step %scan3A_290  : i32 {
      %mul3A_421 = arith.constant 2 : i32
      %mul3A_422 = arith.muli %mul3A_421, %scan3A_420 : i32
      %mul3A_423 = arith.constant 2 : i32
      %mul3A_424 = arith.muli %mul3A_423, %scan3A_420 : i32
      %add3A_425 = arith.constant 1 : i32
      %add3A_426 = arith.addi %mul3A_424, %add3A_425 : i32
      %mul3A_427 = arith.constant 2 : i32
      %mul3A_428 = arith.muli %mul3A_427, %mul3A_422 : i32
      %add3A_429 = arith.constant 0 : i32
      %add3A_430 = arith.addi %mul3A_428, %add3A_429 : i32
      %dma_wait3A_431 = arith.constant 0 : i32
      %dma_wait3A_432 = arith.constant 0 : i32
      %dma_wait3A_433 = tpu.memref_slice %arg11[%dma_wait3A_431, %dma_wait3A_432] : memref<256x32xf32, #tpu.memory_space<vmem>> -> memref<128x32xf32, #tpu.memory_space<vmem>>
      %dma_wait3A_434 = arith.constant 0 : i32
      %dma_wait3A_435 = tpu.memref_slice %arg9[%add3A_430, %dma_wait3A_434] : memref<82x128xi32, #tpu.memory_space<vmem>> -> memref<1x128xi32, #tpu.memory_space<vmem>>
      %dma_wait3A_436 = tpu.memref_squeeze %dma_wait3A_435 : memref<1x128xi32, #tpu.memory_space<vmem>> -> memref<128xi32, #tpu.memory_space<vmem>>
      %dma_wait3A_437 = arith.constant 0 : i32
      %dma_wait3A_438 = arith.constant 0 : i32
      %dma_wait3A_439 = tpu.memref_slice %arg4[%dma_wait3A_437, %dma_wait3A_438] : memref<10112x32xf32, #tpu.memory_space<hbm>> -> memref<10112x32xf32, #tpu.memory_space<hbm>>
      tpu.wait_indirect_dma semaphore(%arg19 : memref<!tpu.dma_semaphore, #tpu.memory_space<semaphore_mem>>) src(%dma_wait3A_439 : memref<10112x32xf32, #tpu.memory_space<hbm>>) dst(%dma_wait3A_433 : memref<128x32xf32, #tpu.memory_space<vmem>>)
      %mul3A_440 = arith.constant 2 : i32
      %mul3A_441 = arith.muli %mul3A_440, %mul3A_422 : i32
      %add3A_442 = arith.constant 0 : i32
      %add3A_443 = arith.addi %mul3A_441, %add3A_442 : i32
      %dma_wait3A_444 = arith.constant 0 : i32
      %dma_wait3A_445 = arith.constant 0 : i32
      %dma_wait3A_446 = tpu.memref_slice %arg13[%dma_wait3A_444, %dma_wait3A_445] : memref<256x16xf32, #tpu.memory_space<vmem>> -> memref<128x16xf32, #tpu.memory_space<vmem>>
      %dma_wait3A_447 = arith.constant 0 : i32
      %dma_wait3A_448 = tpu.memref_slice %arg10[%add3A_443, %dma_wait3A_447] : memref<82x128xi32, #tpu.memory_space<vmem>> -> memref<1x128xi32, #tpu.memory_space<vmem>>
      %dma_wait3A_449 = tpu.memref_squeeze %dma_wait3A_448 : memref<1x128xi32, #tpu.memory_space<vmem>> -> memref<128xi32, #tpu.memory_space<vmem>>
      %dma_wait3A_450 = arith.constant 0 : i32
      %dma_wait3A_451 = arith.constant 0 : i32
      %dma_wait3A_452 = tpu.memref_slice %arg5[%dma_wait3A_450, %dma_wait3A_451] : memref<10112x16xf32, #tpu.memory_space<hbm>> -> memref<10112x16xf32, #tpu.memory_space<hbm>>
      tpu.wait_indirect_dma semaphore(%arg21 : memref<!tpu.dma_semaphore, #tpu.memory_space<semaphore_mem>>) src(%dma_wait3A_452 : memref<10112x16xf32, #tpu.memory_space<hbm>>) dst(%dma_wait3A_446 : memref<128x16xf32, #tpu.memory_space<vmem>>)
      %mul3A_453 = arith.constant 2 : i32
      %mul3A_454 = arith.muli %mul3A_453, %mul3A_422 : i32
      %add3A_455 = arith.constant 1 : i32
      %add3A_456 = arith.addi %mul3A_454, %add3A_455 : i32
      %dma_wait3A_457 = arith.constant 128 : i32
      %dma_wait3A_458 = arith.constant 0 : i32
      %dma_wait3A_459 = tpu.memref_slice %arg11[%dma_wait3A_457, %dma_wait3A_458] : memref<256x32xf32, #tpu.memory_space<vmem>> -> memref<128x32xf32, #tpu.memory_space<vmem>>
      %dma_wait3A_460 = arith.constant 0 : i32
      %dma_wait3A_461 = tpu.memref_slice %arg9[%add3A_456, %dma_wait3A_460] : memref<82x128xi32, #tpu.memory_space<vmem>> -> memref<1x128xi32, #tpu.memory_space<vmem>>
      %dma_wait3A_462 = tpu.memref_squeeze %dma_wait3A_461 : memref<1x128xi32, #tpu.memory_space<vmem>> -> memref<128xi32, #tpu.memory_space<vmem>>
      %dma_wait3A_463 = arith.constant 0 : i32
      %dma_wait3A_464 = arith.constant 0 : i32
      %dma_wait3A_465 = tpu.memref_slice %arg4[%dma_wait3A_463, %dma_wait3A_464] : memref<10112x32xf32, #tpu.memory_space<hbm>> -> memref<10112x32xf32, #tpu.memory_space<hbm>>
      tpu.wait_indirect_dma semaphore(%arg19 : memref<!tpu.dma_semaphore, #tpu.memory_space<semaphore_mem>>) src(%dma_wait3A_465 : memref<10112x32xf32, #tpu.memory_space<hbm>>) dst(%dma_wait3A_459 : memref<128x32xf32, #tpu.memory_space<vmem>>)
      %mul3A_466 = arith.constant 2 : i32
      %mul3A_467 = arith.muli %mul3A_466, %mul3A_422 : i32
      %add3A_468 = arith.constant 1 : i32
      %add3A_469 = arith.addi %mul3A_467, %add3A_468 : i32
      %dma_wait3A_470 = arith.constant 128 : i32
      %dma_wait3A_471 = arith.constant 0 : i32
      %dma_wait3A_472 = tpu.memref_slice %arg13[%dma_wait3A_470, %dma_wait3A_471] : memref<256x16xf32, #tpu.memory_space<vmem>> -> memref<128x16xf32, #tpu.memory_space<vmem>>
      %dma_wait3A_473 = arith.constant 0 : i32
      %dma_wait3A_474 = tpu.memref_slice %arg10[%add3A_469, %dma_wait3A_473] : memref<82x128xi32, #tpu.memory_space<vmem>> -> memref<1x128xi32, #tpu.memory_space<vmem>>
      %dma_wait3A_475 = tpu.memref_squeeze %dma_wait3A_474 : memref<1x128xi32, #tpu.memory_space<vmem>> -> memref<128xi32, #tpu.memory_space<vmem>>
      %dma_wait3A_476 = arith.constant 0 : i32
      %dma_wait3A_477 = arith.constant 0 : i32
      %dma_wait3A_478 = tpu.memref_slice %arg5[%dma_wait3A_476, %dma_wait3A_477] : memref<10112x16xf32, #tpu.memory_space<hbm>> -> memref<10112x16xf32, #tpu.memory_space<hbm>>
      tpu.wait_indirect_dma semaphore(%arg21 : memref<!tpu.dma_semaphore, #tpu.memory_space<semaphore_mem>>) src(%dma_wait3A_478 : memref<10112x16xf32, #tpu.memory_space<hbm>>) dst(%dma_wait3A_472 : memref<128x16xf32, #tpu.memory_space<vmem>>)
      %sub3A = arith.constant 2 : i32
      %sub3A_479 = arith.subi %mul3A_422, %sub3A : i32
      %mul3A_480 = arith.constant 2 : i32
      %mul3A_481 = arith.muli %mul3A_480, %sub3A_479 : i32
      %add3A_482 = arith.constant 0 : i32
      %add3A_483 = arith.addi %mul3A_481, %add3A_482 : i32
      %dma_wait3A_484 = arith.constant 0 : i32
      %dma_wait3A_485 = arith.constant 0 : i32
      %dma_wait3A_486 = tpu.memref_slice %arg15[%dma_wait3A_484, %dma_wait3A_485] : memref<256x16xf32, #tpu.memory_space<vmem>> -> memref<128x16xf32, #tpu.memory_space<vmem>>
      %dma_wait3A_487 = arith.constant 0 : i32
      %dma_wait3A_488 = tpu.memref_slice %arg10[%add3A_483, %dma_wait3A_487] : memref<82x128xi32, #tpu.memory_space<vmem>> -> memref<1x128xi32, #tpu.memory_space<vmem>>
      %dma_wait3A_489 = tpu.memref_squeeze %dma_wait3A_488 : memref<1x128xi32, #tpu.memory_space<vmem>> -> memref<128xi32, #tpu.memory_space<vmem>>
      %dma_wait3A_490 = arith.constant 0 : i32
      %dma_wait3A_491 = arith.constant 0 : i32
      %dma_wait3A_492 = tpu.memref_slice %arg18[%dma_wait3A_490, %dma_wait3A_491] : memref<10112x16xf32, #tpu.memory_space<vmem_shared>> -> memref<10112x16xf32, #tpu.memory_space<vmem_shared>>
      tpu.wait_indirect_dma semaphore(%arg23 : memref<!tpu.dma_semaphore, #tpu.memory_space<semaphore_mem>>) src(%dma_wait3A_486 : memref<128x16xf32, #tpu.memory_space<vmem>>) dst(%dma_wait3A_492 : memref<10112x16xf32, #tpu.memory_space<vmem_shared>>)
      %mul3A_493 = arith.constant 2 : i32
      %mul3A_494 = arith.muli %mul3A_493, %sub3A_479 : i32
      %add3A_495 = arith.constant 1 : i32
      %add3A_496 = arith.addi %mul3A_494, %add3A_495 : i32
      %dma_wait3A_497 = arith.constant 128 : i32
      %dma_wait3A_498 = arith.constant 0 : i32
      %dma_wait3A_499 = tpu.memref_slice %arg15[%dma_wait3A_497, %dma_wait3A_498] : memref<256x16xf32, #tpu.memory_space<vmem>> -> memref<128x16xf32, #tpu.memory_space<vmem>>
      %dma_wait3A_500 = arith.constant 0 : i32
      %dma_wait3A_501 = tpu.memref_slice %arg10[%add3A_496, %dma_wait3A_500] : memref<82x128xi32, #tpu.memory_space<vmem>> -> memref<1x128xi32, #tpu.memory_space<vmem>>
      %dma_wait3A_502 = tpu.memref_squeeze %dma_wait3A_501 : memref<1x128xi32, #tpu.memory_space<vmem>> -> memref<128xi32, #tpu.memory_space<vmem>>
      %dma_wait3A_503 = arith.constant 0 : i32
      %dma_wait3A_504 = arith.constant 0 : i32
      %dma_wait3A_505 = tpu.memref_slice %arg18[%dma_wait3A_503, %dma_wait3A_504] : memref<10112x16xf32, #tpu.memory_space<vmem_shared>> -> memref<10112x16xf32, #tpu.memory_space<vmem_shared>>
      tpu.wait_indirect_dma semaphore(%arg23 : memref<!tpu.dma_semaphore, #tpu.memory_space<semaphore_mem>>) src(%dma_wait3A_499 : memref<128x16xf32, #tpu.memory_space<vmem>>) dst(%dma_wait3A_505 : memref<10112x16xf32, #tpu.memory_space<vmem_shared>>)
      %parallel_loop3A_506 = arith.constant 0 : i32
      %parallel_loop3A_507 = arith.constant 256 : i32
      %parallel_loop3A_508 = arith.constant 1 : i32
      scf.for %parallel_loop3A_655 = %parallel_loop3A_506 to %parallel_loop3A_507 step %parallel_loop3A_508  : i32 {
        %parallel_loop3A_656 = arith.index_cast %parallel_loop3A_655 : i32 to index
        %parallel_loop3A_657 = arith.constant 0 : index
        %parallel_loop3A_658 = tpu.vector_load %arg11[%parallel_loop3A_656, %parallel_loop3A_657] {strides = array<i32>} : memref<256x32xf32, #tpu.memory_space<vmem>>, vector<1x16xf32>,
        %parallel_loop3A_659 = vector.shape_cast %parallel_loop3A_658 : vector<1x16xf32> to vector<16xf32>
        %parallel_loop3A_660 = arith.index_cast %parallel_loop3A_655 : i32 to index
        %parallel_loop3A_661 = arith.constant 16 : index
        %parallel_loop3A_662 = tpu.vector_load %arg11[%parallel_loop3A_660, %parallel_loop3A_661] {strides = array<i32>} : memref<256x32xf32, #tpu.memory_space<vmem>>, vector<1x16xf32>,
        %parallel_loop3A_663 = vector.shape_cast %parallel_loop3A_662 : vector<1x16xf32> to vector<16xf32>
        %parallel_loop3A_664 = arith.index_cast %parallel_loop3A_655 : i32 to index
        %parallel_loop3A_665 = arith.constant 0 : index
        %parallel_loop3A_666 = tpu.vector_load %arg13[%parallel_loop3A_664, %parallel_loop3A_665] {strides = array<i32>} : memref<256x16xf32, #tpu.memory_space<vmem>>, vector<1x16xf32>,
        %parallel_loop3A_667 = vector.shape_cast %parallel_loop3A_666 : vector<1x16xf32> to vector<16xf32>
        %parallel_loop3A_668 = arith.addf %parallel_loop3A_663, %parallel_loop3A_667 : vector<16xf32>
        %parallel_loop3A_669 = arith.constant 0.000000e+00 : f32
        %parallel_loop3A_670 = vector.broadcast %parallel_loop3A_669 : f32 to vector<16xf32>
        %parallel_loop3A_671 = arith.cmpf ogt, %parallel_loop3A_668, %parallel_loop3A_670 : vector<16xf32>
        %parallel_loop3A_672 = arith.constant 2.000000e-01 : f32
        %parallel_loop3A_673 = vector.broadcast %parallel_loop3A_672 : f32 to vector<16xf32>
        %parallel_loop3A_674 = arith.mulf %parallel_loop3A_668, %parallel_loop3A_673 : vector<16xf32>
        %parallel_loop3A_675 = arith.select %parallel_loop3A_671, %parallel_loop3A_668, %parallel_loop3A_674 : vector<16xi1>, vector<16xf32>
        %parallel_loop3A_676 = arith.subf %parallel_loop3A_675, %get3A_3 : vector<16xf32>
        %parallel_loop3A_677 = math.exp %parallel_loop3A_676 : vector<16xf32>
        %parallel_loop3A_678 = arith.mulf %parallel_loop3A_659, %parallel_loop3A_677 : vector<16xf32>
        %parallel_loop3A_679 = arith.index_cast %parallel_loop3A_655 : i32 to index
        %parallel_loop3A_680 = arith.constant 0 : index
        %parallel_loop3A_681 = tpu.vector_load %arg15[%parallel_loop3A_679, %parallel_loop3A_680] {strides = array<i32>} : memref<256x16xf32, #tpu.memory_space<vmem>>, vector<1x16xf32>,
        %parallel_loop3A_682 = vector.shape_cast %parallel_loop3A_681 : vector<1x16xf32> to vector<16xf32>
        %parallel_loop3A_683 = vector.shape_cast %parallel_loop3A_678 : vector<16xf32> to vector<1x16xf32>
        tpu.vector_store %arg15[%parallel_loop3A_679, %parallel_loop3A_680], %parallel_loop3A_683 {strides = array<i32>} : memref<256x16xf32, #tpu.memory_space<vmem>>, vector<1x16xf32>,
      } {sc.loop_unroll_factor = 8 : i64, sc.parallel_access}
      %mul3A_509 = arith.constant 2 : i32
      %mul3A_510 = arith.muli %mul3A_509, %mul3A_422 : i32
      %add3A_511 = arith.constant 0 : i32
      %add3A_512 = arith.addi %mul3A_510, %add3A_511 : i32
      %dma_start3A_513 = arith.constant 0 : i32
      %dma_start3A_514 = arith.constant 0 : i32
      %dma_start3A_515 = tpu.memref_slice %arg15[%dma_start3A_513, %dma_start3A_514] : memref<256x16xf32, #tpu.memory_space<vmem>> -> memref<128x16xf32, #tpu.memory_space<vmem>>
      %dma_start3A_516 = arith.constant 0 : i32
      %dma_start3A_517 = tpu.memref_slice %arg10[%add3A_512, %dma_start3A_516] : memref<82x128xi32, #tpu.memory_space<vmem>> -> memref<1x128xi32, #tpu.memory_space<vmem>>
      %dma_start3A_518 = tpu.memref_squeeze %dma_start3A_517 : memref<1x128xi32, #tpu.memory_space<vmem>> -> memref<128xi32, #tpu.memory_space<vmem>>
      %dma_start3A_519 = arith.constant 0 : i32
      %dma_start3A_520 = arith.constant 0 : i32
      %dma_start3A_521 = tpu.memref_slice %arg18[%dma_start3A_519, %dma_start3A_520] : memref<10112x16xf32, #tpu.memory_space<vmem_shared>> -> memref<10112x16xf32, #tpu.memory_space<vmem_shared>>
      tpu.enqueue_indirect_dma source(%dma_start3A_515 : memref<128x16xf32, #tpu.memory_space<vmem>>) target(%dma_start3A_521 : memref<10112x16xf32, #tpu.memory_space<vmem_shared>>) offsets(%dma_start3A_518 : memref<128xi32, #tpu.memory_space<vmem>>) semaphore(%arg23 : memref<!tpu.dma_semaphore, #tpu.memory_space<semaphore_mem>>) {add = true}
      %mul3A_522 = arith.constant 2 : i32
      %mul3A_523 = arith.muli %mul3A_522, %mul3A_422 : i32
      %add3A_524 = arith.constant 1 : i32
      %add3A_525 = arith.addi %mul3A_523, %add3A_524 : i32
      %dma_start3A_526 = arith.constant 128 : i32
      %dma_start3A_527 = arith.constant 0 : i32
      %dma_start3A_528 = tpu.memref_slice %arg15[%dma_start3A_526, %dma_start3A_527] : memref<256x16xf32, #tpu.memory_space<vmem>> -> memref<128x16xf32, #tpu.memory_space<vmem>>
      %dma_start3A_529 = arith.constant 0 : i32
      %dma_start3A_530 = tpu.memref_slice %arg10[%add3A_525, %dma_start3A_529] : memref<82x128xi32, #tpu.memory_space<vmem>> -> memref<1x128xi32, #tpu.memory_space<vmem>>
      %dma_start3A_531 = tpu.memref_squeeze %dma_start3A_530 : memref<1x128xi32, #tpu.memory_space<vmem>> -> memref<128xi32, #tpu.memory_space<vmem>>
      %dma_start3A_532 = arith.constant 0 : i32
      %dma_start3A_533 = arith.constant 0 : i32
      %dma_start3A_534 = tpu.memref_slice %arg18[%dma_start3A_532, %dma_start3A_533] : memref<10112x16xf32, #tpu.memory_space<vmem_shared>> -> memref<10112x16xf32, #tpu.memory_space<vmem_shared>>
      tpu.enqueue_indirect_dma source(%dma_start3A_528 : memref<128x16xf32, #tpu.memory_space<vmem>>) target(%dma_start3A_534 : memref<10112x16xf32, #tpu.memory_space<vmem_shared>>) offsets(%dma_start3A_531 : memref<128xi32, #tpu.memory_space<vmem>>) semaphore(%arg23 : memref<!tpu.dma_semaphore, #tpu.memory_space<semaphore_mem>>) {add = true}
      %add3A_535 = arith.constant 2 : i32
      %add3A_536 = arith.addi %mul3A_422, %add3A_535 : i32
      %lt3A = arith.constant 41 : i32
      %lt3A_537 = arith.cmpi slt, %add3A_536, %lt3A : i32
      %convert_element_type3A = arith.extui %lt3A_537 : i1 to i32
      %cond3A = arith.constant 0 : i32
      %cond3A_538 = arith.cmpi ne, %convert_element_type3A, %cond3A : i32
      scf.if %cond3A_538 {
        %add3A_655 = arith.constant 2 : i32
        %add3A_656 = arith.addi %mul3A_422, %add3A_655 : i32
        %mul3A_657 = arith.constant 2 : i32
        %mul3A_658 = arith.muli %mul3A_657, %add3A_656 : i32
        %add3A_659 = arith.constant 0 : i32
        %add3A_660 = arith.addi %mul3A_658, %add3A_659 : i32
        %dma_start3A_661 = arith.constant 0 : i32
        %dma_start3A_662 = arith.constant 0 : i32
        %dma_start3A_663 = tpu.memref_slice %arg11[%dma_start3A_661, %dma_start3A_662] : memref<256x32xf32, #tpu.memory_space<vmem>> -> memref<128x32xf32, #tpu.memory_space<vmem>>
        %dma_start3A_664 = arith.constant 0 : i32
        %dma_start3A_665 = tpu.memref_slice %arg9[%add3A_660, %dma_start3A_664] : memref<82x128xi32, #tpu.memory_space<vmem>> -> memref<1x128xi32, #tpu.memory_space<vmem>>
        %dma_start3A_666 = tpu.memref_squeeze %dma_start3A_665 : memref<1x128xi32, #tpu.memory_space<vmem>> -> memref<128xi32, #tpu.memory_space<vmem>>
        %dma_start3A_667 = arith.constant 0 : i32
        %dma_start3A_668 = arith.constant 0 : i32
        %dma_start3A_669 = tpu.memref_slice %arg4[%dma_start3A_667, %dma_start3A_668] : memref<10112x32xf32, #tpu.memory_space<hbm>> -> memref<10112x32xf32, #tpu.memory_space<hbm>>
        tpu.enqueue_indirect_dma source(%dma_start3A_669 : memref<10112x32xf32, #tpu.memory_space<hbm>>) target(%dma_start3A_663 : memref<128x32xf32, #tpu.memory_space<vmem>>) offsets(%dma_start3A_666 : memref<128xi32, #tpu.memory_space<vmem>>) semaphore(%arg19 : memref<!tpu.dma_semaphore, #tpu.memory_space<semaphore_mem>>)
        %mul3A_670 = arith.constant 2 : i32
        %mul3A_671 = arith.muli %mul3A_670, %add3A_656 : i32
        %add3A_672 = arith.constant 0 : i32
        %add3A_673 = arith.addi %mul3A_671, %add3A_672 : i32
        %dma_start3A_674 = arith.constant 0 : i32
        %dma_start3A_675 = arith.constant 0 : i32
        %dma_start3A_676 = tpu.memref_slice %arg13[%dma_start3A_674, %dma_start3A_675] : memref<256x16xf32, #tpu.memory_space<vmem>> -> memref<128x16xf32, #tpu.memory_space<vmem>>
        %dma_start3A_677 = arith.constant 0 : i32
        %dma_start3A_678 = tpu.memref_slice %arg10[%add3A_673, %dma_start3A_677] : memref<82x128xi32, #tpu.memory_space<vmem>> -> memref<1x128xi32, #tpu.memory_space<vmem>>
        %dma_start3A_679 = tpu.memref_squeeze %dma_start3A_678 : memref<1x128xi32, #tpu.memory_space<vmem>> -> memref<128xi32, #tpu.memory_space<vmem>>
        %dma_start3A_680 = arith.constant 0 : i32
        %dma_start3A_681 = arith.constant 0 : i32
        %dma_start3A_682 = tpu.memref_slice %arg5[%dma_start3A_680, %dma_start3A_681] : memref<10112x16xf32, #tpu.memory_space<hbm>> -> memref<10112x16xf32, #tpu.memory_space<hbm>>
        tpu.enqueue_indirect_dma source(%dma_start3A_682 : memref<10112x16xf32, #tpu.memory_space<hbm>>) target(%dma_start3A_676 : memref<128x16xf32, #tpu.memory_space<vmem>>) offsets(%dma_start3A_679 : memref<128xi32, #tpu.memory_space<vmem>>) semaphore(%arg21 : memref<!tpu.dma_semaphore, #tpu.memory_space<semaphore_mem>>)
        %mul3A_683 = arith.constant 2 : i32
        %mul3A_684 = arith.muli %mul3A_683, %add3A_656 : i32
        %add3A_685 = arith.constant 1 : i32
        %add3A_686 = arith.addi %mul3A_684, %add3A_685 : i32
        %dma_start3A_687 = arith.constant 128 : i32
        %dma_start3A_688 = arith.constant 0 : i32
        %dma_start3A_689 = tpu.memref_slice %arg11[%dma_start3A_687, %dma_start3A_688] : memref<256x32xf32, #tpu.memory_space<vmem>> -> memref<128x32xf32, #tpu.memory_space<vmem>>
        %dma_start3A_690 = arith.constant 0 : i32
        %dma_start3A_691 = tpu.memref_slice %arg9[%add3A_686, %dma_start3A_690] : memref<82x128xi32, #tpu.memory_space<vmem>> -> memref<1x128xi32, #tpu.memory_space<vmem>>
        %dma_start3A_692 = tpu.memref_squeeze %dma_start3A_691 : memref<1x128xi32, #tpu.memory_space<vmem>> -> memref<128xi32, #tpu.memory_space<vmem>>
        %dma_start3A_693 = arith.constant 0 : i32
        %dma_start3A_694 = arith.constant 0 : i32
        %dma_start3A_695 = tpu.memref_slice %arg4[%dma_start3A_693, %dma_start3A_694] : memref<10112x32xf32, #tpu.memory_space<hbm>> -> memref<10112x32xf32, #tpu.memory_space<hbm>>
        tpu.enqueue_indirect_dma source(%dma_start3A_695 : memref<10112x32xf32, #tpu.memory_space<hbm>>) target(%dma_start3A_689 : memref<128x32xf32, #tpu.memory_space<vmem>>) offsets(%dma_start3A_692 : memref<128xi32, #tpu.memory_space<vmem>>) semaphore(%arg19 : memref<!tpu.dma_semaphore, #tpu.memory_space<semaphore_mem>>)
        %mul3A_696 = arith.constant 2 : i32
        %mul3A_697 = arith.muli %mul3A_696, %add3A_656 : i32
        %add3A_698 = arith.constant 1 : i32
        %add3A_699 = arith.addi %mul3A_697, %add3A_698 : i32
        %dma_start3A_700 = arith.constant 128 : i32
        %dma_start3A_701 = arith.constant 0 : i32
        %dma_start3A_702 = tpu.memref_slice %arg13[%dma_start3A_700, %dma_start3A_701] : memref<256x16xf32, #tpu.memory_space<vmem>> -> memref<128x16xf32, #tpu.memory_space<vmem>>
        %dma_start3A_703 = arith.constant 0 : i32
        %dma_start3A_704 = tpu.memref_slice %arg10[%add3A_699, %dma_start3A_703] : memref<82x128xi32, #tpu.memory_space<vmem>> -> memref<1x128xi32, #tpu.memory_space<vmem>>
        %dma_start3A_705 = tpu.memref_squeeze %dma_start3A_704 : memref<1x128xi32, #tpu.memory_space<vmem>> -> memref<128xi32, #tpu.memory_space<vmem>>
        %dma_start3A_706 = arith.constant 0 : i32
        %dma_start3A_707 = arith.constant 0 : i32
        %dma_start3A_708 = tpu.memref_slice %arg5[%dma_start3A_706, %dma_start3A_707] : memref<10112x16xf32, #tpu.memory_space<hbm>> -> memref<10112x16xf32, #tpu.memory_space<hbm>>
        tpu.enqueue_indirect_dma source(%dma_start3A_708 : memref<10112x16xf32, #tpu.memory_space<hbm>>) target(%dma_start3A_702 : memref<128x16xf32, #tpu.memory_space<vmem>>) offsets(%dma_start3A_705 : memref<128xi32, #tpu.memory_space<vmem>>) semaphore(%arg21 : memref<!tpu.dma_semaphore, #tpu.memory_space<semaphore_mem>>)
      } else {
      }
      %mul3A_539 = arith.constant 2 : i32
      %mul3A_540 = arith.muli %mul3A_539, %add3A_426 : i32
      %add3A_541 = arith.constant 0 : i32
      %add3A_542 = arith.addi %mul3A_540, %add3A_541 : i32
      %dma_wait3A_543 = arith.constant 0 : i32
      %dma_wait3A_544 = arith.constant 0 : i32
      %dma_wait3A_545 = tpu.memref_slice %arg12[%dma_wait3A_543, %dma_wait3A_544] : memref<256x32xf32, #tpu.memory_space<vmem>> -> memref<128x32xf32, #tpu.memory_space<vmem>>
      %dma_wait3A_546 = arith.constant 0 : i32
      %dma_wait3A_547 = tpu.memref_slice %arg9[%add3A_542, %dma_wait3A_546] : memref<82x128xi32, #tpu.memory_space<vmem>> -> memref<1x128xi32, #tpu.memory_space<vmem>>
      %dma_wait3A_548 = tpu.memref_squeeze %dma_wait3A_547 : memref<1x128xi32, #tpu.memory_space<vmem>> -> memref<128xi32, #tpu.memory_space<vmem>>
      %dma_wait3A_549 = arith.constant 0 : i32
      %dma_wait3A_550 = arith.constant 0 : i32
      %dma_wait3A_551 = tpu.memref_slice %arg4[%dma_wait3A_549, %dma_wait3A_550] : memref<10112x32xf32, #tpu.memory_space<hbm>> -> memref<10112x32xf32, #tpu.memory_space<hbm>>
      tpu.wait_indirect_dma semaphore(%arg20 : memref<!tpu.dma_semaphore, #tpu.memory_space<semaphore_mem>>) src(%dma_wait3A_551 : memref<10112x32xf32, #tpu.memory_space<hbm>>) dst(%dma_wait3A_545 : memref<128x32xf32, #tpu.memory_space<vmem>>)
      %mul3A_552 = arith.constant 2 : i32
      %mul3A_553 = arith.muli %mul3A_552, %add3A_426 : i32
      %add3A_554 = arith.constant 0 : i32
      %add3A_555 = arith.addi %mul3A_553, %add3A_554 : i32
      %dma_wait3A_556 = arith.constant 0 : i32
      %dma_wait3A_557 = arith.constant 0 : i32
      %dma_wait3A_558 = tpu.memref_slice %arg14[%dma_wait3A_556, %dma_wait3A_557] : memref<256x16xf32, #tpu.memory_space<vmem>> -> memref<128x16xf32, #tpu.memory_space<vmem>>
      %dma_wait3A_559 = arith.constant 0 : i32
      %dma_wait3A_560 = tpu.memref_slice %arg10[%add3A_555, %dma_wait3A_559] : memref<82x128xi32, #tpu.memory_space<vmem>> -> memref<1x128xi32, #tpu.memory_space<vmem>>
      %dma_wait3A_561 = tpu.memref_squeeze %dma_wait3A_560 : memref<1x128xi32, #tpu.memory_space<vmem>> -> memref<128xi32, #tpu.memory_space<vmem>>
      %dma_wait3A_562 = arith.constant 0 : i32
      %dma_wait3A_563 = arith.constant 0 : i32
      %dma_wait3A_564 = tpu.memref_slice %arg5[%dma_wait3A_562, %dma_wait3A_563] : memref<10112x16xf32, #tpu.memory_space<hbm>> -> memref<10112x16xf32, #tpu.memory_space<hbm>>
      tpu.wait_indirect_dma semaphore(%arg22 : memref<!tpu.dma_semaphore, #tpu.memory_space<semaphore_mem>>) src(%dma_wait3A_564 : memref<10112x16xf32, #tpu.memory_space<hbm>>) dst(%dma_wait3A_558 : memref<128x16xf32, #tpu.memory_space<vmem>>)
      %mul3A_565 = arith.constant 2 : i32
      %mul3A_566 = arith.muli %mul3A_565, %add3A_426 : i32
      %add3A_567 = arith.constant 1 : i32
      %add3A_568 = arith.addi %mul3A_566, %add3A_567 : i32
      %dma_wait3A_569 = arith.constant 128 : i32
      %dma_wait3A_570 = arith.constant 0 : i32
      %dma_wait3A_571 = tpu.memref_slice %arg12[%dma_wait3A_569, %dma_wait3A_570] : memref<256x32xf32, #tpu.memory_space<vmem>> -> memref<128x32xf32, #tpu.memory_space<vmem>>
      %dma_wait3A_572 = arith.constant 0 : i32
      %dma_wait3A_573 = tpu.memref_slice %arg9[%add3A_568, %dma_wait3A_572] : memref<82x128xi32, #tpu.memory_space<vmem>> -> memref<1x128xi32, #tpu.memory_space<vmem>>
      %dma_wait3A_574 = tpu.memref_squeeze %dma_wait3A_573 : memref<1x128xi32, #tpu.memory_space<vmem>> -> memref<128xi32, #tpu.memory_space<vmem>>
      %dma_wait3A_575 = arith.constant 0 : i32
      %dma_wait3A_576 = arith.constant 0 : i32
      %dma_wait3A_577 = tpu.memref_slice %arg4[%dma_wait3A_575, %dma_wait3A_576] : memref<10112x32xf32, #tpu.memory_space<hbm>> -> memref<10112x32xf32, #tpu.memory_space<hbm>>
      tpu.wait_indirect_dma semaphore(%arg20 : memref<!tpu.dma_semaphore, #tpu.memory_space<semaphore_mem>>) src(%dma_wait3A_577 : memref<10112x32xf32, #tpu.memory_space<hbm>>) dst(%dma_wait3A_571 : memref<128x32xf32, #tpu.memory_space<vmem>>)
      %mul3A_578 = arith.constant 2 : i32
      %mul3A_579 = arith.muli %mul3A_578, %add3A_426 : i32
      %add3A_580 = arith.constant 1 : i32
      %add3A_581 = arith.addi %mul3A_579, %add3A_580 : i32
      %dma_wait3A_582 = arith.constant 128 : i32
      %dma_wait3A_583 = arith.constant 0 : i32
      %dma_wait3A_584 = tpu.memref_slice %arg14[%dma_wait3A_582, %dma_wait3A_583] : memref<256x16xf32, #tpu.memory_space<vmem>> -> memref<128x16xf32, #tpu.memory_space<vmem>>
      %dma_wait3A_585 = arith.constant 0 : i32
      %dma_wait3A_586 = tpu.memref_slice %arg10[%add3A_581, %dma_wait3A_585] : memref<82x128xi32, #tpu.memory_space<vmem>> -> memref<1x128xi32, #tpu.memory_space<vmem>>
      %dma_wait3A_587 = tpu.memref_squeeze %dma_wait3A_586 : memref<1x128xi32, #tpu.memory_space<vmem>> -> memref<128xi32, #tpu.memory_space<vmem>>
      %dma_wait3A_588 = arith.constant 0 : i32
      %dma_wait3A_589 = arith.constant 0 : i32
      %dma_wait3A_590 = tpu.memref_slice %arg5[%dma_wait3A_588, %dma_wait3A_589] : memref<10112x16xf32, #tpu.memory_space<hbm>> -> memref<10112x16xf32, #tpu.memory_space<hbm>>
      tpu.wait_indirect_dma semaphore(%arg22 : memref<!tpu.dma_semaphore, #tpu.memory_space<semaphore_mem>>) src(%dma_wait3A_590 : memref<10112x16xf32, #tpu.memory_space<hbm>>) dst(%dma_wait3A_584 : memref<128x16xf32, #tpu.memory_space<vmem>>)
      %sub3A_591 = arith.constant 2 : i32
      %sub3A_592 = arith.subi %add3A_426, %sub3A_591 : i32
      %mul3A_593 = arith.constant 2 : i32
      %mul3A_594 = arith.muli %mul3A_593, %sub3A_592 : i32
      %add3A_595 = arith.constant 0 : i32
      %add3A_596 = arith.addi %mul3A_594, %add3A_595 : i32
      %dma_wait3A_597 = arith.constant 0 : i32
      %dma_wait3A_598 = arith.constant 0 : i32
      %dma_wait3A_599 = tpu.memref_slice %arg16[%dma_wait3A_597, %dma_wait3A_598] : memref<256x16xf32, #tpu.memory_space<vmem>> -> memref<128x16xf32, #tpu.memory_space<vmem>>
      %dma_wait3A_600 = arith.constant 0 : i32
      %dma_wait3A_601 = tpu.memref_slice %arg10[%add3A_596, %dma_wait3A_600] : memref<82x128xi32, #tpu.memory_space<vmem>> -> memref<1x128xi32, #tpu.memory_space<vmem>>
      %dma_wait3A_602 = tpu.memref_squeeze %dma_wait3A_601 : memref<1x128xi32, #tpu.memory_space<vmem>> -> memref<128xi32, #tpu.memory_space<vmem>>
      %dma_wait3A_603 = arith.constant 0 : i32
      %dma_wait3A_604 = arith.constant 0 : i32
      %dma_wait3A_605 = tpu.memref_slice %arg18[%dma_wait3A_603, %dma_wait3A_604] : memref<10112x16xf32, #tpu.memory_space<vmem_shared>> -> memref<10112x16xf32, #tpu.memory_space<vmem_shared>>
      tpu.wait_indirect_dma semaphore(%arg24 : memref<!tpu.dma_semaphore, #tpu.memory_space<semaphore_mem>>) src(%dma_wait3A_599 : memref<128x16xf32, #tpu.memory_space<vmem>>) dst(%dma_wait3A_605 : memref<10112x16xf32, #tpu.memory_space<vmem_shared>>)
      %mul3A_606 = arith.constant 2 : i32
      %mul3A_607 = arith.muli %mul3A_606, %sub3A_592 : i32
      %add3A_608 = arith.constant 1 : i32
      %add3A_609 = arith.addi %mul3A_607, %add3A_608 : i32
      %dma_wait3A_610 = arith.constant 128 : i32
      %dma_wait3A_611 = arith.constant 0 : i32
      %dma_wait3A_612 = tpu.memref_slice %arg16[%dma_wait3A_610, %dma_wait3A_611] : memref<256x16xf32, #tpu.memory_space<vmem>> -> memref<128x16xf32, #tpu.memory_space<vmem>>
      %dma_wait3A_613 = arith.constant 0 : i32
      %dma_wait3A_614 = tpu.memref_slice %arg10[%add3A_609, %dma_wait3A_613] : memref<82x128xi32, #tpu.memory_space<vmem>> -> memref<1x128xi32, #tpu.memory_space<vmem>>
      %dma_wait3A_615 = tpu.memref_squeeze %dma_wait3A_614 : memref<1x128xi32, #tpu.memory_space<vmem>> -> memref<128xi32, #tpu.memory_space<vmem>>
      %dma_wait3A_616 = arith.constant 0 : i32
      %dma_wait3A_617 = arith.constant 0 : i32
      %dma_wait3A_618 = tpu.memref_slice %arg18[%dma_wait3A_616, %dma_wait3A_617] : memref<10112x16xf32, #tpu.memory_space<vmem_shared>> -> memref<10112x16xf32, #tpu.memory_space<vmem_shared>>
      tpu.wait_indirect_dma semaphore(%arg24 : memref<!tpu.dma_semaphore, #tpu.memory_space<semaphore_mem>>) src(%dma_wait3A_612 : memref<128x16xf32, #tpu.memory_space<vmem>>) dst(%dma_wait3A_618 : memref<10112x16xf32, #tpu.memory_space<vmem_shared>>)
      %parallel_loop3A_619 = arith.constant 0 : i32
      %parallel_loop3A_620 = arith.constant 256 : i32
      %parallel_loop3A_621 = arith.constant 1 : i32
      scf.for %parallel_loop3A_655 = %parallel_loop3A_619 to %parallel_loop3A_620 step %parallel_loop3A_621  : i32 {
        %parallel_loop3A_656 = arith.index_cast %parallel_loop3A_655 : i32 to index
        %parallel_loop3A_657 = arith.constant 0 : index
        %parallel_loop3A_658 = tpu.vector_load %arg12[%parallel_loop3A_656, %parallel_loop3A_657] {strides = array<i32>} : memref<256x32xf32, #tpu.memory_space<vmem>>, vector<1x16xf32>,
        %parallel_loop3A_659 = vector.shape_cast %parallel_loop3A_658 : vector<1x16xf32> to vector<16xf32>
        %parallel_loop3A_660 = arith.index_cast %parallel_loop3A_655 : i32 to index
        %parallel_loop3A_661 = arith.constant 16 : index
        %parallel_loop3A_662 = tpu.vector_load %arg12[%parallel_loop3A_660, %parallel_loop3A_661] {strides = array<i32>} : memref<256x32xf32, #tpu.memory_space<vmem>>, vector<1x16xf32>,
        %parallel_loop3A_663 = vector.shape_cast %parallel_loop3A_662 : vector<1x16xf32> to vector<16xf32>
        %parallel_loop3A_664 = arith.index_cast %parallel_loop3A_655 : i32 to index
        %parallel_loop3A_665 = arith.constant 0 : index
        %parallel_loop3A_666 = tpu.vector_load %arg14[%parallel_loop3A_664, %parallel_loop3A_665] {strides = array<i32>} : memref<256x16xf32, #tpu.memory_space<vmem>>, vector<1x16xf32>,
        %parallel_loop3A_667 = vector.shape_cast %parallel_loop3A_666 : vector<1x16xf32> to vector<16xf32>
        %parallel_loop3A_668 = arith.addf %parallel_loop3A_663, %parallel_loop3A_667 : vector<16xf32>
        %parallel_loop3A_669 = arith.constant 0.000000e+00 : f32
        %parallel_loop3A_670 = vector.broadcast %parallel_loop3A_669 : f32 to vector<16xf32>
        %parallel_loop3A_671 = arith.cmpf ogt, %parallel_loop3A_668, %parallel_loop3A_670 : vector<16xf32>
        %parallel_loop3A_672 = arith.constant 2.000000e-01 : f32
        %parallel_loop3A_673 = vector.broadcast %parallel_loop3A_672 : f32 to vector<16xf32>
        %parallel_loop3A_674 = arith.mulf %parallel_loop3A_668, %parallel_loop3A_673 : vector<16xf32>
        %parallel_loop3A_675 = arith.select %parallel_loop3A_671, %parallel_loop3A_668, %parallel_loop3A_674 : vector<16xi1>, vector<16xf32>
        %parallel_loop3A_676 = arith.subf %parallel_loop3A_675, %get3A_3 : vector<16xf32>
        %parallel_loop3A_677 = math.exp %parallel_loop3A_676 : vector<16xf32>
        %parallel_loop3A_678 = arith.mulf %parallel_loop3A_659, %parallel_loop3A_677 : vector<16xf32>
        %parallel_loop3A_679 = arith.index_cast %parallel_loop3A_655 : i32 to index
        %parallel_loop3A_680 = arith.constant 0 : index
        %parallel_loop3A_681 = tpu.vector_load %arg16[%parallel_loop3A_679, %parallel_loop3A_680] {strides = array<i32>} : memref<256x16xf32, #tpu.memory_space<vmem>>, vector<1x16xf32>,
        %parallel_loop3A_682 = vector.shape_cast %parallel_loop3A_681 : vector<1x16xf32> to vector<16xf32>
        %parallel_loop3A_683 = vector.shape_cast %parallel_loop3A_678 : vector<16xf32> to vector<1x16xf32>
        tpu.vector_store %arg16[%parallel_loop3A_679, %parallel_loop3A_680], %parallel_loop3A_683 {strides = array<i32>} : memref<256x16xf32, #tpu.memory_space<vmem>>, vector<1x16xf32>,
      } {sc.loop_unroll_factor = 8 : i64, sc.parallel_access}
      %mul3A_622 = arith.constant 2 : i32
      %mul3A_623 = arith.muli %mul3A_622, %add3A_426 : i32
      %add3A_624 = arith.constant 0 : i32
      %add3A_625 = arith.addi %mul3A_623, %add3A_624 : i32
      %dma_start3A_626 = arith.constant 0 : i32
      %dma_start3A_627 = arith.constant 0 : i32
      %dma_start3A_628 = tpu.memref_slice %arg16[%dma_start3A_626, %dma_start3A_627] : memref<256x16xf32, #tpu.memory_space<vmem>> -> memref<128x16xf32, #tpu.memory_space<vmem>>
      %dma_start3A_629 = arith.constant 0 : i32
      %dma_start3A_630 = tpu.memref_slice %arg10[%add3A_625, %dma_start3A_629] : memref<82x128xi32, #tpu.memory_space<vmem>> -> memref<1x128xi32, #tpu.memory_space<vmem>>
      %dma_start3A_631 = tpu.memref_squeeze %dma_start3A_630 : memref<1x128xi32, #tpu.memory_space<vmem>> -> memref<128xi32, #tpu.memory_space<vmem>>
      %dma_start3A_632 = arith.constant 0 : i32
      %dma_start3A_633 = arith.constant 0 : i32
      %dma_start3A_634 = tpu.memref_slice %arg18[%dma_start3A_632, %dma_start3A_633] : memref<10112x16xf32, #tpu.memory_space<vmem_shared>> -> memref<10112x16xf32, #tpu.memory_space<vmem_shared>>
      tpu.enqueue_indirect_dma source(%dma_start3A_628 : memref<128x16xf32, #tpu.memory_space<vmem>>) target(%dma_start3A_634 : memref<10112x16xf32, #tpu.memory_space<vmem_shared>>) offsets(%dma_start3A_631 : memref<128xi32, #tpu.memory_space<vmem>>) semaphore(%arg24 : memref<!tpu.dma_semaphore, #tpu.memory_space<semaphore_mem>>) {add = true}
      %mul3A_635 = arith.constant 2 : i32
      %mul3A_636 = arith.muli %mul3A_635, %add3A_426 : i32
      %add3A_637 = arith.constant 1 : i32
      %add3A_638 = arith.addi %mul3A_636, %add3A_637 : i32
      %dma_start3A_639 = arith.constant 128 : i32
      %dma_start3A_640 = arith.constant 0 : i32
      %dma_start3A_641 = tpu.memref_slice %arg16[%dma_start3A_639, %dma_start3A_640] : memref<256x16xf32, #tpu.memory_space<vmem>> -> memref<128x16xf32, #tpu.memory_space<vmem>>
      %dma_start3A_642 = arith.constant 0 : i32
      %dma_start3A_643 = tpu.memref_slice %arg10[%add3A_638, %dma_start3A_642] : memref<82x128xi32, #tpu.memory_space<vmem>> -> memref<1x128xi32, #tpu.memory_space<vmem>>
      %dma_start3A_644 = tpu.memref_squeeze %dma_start3A_643 : memref<1x128xi32, #tpu.memory_space<vmem>> -> memref<128xi32, #tpu.memory_space<vmem>>
      %dma_start3A_645 = arith.constant 0 : i32
      %dma_start3A_646 = arith.constant 0 : i32
      %dma_start3A_647 = tpu.memref_slice %arg18[%dma_start3A_645, %dma_start3A_646] : memref<10112x16xf32, #tpu.memory_space<vmem_shared>> -> memref<10112x16xf32, #tpu.memory_space<vmem_shared>>
      tpu.enqueue_indirect_dma source(%dma_start3A_641 : memref<128x16xf32, #tpu.memory_space<vmem>>) target(%dma_start3A_647 : memref<10112x16xf32, #tpu.memory_space<vmem_shared>>) offsets(%dma_start3A_644 : memref<128xi32, #tpu.memory_space<vmem>>) semaphore(%arg24 : memref<!tpu.dma_semaphore, #tpu.memory_space<semaphore_mem>>) {add = true}
      %add3A_648 = arith.constant 2 : i32
      %add3A_649 = arith.addi %add3A_426, %add3A_648 : i32
      %lt3A_650 = arith.constant 41 : i32
      %lt3A_651 = arith.cmpi slt, %add3A_649, %lt3A_650 : i32
      %convert_element_type3A_652 = arith.extui %lt3A_651 : i1 to i32
      %cond3A_653 = arith.constant 0 : i32
      %cond3A_654 = arith.cmpi ne, %convert_element_type3A_652, %cond3A_653 : i32
      scf.if %cond3A_654 {
        %add3A_655 = arith.constant 2 : i32
        %add3A_656 = arith.addi %add3A_426, %add3A_655 : i32
        %mul3A_657 = arith.constant 2 : i32
        %mul3A_658 = arith.muli %mul3A_657, %add3A_656 : i32
        %add3A_659 = arith.constant 0 : i32
        %add3A_660 = arith.addi %mul3A_658, %add3A_659 : i32
        %dma_start3A_661 = arith.constant 0 : i32
        %dma_start3A_662 = arith.constant 0 : i32
        %dma_start3A_663 = tpu.memref_slice %arg12[%dma_start3A_661, %dma_start3A_662] : memref<256x32xf32, #tpu.memory_space<vmem>> -> memref<128x32xf32, #tpu.memory_space<vmem>>
        %dma_start3A_664 = arith.constant 0 : i32
        %dma_start3A_665 = tpu.memref_slice %arg9[%add3A_660, %dma_start3A_664] : memref<82x128xi32, #tpu.memory_space<vmem>> -> memref<1x128xi32, #tpu.memory_space<vmem>>
        %dma_start3A_666 = tpu.memref_squeeze %dma_start3A_665 : memref<1x128xi32, #tpu.memory_space<vmem>> -> memref<128xi32, #tpu.memory_space<vmem>>
        %dma_start3A_667 = arith.constant 0 : i32
        %dma_start3A_668 = arith.constant 0 : i32
        %dma_start3A_669 = tpu.memref_slice %arg4[%dma_start3A_667, %dma_start3A_668] : memref<10112x32xf32, #tpu.memory_space<hbm>> -> memref<10112x32xf32, #tpu.memory_space<hbm>>
        tpu.enqueue_indirect_dma source(%dma_start3A_669 : memref<10112x32xf32, #tpu.memory_space<hbm>>) target(%dma_start3A_663 : memref<128x32xf32, #tpu.memory_space<vmem>>) offsets(%dma_start3A_666 : memref<128xi32, #tpu.memory_space<vmem>>) semaphore(%arg20 : memref<!tpu.dma_semaphore, #tpu.memory_space<semaphore_mem>>)
        %mul3A_670 = arith.constant 2 : i32
        %mul3A_671 = arith.muli %mul3A_670, %add3A_656 : i32
        %add3A_672 = arith.constant 0 : i32
        %add3A_673 = arith.addi %mul3A_671, %add3A_672 : i32
        %dma_start3A_674 = arith.constant 0 : i32
        %dma_start3A_675 = arith.constant 0 : i32
        %dma_start3A_676 = tpu.memref_slice %arg14[%dma_start3A_674, %dma_start3A_675] : memref<256x16xf32, #tpu.memory_space<vmem>> -> memref<128x16xf32, #tpu.memory_space<vmem>>
        %dma_start3A_677 = arith.constant 0 : i32
        %dma_start3A_678 = tpu.memref_slice %arg10[%add3A_673, %dma_start3A_677] : memref<82x128xi32, #tpu.memory_space<vmem>> -> memref<1x128xi32, #tpu.memory_space<vmem>>
        %dma_start3A_679 = tpu.memref_squeeze %dma_start3A_678 : memref<1x128xi32, #tpu.memory_space<vmem>> -> memref<128xi32, #tpu.memory_space<vmem>>
        %dma_start3A_680 = arith.constant 0 : i32
        %dma_start3A_681 = arith.constant 0 : i32
        %dma_start3A_682 = tpu.memref_slice %arg5[%dma_start3A_680, %dma_start3A_681] : memref<10112x16xf32, #tpu.memory_space<hbm>> -> memref<10112x16xf32, #tpu.memory_space<hbm>>
        tpu.enqueue_indirect_dma source(%dma_start3A_682 : memref<10112x16xf32, #tpu.memory_space<hbm>>) target(%dma_start3A_676 : memref<128x16xf32, #tpu.memory_space<vmem>>) offsets(%dma_start3A_679 : memref<128xi32, #tpu.memory_space<vmem>>) semaphore(%arg22 : memref<!tpu.dma_semaphore, #tpu.memory_space<semaphore_mem>>)
        %mul3A_683 = arith.constant 2 : i32
        %mul3A_684 = arith.muli %mul3A_683, %add3A_656 : i32
        %add3A_685 = arith.constant 1 : i32
        %add3A_686 = arith.addi %mul3A_684, %add3A_685 : i32
        %dma_start3A_687 = arith.constant 128 : i32
        %dma_start3A_688 = arith.constant 0 : i32
        %dma_start3A_689 = tpu.memref_slice %arg12[%dma_start3A_687, %dma_start3A_688] : memref<256x32xf32, #tpu.memory_space<vmem>> -> memref<128x32xf32, #tpu.memory_space<vmem>>
        %dma_start3A_690 = arith.constant 0 : i32
        %dma_start3A_691 = tpu.memref_slice %arg9[%add3A_686, %dma_start3A_690] : memref<82x128xi32, #tpu.memory_space<vmem>> -> memref<1x128xi32, #tpu.memory_space<vmem>>
        %dma_start3A_692 = tpu.memref_squeeze %dma_start3A_691 : memref<1x128xi32, #tpu.memory_space<vmem>> -> memref<128xi32, #tpu.memory_space<vmem>>
        %dma_start3A_693 = arith.constant 0 : i32
        %dma_start3A_694 = arith.constant 0 : i32
        %dma_start3A_695 = tpu.memref_slice %arg4[%dma_start3A_693, %dma_start3A_694] : memref<10112x32xf32, #tpu.memory_space<hbm>> -> memref<10112x32xf32, #tpu.memory_space<hbm>>
        tpu.enqueue_indirect_dma source(%dma_start3A_695 : memref<10112x32xf32, #tpu.memory_space<hbm>>) target(%dma_start3A_689 : memref<128x32xf32, #tpu.memory_space<vmem>>) offsets(%dma_start3A_692 : memref<128xi32, #tpu.memory_space<vmem>>) semaphore(%arg20 : memref<!tpu.dma_semaphore, #tpu.memory_space<semaphore_mem>>)
        %mul3A_696 = arith.constant 2 : i32
        %mul3A_697 = arith.muli %mul3A_696, %add3A_656 : i32
        %add3A_698 = arith.constant 1 : i32
        %add3A_699 = arith.addi %mul3A_697, %add3A_698 : i32
        %dma_start3A_700 = arith.constant 128 : i32
        %dma_start3A_701 = arith.constant 0 : i32
        %dma_start3A_702 = tpu.memref_slice %arg14[%dma_start3A_700, %dma_start3A_701] : memref<256x16xf32, #tpu.memory_space<vmem>> -> memref<128x16xf32, #tpu.memory_space<vmem>>
        %dma_start3A_703 = arith.constant 0 : i32
        %dma_start3A_704 = tpu.memref_slice %arg10[%add3A_699, %dma_start3A_703] : memref<82x128xi32, #tpu.memory_space<vmem>> -> memref<1x128xi32, #tpu.memory_space<vmem>>
        %dma_start3A_705 = tpu.memref_squeeze %dma_start3A_704 : memref<1x128xi32, #tpu.memory_space<vmem>> -> memref<128xi32, #tpu.memory_space<vmem>>
        %dma_start3A_706 = arith.constant 0 : i32
        %dma_start3A_707 = arith.constant 0 : i32
        %dma_start3A_708 = tpu.memref_slice %arg5[%dma_start3A_706, %dma_start3A_707] : memref<10112x16xf32, #tpu.memory_space<hbm>> -> memref<10112x16xf32, #tpu.memory_space<hbm>>
        tpu.enqueue_indirect_dma source(%dma_start3A_708 : memref<10112x16xf32, #tpu.memory_space<hbm>>) target(%dma_start3A_702 : memref<128x16xf32, #tpu.memory_space<vmem>>) offsets(%dma_start3A_705 : memref<128xi32, #tpu.memory_space<vmem>>) semaphore(%arg22 : memref<!tpu.dma_semaphore, #tpu.memory_space<semaphore_mem>>)
      } else {
      }
    }
    %scan3A_291 = arith.constant 19 : i32
    %dma_wait3A_292 = arith.constant 80 : i32
    %dma_wait3A_293 = arith.constant 0 : i32
    %dma_wait3A_294 = arith.constant 0 : i32
    %dma_wait3A_295 = tpu.memref_slice %arg11[%dma_wait3A_293, %dma_wait3A_294] : memref<256x32xf32, #tpu.memory_space<vmem>> -> memref<128x32xf32, #tpu.memory_space<vmem>>
    %dma_wait3A_296 = arith.constant 0 : i32
    %dma_wait3A_297 = tpu.memref_slice %arg9[%dma_wait3A_292, %dma_wait3A_296] : memref<82x128xi32, #tpu.memory_space<vmem>> -> memref<1x128xi32, #tpu.memory_space<vmem>>
    %dma_wait3A_298 = tpu.memref_squeeze %dma_wait3A_297 : memref<1x128xi32, #tpu.memory_space<vmem>> -> memref<128xi32, #tpu.memory_space<vmem>>
    %dma_wait3A_299 = arith.constant 0 : i32
    %dma_wait3A_300 = arith.constant 0 : i32
    %dma_wait3A_301 = tpu.memref_slice %arg4[%dma_wait3A_299, %dma_wait3A_300] : memref<10112x32xf32, #tpu.memory_space<hbm>> -> memref<10112x32xf32, #tpu.memory_space<hbm>>
    tpu.wait_indirect_dma semaphore(%arg19 : memref<!tpu.dma_semaphore, #tpu.memory_space<semaphore_mem>>) src(%dma_wait3A_301 : memref<10112x32xf32, #tpu.memory_space<hbm>>) dst(%dma_wait3A_295 : memref<128x32xf32, #tpu.memory_space<vmem>>)
    %dma_wait3A_302 = arith.constant 80 : i32
    %dma_wait3A_303 = arith.constant 0 : i32
    %dma_wait3A_304 = arith.constant 0 : i32
    %dma_wait3A_305 = tpu.memref_slice %arg13[%dma_wait3A_303, %dma_wait3A_304] : memref<256x16xf32, #tpu.memory_space<vmem>> -> memref<128x16xf32, #tpu.memory_space<vmem>>
    %dma_wait3A_306 = arith.constant 0 : i32
    %dma_wait3A_307 = tpu.memref_slice %arg10[%dma_wait3A_302, %dma_wait3A_306] : memref<82x128xi32, #tpu.memory_space<vmem>> -> memref<1x128xi32, #tpu.memory_space<vmem>>
    %dma_wait3A_308 = tpu.memref_squeeze %dma_wait3A_307 : memref<1x128xi32, #tpu.memory_space<vmem>> -> memref<128xi32, #tpu.memory_space<vmem>>
    %dma_wait3A_309 = arith.constant 0 : i32
    %dma_wait3A_310 = arith.constant 0 : i32
    %dma_wait3A_311 = tpu.memref_slice %arg5[%dma_wait3A_309, %dma_wait3A_310] : memref<10112x16xf32, #tpu.memory_space<hbm>> -> memref<10112x16xf32, #tpu.memory_space<hbm>>
    tpu.wait_indirect_dma semaphore(%arg21 : memref<!tpu.dma_semaphore, #tpu.memory_space<semaphore_mem>>) src(%dma_wait3A_311 : memref<10112x16xf32, #tpu.memory_space<hbm>>) dst(%dma_wait3A_305 : memref<128x16xf32, #tpu.memory_space<vmem>>)
    %dma_wait3A_312 = arith.constant 81 : i32
    %dma_wait3A_313 = arith.constant 128 : i32
    %dma_wait3A_314 = arith.constant 0 : i32
    %dma_wait3A_315 = tpu.memref_slice %arg11[%dma_wait3A_313, %dma_wait3A_314] : memref<256x32xf32, #tpu.memory_space<vmem>> -> memref<128x32xf32, #tpu.memory_space<vmem>>
    %dma_wait3A_316 = arith.constant 0 : i32
    %dma_wait3A_317 = tpu.memref_slice %arg9[%dma_wait3A_312, %dma_wait3A_316] : memref<82x128xi32, #tpu.memory_space<vmem>> -> memref<1x128xi32, #tpu.memory_space<vmem>>
    %dma_wait3A_318 = tpu.memref_squeeze %dma_wait3A_317 : memref<1x128xi32, #tpu.memory_space<vmem>> -> memref<128xi32, #tpu.memory_space<vmem>>
    %dma_wait3A_319 = arith.constant 0 : i32
    %dma_wait3A_320 = arith.constant 0 : i32
    %dma_wait3A_321 = tpu.memref_slice %arg4[%dma_wait3A_319, %dma_wait3A_320] : memref<10112x32xf32, #tpu.memory_space<hbm>> -> memref<10112x32xf32, #tpu.memory_space<hbm>>
    tpu.wait_indirect_dma semaphore(%arg19 : memref<!tpu.dma_semaphore, #tpu.memory_space<semaphore_mem>>) src(%dma_wait3A_321 : memref<10112x32xf32, #tpu.memory_space<hbm>>) dst(%dma_wait3A_315 : memref<128x32xf32, #tpu.memory_space<vmem>>)
    %dma_wait3A_322 = arith.constant 81 : i32
    %dma_wait3A_323 = arith.constant 128 : i32
    %dma_wait3A_324 = arith.constant 0 : i32
    %dma_wait3A_325 = tpu.memref_slice %arg13[%dma_wait3A_323, %dma_wait3A_324] : memref<256x16xf32, #tpu.memory_space<vmem>> -> memref<128x16xf32, #tpu.memory_space<vmem>>
    %dma_wait3A_326 = arith.constant 0 : i32
    %dma_wait3A_327 = tpu.memref_slice %arg10[%dma_wait3A_322, %dma_wait3A_326] : memref<82x128xi32, #tpu.memory_space<vmem>> -> memref<1x128xi32, #tpu.memory_space<vmem>>
    %dma_wait3A_328 = tpu.memref_squeeze %dma_wait3A_327 : memref<1x128xi32, #tpu.memory_space<vmem>> -> memref<128xi32, #tpu.memory_space<vmem>>
    %dma_wait3A_329 = arith.constant 0 : i32
    %dma_wait3A_330 = arith.constant 0 : i32
    %dma_wait3A_331 = tpu.memref_slice %arg5[%dma_wait3A_329, %dma_wait3A_330] : memref<10112x16xf32, #tpu.memory_space<hbm>> -> memref<10112x16xf32, #tpu.memory_space<hbm>>
    tpu.wait_indirect_dma semaphore(%arg21 : memref<!tpu.dma_semaphore, #tpu.memory_space<semaphore_mem>>) src(%dma_wait3A_331 : memref<10112x16xf32, #tpu.memory_space<hbm>>) dst(%dma_wait3A_325 : memref<128x16xf32, #tpu.memory_space<vmem>>)
    %dma_wait3A_332 = arith.constant 76 : i32
    %dma_wait3A_333 = arith.constant 0 : i32
    %dma_wait3A_334 = arith.constant 0 : i32
    %dma_wait3A_335 = tpu.memref_slice %arg15[%dma_wait3A_333, %dma_wait3A_334] : memref<256x16xf32, #tpu.memory_space<vmem>> -> memref<128x16xf32, #tpu.memory_space<vmem>>
    %dma_wait3A_336 = arith.constant 0 : i32
    %dma_wait3A_337 = tpu.memref_slice %arg10[%dma_wait3A_332, %dma_wait3A_336] : memref<82x128xi32, #tpu.memory_space<vmem>> -> memref<1x128xi32, #tpu.memory_space<vmem>>
    %dma_wait3A_338 = tpu.memref_squeeze %dma_wait3A_337 : memref<1x128xi32, #tpu.memory_space<vmem>> -> memref<128xi32, #tpu.memory_space<vmem>>
    %dma_wait3A_339 = arith.constant 0 : i32
    %dma_wait3A_340 = arith.constant 0 : i32
    %dma_wait3A_341 = tpu.memref_slice %arg18[%dma_wait3A_339, %dma_wait3A_340] : memref<10112x16xf32, #tpu.memory_space<vmem_shared>> -> memref<10112x16xf32, #tpu.memory_space<vmem_shared>>
    tpu.wait_indirect_dma semaphore(%arg23 : memref<!tpu.dma_semaphore, #tpu.memory_space<semaphore_mem>>) src(%dma_wait3A_335 : memref<128x16xf32, #tpu.memory_space<vmem>>) dst(%dma_wait3A_341 : memref<10112x16xf32, #tpu.memory_space<vmem_shared>>)
    %dma_wait3A_342 = arith.constant 77 : i32
    %dma_wait3A_343 = arith.constant 128 : i32
    %dma_wait3A_344 = arith.constant 0 : i32
    %dma_wait3A_345 = tpu.memref_slice %arg15[%dma_wait3A_343, %dma_wait3A_344] : memref<256x16xf32, #tpu.memory_space<vmem>> -> memref<128x16xf32, #tpu.memory_space<vmem>>
    %dma_wait3A_346 = arith.constant 0 : i32
    %dma_wait3A_347 = tpu.memref_slice %arg10[%dma_wait3A_342, %dma_wait3A_346] : memref<82x128xi32, #tpu.memory_space<vmem>> -> memref<1x128xi32, #tpu.memory_space<vmem>>
    %dma_wait3A_348 = tpu.memref_squeeze %dma_wait3A_347 : memref<1x128xi32, #tpu.memory_space<vmem>> -> memref<128xi32, #tpu.memory_space<vmem>>
    %dma_wait3A_349 = arith.constant 0 : i32
    %dma_wait3A_350 = arith.constant 0 : i32
    %dma_wait3A_351 = tpu.memref_slice %arg18[%dma_wait3A_349, %dma_wait3A_350] : memref<10112x16xf32, #tpu.memory_space<vmem_shared>> -> memref<10112x16xf32, #tpu.memory_space<vmem_shared>>
    tpu.wait_indirect_dma semaphore(%arg23 : memref<!tpu.dma_semaphore, #tpu.memory_space<semaphore_mem>>) src(%dma_wait3A_345 : memref<128x16xf32, #tpu.memory_space<vmem>>) dst(%dma_wait3A_351 : memref<10112x16xf32, #tpu.memory_space<vmem_shared>>)
    %parallel_loop3A_352 = arith.constant 0 : i32
    %parallel_loop3A_353 = arith.constant 256 : i32
    %parallel_loop3A_354 = arith.constant 1 : i32
    scf.for %parallel_loop3A_420 = %parallel_loop3A_352 to %parallel_loop3A_353 step %parallel_loop3A_354  : i32 {
      %parallel_loop3A_421 = arith.index_cast %parallel_loop3A_420 : i32 to index
      %parallel_loop3A_422 = arith.constant 0 : index
      %parallel_loop3A_423 = tpu.vector_load %arg11[%parallel_loop3A_421, %parallel_loop3A_422] {strides = array<i32>} : memref<256x32xf32, #tpu.memory_space<vmem>>, vector<1x16xf32>,
      %parallel_loop3A_424 = vector.shape_cast %parallel_loop3A_423 : vector<1x16xf32> to vector<16xf32>
      %parallel_loop3A_425 = arith.index_cast %parallel_loop3A_420 : i32 to index
      %parallel_loop3A_426 = arith.constant 16 : index
      %parallel_loop3A_427 = tpu.vector_load %arg11[%parallel_loop3A_425, %parallel_loop3A_426] {strides = array<i32>} : memref<256x32xf32, #tpu.memory_space<vmem>>, vector<1x16xf32>,
      %parallel_loop3A_428 = vector.shape_cast %parallel_loop3A_427 : vector<1x16xf32> to vector<16xf32>
      %parallel_loop3A_429 = arith.index_cast %parallel_loop3A_420 : i32 to index
      %parallel_loop3A_430 = arith.constant 0 : index
      %parallel_loop3A_431 = tpu.vector_load %arg13[%parallel_loop3A_429, %parallel_loop3A_430] {strides = array<i32>} : memref<256x16xf32, #tpu.memory_space<vmem>>, vector<1x16xf32>,
      %parallel_loop3A_432 = vector.shape_cast %parallel_loop3A_431 : vector<1x16xf32> to vector<16xf32>
      %parallel_loop3A_433 = arith.addf %parallel_loop3A_428, %parallel_loop3A_432 : vector<16xf32>
      %parallel_loop3A_434 = arith.constant 0.000000e+00 : f32
      %parallel_loop3A_435 = vector.broadcast %parallel_loop3A_434 : f32 to vector<16xf32>
      %parallel_loop3A_436 = arith.cmpf ogt, %parallel_loop3A_433, %parallel_loop3A_435 : vector<16xf32>
      %parallel_loop3A_437 = arith.constant 2.000000e-01 : f32
      %parallel_loop3A_438 = vector.broadcast %parallel_loop3A_437 : f32 to vector<16xf32>
      %parallel_loop3A_439 = arith.mulf %parallel_loop3A_433, %parallel_loop3A_438 : vector<16xf32>
      %parallel_loop3A_440 = arith.select %parallel_loop3A_436, %parallel_loop3A_433, %parallel_loop3A_439 : vector<16xi1>, vector<16xf32>
      %parallel_loop3A_441 = arith.subf %parallel_loop3A_440, %get3A_3 : vector<16xf32>
      %parallel_loop3A_442 = math.exp %parallel_loop3A_441 : vector<16xf32>
      %parallel_loop3A_443 = arith.mulf %parallel_loop3A_424, %parallel_loop3A_442 : vector<16xf32>
      %parallel_loop3A_444 = arith.index_cast %parallel_loop3A_420 : i32 to index
      %parallel_loop3A_445 = arith.constant 0 : index
      %parallel_loop3A_446 = tpu.vector_load %arg15[%parallel_loop3A_444, %parallel_loop3A_445] {strides = array<i32>} : memref<256x16xf32, #tpu.memory_space<vmem>>, vector<1x16xf32>,
      %parallel_loop3A_447 = vector.shape_cast %parallel_loop3A_446 : vector<1x16xf32> to vector<16xf32>
      %parallel_loop3A_448 = vector.shape_cast %parallel_loop3A_443 : vector<16xf32> to vector<1x16xf32>
      tpu.vector_store %arg15[%parallel_loop3A_444, %parallel_loop3A_445], %parallel_loop3A_448 {strides = array<i32>} : memref<256x16xf32, #tpu.memory_space<vmem>>, vector<1x16xf32>,
    } {sc.loop_unroll_factor = 8 : i64, sc.parallel_access}
    %dma_start3A_355 = arith.constant 80 : i32
    %dma_start3A_356 = arith.constant 0 : i32
    %dma_start3A_357 = arith.constant 0 : i32
    %dma_start3A_358 = tpu.memref_slice %arg15[%dma_start3A_356, %dma_start3A_357] : memref<256x16xf32, #tpu.memory_space<vmem>> -> memref<128x16xf32, #tpu.memory_space<vmem>>
    %dma_start3A_359 = arith.constant 0 : i32
    %dma_start3A_360 = tpu.memref_slice %arg10[%dma_start3A_355, %dma_start3A_359] : memref<82x128xi32, #tpu.memory_space<vmem>> -> memref<1x128xi32, #tpu.memory_space<vmem>>
    %dma_start3A_361 = tpu.memref_squeeze %dma_start3A_360 : memref<1x128xi32, #tpu.memory_space<vmem>> -> memref<128xi32, #tpu.memory_space<vmem>>
    %dma_start3A_362 = arith.constant 0 : i32
    %dma_start3A_363 = arith.constant 0 : i32
    %dma_start3A_364 = tpu.memref_slice %arg18[%dma_start3A_362, %dma_start3A_363] : memref<10112x16xf32, #tpu.memory_space<vmem_shared>> -> memref<10112x16xf32, #tpu.memory_space<vmem_shared>>
    tpu.enqueue_indirect_dma source(%dma_start3A_358 : memref<128x16xf32, #tpu.memory_space<vmem>>) target(%dma_start3A_364 : memref<10112x16xf32, #tpu.memory_space<vmem_shared>>) offsets(%dma_start3A_361 : memref<128xi32, #tpu.memory_space<vmem>>) semaphore(%arg23 : memref<!tpu.dma_semaphore, #tpu.memory_space<semaphore_mem>>) {add = true}
    %dma_start3A_365 = arith.constant 81 : i32
    %dma_start3A_366 = arith.constant 128 : i32
    %dma_start3A_367 = arith.constant 0 : i32
    %dma_start3A_368 = tpu.memref_slice %arg15[%dma_start3A_366, %dma_start3A_367] : memref<256x16xf32, #tpu.memory_space<vmem>> -> memref<128x16xf32, #tpu.memory_space<vmem>>
    %dma_start3A_369 = arith.constant 0 : i32
    %dma_start3A_370 = tpu.memref_slice %arg10[%dma_start3A_365, %dma_start3A_369] : memref<82x128xi32, #tpu.memory_space<vmem>> -> memref<1x128xi32, #tpu.memory_space<vmem>>
    %dma_start3A_371 = tpu.memref_squeeze %dma_start3A_370 : memref<1x128xi32, #tpu.memory_space<vmem>> -> memref<128xi32, #tpu.memory_space<vmem>>
    %dma_start3A_372 = arith.constant 0 : i32
    %dma_start3A_373 = arith.constant 0 : i32
    %dma_start3A_374 = tpu.memref_slice %arg18[%dma_start3A_372, %dma_start3A_373] : memref<10112x16xf32, #tpu.memory_space<vmem_shared>> -> memref<10112x16xf32, #tpu.memory_space<vmem_shared>>
    tpu.enqueue_indirect_dma source(%dma_start3A_368 : memref<128x16xf32, #tpu.memory_space<vmem>>) target(%dma_start3A_374 : memref<10112x16xf32, #tpu.memory_space<vmem_shared>>) offsets(%dma_start3A_371 : memref<128xi32, #tpu.memory_space<vmem>>) semaphore(%arg23 : memref<!tpu.dma_semaphore, #tpu.memory_space<semaphore_mem>>) {add = true}
    %dma_wait3A_375 = arith.constant 78 : i32
    %dma_wait3A_376 = arith.constant 0 : i32
    %dma_wait3A_377 = arith.constant 0 : i32
    %dma_wait3A_378 = tpu.memref_slice %arg16[%dma_wait3A_376, %dma_wait3A_377] : memref<256x16xf32, #tpu.memory_space<vmem>> -> memref<128x16xf32, #tpu.memory_space<vmem>>
    %dma_wait3A_379 = arith.constant 0 : i32
    %dma_wait3A_380 = tpu.memref_slice %arg10[%dma_wait3A_375, %dma_wait3A_379] : memref<82x128xi32, #tpu.memory_space<vmem>> -> memref<1x128xi32, #tpu.memory_space<vmem>>
    %dma_wait3A_381 = tpu.memref_squeeze %dma_wait3A_380 : memref<1x128xi32, #tpu.memory_space<vmem>> -> memref<128xi32, #tpu.memory_space<vmem>>
    %dma_wait3A_382 = arith.constant 0 : i32
    %dma_wait3A_383 = arith.constant 0 : i32
    %dma_wait3A_384 = tpu.memref_slice %arg18[%dma_wait3A_382, %dma_wait3A_383] : memref<10112x16xf32, #tpu.memory_space<vmem_shared>> -> memref<10112x16xf32, #tpu.memory_space<vmem_shared>>
    tpu.wait_indirect_dma semaphore(%arg24 : memref<!tpu.dma_semaphore, #tpu.memory_space<semaphore_mem>>) src(%dma_wait3A_378 : memref<128x16xf32, #tpu.memory_space<vmem>>) dst(%dma_wait3A_384 : memref<10112x16xf32, #tpu.memory_space<vmem_shared>>)
    %dma_wait3A_385 = arith.constant 79 : i32
    %dma_wait3A_386 = arith.constant 128 : i32
    %dma_wait3A_387 = arith.constant 0 : i32
    %dma_wait3A_388 = tpu.memref_slice %arg16[%dma_wait3A_386, %dma_wait3A_387] : memref<256x16xf32, #tpu.memory_space<vmem>> -> memref<128x16xf32, #tpu.memory_space<vmem>>
    %dma_wait3A_389 = arith.constant 0 : i32
    %dma_wait3A_390 = tpu.memref_slice %arg10[%dma_wait3A_385, %dma_wait3A_389] : memref<82x128xi32, #tpu.memory_space<vmem>> -> memref<1x128xi32, #tpu.memory_space<vmem>>
    %dma_wait3A_391 = tpu.memref_squeeze %dma_wait3A_390 : memref<1x128xi32, #tpu.memory_space<vmem>> -> memref<128xi32, #tpu.memory_space<vmem>>
    %dma_wait3A_392 = arith.constant 0 : i32
    %dma_wait3A_393 = arith.constant 0 : i32
    %dma_wait3A_394 = tpu.memref_slice %arg18[%dma_wait3A_392, %dma_wait3A_393] : memref<10112x16xf32, #tpu.memory_space<vmem_shared>> -> memref<10112x16xf32, #tpu.memory_space<vmem_shared>>
    tpu.wait_indirect_dma semaphore(%arg24 : memref<!tpu.dma_semaphore, #tpu.memory_space<semaphore_mem>>) src(%dma_wait3A_388 : memref<128x16xf32, #tpu.memory_space<vmem>>) dst(%dma_wait3A_394 : memref<10112x16xf32, #tpu.memory_space<vmem_shared>>)
    %dma_wait3A_395 = arith.constant 80 : i32
    %dma_wait3A_396 = arith.constant 0 : i32
    %dma_wait3A_397 = arith.constant 0 : i32
    %dma_wait3A_398 = tpu.memref_slice %arg15[%dma_wait3A_396, %dma_wait3A_397] : memref<256x16xf32, #tpu.memory_space<vmem>> -> memref<128x16xf32, #tpu.memory_space<vmem>>
    %dma_wait3A_399 = arith.constant 0 : i32
    %dma_wait3A_400 = tpu.memref_slice %arg10[%dma_wait3A_395, %dma_wait3A_399] : memref<82x128xi32, #tpu.memory_space<vmem>> -> memref<1x128xi32, #tpu.memory_space<vmem>>
    %dma_wait3A_401 = tpu.memref_squeeze %dma_wait3A_400 : memref<1x128xi32, #tpu.memory_space<vmem>> -> memref<128xi32, #tpu.memory_space<vmem>>
    %dma_wait3A_402 = arith.constant 0 : i32
    %dma_wait3A_403 = arith.constant 0 : i32
    %dma_wait3A_404 = tpu.memref_slice %arg18[%dma_wait3A_402, %dma_wait3A_403] : memref<10112x16xf32, #tpu.memory_space<vmem_shared>> -> memref<10112x16xf32, #tpu.memory_space<vmem_shared>>
    tpu.wait_indirect_dma semaphore(%arg23 : memref<!tpu.dma_semaphore, #tpu.memory_space<semaphore_mem>>) src(%dma_wait3A_398 : memref<128x16xf32, #tpu.memory_space<vmem>>) dst(%dma_wait3A_404 : memref<10112x16xf32, #tpu.memory_space<vmem_shared>>)
    %dma_wait3A_405 = arith.constant 81 : i32
    %dma_wait3A_406 = arith.constant 128 : i32
    %dma_wait3A_407 = arith.constant 0 : i32
    %dma_wait3A_408 = tpu.memref_slice %arg15[%dma_wait3A_406, %dma_wait3A_407] : memref<256x16xf32, #tpu.memory_space<vmem>> -> memref<128x16xf32, #tpu.memory_space<vmem>>
    %dma_wait3A_409 = arith.constant 0 : i32
    %dma_wait3A_410 = tpu.memref_slice %arg10[%dma_wait3A_405, %dma_wait3A_409] : memref<82x128xi32, #tpu.memory_space<vmem>> -> memref<1x128xi32, #tpu.memory_space<vmem>>
    %dma_wait3A_411 = tpu.memref_squeeze %dma_wait3A_410 : memref<1x128xi32, #tpu.memory_space<vmem>> -> memref<128xi32, #tpu.memory_space<vmem>>
    %dma_wait3A_412 = arith.constant 0 : i32
    %dma_wait3A_413 = arith.constant 0 : i32
    %dma_wait3A_414 = tpu.memref_slice %arg18[%dma_wait3A_412, %dma_wait3A_413] : memref<10112x16xf32, #tpu.memory_space<vmem_shared>> -> memref<10112x16xf32, #tpu.memory_space<vmem_shared>>
    tpu.wait_indirect_dma semaphore(%arg23 : memref<!tpu.dma_semaphore, #tpu.memory_space<semaphore_mem>>) src(%dma_wait3A_408 : memref<128x16xf32, #tpu.memory_space<vmem>>) dst(%dma_wait3A_414 : memref<10112x16xf32, #tpu.memory_space<vmem_shared>>)
    %barrier3A_415 = arith.constant 0 : index
    tpu.barrier barrier_id(%barrier3A_415)
    %mul3A_416 = arith.constant 632 : i32
    %mul3A_417 = arith.muli %arg1, %mul3A_416 : i32
    %mul3A_418 = arith.constant 632 : i32
    %mul3A_419 = arith.muli %arg1, %mul3A_418 : i32
    "tpu.region"() ({
      %run_scoped3A = tpu.sem_alloc : memref<!tpu.dma_semaphore, #tpu.memory_space<semaphore_mem>>
      %dma_start3A_420 = arith.constant 0 : i32
      %dma_start3A_421 = tpu.memref_slice %arg8[%arg0, %mul3A_419, %dma_start3A_420] : memref<2x10112x16xf32, #tpu.memory_space<hbm>> -> memref<1x632x16xf32, #tpu.memory_space<hbm>>
      %dma_start3A_422 = tpu.memref_squeeze %dma_start3A_421 : memref<1x632x16xf32, #tpu.memory_space<hbm>> -> memref<632x16xf32, #tpu.memory_space<hbm>>
      %dma_start3A_423 = arith.constant 0 : i32
      %dma_start3A_424 = tpu.memref_slice %arg18[%mul3A_417, %dma_start3A_423] : memref<10112x16xf32, #tpu.memory_space<vmem_shared>> -> memref<632x16xf32, #tpu.memory_space<vmem_shared>>
      tpu.enqueue_dma source(%dma_start3A_424 : memref<632x16xf32, #tpu.memory_space<vmem_shared>>) target(%dma_start3A_422 : memref<632x16xf32, #tpu.memory_space<hbm>>) target_semaphore(%run_scoped3A : memref<!tpu.dma_semaphore, #tpu.memory_space<semaphore_mem>>)
      %dma_wait3A_425 = arith.constant 0 : i32
      %dma_wait3A_426 = tpu.memref_slice %arg8[%arg0, %mul3A_419, %dma_wait3A_425] : memref<2x10112x16xf32, #tpu.memory_space<hbm>> -> memref<1x632x16xf32, #tpu.memory_space<hbm>>
      %dma_wait3A_427 = tpu.memref_squeeze %dma_wait3A_426 : memref<1x632x16xf32, #tpu.memory_space<hbm>> -> memref<632x16xf32, #tpu.memory_space<hbm>>
      %dma_wait3A_428 = arith.constant 0 : i32
      %dma_wait3A_429 = tpu.memref_slice %arg18[%mul3A_417, %dma_wait3A_428] : memref<10112x16xf32, #tpu.memory_space<vmem_shared>> -> memref<632x16xf32, #tpu.memory_space<vmem_shared>>
      tpu.wait_dma2 semaphore(%run_scoped3A : memref<!tpu.dma_semaphore, #tpu.memory_space<semaphore_mem>>) src(%dma_wait3A_429 : memref<632x16xf32, #tpu.memory_space<vmem_shared>>) dst(%dma_wait3A_427 : memref<632x16xf32, #tpu.memory_space<hbm>>)
      tpu.yield
    }) : () -> ()
    return
  }
}

module attributes {stable_mosaic.version = 14 : i64} {
  func.func @_dense1_body(%arg0: i32, %arg1: memref<1264x128xf32, #tpu.memory_space<vmem>>, %arg2: memref<128x80xf32, #tpu.memory_space<vmem>>, %arg3: memref<128x16xf32, #tpu.memory_space<vmem>>, %arg4: memref<1264x64xbf16, #tpu.memory_space<vmem>>, %arg5: memref<1264x16xf32, #tpu.memory_space<vmem>>, %arg6: memref<1264x16xf32, #tpu.memory_space<vmem>>, %arg7: memref<1x1x16xf32, #tpu.memory_space<vmem>>, %arg8: memref<1x1x16xf32, #tpu.memory_space<vmem>>) attributes {dimension_semantics = [#tpu.dimension_semantics<arbitrary>], iteration_bounds = array<i64: 8>, scalar_prefetch = 0 : i64, scratch_operands = 0 : i64, tpu.core_type = #tpu.core_type<tc>, window_params = [{transform_indices = @transform_0, window_bounds = array<i64: 1264, 128>}, {pipeline_mode = #tpu.pipeline_mode<synchronous>, transform_indices = @transform_1, window_bounds = array<i64: 128, 80>}, {pipeline_mode = #tpu.pipeline_mode<synchronous>, transform_indices = @transform_2, window_bounds = array<i64: 128, 16>}, {transform_indices = @transform_3, window_bounds = array<i64: 1264, 64>}, {transform_indices = @transform_4, window_bounds = array<i64: 1264, 16>}, {transform_indices = @transform_5, window_bounds = array<i64: 1264, 16>}, {transform_indices = @transform_6, window_bounds = array<i64: 1, 1, 16>}, {transform_indices = @transform_7, window_bounds = array<i64: 1, 1, 16>}]} {
    %get3A = arith.constant 0 : index
    %get3A_0 = arith.constant 0 : index
    %get3A_1 = vector.load %arg1[%get3A, %get3A_0] : memref<1264x128xf32, #tpu.memory_space<vmem>>, vector<1264x128xf32>
    %get3A_2 = arith.constant 0 : index
    %get3A_3 = arith.constant 0 : index
    %get3A_4 = vector.load %arg2[%get3A_2, %get3A_3] : memref<128x80xf32, #tpu.memory_space<vmem>>, vector<128x80xf32>
    %dot_general3A = arith.constant dense<0.000000e+00> : vector<1264x80xf32>
    %dot_general3A_5 = tpu.matmul %get3A_1, %get3A_4, %dot_general3A {dimension_numbers = #tpu.dot_dimension_numbers<[1], [0], [0], [1], [0, 0, 1, 1], [], []>, transpose_lhs_hint = false} : vector<1264x128xf32>, vector<128x80xf32>, vector<1264x80xf32> -> vector<1264x80xf32>
    %get3A_6 = arith.constant 0 : index
    %get3A_7 = arith.constant 0 : index
    %get3A_8 = vector.load %arg1[%get3A_6, %get3A_7] : memref<1264x128xf32, #tpu.memory_space<vmem>>, vector<1264x128xf32>
    %get3A_9 = arith.constant 0 : index
    %get3A_10 = arith.constant 0 : index
    %get3A_11 = vector.load %arg3[%get3A_9, %get3A_10] : memref<128x16xf32, #tpu.memory_space<vmem>>, vector<128x16xf32>
    %dot_general3A_12 = arith.constant dense<0.000000e+00> : vector<1264x16xf32>
    %dot_general3A_13 = tpu.matmul %get3A_8, %get3A_11, %dot_general3A_12 {dimension_numbers = #tpu.dot_dimension_numbers<[1], [0], [0], [1], [0, 0, 1, 1], [], []>, transpose_lhs_hint = false} : vector<1264x128xf32>, vector<128x16xf32>, vector<1264x16xf32> -> vector<1264x16xf32>
    %slice3A = vector.extract_strided_slice %dot_general3A_5 {offsets = [0, 0], sizes = [1264, 64], strides = [1, 1]} : vector<1264x80xf32> to vector<1264x64xf32>
    %convert_element_type3A = arith.truncf %slice3A : vector<1264x64xf32> to vector<1264x64xbf16>
    %swap3A = arith.constant 0 : index
    %swap3A_14 = arith.constant 0 : index
    %swap3A_15 = vector.load %arg4[%swap3A, %swap3A_14] : memref<1264x64xbf16, #tpu.memory_space<vmem>>, vector<1264x64xbf16>
    tpu.vector_store %arg4[%swap3A, %swap3A_14], %convert_element_type3A {strides = array<i32>} : memref<1264x64xbf16, #tpu.memory_space<vmem>>, vector<1264x64xbf16>,
    %slice3A_16 = vector.extract_strided_slice %dot_general3A_5 {offsets = [0, 64], sizes = [1264, 16], strides = [1, 1]} : vector<1264x80xf32> to vector<1264x16xf32>
    %swap3A_17 = arith.constant 0 : index
    %swap3A_18 = arith.constant 0 : index
    %swap3A_19 = vector.load %arg5[%swap3A_17, %swap3A_18] : memref<1264x16xf32, #tpu.memory_space<vmem>>, vector<1264x16xf32>
    tpu.vector_store %arg5[%swap3A_17, %swap3A_18], %slice3A_16 {strides = array<i32>} : memref<1264x16xf32, #tpu.memory_space<vmem>>, vector<1264x16xf32>,
    %swap3A_20 = arith.constant 0 : index
    %swap3A_21 = arith.constant 0 : index
    %swap3A_22 = vector.load %arg6[%swap3A_20, %swap3A_21] : memref<1264x16xf32, #tpu.memory_space<vmem>>, vector<1264x16xf32>
    tpu.vector_store %arg6[%swap3A_20, %swap3A_21], %dot_general3A_13 {strides = array<i32>} : memref<1264x16xf32, #tpu.memory_space<vmem>>, vector<1264x16xf32>,
    %slice3A_23 = vector.extract_strided_slice %dot_general3A_5 {offsets = [0, 64], sizes = [1264, 16], strides = [1, 1]} : vector<1264x80xf32> to vector<1264x16xf32>
    %reduce_max3A = arith.constant dense<0xFF800000> : vector<16xf32>
    %reduce_max3A_24 = vector.multi_reduction <maximumf>, %slice3A_23, %reduce_max3A [0] : vector<1264x16xf32> to vector<16xf32>
    %broadcast_in_dim3A = vector.shape_cast %reduce_max3A_24 : vector<16xf32> to vector<1x16xf32>
    %swap3A_25 = arith.constant 0 : index
    %swap3A_26 = arith.constant 0 : index
    %swap3A_27 = arith.constant 0 : index
    %swap3A_28 = vector.load %arg7[%swap3A_25, %swap3A_26, %swap3A_27] : memref<1x1x16xf32, #tpu.memory_space<vmem>>, vector<1x1x16xf32>
    %swap3A_29 = vector.shape_cast %swap3A_28 : vector<1x1x16xf32> to vector<1x16xf32>
    %swap3A_30 = vector.shape_cast %broadcast_in_dim3A : vector<1x16xf32> to vector<1x1x16xf32>
    tpu.vector_store %arg7[%swap3A_25, %swap3A_26, %swap3A_27], %swap3A_30 {strides = array<i32>} : memref<1x1x16xf32, #tpu.memory_space<vmem>>, vector<1x1x16xf32>,
    %reduce_max3A_31 = arith.constant dense<0xFF800000> : vector<16xf32>
    %reduce_max3A_32 = vector.multi_reduction <maximumf>, %dot_general3A_13, %reduce_max3A_31 [0] : vector<1264x16xf32> to vector<16xf32>
    %broadcast_in_dim3A_33 = vector.shape_cast %reduce_max3A_32 : vector<16xf32> to vector<1x16xf32>
    %swap3A_34 = arith.constant 0 : index
    %swap3A_35 = arith.constant 0 : index
    %swap3A_36 = arith.constant 0 : index
    %swap3A_37 = vector.load %arg8[%swap3A_34, %swap3A_35, %swap3A_36] : memref<1x1x16xf32, #tpu.memory_space<vmem>>, vector<1x1x16xf32>
    %swap3A_38 = vector.shape_cast %swap3A_37 : vector<1x1x16xf32> to vector<1x16xf32>
    %swap3A_39 = vector.shape_cast %broadcast_in_dim3A_33 : vector<1x16xf32> to vector<1x1x16xf32>
    tpu.vector_store %arg8[%swap3A_34, %swap3A_35, %swap3A_36], %swap3A_39 {strides = array<i32>} : memref<1x1x16xf32, #tpu.memory_space<vmem>>, vector<1x1x16xf32>,
    return
  }
  func.func @transform_0(%arg0: i32) -> (i32, i32) {
    %c0_i32 = arith.constant 0 : i32
    %c0_i32_0 = arith.constant 0 : i32
    return %arg0, %c0_i32 : i32, i32
  }
  func.func @transform_1(%arg0: i32) -> (i32, i32) {
    %c0_i32 = arith.constant 0 : i32
    %c0_i32_0 = arith.constant 0 : i32
    %c0_i32_1 = arith.constant 0 : i32
    return %c0_i32, %c0_i32_0 : i32, i32
  }
  func.func @transform_2(%arg0: i32) -> (i32, i32) {
    %c0_i32 = arith.constant 0 : i32
    %c0_i32_0 = arith.constant 0 : i32
    %c0_i32_1 = arith.constant 0 : i32
    return %c0_i32, %c0_i32_0 : i32, i32
  }
  func.func @transform_3(%arg0: i32) -> (i32, i32) {
    %c0_i32 = arith.constant 0 : i32
    %c0_i32_0 = arith.constant 0 : i32
    return %arg0, %c0_i32 : i32, i32
  }
  func.func @transform_4(%arg0: i32) -> (i32, i32) {
    %c0_i32 = arith.constant 0 : i32
    %c0_i32_0 = arith.constant 0 : i32
    return %arg0, %c0_i32 : i32, i32
  }
  func.func @transform_5(%arg0: i32) -> (i32, i32) {
    %c0_i32 = arith.constant 0 : i32
    %c0_i32_0 = arith.constant 0 : i32
    return %arg0, %c0_i32 : i32, i32
  }
  func.func @transform_6(%arg0: i32) -> (i32, i32, i32) {
    %c0_i32 = arith.constant 0 : i32
    %c0_i32_0 = arith.constant 0 : i32
    %c0_i32_1 = arith.constant 0 : i32
    return %arg0, %c0_i32, %c0_i32_0 : i32, i32, i32
  }
  func.func @transform_7(%arg0: i32) -> (i32, i32, i32) {
    %c0_i32 = arith.constant 0 : i32
    %c0_i32_0 = arith.constant 0 : i32
    %c0_i32_1 = arith.constant 0 : i32
    return %arg0, %c0_i32, %c0_i32_0 : i32, i32, i32
  }
}

module attributes {stable_mosaic.version = 14 : i64} {
  func.func @_dense2_body(%arg0: i32, %arg1: memref<2x632x80xf32, #tpu.memory_space<vmem>>, %arg2: memref<64xf32, #tpu.memory_space<vmem>>, %arg3: memref<16x64xf32, #tpu.memory_space<vmem>>, %arg4: memref<64x48xf32, #tpu.memory_space<vmem>>, %arg5: memref<632x32xf32, #tpu.memory_space<vmem>>, %arg6: memref<632x16xf32, #tpu.memory_space<vmem>>, %arg7: memref<1x1x16xf32, #tpu.memory_space<vmem>>, %arg8: memref<1x1x16xf32, #tpu.memory_space<vmem>>) attributes {dimension_semantics = [#tpu.dimension_semantics<arbitrary>], iteration_bounds = array<i64: 16>, scalar_prefetch = 0 : i64, scratch_operands = 0 : i64, tpu.core_type = #tpu.core_type<tc>, window_params = [{transform_indices = @transform_0, window_bounds = array<i64: 2, 632, 80>}, {pipeline_mode = #tpu.pipeline_mode<synchronous>, transform_indices = @transform_1, window_bounds = array<i64: 64>}, {pipeline_mode = #tpu.pipeline_mode<synchronous>, transform_indices = @transform_2, window_bounds = array<i64: 16, 64>}, {pipeline_mode = #tpu.pipeline_mode<synchronous>, transform_indices = @transform_3, window_bounds = array<i64: 64, 48>}, {transform_indices = @transform_4, window_bounds = array<i64: 632, 32>}, {transform_indices = @transform_5, window_bounds = array<i64: 632, 16>}, {transform_indices = @transform_6, window_bounds = array<i64: 1, 1, 16>}, {transform_indices = @transform_7, window_bounds = array<i64: 1, 1, 16>}]} {
    %get3A = arith.constant 0 : index
    %get3A_0 = arith.constant 0 : index
    %get3A_1 = arith.constant 0 : index
    %get3A_2 = vector.load %arg1[%get3A, %get3A_0, %get3A_1] : memref<2x632x80xf32, #tpu.memory_space<vmem>>, vector<1x632x80xf32>
    %get3A_3 = vector.shape_cast %get3A_2 : vector<1x632x80xf32> to vector<632x80xf32>
    %get3A_4 = arith.constant 1 : index
    %get3A_5 = arith.constant 0 : index
    %get3A_6 = arith.constant 0 : index
    %get3A_7 = vector.load %arg1[%get3A_4, %get3A_5, %get3A_6] : memref<2x632x80xf32, #tpu.memory_space<vmem>>, vector<1x632x80xf32>
    %get3A_8 = vector.shape_cast %get3A_7 : vector<1x632x80xf32> to vector<632x80xf32>
    %add3A = arith.addf %get3A_3, %get3A_8 : vector<632x80xf32>
    %slice3A = vector.extract_strided_slice %add3A {offsets = [0, 64], sizes = [632, 16], strides = [1, 1]} : vector<632x80xf32> to vector<632x16xf32>
    %get3A_9 = arith.constant 0 : index
    %get3A_10 = arith.constant 0 : index
    %get3A_11 = vector.load %arg3[%get3A_9, %get3A_10] : memref<16x64xf32, #tpu.memory_space<vmem>>, vector<16x64xf32>
    %dot_general3A = arith.constant dense<0.000000e+00> : vector<632x64xf32>
    %dot_general3A_12 = tpu.matmul %slice3A, %get3A_11, %dot_general3A {dimension_numbers = #tpu.dot_dimension_numbers<[1], [0], [0], [1], [0, 0, 1, 1], [], []>, transpose_lhs_hint = false} : vector<632x16xf32>, vector<16x64xf32>, vector<632x64xf32> -> vector<632x64xf32>
    %slice3A_13 = vector.extract_strided_slice %add3A {offsets = [0, 0], sizes = [632, 64], strides = [1, 1]} : vector<632x80xf32> to vector<632x64xf32>
    %add3A_14 = arith.constant 1.000000e-16 : f32
    %add3A_15 = vector.broadcast %add3A_14 : f32 to vector<632x64xf32>
    %add3A_16 = arith.addf %dot_general3A_12, %add3A_15 : vector<632x64xf32>
    %div3A = arith.divf %slice3A_13, %add3A_16 : vector<632x64xf32>
    %get3A_17 = arith.constant 0 : index
    %get3A_18 = vector.load %arg2[%get3A_17] : memref<64xf32, #tpu.memory_space<vmem>>, vector<64xf32>
    %broadcast_in_dim3A = vector.shape_cast %get3A_18 : vector<64xf32> to vector<1x64xf32>
    %add3A_19 = vector.broadcast %broadcast_in_dim3A : vector<1x64xf32> to vector<632x64xf32>
    %add3A_20 = arith.addf %div3A, %add3A_19 : vector<632x64xf32>
    %gt3A = arith.constant 0.000000e+00 : f32
    %gt3A_21 = vector.broadcast %gt3A : f32 to vector<632x64xf32>
    %gt3A_22 = arith.cmpf ogt, %add3A_20, %gt3A_21 : vector<632x64xf32>
    %exp3A = math.exp %add3A_20 : vector<632x64xf32>
    %sub3A = arith.constant 1.000000e+00 : f32
    %sub3A_23 = vector.broadcast %sub3A : f32 to vector<632x64xf32>
    %sub3A_24 = arith.subf %exp3A, %sub3A_23 : vector<632x64xf32>
    %select_n3A = arith.select %gt3A_22, %add3A_20, %sub3A_24 : vector<632x64xi1>, vector<632x64xf32>
    %get3A_25 = arith.constant 0 : index
    %get3A_26 = arith.constant 0 : index
    %get3A_27 = vector.load %arg4[%get3A_25, %get3A_26] : memref<64x48xf32, #tpu.memory_space<vmem>>, vector<64x48xf32>
    %dot_general3A_28 = arith.constant dense<0.000000e+00> : vector<632x48xf32>
    %dot_general3A_29 = tpu.matmul %select_n3A, %get3A_27, %dot_general3A_28 {dimension_numbers = #tpu.dot_dimension_numbers<[1], [0], [0], [1], [0, 0, 1, 1], [], []>, transpose_lhs_hint = false} : vector<632x64xf32>, vector<64x48xf32>, vector<632x48xf32> -> vector<632x48xf32>
    %iota3A = tpu.iota {dimensions = array<i32: 1>} : vector<632x32xi32>
    %slice3A_30 = vector.extract_strided_slice %dot_general3A_29 {offsets = [0, 0], sizes = [632, 32], strides = [1, 1]} : vector<632x48xf32> to vector<632x32xf32>
    %eq3A = arith.constant 7 : i32
    %eq3A_31 = vector.broadcast %eq3A : i32 to vector<632x32xi32>
    %eq3A_32 = arith.cmpi eq, %iota3A, %eq3A_31 : vector<632x32xi32>
    %jit3A = arith.constant 1.000000e+00 : f32
    %jit3A_33 = arith.constant 0.000000e+00 : f32
    %broadcast_in_dim3A_34 = vector.broadcast %jit3A : f32 to vector<632x32xf32>
    %broadcast_in_dim3A_35 = vector.broadcast %jit3A_33 : f32 to vector<632x32xf32>
    %select_n3A_36 = arith.select %eq3A_32, %broadcast_in_dim3A_34, %broadcast_in_dim3A_35 : vector<632x32xi1>, vector<632x32xf32>
    %add3A_37 = arith.addf %slice3A_30, %select_n3A_36 : vector<632x32xf32>
    %swap3A = arith.constant 0 : index
    %swap3A_38 = arith.constant 0 : index
    %swap3A_39 = vector.load %arg5[%swap3A, %swap3A_38] : memref<632x32xf32, #tpu.memory_space<vmem>>, vector<632x32xf32>
    tpu.vector_store %arg5[%swap3A, %swap3A_38], %add3A_37 {strides = array<i32>} : memref<632x32xf32, #tpu.memory_space<vmem>>, vector<632x32xf32>,
    %slice3A_40 = vector.extract_strided_slice %dot_general3A_29 {offsets = [0, 32], sizes = [632, 16], strides = [1, 1]} : vector<632x48xf32> to vector<632x16xf32>
    %swap3A_41 = arith.constant 0 : index
    %swap3A_42 = arith.constant 0 : index
    %swap3A_43 = vector.load %arg6[%swap3A_41, %swap3A_42] : memref<632x16xf32, #tpu.memory_space<vmem>>, vector<632x16xf32>
    tpu.vector_store %arg6[%swap3A_41, %swap3A_42], %slice3A_40 {strides = array<i32>} : memref<632x16xf32, #tpu.memory_space<vmem>>, vector<632x16xf32>,
    %slice3A_44 = vector.extract_strided_slice %dot_general3A_29 {offsets = [0, 16], sizes = [632, 16], strides = [1, 1]} : vector<632x48xf32> to vector<632x16xf32>
    %reduce_max3A = arith.constant dense<0xFF800000> : vector<16xf32>
    %reduce_max3A_45 = vector.multi_reduction <maximumf>, %slice3A_44, %reduce_max3A [0] : vector<632x16xf32> to vector<16xf32>
    %broadcast_in_dim3A_46 = vector.shape_cast %reduce_max3A_45 : vector<16xf32> to vector<1x16xf32>
    %swap3A_47 = arith.constant 0 : index
    %swap3A_48 = arith.constant 0 : index
    %swap3A_49 = arith.constant 0 : index
    %swap3A_50 = vector.load %arg7[%swap3A_47, %swap3A_48, %swap3A_49] : memref<1x1x16xf32, #tpu.memory_space<vmem>>, vector<1x1x16xf32>
    %swap3A_51 = vector.shape_cast %swap3A_50 : vector<1x1x16xf32> to vector<1x16xf32>
    %swap3A_52 = vector.shape_cast %broadcast_in_dim3A_46 : vector<1x16xf32> to vector<1x1x16xf32>
    tpu.vector_store %arg7[%swap3A_47, %swap3A_48, %swap3A_49], %swap3A_52 {strides = array<i32>} : memref<1x1x16xf32, #tpu.memory_space<vmem>>, vector<1x1x16xf32>,
    %slice3A_53 = vector.extract_strided_slice %dot_general3A_29 {offsets = [0, 32], sizes = [632, 16], strides = [1, 1]} : vector<632x48xf32> to vector<632x16xf32>
    %reduce_max3A_54 = arith.constant dense<0xFF800000> : vector<16xf32>
    %reduce_max3A_55 = vector.multi_reduction <maximumf>, %slice3A_53, %reduce_max3A_54 [0] : vector<632x16xf32> to vector<16xf32>
    %broadcast_in_dim3A_56 = vector.shape_cast %reduce_max3A_55 : vector<16xf32> to vector<1x16xf32>
    %swap3A_57 = arith.constant 0 : index
    %swap3A_58 = arith.constant 0 : index
    %swap3A_59 = arith.constant 0 : index
    %swap3A_60 = vector.load %arg8[%swap3A_57, %swap3A_58, %swap3A_59] : memref<1x1x16xf32, #tpu.memory_space<vmem>>, vector<1x1x16xf32>
    %swap3A_61 = vector.shape_cast %swap3A_60 : vector<1x1x16xf32> to vector<1x16xf32>
    %swap3A_62 = vector.shape_cast %broadcast_in_dim3A_56 : vector<1x16xf32> to vector<1x1x16xf32>
    tpu.vector_store %arg8[%swap3A_57, %swap3A_58, %swap3A_59], %swap3A_62 {strides = array<i32>} : memref<1x1x16xf32, #tpu.memory_space<vmem>>, vector<1x1x16xf32>,
    return
  }
  func.func @transform_0(%arg0: i32) -> (i32, i32, i32) {
    %c0_i32 = arith.constant 0 : i32
    %c0_i32_0 = arith.constant 0 : i32
    %c0_i32_1 = arith.constant 0 : i32
    return %c0_i32, %arg0, %c0_i32_0 : i32, i32, i32
  }
  func.func @transform_1(%arg0: i32) -> i32 {
    %c0_i32 = arith.constant 0 : i32
    %c0_i32_0 = arith.constant 0 : i32
    return %c0_i32 : i32
  }
  func.func @transform_2(%arg0: i32) -> (i32, i32) {
    %c0_i32 = arith.constant 0 : i32
    %c0_i32_0 = arith.constant 0 : i32
    %c0_i32_1 = arith.constant 0 : i32
    return %c0_i32, %c0_i32_0 : i32, i32
  }
  func.func @transform_3(%arg0: i32) -> (i32, i32) {
    %c0_i32 = arith.constant 0 : i32
    %c0_i32_0 = arith.constant 0 : i32
    %c0_i32_1 = arith.constant 0 : i32
    return %c0_i32, %c0_i32_0 : i32, i32
  }
  func.func @transform_4(%arg0: i32) -> (i32, i32) {
    %c0_i32 = arith.constant 0 : i32
    %c0_i32_0 = arith.constant 0 : i32
    return %arg0, %c0_i32 : i32, i32
  }
  func.func @transform_5(%arg0: i32) -> (i32, i32) {
    %c0_i32 = arith.constant 0 : i32
    %c0_i32_0 = arith.constant 0 : i32
    return %arg0, %c0_i32 : i32, i32
  }
  func.func @transform_6(%arg0: i32) -> (i32, i32, i32) {
    %c0_i32 = arith.constant 0 : i32
    %c0_i32_0 = arith.constant 0 : i32
    %c0_i32_1 = arith.constant 0 : i32
    return %arg0, %c0_i32, %c0_i32_0 : i32, i32, i32
  }
  func.func @transform_7(%arg0: i32) -> (i32, i32, i32) {
    %c0_i32 = arith.constant 0 : i32
    %c0_i32_0 = arith.constant 0 : i32
    %c0_i32_1 = arith.constant 0 : i32
    return %arg0, %c0_i32, %c0_i32_0 : i32, i32, i32
  }
}

module attributes {stable_mosaic.version = 14 : i64} {
  func.func @_final_body(%arg0: i32, %arg1: memref<2x632x16xf32, #tpu.memory_space<vmem>>, %arg2: memref<16xf32, #tpu.memory_space<vmem>>, %arg3: memref<632x16xf32, #tpu.memory_space<vmem>>) attributes {dimension_semantics = [#tpu.dimension_semantics<arbitrary>], iteration_bounds = array<i64: 16>, scalar_prefetch = 0 : i64, scratch_operands = 0 : i64, tpu.core_type = #tpu.core_type<tc>, window_params = [{transform_indices = @transform_0, window_bounds = array<i64: 2, 632, 16>}, {pipeline_mode = #tpu.pipeline_mode<synchronous>, transform_indices = @transform_1, window_bounds = array<i64: 16>}, {transform_indices = @transform_2, window_bounds = array<i64: 632, 16>}]} {
    %get3A = arith.constant 0 : index
    %get3A_0 = arith.constant 0 : index
    %get3A_1 = arith.constant 0 : index
    %get3A_2 = vector.load %arg1[%get3A, %get3A_0, %get3A_1] : memref<2x632x16xf32, #tpu.memory_space<vmem>>, vector<1x632x16xf32>
    %get3A_3 = vector.shape_cast %get3A_2 : vector<1x632x16xf32> to vector<632x16xf32>
    %get3A_4 = arith.constant 1 : index
    %get3A_5 = arith.constant 0 : index
    %get3A_6 = arith.constant 0 : index
    %get3A_7 = vector.load %arg1[%get3A_4, %get3A_5, %get3A_6] : memref<2x632x16xf32, #tpu.memory_space<vmem>>, vector<1x632x16xf32>
    %get3A_8 = vector.shape_cast %get3A_7 : vector<1x632x16xf32> to vector<632x16xf32>
    %add3A = arith.addf %get3A_3, %get3A_8 : vector<632x16xf32>
    %slice3A = vector.extract_strided_slice %add3A {offsets = [0, 7], sizes = [632, 1], strides = [1, 1]} : vector<632x16xf32> to vector<632x1xf32>
    %add3A_9 = arith.constant 1.000000e-16 : f32
    %add3A_10 = vector.broadcast %add3A_9 : f32 to vector<632x1xf32>
    %add3A_11 = arith.addf %slice3A, %add3A_10 : vector<632x1xf32>
    %div3A = vector.broadcast %add3A_11 : vector<632x1xf32> to vector<632x16xf32>
    %div3A_12 = arith.divf %add3A, %div3A : vector<632x16xf32>
    %get3A_13 = arith.constant 0 : index
    %get3A_14 = vector.load %arg2[%get3A_13] : memref<16xf32, #tpu.memory_space<vmem>>, vector<16xf32>
    %broadcast_in_dim3A = vector.shape_cast %get3A_14 : vector<16xf32> to vector<1x16xf32>
    %add3A_15 = vector.broadcast %broadcast_in_dim3A : vector<1x16xf32> to vector<632x16xf32>
    %add3A_16 = arith.addf %div3A_12, %add3A_15 : vector<632x16xf32>
    %swap3A = arith.constant 0 : index
    %swap3A_17 = arith.constant 0 : index
    %swap3A_18 = vector.load %arg3[%swap3A, %swap3A_17] : memref<632x16xf32, #tpu.memory_space<vmem>>, vector<632x16xf32>
    tpu.vector_store %arg3[%swap3A, %swap3A_17], %add3A_16 {strides = array<i32>} : memref<632x16xf32, #tpu.memory_space<vmem>>, vector<632x16xf32>,
    return
  }
  func.func @transform_0(%arg0: i32) -> (i32, i32, i32) {
    %c0_i32 = arith.constant 0 : i32
    %c0_i32_0 = arith.constant 0 : i32
    %c0_i32_1 = arith.constant 0 : i32
    return %c0_i32, %arg0, %c0_i32_0 : i32, i32, i32
  }
  func.func @transform_1(%arg0: i32) -> i32 {
    %c0_i32 = arith.constant 0 : i32
    %c0_i32_0 = arith.constant 0 : i32
    return %c0_i32 : i32
  }
  func.func @transform_2(%arg0: i32) -> (i32, i32) {
    %c0_i32 = arith.constant 0 : i32
    %c0_i32_0 = arith.constant 0 : i32
    return %arg0, %c0_i32 : i32, i32
  }
}

</mosaic_0001>

<sc_bundles>
// kernel: kernel.10.cloned.1.call-start
scs
__scs_entry_jumppad:
0x0: {  	(pc) =	sbr.rel $0x88, $3  }
0x1: {  	(tag) =	ssettag $0x0;
	lr =	simm.s32 $0x1  }
0x2: {  	[smem:$0x3F97] =	sst lr;
	_ =	strace $0xD0000000  }
0x3: {  	_ = 	snop  }
0x4: {  	_ = 	snop  }
0x5: {  	_ = 	snop  }
0x6: {  	_ = 	snop  }
0x7: {  	_ = 	snop  }
__scs_overlays_trampoline_lowered:
0x8: {  	[smem:$0x3FA6] =	sst s0  }
0x9: {  	[smem:$0x3FA7] =	sst s1  }
0xa: {  	[smem:$0x3FA8] =	sst s2  }
0xb: {  	[smem:$0x3FA9] =	sst s3  }
0xc: {  	[smem:$0x3FAA] =	sst s4  }
0xd: {  	[smem:$0x3FAB] =	sst s5  }
0xe: {  	[smem:$0x3FAC] =	sst s6  }
0xf: {  	[smem:$0x3FAD] =	sst s7  }
0x10: {  	[smem:$0x3FAE] =	sst s8  }
0x11: {  	[smem:$0x3FAF] =	sst s9;
	s0 =	simm.s32 @!p0 $0x0  }
0x12: {  	s1 =	sld [smem:$0x3F95];
	s0 =	simm.s32 @p0 $0x1  }
0x13: {  	[smem:$0x3FB0] =	sst s0;
	s0 =	simm.s32 @!p1 $0x0  }
0x14: {  	s2 =	sld [smem:$0x3F94];
	s0 =	simm.s32 @p1 $0x1  }
0x15: {  	[smem:$0x3FB1] =	sst s0;
	s0 =	simm.s32 @!p2 $0x0  }
0x16: {  	s3 =	sld [smem:$0x3FDB];
	s0 =	simm.s32 @p2 $0x1  }
0x17: {  	s4 =	simm.s32 $0x1BF5;
	[smem:$0x3FB3] =	sst s0  }
0x18: {  	s0 =	sld [smem:$0x3F96];
	_ =	swait.ge [sflag:s4], $0x0  }
0x19: {  	s7 =	sld [smem:$0x3F97]  }
0x1a: {  	s8 =	sadd.s32 $0xFFFFE003, lr  }
0x1b: {  	s9 =	sadd.s32 $0xFFFFFEF7, lr;
	s5 =	simm.s32 $0xFFFFFFFF;
	p2 =	slt.u32 s8, $0xFFFFF086  }
0x1c: {  	p1 =	slt.u32 s9, $0xF7A;
	s5 =	simm.s32 @!p2 $0x0  }
0x1d: {  	s5 =	simm.s32 @p1 $0x1;
	p0 =	seq.s32 s7, s2  }
0x1e: {  	s7 =	smul.u32 @!p0 $0xF7A, s2;
	p2 =	seq.s32 @!p0 s5, $0x0  }
0x1f: {  	s9 =	smul.u32 $0xF7A, s1;
	s8 =	simm.s32 @!p0 $0x1BF5;
	p2 =	por !p2, p0  }
0x20: {  	[sflag:s8] =	ssyncset.s32 @!p0 $0xFFFFF086;
	s6 =	sadd.s32 @!p0 s3, s7;
	s7 =	simm.s32 @!p0 $0x108  }
0x21: {  	s3 =	sadd.s32 s3, s9;
	s6 =	sadd.s32 @!p0 $0x88, s6;
	s7 =	simm.s32 @p2 $0x1082  }
0x22: {  	[simem:s7], [sflag:s8] =	dma.local @!p0 [hbm:s6], $0xF7A  }
0x23: {  	s9 =	sor.u32 $0xD0000000, s2;
	s6 =	simm.s32 $0x108;
	_ =	swait.ge @!p0 [sflag:s8], $0x0  }
0x24: {  	s3 =	sadd.s32 $0x88, s3;
	s6 =	simm.s32 @!p1 $0x1082;
	[sflag:s4] =	ssyncset.s32 $0xFFFFF086  }
0x25: {  	[simem:s6], [sflag:s4] =	dma.local [hbm:s3], $0xF7A  }
0x26: {  	[smem:$0x3F97] =	sst s1;
	(tag) =	ssettag s2;
	_ =	strace s9  }
0x27: {  	s1 =	sld [smem:$0x3FA7]  }
0x28: {  	s2 =	sld [smem:$0x3FA8]  }
0x29: {  	s4 =	sld [smem:$0x3FAA]  }
0x2a: {  	p0 =	seq.s32 s5, $0x0;
	s5 =	sld [smem:$0x3FAB]  }
0x2b: {  	s6 =	sld [smem:$0x3FAC]  }
0x2c: {  	s7 =	sld [smem:$0x3FAD]  }
0x2d: {  	s3 =	simm.s32 $0x108;
	s8 =	sld [smem:$0x3FAE]  }
0x2e: {  	s3 =	simm.s32 @!p0 $0x1082;
	s9 =	sld [smem:$0x3FAF]  }
0x2f: {  	lr =	sadd.s32 s0, s3;
	s0 =	sld [smem:$0x3FA6]  }
0x30: {  	s3 =	sld [smem:$0x3FA9]  }
0x31: {  	[smem:$0x3FB2] =	sst s10  }
0x32: {  	s10 =	sld [smem:$0x3FB0];
	_ =	sdelay $0x3  }
0x33: {  	p0 =	seq.s32 s10, $0x1;
	s10 =	sld [smem:$0x3FB2];
	_ =	sdelay $0x3  }
0x34: {  	[smem:$0x3FB2] =	sst s10  }
0x35: {  	s10 =	sld [smem:$0x3FB1];
	_ =	sdelay $0x3  }
0x36: {  	p1 =	seq.s32 s10, $0x1;
	s10 =	sld [smem:$0x3FB2];
	_ =	sdelay $0x3  }
0x37: {  	[smem:$0x3FB2] =	sst s10  }
0x38: {  	s10 =	sld [smem:$0x3FB3]  }
0x39: {  	_ = 	snop;
	(pc) =	sbr.ind lr, $3  }
0x3a: {  	_ = 	snop  }
0x3b: {  	_ = 	snop  }
0x3c: {  	p2 =	seq.s32 s10, $0x1;
	s10 =	sld [smem:$0x3FB2]  }
0x3d: {  	_ =	shalt  }
0x3e: {  	_ =	shalt  }
0x3f: {  	_ =	shalt  }
0x40: {  	_ =	shalt  }
0x41: {  	_ =	shalt  }
0x42: {  	_ =	shalt  }
0x43: {  	_ =	shalt  }
0x44: {  	_ =	shalt  }
0x45: {  	_ =	shalt  }
0x46: {  	_ =	shalt  }
0x47: {  	_ =	shalt  }
0x48: {  	_ =	shalt  }
0x49: {  	_ =	shalt  }
0x4a: {  	_ =	shalt  }
0x4b: {  	_ =	shalt  }
0x4c: {  	_ =	shalt  }
0x4d: {  	_ =	shalt  }
0x4e: {  	_ =	shalt  }
0x4f: {  	_ =	shalt  }
0x50: {  	_ =	shalt  }
0x51: {  	_ =	shalt  }
0x52: {  	_ =	shalt  }
0x53: {  	_ =	shalt  }
0x54: {  	_ =	shalt  }
0x55: {  	_ =	shalt  }
0x56: {  	_ =	shalt  }
0x57: {  	_ =	shalt  }
0x58: {  	_ =	shalt  }
0x59: {  	_ =	shalt  }
0x5a: {  	_ =	shalt  }
0x5b: {  	_ =	shalt  }
0x5c: {  	_ =	shalt  }
0x5d: {  	_ =	shalt  }
0x5e: {  	_ =	shalt  }
0x5f: {  	_ =	shalt  }
0x60: {  	_ =	shalt  }
0x61: {  	_ =	shalt  }
0x62: {  	_ =	shalt  }
0x63: {  	_ =	shalt  }
0x64: {  	_ =	shalt  }
0x65: {  	_ =	shalt  }
0x66: {  	_ =	shalt  }
0x67: {  	_ =	shalt  }
0x68: {  	_ =	shalt  }
0x69: {  	_ =	shalt  }
0x6a: {  	_ =	shalt  }
0x6b: {  	_ =	shalt  }
0x6c: {  	_ =	shalt  }
0x6d: {  	_ =	shalt  }
0x6e: {  	_ =	shalt  }
0x6f: {  	_ =	shalt  }
0x70: {  	_ =	shalt  }
0x71: {  	_ =	shalt  }
0x72: {  	_ =	shalt  }
0x73: {  	_ =	shalt  }
0x74: {  	_ =	shalt  }
0x75: {  	_ =	shalt  }
0x76: {  	_ =	shalt  }
0x77: {  	_ =	shalt  }
0x78: {  	_ =	shalt  }
0x79: {  	_ =	shalt  }
0x7a: {  	_ =	shalt  }
0x7b: {  	_ =	shalt  }
0x7c: {  	_ =	shalt  }
0x7d: {  	_ =	shalt  }
0x7e: {  	_ =	shalt  }
0x7f: {  	_ =	shalt  }
0x80: {  	_ =	shalt  }
0x81: {  	_ =	shalt  }
0x82: {  	_ =	shalt  }
0x83: {  	_ =	shalt  }
0x84: {  	_ =	shalt  }
0x85: {  	_ =	shalt  }
0x86: {  	_ =	shalt  }
0x87: {  	_ =	shalt  }
.Lfunc_end0:
.L_simem_size_0:
called_computation.1_lowered:
.L_overlay_start_0:
0x88: {  	s2 =	sld [smem:$0x3FD9]  }
0x89: {  	s3 =	sld [smem:$0x3FFE];
	_ =	sdelay $0x1  }
0x8a: {  	s1 =	srdreg.scid  }
0x8b: {  	s0 =	sand.u32 $0x1, s1  }
0x8c: {  	s17 =	sshll.u32 s0, $0xA;
	s2 =	sadd.s32 s3, s2  }
0x8d: {  	s2 =	sadd.s32 s2, s17  }
0x8e: {  	[smem:$0x3FBE] =	sst s2  }
0x8f: {  	_ = 	snop  }
0x90: {  	s2 =	sld [smem:$0x3FD0];
	(tm) =	ssettm $0x1  }
0x91: {  	s18 =	sld [smem:$0x3FFB];
	_ =	sdelay $0x3  }
0x92: {  	_ =	strace s18  }
0x93: {  	s3 =	sld [smem:$0x3FFC];
	_ =	sdelay $0x3  }
0x94: {  	_ =	strace s3  }
0x95: {  	s3 =	sld [smem:$0x3FFD];
	_ =	sdelay $0x3  }
0x96: {  	_ =	strace s3  }
0x97: {  	_ =	strace $0x8FFFFFFF  }
0x98: {  	s19 =	sld [smem:$0x3FDB];
	_ =	sdelay $0x1  }
0x99: {  	s4 =	simm.s32 $_scs_section_size  }
0x9a: {  	s5 =	simm.s32 $_size__tile_overlayer_lowered;
	s6 =	simm.s32 $_tile_overlayer_lowered  }
0x9b: {  	s22 =	simm.s32 $0x1BFF;
	s21 =	sshll.u32 s6, $0x1;
	s3 =	sadd.s32 s4, s19  }
0x9c: {  	s7 =	simm.s32 $0x0;
	s20 =	sshll.u32 s5, $0x1;
	s5 =	sadd.s32 s21, s3  }
0x9d: {  	[timem:s7], [sflag:s22] =	dma.local [hbm:s5], s20  }
0x9e: {  	_ =	swait.ge [sflag:s22], s20  }
0x9f: {  	s4 =	ssub.s32 $0x0, s20;
	[sflag:s22] =	ssyncset.done $0x0  }
0xa0: {  	[sflag:s22] =	ssyncadd.s32 s4;
	_ =	sdelay $0x1  }
0xa1: {  	s23 =	simm.s32 $0x1B8B  }
0xa2: {  	_ =	swait.ge [sflag:s23], $0x1  }
0xa3: {  	[sflag:s23] =	ssyncset.done $0x0  }
0xa4: {  	s25 =	simm.s32 $0x1B8E;
	s24 =	sld [smem:$0x3FFE];
	[sflag:s23] =	ssyncadd.s32 $0xFFFFFFFF  }
0xa5: {  	s26 =	simm.s32 $execute0_lowered;
	[smem:$0x3FD2] =	sst s25  }
0xa6: {  	s5 =	sshll.u32 s26, $0x1;
	_ =	strace $0x80000049;
	[dreg:$0x1] =	wrdreg $0xFFFFFFFF  }
0xa7: {  	s28 =	simm.s32 $_size_execute0_lowered;
	s3 =	sadd.s32 s3, s5;
	[dreg:$0x0] =	wrdreg $0x0  }
0xa8: {  	s5 =	sshll.u32 s28, $0x1;
	[dreg:$0x2] =	wrdreg s3  }
0xa9: {  	[dreg:$0x3] =	wrdreg s5  }
0xaa: {  	[dreg:$0x4] =	wrdreg $0xC0  }
0xab: {  	_ =	task [dreg:s7], $0x5FFFF  }
0xac: {  	[dreg:$0x1] =	wrdreg $0xFFFFFFFF  }
0xad: {  	[dreg:$0x0] =	wrdreg $0x60  }
0xae: {  	[dreg:$0x2] =	wrdreg s24  }
0xaf: {  	[dreg:$0x3] =	wrdreg s2  }
0xb0: {  	[dreg:$0x4] =	wrdreg $0xD2100  }
0xb1: {  	[dreg:$0x5] =	wrdreg $0x9  }
0xb2: {  	_ =	task.clear_ibuf [dreg:s7], $0x6FFFF;
	_ =	strace $0x90000049  }
0xb3: {  	s29 =	simm.s32 $0x9;
	_ =	strace $0x8000004B  }
0xb4: {  	_ =	swait.ge [sflag:s29], $0x1  }
0xb5: {  	[sflag:s29] =	ssyncadd.s32 $0xFFFFFFFF  }
0xb6: {  	_ =	strace $0x9000004B  }
0xb7: {  	_ =	sfence  }
0xb8: {  	s30 =	sld [smem:$0x0];
	_ =	sdelay $0x2  }
0xb9: {  	s31 =	sshll.u32 s1, $0xD;
	s1 =	sshrl.u32 s1, $0x2  }
0xba: {  	s3 =	sand.u32 $0x4000, s31;
	s1 =	sadd.s32 s1, s30  }
0xbb: {  	s0 =	sor.u32 s3, s0;
	s1 =	sshll.u32 s1, $0x11  }
0xbc: {  	s0 =	sor.u32 s1, s0  }
0xbd: {  	s0 =	sadd.s32 $0x8F2B, s0  }
0xbe: {  	[sflag:s0] =	ssyncadd.remote.s32 $0x1  }
0xbf: {  	_ =	sfence.sel $0xFFFF  }
0xc0: {  	[dreg:$0x0] =	wrdreg $0xFFFFFFFF;
	(pc) =	sbr.abs _section_cstart, $3  }
0xc1: {  	[dreg:$0x1] =	wrdreg $0xFFFFFFFF  }
0xc2: {  	_ =	task.clear_ibuf [dreg:s7], $0x2FFFF;
	_ =	strace $0x9FFFFFFF  }
0xc3: {  	(tm) =	ssettm $0x7FFFFFFF  }
tec
execute0_lowered:
.L_overlay_start_1:
0x0: {  	(tag) =	ssettag $0x1  }
0x1: {  	s0 =	srdreg.scid;
	s1 =	rddreg [dreg:$0x0]  }
0x2: {  	s8 =	stileid.u32;
	s4 =	rddreg [dreg:$0x2];
	s5 =	simm.s32 $0x0  }
0x3: {  	s14 =	simm.s32 $0x7;
	s13 =	simm.s32 $0x2900;
	s17 =	simm.s32 $0x80  }
0x4: {  	s18 =	simm.s32 $0x5200;
	s19 =	simm.s32 $0x9200;
	s20 =	simm.s32 $0x6200  }
0x5: {  	s29 =	simm.s32 $0x8200;
	s31 =	simm.s32 $0xAA00;
	s15 =	simm.s32 $0xBA00  }
0x6: {  	s28 =	simm.s32 $0x4;
	s21 =	simm.s32 $0xC200;
	s30 =	simm.s32 $0x5  }
0x7: {  	s10 =	simm.s32 $0x0;
	s0 =	sand.u32 $0x1, s0;
	s2 =	sshll.u32 s8, $0x1  }
0x8: {  	s3 =	smul.u32 $0x2780, s8;
	[smem:$0x7FF] =	sst s5;
	s6 =	sadd.s32 $0x9E00, s1  }
0x9: {  	s7 =	sadd.s32 $0xEE00, s1;
	s24 =	sshll.u32 s8, $0x6;
	s2 =	sor.u32 s0, s2  }
0xa: {  	s22 =	smul.u32 $0x27800, s0;
	_ =	strace $0x8000004A;
	s0 =	ssub.s32 $0x2, s0  }
0xb: {  	[dreg:$0x4] =	wrdreg s7;
	s8 =	sor.u32 $0x1C07, s24;
	s24 =	simm.s32 $0x7200  }
0xc: {  	s7 =	simm.s32 $0x6;
	s2 =	smul.u32 $0x520, s2;
	s23 =	sshrl.u32 s0, $0x1  }
0xd: {  	[dreg:$0x5] =	wrdreg s8;
	s5 =	sadd.s32 s3, s22;
	s0 =	ssub.s32 s0, s23  }
0xe: {  	s3 =	sadd.s32 s3, s4;
	s22 =	simm.s32 $0x9A00;
	s23 =	simm.s32 $0x2  }
0xf: {  	s2 =	sadd.s32 s2, s1;
	s5 =	sshrl.u32 s5, $0x3;
	s0 =	smax.u32 s0, $0x1  }
0x10: {  	s9 =	sshrl.u32 s3, $0x3;
	s3 =	simm.s32 $0xB200;
	[dreg:$0x9] =	wrdreg s0  }
0x11: {  	s5 =	sadd.s32 s5, s1;
	s25 =	sadd.s32 $0x1E200, s2;
	[dreg:$0xa] =	wrdreg s9  }
0x12: {  	s2 =	sadd.s32 $0x13E00, s2;
	s0 =	simm.s32 $0x3;
	[dreg:$0x6] =	wrdreg s25  }
0x13: {  	[dreg:$0x7] =	wrdreg s2;
	s26 =	sadd.s32 $0x28600, s5;
	s2 =	simm.s32 $0x1  }
0x14: {  	s25 =	simm.s32 $0xCA00;
	[dreg:$0x8] =	wrdreg s26;
	s26 =	simm.s32 $0xA200  }
.LBB2_1:
0x15: {  	[dreg:$0xb] =	wrdreg s10  }
0x16: {  	s5 =	rddreg [dreg:$0x1]  }
0x17: {  	[spmem:s9], [sflag:s8] =	dma.local [hbm:s5], $0x4F0  }
0x18: {  	_ =	swait.ge [sflag:s14], $0x4F0  }
0x19: {  	s16 =	simm.s32 $0xD200;
	[sflag:s14] =	ssyncset.done $0x0  }
0x1a: {  	s5 =	simm.s32 $0x0;
	s12 =	rddreg [dreg:$0x4];
	[sflag:s14] =	ssyncadd.s32 $0xFFFFFB10  }
0x1b: {  	[tilespmem:s16], [sflag:$0x7] =	stream.linear.gather [hbm4b:s12+s5], $0x10, $0x38;
	[tilespmem:$0xF990] =	vst v63  }
0x1c: {  	_ =	swait.ge [sflag:s14], $0x10  }
0x1d: {  	[sflag:s14] =	ssyncset.done $0x0  }
0x1e: {  	s10 =	rddreg [dreg:$0x6];
	[sflag:s14] =	ssyncadd.s32 $0xFFFFFFF0  }
0x1f: {  	[tilespmem:s5], [sflag:$0x7] =	stream.linear.gather [hbm4b:s10+s5], $0x2900, $0x38;
	[tilespmem:$0xF990] =	vst v63  }
0x20: {  	_ =	swait.ge [sflag:s14], $0x2900  }
0x21: {  	[sflag:s14] =	ssyncset.done $0x0  }
0x22: {  	s11 =	rddreg [dreg:$0x7];
	[sflag:s14] =	ssyncadd.s32 $0xFFFFD700  }
0x23: {  	[tilespmem:s13], [sflag:$0x7] =	stream.linear.gather [hbm4b:s11+s5], $0x2900, $0x38;
	[tilespmem:$0xF990] =	vst v63  }
0x24: {  	_ =	swait.ge [sflag:s14], $0x2900  }
0x25: {  	[sflag:s14] =	ssyncset.done $0x0  }
0x26: {  	[sflag:s14] =	ssyncadd.s32 $0xFFFFD700  }
0x27: {  	[bflag:$0x0] =	sbarrier.arrive $0xFFFF  }
0x28: {  	v0 =	vld [tilespmem:$0xD200];
	[tilespmem:s18], [sflag:$0x1] =	stream.indirect.gather [hbm4b:s1+s17], $0x20, s5, s17, $0xb8  }
0x29: {  	_ = 	snop  }
0x2a: {  	[tilespmem:s19], [sflag:$0x3] =	stream.indirect.gather [hbm4b:s6+s17], $0x10, s13, s17, $0xb8;
	[tilespmem:$0xF990] =	vst v63  }
0x2b: {  	_ = 	snop  }
0x2c: {  	[tilespmem:s20], [sflag:$0x1] =	stream.indirect.gather [hbm4b:s1+s17], $0x20, s17, s17, $0xb8;
	[tilespmem:$0xF990] =	vst v63  }
0x2d: {  	s12 =	simm.s32 $0x2980  }
0x2e: {  	[tilespmem:s22], [sflag:$0x3] =	stream.indirect.gather [hbm4b:s6+s17], $0x10, s12, s17, $0xb8;
	[tilespmem:$0xF990] =	vst v63  }
0x2f: {  	s16 =	simm.s32 $0x100  }
0x30: {  	[tilespmem:s24], [sflag:$0x2] =	stream.indirect.gather [hbm4b:s1+s17], $0x20, s16, s17, $0xb8;
	[tilespmem:$0xF990] =	vst v63  }
0x31: {  	s8 =	simm.s32 $0x2A00  }
0x32: {  	[tilespmem:s26], [sflag:$0x4] =	stream.indirect.gather [hbm4b:s6+s17], $0x10, s8, s17, $0xb8;
	[tilespmem:$0xF990] =	vst v63  }
0x33: {  	s9 =	simm.s32 $0x180  }
0x34: {  	[tilespmem:s29], [sflag:$0x2] =	stream.indirect.gather [hbm4b:s1+s17], $0x20, s9, s17, $0xb8;
	[tilespmem:$0xF990] =	vst v63  }
0x35: {  	s10 =	simm.s32 $0x2A80  }
0x36: {  	[tilespmem:s31], [sflag:$0x4] =	stream.indirect.gather [hbm4b:s6+s17], $0x10, s10, s17, $0xb8;
	[tilespmem:$0xF990] =	vst v63  }
0x37: {  	_ =	swait.ge [sflag:s2], $0x1000  }
0x38: {  	[sflag:s2] =	ssyncset.done $0x0  }
0x39: {  	[sflag:s2] =	ssyncadd.s32 $0xFFFFF000  }
0x3a: {  	_ =	swait.ge [sflag:s0], $0x800  }
0x3b: {  	[sflag:s0] =	ssyncset.done $0x0  }
0x3c: {  	[sflag:s0] =	ssyncadd.s32 $0xFFFFF800  }
0x3d: {  	_ =	swait.ge [sflag:s2], $0x1000  }
0x3e: {  	[sflag:s2] =	ssyncset.done $0x0  }
0x3f: {  	[sflag:s2] =	ssyncadd.s32 $0xFFFFF000  }
0x40: {  	_ =	swait.ge [sflag:s0], $0x800  }
0x41: {  	[sflag:s0] =	ssyncset.done $0x0  }
0x42: {  	s11 =	simm.s32 $0x5280;
	[sflag:s0] =	ssyncadd.s32 $0xFFFFF800  }
0x43: {  	s12 =	simm.s32 $0x9240;
	v1 =	vld [tilespmem:s11+$0x70]  }
0x44: {  	v2 =	vld [tilespmem:s12+$0x30]  }
0x45: {  	v3 =	vld [tilespmem:s11+$0xFFFFFF90]  }
0x46: {  	v4 =	vld [tilespmem:s12+$0xFFFFFFC0]  }
0x47: {  	v5 =	vld [tilespmem:s11+$0xFFFFFFB0]  }
0x48: {  	v6 =	vld [tilespmem:s12+$0xFFFFFFD0]  }
0x49: {  	v7 =	vld [tilespmem:s11+$0xFFFFFFD0]  }
0x4a: {  	v8 =	vld [tilespmem:s12+$0xFFFFFFE0]  }
0x4b: {  	v9 =	vld [tilespmem:s11+$0xFFFFFFF0]  }
0x4c: {  	v10 =	vld [tilespmem:s12+$0xFFFFFFF0]  }
0x4d: {  	v11 =	vld [tilespmem:s11+$0x10]  }
0x4e: {  	v12 =	vld [tilespmem:s12+$0x0]  }
0x4f: {  	v14 =	vld [tilespmem:s11+$0x50]  }
0x50: {  	v15 =	vld [tilespmem:s12+$0x20];
	_ =	sdelay $0x1  }
0x51: {  	v1 =	vadd.f32 v2, v1;
	v3 =	vadd.f32 v4, v3  }
0x52: {  	v13 =	vld [tilespmem:s11+$0x30];
	v6 =	vadd.f32 v6, v5;
	v7 =	vadd.f32 v8, v7  }
0x53: {  	v4 =	vld [tilespmem:s12+$0x10];
	v9 =	vadd.f32 v10, v9;
	v11 =	vadd.f32 v12, v11;
	v2 =	vmul.f32 $2.000000030e-01, v1  }
0x54: {  	s16 =	simm.s32 $0x5380;
	v14 =	vadd.f32 v15, v14;
	vm0 =	vgt.f32 v1, $0.0e+00;
	v16 =	vmul.f32 $2.000000030e-01, v6  }
0x55: {  	v21 =	vld [tilespmem:s16+$0x50];
	vm1 =	vgt.f32 v6, $0.0e+00;
	v17 =	vmul.f32 $2.000000030e-01, v7;
	v1 =	vsel vm0, v1, v2  }
0x56: {  	v8 =	vld [tilespmem:s11+$0xFFFFFFA0];
	v2 =	vmul.f32 $2.000000030e-01, v3;
	vm0 =	vgt.f32 v3, $0.0e+00;
	v6 =	vsel vm1, v6, v16  }
0x57: {  	v5 =	vld [tilespmem:s11+$0xFFFFFFC0];
	vm1 =	vgt.f32 v9, $0.0e+00;
	v16 =	vmul.f32 $2.000000030e-01, v9;
	v1 =	vsub.f32 v1, v0  }
0x58: {  	v12 =	vld [tilespmem:s11+$0x60];
	v6 =	vsub.f32 v6, v0;
	v13 =	vadd.f32 v4, v13;
	v2 =	vsel vm0, v3, v2  }
0x59: {  	v15 =	vld [tilespmem:s16+$0x70];
	vm0 =	vgt.f32 v7, $0.0e+00;
	v9 =	vsel vm1, v9, v16;
	v3 =	vmul.f32 $1.442695020e+00, v1  }
0x5a: {  	v4 =	vld [tilespmem:s11+$0x40];
	v10 =	vsub.f32 v2, v0;
	v7 =	vsel vm0, v7, v17;
	vm0 =	vgt.f32 v11, $0.0e+00  }
0x5b: {  	v16 =	vld [tilespmem:s11+$0xFFFFFF80];
	v17 =	vmul.f32 $2.000000030e-01, v11;
	vm1 =	vgt.f32 v13, $0.0e+00;
	v18 =	vmul.f32 $2.000000030e-01, v13  }
0x5c: {  	v1 =	vld [tilespmem:s11+$0xFFFFFFE0];
	v7 =	vsub.f32 v7, v0;
	(erf) = vpow2.f32 v3;
	v10 =	vmul.f32 $1.442695020e+00, v10  }
0x5d: {  	s10 =	simm.s32 $0x92C0;
	v11 =	vsel vm0, v11, v17;
	v13 =	vsel vm1, v13, v18;
	v17 =	vmul.f32 $2.000000030e-01, v14;
	v18 =	vld [tilespmem:s16+$0xFFFFFF90]  }
0x5e: {  	v6 =	vmul.f32 $1.442695020e+00, v6;
	vm0 =	vgt.f32 v14, $0.0e+00;
	(erf) = vpow2.f32 v10;
	v10 =	vld [tilespmem:s10+$0x30]  }
0x5f: {  	v9 =	vsub.f32 v9, v0;
	v7 =	vmul.f32 $1.442695020e+00, v7;
	v14 =	vsel vm0, v14, v17;
	v17 =	vld [tilespmem:s16+$0xFFFFFFB0]  }
0x60: {  	v11 =	vsub.f32 v11, v0;
	(erf) = vpow2.f32 v6;
	v6 =	vld [tilespmem:s10+$0xFFFFFFC0]  }
0x61: {  	v9 =	vmul.f32 $1.442695020e+00, v9;
	v13 =	vsub.f32 v13, v0;
	(erf) = vpow2.f32 v7;
	v7 =	vld [tilespmem:s10+$0xFFFFFFD0]  }
0x62: {  	v2 =	vld [tilespmem:s11+$0x0];
	v11 =	vmul.f32 $1.442695020e+00, v11;
	v14 =	vsub.f32 v14, v0  }
0x63: {  	v13 =	vmul.f32 $1.442695020e+00, v13;
	(erf) = vpow2.f32 v9;
	v9 =	vld [tilespmem:s16+$0xFFFFFFD0];
	v10 =	vadd.f32 v10, v15  }
0x64: {  	v14 =	vmul.f32 $1.442695020e+00, v14;
	(erf) = vpow2.f32 v11;
	v11 =	vld [tilespmem:s10+$0xFFFFFFE0]  }
0x65: {  	(erf) = vpow2.f32 v13;
	v13 =	vld [tilespmem:s16+$0xFFFFFFF0];
	v6 =	vadd.f32 v6, v18;
	v18 =	vmul.f32 $2.000000030e-01, v10  }
0x66: {  	(erf) = vpow2.f32 v14;
	v15 =	vpop (erf);
	vm0 =	vgt.f32 v10, $0.0e+00;
	v7 =	vadd.f32 v7, v17;
	v17 =	vld [tilespmem:s16+$0x10]  }
0x67: {  	v15 =	vmul.f32 v15, v12;
	v12 =	vld [tilespmem:s10+$0xFFFFFFF0];
	v19 =	vmul.f32 $2.000000030e-01, v6;
	v10 =	vsel vm0, v10, v18  }
0x68: {  	v14 =	vpop (erf);
	vm0 =	vgt.f32 v6, $0.0e+00;
	v18 =	vld [tilespmem:s10+$0x0];
	vm1 =	vgt.f32 v7, $0.0e+00;
	v10 =	vsub.f32 v10, v0  }
0x69: {  	v20 =	vmul.f32 $2.000000030e-01, v7;
	v9 =	vadd.f32 v11, v9;
	v11 =	vld [tilespmem:s16+$0x30];
	v14 =	vmul.f32 v14, v16;
	v16 =	vpop (erf)  }
0x6a: {  	v6 =	vsel vm0, v6, v19;
	v19 =	vld [tilespmem:s10+$0x10];
	v16 =	vmul.f32 v16, v8;
	v10 =	vmul.f32 $1.442695020e+00, v10  }
0x6b: {  	vm0 =	vgt.f32 v9, $0.0e+00;
	v8 =	vmul.f32 $2.000000030e-01, v9;
	v7 =	vsel vm1, v7, v20;
	v20 =	vld [tilespmem:s10+$0x20]  }
0x6c: {  	v3 =	vld [tilespmem:s11+$0x20];
	s11 =	simm.s32 $0xB240;
	v13 =	vadd.f32 v12, v13;
	v12 =	vsub.f32 v6, v0;
	(erf) = vpow2.f32 v10  }
0x6d: {  	[tilespmem:s11+$0x30] =	vst v15;
	v15 =	vld [tilespmem:s16+$0x20];
	v23 =	vsub.f32 v7, v0;
	v8 =	vsel vm0, v9, v8;
	v22 =	vadd.f32 v18, v17  }
0x6e: {  	v7 =	vld [tilespmem:s16+$0xFFFFFFE0];
	vm1 =	vgt.f32 v13, $0.0e+00;
	v10 =	vmul.f32 $2.000000030e-01, v13;
	v18 =	vmul.f32 $1.442695020e+00, v12  }
0x6f: {  	[tilespmem:s11+$0xFFFFFFC0] =	vst v14;
	v14 =	vld [tilespmem:s16+$0x40];
	v25 =	vadd.f32 v19, v11;
	v19 =	vmul.f32 $1.442695020e+00, v23;
	v11 =	vsub.f32 v8, v0  }
0x70: {  	v17 =	vpop (erf);
	v12 =	vld [tilespmem:s16+$0xFFFFFFC0];
	vm0 =	vgt.f32 v22, $0.0e+00;
	v24 =	vmul.f32 $2.000000030e-01, v22;
	v23 =	vadd.f32 v20, v21  }
0x71: {  	v8 =	vpop (erf);
	v21 =	vld [tilespmem:s16+$0x60];
	v13 =	vsel vm1, v13, v10;
	vm1 =	vgt.f32 v25, $0.0e+00;
	v26 =	vmul.f32 $2.000000030e-01, v25  }
0x72: {  	v6 =	vld [tilespmem:s16+$0xFFFFFFA0];
	v20 =	vmul.f32 $1.442695020e+00, v11;
	v27 =	vsub.f32 v13, v0;
	v24 =	vsel vm0, v22, v24;
	v10 =	vpop (erf)  }
0x73: {  	v9 =	vld [tilespmem:s16+$0x0];
	vm0 =	vgt.f32 v23, $0.0e+00;
	v28 =	vsel vm1, v25, v26;
	v26 =	vmul.f32 $2.000000030e-01, v23;
	v11 =	vpop (erf)  }
0x74: {  	s5 =	simm.s32 $0xB240;
	s8 =	simm.s32 $0x8;
	s12 =	simm.s32 $0x5480;
	[tilespmem:s11+$0xFFFFFFD0] =	vst v16;
	v16 =	vld [tilespmem:s16+$0xFFFFFF80];
	v25 =	vsub.f32 v24, v0;
	v22 =	vmul.f32 $1.442695020e+00, v27;
	v24 =	vsub.f32 v28, v0;
	v13 =	vpop (erf)  }
.LBB2_2:
0x75: {  	v27 =	vld [tilespmem:s12+$0x70];
	v23 =	vsel vm0, v23, v26;
	s10 =	sadd.s32 $0x80, s10;
	(erf) = vpow2.f32 v18;
	v18 =	vpop (erf);
	v17 =	vmul.f32 v17, v5  }
0x76: {  	s8 =	sadd.s32 $0x8, s8;
	v5 =	vmovc v12;
	v26 =	vld [tilespmem:s10+$0x30];
	v25 =	vmul.f32 $1.442695020e+00, v25;
	v23 =	vsub.f32 v23, v0;
	v18 =	vmul.f32 v18, v21  }
0x77: {  	s5 =	sadd.s32 $0x80, s5;
	p0 =	slt.u32 s8, $0xF8;
	v21 =	vmul.f32 $1.442695020e+00, v24;
	v12 =	vld [tilespmem:s12+$0xFFFFFF90];
	(erf) = vpow2.f32 v19;
	[tilespmem:s11+$0xFFFFFFE0] =	vst v17  }
0x78: {  	v17 =	vld [tilespmem:s10+$0xFFFFFFC0];
	v19 =	vmul.f32 $1.442695020e+00, v23;
	[tilespmem:s5+$0x30] =	vst v18;
	(erf) = vpow2.f32 v20  }
0x79: {  	v8 =	vmul.f32 v8, v1;
	v1 =	vmov v7;
	v18 =	vld [tilespmem:s12+$0xFFFFFFB0];
	(erf) = vpow2.f32 v22  }
0x7a: {  	v10 =	vmul.f32 v10, v2;
	v2 =	vmov v9;
	v7 =	vld [tilespmem:s10+$0xFFFFFFD0];
	(erf) = vpow2.f32 v25  }
0x7b: {  	v9 =	vld [tilespmem:s12+$0xFFFFFFD0];
	v20 =	vadd.f32 v26, v27;
	(erf) = vpow2.f32 v21;
	[tilespmem:s11+$0xFFFFFFF0] =	vst v8;
	v21 =	vmul.f32 v11, v3;
	v3 =	vmovc v15  }
0x7c: {  	v11 =	vld [tilespmem:s10+$0xFFFFFFE0];
	(erf) = vpow2.f32 v19;
	[tilespmem:s11+$0x0] =	vst v10;
	v10 =	vmul.f32 v13, v4;
	v4 =	vmov v14  }
0x7d: {  	v12 =	vadd.f32 v17, v12;
	v13 =	vld [tilespmem:s12+$0xFFFFFFF0];
	v14 =	vmul.f32 $2.000000030e-01, v20;
	[tilespmem:s11+$0x10] =	vst v21  }
0x7e: {  	vm0 =	vgt.f32 v20, $0.0e+00;
	v15 =	vld [tilespmem:s10+$0xFFFFFFF0];
	v8 =	vpop (erf);
	[tilespmem:s11+$0x20] =	vst v10;
	s11 =	smov.u32 s5  }
0x7f: {  	v10 =	vmul.f32 $2.000000030e-01, v12;
	v7 =	vadd.f32 v7, v18;
	v18 =	vld [tilespmem:s12+$0x10];
	v14 =	vsel vm0, v20, v14  }
0x80: {  	vm0 =	vgt.f32 v12, $0.0e+00;
	v23 =	vmul.f32 v8, v16;
	v19 =	vld [tilespmem:s10+$0x0];
	v14 =	vsub.f32 v14, v0;
	v16 =	vpop (erf)  }
0x81: {  	vm1 =	vgt.f32 v7, $0.0e+00;
	v20 =	vmul.f32 $2.000000030e-01, v7;
	v9 =	vadd.f32 v11, v9;
	v21 =	vld [tilespmem:s12+$0x30];
	v17 =	vpop (erf)  }
0x82: {  	v24 =	vsel vm0, v12, v10;
	v6 =	vmul.f32 v16, v6;
	v22 =	vld [tilespmem:s10+$0x10];
	v12 =	vmul.f32 $1.442695020e+00, v14;
	[tilespmem:s5+$0xFFFFFFC0] =	vst v23;
	v8 =	vpop (erf)  }
0x83: {  	vm0 =	vgt.f32 v9, $0.0e+00;
	v14 =	vmul.f32 $2.000000030e-01, v9;
	v15 =	vadd.f32 v15, v13;
	v16 =	vld [tilespmem:s12+$0x50];
	v10 =	vpop (erf)  }
0x84: {  	v23 =	vsub.f32 v24, v0;
	v7 =	vsel vm1, v7, v20;
	v20 =	vld [tilespmem:s10+$0x20];
	(erf) = vpow2.f32 v12;
	[tilespmem:s5+$0xFFFFFFD0] =	vst v6;
	v11 =	vpop (erf)  }
0x85: {  	v6 =	vld [tilespmem:s12+$0xFFFFFFA0];
	vm1 =	vgt.f32 v15, $0.0e+00;
	v24 =	vmul.f32 $2.000000030e-01, v15;
	v25 =	vadd.f32 v19, v18;
	v13 =	vpop (erf)  }
0x86: {  	v18 =	vmul.f32 $1.442695020e+00, v23;
	v19 =	vsub.f32 v7, v0;
	v9 =	vsel vm0, v9, v14;
	v12 =	vld [tilespmem:s12+$0xFFFFFFC0]  }
0x87: {  	v7 =	vld [tilespmem:s12+$0xFFFFFFE0];
	vm0 =	vgt.f32 v25, $0.0e+00;
	v14 =	vmul.f32 $2.000000030e-01, v25;
	v22 =	vadd.f32 v22, v21  }
.Ltmp0:
0x88: {  	v26 =	vsub.f32 v9, v0;
	v19 =	vmul.f32 $1.442695020e+00, v19;
	v15 =	vsel vm1, v15, v24;
	v9 =	vld [tilespmem:s12+$0x0];
	(pc) =	sbr.rel @p0 .LBB2_2-.Ltmp0, $4  }
0x89: {  	vm1 =	vgt.f32 v22, $0.0e+00;
	v24 =	vmul.f32 $2.000000030e-01, v22;
	v23 =	vadd.f32 v20, v16;
	v21 =	vld [tilespmem:s12+$0x60]  }
0x8a: {  	v27 =	vsub.f32 v15, v0;
	v20 =	vmul.f32 $1.442695020e+00, v26;
	v25 =	vsel vm0, v25, v14;
	v15 =	vld [tilespmem:s12+$0x20]  }
0x8b: {  	v24 =	vsel vm1, v22, v24;
	v14 =	vld [tilespmem:s12+$0x40];
	vm0 =	vgt.f32 v23, $0.0e+00;
	v26 =	vmul.f32 $2.000000030e-01, v23  }
0x8c: {  	v25 =	vsub.f32 v25, v0;
	v22 =	vmul.f32 $1.442695020e+00, v27;
	v16 =	vld [tilespmem:s12+$0xFFFFFF80];
	v24 =	vsub.f32 v24, v0;
	s12 =	sadd.s32 $0x100, s12  }
0x8d: {  	(erf) = vpow2.f32 v18;
	_ =	sdelay $0x1  }
0x8e: {  	(erf) = vpow2.f32 v19  }
0x8f: {  	v18 =	vsel vm0, v23, v26;
	v5 =	vmul.f32 v17, v5;
	v1 =	vmul.f32 v8, v1  }
0x90: {  	v17 =	vmul.f32 $1.442695020e+00, v25;
	v18 =	vsub.f32 v18, v0;
	(erf) = vpow2.f32 v20  }
0x91: {  	v19 =	vmul.f32 $1.442695020e+00, v24;
	(erf) = vpow2.f32 v22  }
0x92: {  	v18 =	vmul.f32 $1.442695020e+00, v18;
	(erf) = vpow2.f32 v17  }
0x93: {  	v2 =	vmul.f32 v10, v2;
	(erf) = vpow2.f32 v19  }
0x94: {  	v20 =	vpop (erf);
	[tilespmem:s11+$0xFFFFFFF0] =	vst v1;
	v1 =	vmul.f32 v11, v3;
	(erf) = vpow2.f32 v18  }
0x95: {  	[tilespmem:s11+$0x0] =	vst v2;
	v2 =	vmul.f32 v13, v4;
	v3 =	vpop (erf)  }
0x96: {  	[tilespmem:s11+$0x10] =	vst v1;
	v1 =	vmul.f32 v3, v16  }
0x97: {  	[tilespmem:s11+$0xFFFFFFE0] =	vst v5;
	v17 =	vmul.f32 v20, v21;
	v3 =	vpop (erf)  }
0x98: {  	s5 =	sadd.s32 $0x80, s5;
	[tilespmem:s11+$0x20] =	vst v2;
	v3 =	vmul.f32 v3, v6  }
0x99: {  	[tilespmem:s5+$0x30] =	vst v17;
	v2 =	vpop (erf)  }
0x9a: {  	[tilespmem:s5+$0xFFFFFFC0] =	vst v1;
	v2 =	vmul.f32 v2, v12;
	v1 =	vpop (erf)  }
0x9b: {  	[tilespmem:s5+$0xFFFFFFD0] =	vst v3;
	v4 =	vpop (erf);
	v1 =	vmul.f32 v1, v7  }
0x9c: {  	[tilespmem:s5+$0xFFFFFFE0] =	vst v2;
	v3 =	vpop (erf);
	v2 =	vmul.f32 v4, v9  }
0x9d: {  	v4 =	vpop (erf);
	[tilespmem:s5+$0xFFFFFFF0] =	vst v1;
	v1 =	vmul.f32 v3, v15  }
0x9e: {  	[tilespmem:s5+$0x0] =	vst v2;
	v2 =	vmul.f32 v4, v14  }
0x9f: {  	[tilespmem:s5+$0x10] =	vst v1  }
0xa0: {  	[tilespmem:s5+$0x20] =	vst v2  }
0xa1: {  	[spmem:s4] =	stream.indirect.scatter.add.f32 [tilespmem:s3], [sflag:$0x5], $0x10, s13, s17, $0xb8;
	[tilespmem:$0xF990] =	vst v63  }
0xa2: {  	s8 =	simm.s32 $0x2980  }
0xa3: {  	[spmem:s4] =	stream.indirect.scatter.add.f32 [tilespmem:s15], [sflag:$0x5], $0x10, s8, s17, $0xb8;
	[tilespmem:$0xF990] =	vst v63  }
0xa4: {  	s9 =	simm.s32 $0x200  }
0xa5: {  	[tilespmem:s18], [sflag:$0x1] =	stream.indirect.gather [hbm4b:s1+s17], $0x20, s9, s17, $0xb8;
	[tilespmem:$0xF990] =	vst v63  }
0xa6: {  	s10 =	simm.s32 $0x2B00  }
0xa7: {  	[tilespmem:s19], [sflag:$0x3] =	stream.indirect.gather [hbm4b:s6+s17], $0x10, s10, s17, $0xb8;
	[tilespmem:$0xF990] =	vst v63  }
0xa8: {  	s11 =	simm.s32 $0x280  }
0xa9: {  	[tilespmem:s20], [sflag:$0x1] =	stream.indirect.gather [hbm4b:s1+s17], $0x20, s11, s17, $0xb8;
	[tilespmem:$0xF990] =	vst v63  }
0xaa: {  	s12 =	simm.s32 $0x2B80  }
0xab: {  	[tilespmem:s22], [sflag:$0x3] =	stream.indirect.gather [hbm4b:s6+s17], $0x10, s12, s17, $0xb8;
	[tilespmem:$0xF990] =	vst v63  }
0xac: {  	_ =	swait.ge [sflag:s23], $0x1000  }
0xad: {  	[sflag:s23] =	ssyncset.done $0x0  }
0xae: {  	[sflag:s23] =	ssyncadd.s32 $0xFFFFF000  }
0xaf: {  	_ =	swait.ge [sflag:s28], $0x800  }
0xb0: {  	[sflag:s28] =	ssyncset.done $0x0  }
0xb1: {  	[sflag:s28] =	ssyncadd.s32 $0xFFFFF800  }
0xb2: {  	_ =	swait.ge [sflag:s23], $0x1000  }
0xb3: {  	[sflag:s23] =	ssyncset.done $0x0  }
0xb4: {  	[sflag:s23] =	ssyncadd.s32 $0xFFFFF000  }
0xb5: {  	_ =	swait.ge [sflag:s28], $0x800  }
0xb6: {  	[sflag:s28] =	ssyncset.done $0x0  }
0xb7: {  	s13 =	simm.s32 $0x7280;
	[sflag:s28] =	ssyncadd.s32 $0xFFFFF800  }
0xb8: {  	s8 =	simm.s32 $0xA240;
	v1 =	vld [tilespmem:s13+$0x70]  }
0xb9: {  	v2 =	vld [tilespmem:s8+$0x30]  }
0xba: {  	v3 =	vld [tilespmem:s13+$0xFFFFFF90]  }
0xbb: {  	v4 =	vld [tilespmem:s8+$0xFFFFFFC0]  }
0xbc: {  	v5 =	vld [tilespmem:s13+$0xFFFFFFB0]  }
0xbd: {  	v6 =	vld [tilespmem:s8+$0xFFFFFFD0]  }
0xbe: {  	v7 =	vld [tilespmem:s13+$0xFFFFFFD0]  }
0xbf: {  	v8 =	vld [tilespmem:s8+$0xFFFFFFE0]  }
0xc0: {  	v9 =	vld [tilespmem:s13+$0xFFFFFFF0]  }
0xc1: {  	v10 =	vld [tilespmem:s8+$0xFFFFFFF0]  }
0xc2: {  	v11 =	vld [tilespmem:s13+$0x10]  }
0xc3: {  	v12 =	vld [tilespmem:s8+$0x0]  }
0xc4: {  	v14 =	vld [tilespmem:s13+$0x50]  }
0xc5: {  	v15 =	vld [tilespmem:s8+$0x20];
	_ =	sdelay $0x1  }
0xc6: {  	v1 =	vadd.f32 v2, v1;
	v3 =	vadd.f32 v4, v3  }
0xc7: {  	v13 =	vld [tilespmem:s13+$0x30];
	v6 =	vadd.f32 v6, v5;
	v7 =	vadd.f32 v8, v7  }
0xc8: {  	v4 =	vld [tilespmem:s8+$0x10];
	v9 =	vadd.f32 v10, v9;
	v11 =	vadd.f32 v12, v11;
	v2 =	vmul.f32 $2.000000030e-01, v1  }
0xc9: {  	s16 =	simm.s32 $0x7380;
	v14 =	vadd.f32 v15, v14;
	vm0 =	vgt.f32 v1, $0.0e+00;
	v16 =	vmul.f32 $2.000000030e-01, v6  }
0xca: {  	v21 =	vld [tilespmem:s16+$0x50];
	vm1 =	vgt.f32 v6, $0.0e+00;
	v17 =	vmul.f32 $2.000000030e-01, v7;
	v1 =	vsel vm0, v1, v2  }
0xcb: {  	v8 =	vld [tilespmem:s13+$0xFFFFFFA0];
	v2 =	vmul.f32 $2.000000030e-01, v3;
	vm0 =	vgt.f32 v3, $0.0e+00;
	v6 =	vsel vm1, v6, v16  }
0xcc: {  	v5 =	vld [tilespmem:s13+$0xFFFFFFC0];
	vm1 =	vgt.f32 v9, $0.0e+00;
	v16 =	vmul.f32 $2.000000030e-01, v9;
	v1 =	vsub.f32 v1, v0  }
0xcd: {  	v12 =	vld [tilespmem:s13+$0x60];
	v6 =	vsub.f32 v6, v0;
	v13 =	vadd.f32 v4, v13;
	v2 =	vsel vm0, v3, v2  }
0xce: {  	v15 =	vld [tilespmem:s16+$0x70];
	vm0 =	vgt.f32 v7, $0.0e+00;
	v9 =	vsel vm1, v9, v16;
	v3 =	vmul.f32 $1.442695020e+00, v1  }
0xcf: {  	v4 =	vld [tilespmem:s13+$0x40];
	v10 =	vsub.f32 v2, v0;
	v7 =	vsel vm0, v7, v17;
	vm0 =	vgt.f32 v11, $0.0e+00  }
0xd0: {  	v16 =	vld [tilespmem:s13+$0xFFFFFF80];
	v17 =	vmul.f32 $2.000000030e-01, v11;
	vm1 =	vgt.f32 v13, $0.0e+00;
	v18 =	vmul.f32 $2.000000030e-01, v13  }
0xd1: {  	v1 =	vld [tilespmem:s13+$0xFFFFFFE0];
	v7 =	vsub.f32 v7, v0;
	(erf) = vpow2.f32 v3;
	v10 =	vmul.f32 $1.442695020e+00, v10  }
0xd2: {  	s10 =	simm.s32 $0xA2C0;
	v11 =	vsel vm0, v11, v17;
	v13 =	vsel vm1, v13, v18;
	v17 =	vmul.f32 $2.000000030e-01, v14;
	v18 =	vld [tilespmem:s16+$0xFFFFFF90]  }
0xd3: {  	v6 =	vmul.f32 $1.442695020e+00, v6;
	vm0 =	vgt.f32 v14, $0.0e+00;
	(erf) = vpow2.f32 v10;
	v10 =	vld [tilespmem:s10+$0x30]  }
0xd4: {  	v9 =	vsub.f32 v9, v0;
	v7 =	vmul.f32 $1.442695020e+00, v7;
	v14 =	vsel vm0, v14, v17;
	v17 =	vld [tilespmem:s16+$0xFFFFFFB0]  }
0xd5: {  	v11 =	vsub.f32 v11, v0;
	(erf) = vpow2.f32 v6;
	v6 =	vld [tilespmem:s10+$0xFFFFFFC0]  }
0xd6: {  	v9 =	vmul.f32 $1.442695020e+00, v9;
	v13 =	vsub.f32 v13, v0;
	(erf) = vpow2.f32 v7;
	v7 =	vld [tilespmem:s10+$0xFFFFFFD0]  }
0xd7: {  	v2 =	vld [tilespmem:s13+$0x0];
	v11 =	vmul.f32 $1.442695020e+00, v11;
	v14 =	vsub.f32 v14, v0  }
0xd8: {  	v13 =	vmul.f32 $1.442695020e+00, v13;
	(erf) = vpow2.f32 v9;
	v9 =	vld [tilespmem:s16+$0xFFFFFFD0];
	v10 =	vadd.f32 v10, v15  }
0xd9: {  	v14 =	vmul.f32 $1.442695020e+00, v14;
	(erf) = vpow2.f32 v11;
	v11 =	vld [tilespmem:s10+$0xFFFFFFE0]  }
0xda: {  	v6 =	vadd.f32 v6, v18;
	v15 =	vpop (erf);
	(erf) = vpow2.f32 v13;
	v13 =	vld [tilespmem:s16+$0xFFFFFFF0];
	v18 =	vmul.f32 $2.000000030e-01, v10  }
0xdb: {  	vm0 =	vgt.f32 v10, $0.0e+00;
	v7 =	vadd.f32 v7, v17;
	v17 =	vld [tilespmem:s16+$0x10];
	v15 =	vmul.f32 v15, v12  }
0xdc: {  	(erf) = vpow2.f32 v14;
	v12 =	vld [tilespmem:s10+$0xFFFFFFF0];
	v19 =	vmul.f32 $2.000000030e-01, v6;
	v10 =	vsel vm0, v10, v18  }
0xdd: {  	v14 =	vpop (erf);
	vm0 =	vgt.f32 v6, $0.0e+00;
	v18 =	vld [tilespmem:s10+$0x0];
	vm1 =	vgt.f32 v7, $0.0e+00;
	v10 =	vsub.f32 v10, v0  }
0xde: {  	v20 =	vmul.f32 $2.000000030e-01, v7;
	v9 =	vadd.f32 v11, v9;
	v11 =	vld [tilespmem:s16+$0x30];
	v14 =	vmul.f32 v14, v16;
	v16 =	vpop (erf)  }
0xdf: {  	v6 =	vsel vm0, v6, v19;
	v19 =	vld [tilespmem:s10+$0x10];
	v16 =	vmul.f32 v16, v8;
	v10 =	vmul.f32 $1.442695020e+00, v10  }
0xe0: {  	vm0 =	vgt.f32 v9, $0.0e+00;
	v8 =	vmul.f32 $2.000000030e-01, v9;
	v7 =	vsel vm1, v7, v20;
	v20 =	vld [tilespmem:s10+$0x20]  }
0xe1: {  	s11 =	simm.s32 $0xC240;
	v3 =	vld [tilespmem:s13+$0x20];
	v13 =	vadd.f32 v12, v13;
	v12 =	vsub.f32 v6, v0;
	(erf) = vpow2.f32 v10  }
0xe2: {  	[tilespmem:s11+$0x30] =	vst v15;
	v15 =	vld [tilespmem:s16+$0x20];
	v23 =	vsub.f32 v7, v0;
	v8 =	vsel vm0, v9, v8;
	v22 =	vadd.f32 v18, v17  }
0xe3: {  	v7 =	vld [tilespmem:s16+$0xFFFFFFE0];
	vm1 =	vgt.f32 v13, $0.0e+00;
	v10 =	vmul.f32 $2.000000030e-01, v13;
	v18 =	vmul.f32 $1.442695020e+00, v12  }
0xe4: {  	[tilespmem:s11+$0xFFFFFFC0] =	vst v14;
	v14 =	vld [tilespmem:s16+$0x40];
	v25 =	vadd.f32 v19, v11;
	v19 =	vmul.f32 $1.442695020e+00, v23;
	v11 =	vsub.f32 v8, v0  }
0xe5: {  	v17 =	vpop (erf);
	v12 =	vld [tilespmem:s16+$0xFFFFFFC0];
	vm0 =	vgt.f32 v22, $0.0e+00;
	v24 =	vmul.f32 $2.000000030e-01, v22;
	v23 =	vadd.f32 v20, v21  }
0xe6: {  	v8 =	vpop (erf);
	v21 =	vld [tilespmem:s16+$0x60];
	v13 =	vsel vm1, v13, v10;
	vm1 =	vgt.f32 v25, $0.0e+00;
	v26 =	vmul.f32 $2.000000030e-01, v25  }
0xe7: {  	v6 =	vld [tilespmem:s16+$0xFFFFFFA0];
	v20 =	vmul.f32 $1.442695020e+00, v11;
	v27 =	vsub.f32 v13, v0;
	v24 =	vsel vm0, v22, v24;
	v10 =	vpop (erf)  }
0xe8: {  	v9 =	vld [tilespmem:s16+$0x0];
	vm0 =	vgt.f32 v23, $0.0e+00;
	v28 =	vsel vm1, v25, v26;
	v26 =	vmul.f32 $2.000000030e-01, v23;
	v11 =	vpop (erf)  }
0xe9: {  	s5 =	simm.s32 $0xC240;
	s12 =	simm.s32 $0x7480;
	s8 =	simm.s32 $0x8;
	[tilespmem:s11+$0xFFFFFFD0] =	vst v16;
	v16 =	vld [tilespmem:s16+$0xFFFFFF80];
	v25 =	vsub.f32 v24, v0;
	v22 =	vmul.f32 $1.442695020e+00, v27;
	v24 =	vsub.f32 v28, v0;
	v13 =	vpop (erf)  }
.LBB2_4:
0xea: {  	v27 =	vld [tilespmem:s12+$0x70];
	v23 =	vsel vm0, v23, v26;
	s10 =	sadd.s32 $0x80, s10;
	(erf) = vpow2.f32 v18;
	v18 =	vpop (erf);
	v17 =	vmul.f32 v17, v5  }
0xeb: {  	s8 =	sadd.s32 $0x8, s8;
	v5 =	vmovc v12;
	v26 =	vld [tilespmem:s10+$0x30];
	v25 =	vmul.f32 $1.442695020e+00, v25;
	v23 =	vsub.f32 v23, v0;
	v18 =	vmul.f32 v18, v21  }
0xec: {  	s5 =	sadd.s32 $0x80, s5;
	p0 =	slt.u32 s8, $0xF8;
	v21 =	vmul.f32 $1.442695020e+00, v24;
	v12 =	vld [tilespmem:s12+$0xFFFFFF90];
	(erf) = vpow2.f32 v19;
	[tilespmem:s11+$0xFFFFFFE0] =	vst v17  }
0xed: {  	v17 =	vld [tilespmem:s10+$0xFFFFFFC0];
	v19 =	vmul.f32 $1.442695020e+00, v23;
	[tilespmem:s5+$0x30] =	vst v18;
	(erf) = vpow2.f32 v20  }
0xee: {  	v8 =	vmul.f32 v8, v1;
	v1 =	vmov v7;
	v18 =	vld [tilespmem:s12+$0xFFFFFFB0];
	(erf) = vpow2.f32 v22  }
0xef: {  	v10 =	vmul.f32 v10, v2;
	v2 =	vmov v9;
	v7 =	vld [tilespmem:s10+$0xFFFFFFD0];
	(erf) = vpow2.f32 v25  }
0xf0: {  	v9 =	vld [tilespmem:s12+$0xFFFFFFD0];
	v20 =	vadd.f32 v26, v27;
	(erf) = vpow2.f32 v21;
	[tilespmem:s11+$0xFFFFFFF0] =	vst v8;
	v21 =	vmul.f32 v11, v3;
	v3 =	vmovc v15  }
0xf1: {  	v11 =	vld [tilespmem:s10+$0xFFFFFFE0];
	(erf) = vpow2.f32 v19;
	[tilespmem:s11+$0x0] =	vst v10;
	v10 =	vmul.f32 v13, v4;
	v4 =	vmov v14  }
0xf2: {  	v12 =	vadd.f32 v17, v12;
	v13 =	vld [tilespmem:s12+$0xFFFFFFF0];
	v14 =	vmul.f32 $2.000000030e-01, v20;
	[tilespmem:s11+$0x10] =	vst v21  }
0xf3: {  	vm0 =	vgt.f32 v20, $0.0e+00;
	v15 =	vld [tilespmem:s10+$0xFFFFFFF0];
	v8 =	vpop (erf);
	[tilespmem:s11+$0x20] =	vst v10;
	s11 =	smov.u32 s5  }
0xf4: {  	v10 =	vmul.f32 $2.000000030e-01, v12;
	v7 =	vadd.f32 v7, v18;
	v18 =	vld [tilespmem:s12+$0x10];
	v14 =	vsel vm0, v20, v14  }
0xf5: {  	vm0 =	vgt.f32 v12, $0.0e+00;
	v23 =	vmul.f32 v8, v16;
	v19 =	vld [tilespmem:s10+$0x0];
	v14 =	vsub.f32 v14, v0;
	v16 =	vpop (erf)  }
0xf6: {  	vm1 =	vgt.f32 v7, $0.0e+00;
	v20 =	vmul.f32 $2.000000030e-01, v7;
	v9 =	vadd.f32 v11, v9;
	v21 =	vld [tilespmem:s12+$0x30];
	v17 =	vpop (erf)  }
0xf7: {  	v24 =	vsel vm0, v12, v10;
	v6 =	vmul.f32 v16, v6;
	v22 =	vld [tilespmem:s10+$0x10];
	v12 =	vmul.f32 $1.442695020e+00, v14;
	[tilespmem:s5+$0xFFFFFFC0] =	vst v23;
	v8 =	vpop (erf)  }
0xf8: {  	vm0 =	vgt.f32 v9, $0.0e+00;
	v14 =	vmul.f32 $2.000000030e-01, v9;
	v15 =	vadd.f32 v15, v13;
	v16 =	vld [tilespmem:s12+$0x50];
	v10 =	vpop (erf)  }
0xf9: {  	v23 =	vsub.f32 v24, v0;
	v7 =	vsel vm1, v7, v20;
	v20 =	vld [tilespmem:s10+$0x20];
	(erf) = vpow2.f32 v12;
	[tilespmem:s5+$0xFFFFFFD0] =	vst v6;
	v11 =	vpop (erf)  }
0xfa: {  	v6 =	vld [tilespmem:s12+$0xFFFFFFA0];
	vm1 =	vgt.f32 v15, $0.0e+00;
	v24 =	vmul.f32 $2.000000030e-01, v15;
	v25 =	vadd.f32 v19, v18;
	v13 =	vpop (erf)  }
0xfb: {  	v18 =	vmul.f32 $1.442695020e+00, v23;
	v19 =	vsub.f32 v7, v0;
	v9 =	vsel vm0, v9, v14;
	v12 =	vld [tilespmem:s12+$0xFFFFFFC0]  }
0xfc: {  	v7 =	vld [tilespmem:s12+$0xFFFFFFE0];
	vm0 =	vgt.f32 v25, $0.0e+00;
	v14 =	vmul.f32 $2.000000030e-01, v25;
	v22 =	vadd.f32 v22, v21  }
.Ltmp1:
0xfd: {  	v26 =	vsub.f32 v9, v0;
	v19 =	vmul.f32 $1.442695020e+00, v19;
	v15 =	vsel vm1, v15, v24;
	v9 =	vld [tilespmem:s12+$0x0];
	(pc) =	sbr.rel @p0 .LBB2_4-.Ltmp1, $4  }
0xfe: {  	vm1 =	vgt.f32 v22, $0.0e+00;
	v24 =	vmul.f32 $2.000000030e-01, v22;
	v23 =	vadd.f32 v20, v16;
	v21 =	vld [tilespmem:s12+$0x60]  }
0xff: {  	v27 =	vsub.f32 v15, v0;
	v20 =	vmul.f32 $1.442695020e+00, v26;
	v25 =	vsel vm0, v25, v14;
	v15 =	vld [tilespmem:s12+$0x20]  }
0x100: {  	v24 =	vsel vm1, v22, v24;
	v14 =	vld [tilespmem:s12+$0x40];
	vm0 =	vgt.f32 v23, $0.0e+00;
	v26 =	vmul.f32 $2.000000030e-01, v23  }
0x101: {  	v25 =	vsub.f32 v25, v0;
	v22 =	vmul.f32 $1.442695020e+00, v27;
	v16 =	vld [tilespmem:s12+$0xFFFFFF80];
	v24 =	vsub.f32 v24, v0;
	s12 =	sadd.s32 $0x100, s12  }
0x102: {  	(erf) = vpow2.f32 v18;
	_ =	sdelay $0x1  }
0x103: {  	(erf) = vpow2.f32 v19  }
0x104: {  	v57 =	vsel vm0, v23, v26;
	v1 =	vmul.f32 v8, v1  }
0x105: {  	v58 =	vmul.f32 $1.442695020e+00, v25;
	v18 =	vsub.f32 v57, v0;
	(erf) = vpow2.f32 v20  }
0x106: {  	v59 =	vmul.f32 $1.442695020e+00, v24;
	(erf) = vpow2.f32 v22  }
0x107: {  	v60 =	vpop (erf);
	v18 =	vmul.f32 $1.442695020e+00, v18;
	(erf) = vpow2.f32 v58  }
0x108: {  	v2 =	vmul.f32 v10, v2;
	(erf) = vpow2.f32 v59  }
0x109: {  	[tilespmem:s11+$0xFFFFFFF0] =	vst v1;
	v1 =	vmul.f32 v11, v3;
	(erf) = vpow2.f32 v18  }
0x10a: {  	v5 =	vmul.f32 v17, v5;
	[tilespmem:s11+$0x0] =	vst v2;
	v2 =	vmul.f32 v13, v4;
	v3 =	vpop (erf)  }
0x10b: {  	v61 =	vmul.f32 v60, v21;
	[tilespmem:s11+$0x10] =	vst v1;
	v1 =	vmul.f32 v3, v16  }
0x10c: {  	s5 =	sadd.s32 $0x80, s5;
	[tilespmem:s11+$0xFFFFFFE0] =	vst v5;
	v3 =	vpop (erf)  }
0x10d: {  	[tilespmem:s5+$0x30] =	vst v61;
	v3 =	vmul.f32 v3, v6  }
0x10e: {  	[tilespmem:s11+$0x20] =	vst v2;
	v2 =	vpop (erf)  }
0x10f: {  	[tilespmem:s5+$0xFFFFFFC0] =	vst v1;
	v2 =	vmul.f32 v2, v12;
	v1 =	vpop (erf)  }
0x110: {  	[tilespmem:s5+$0xFFFFFFD0] =	vst v3;
	v62 =	vpop (erf);
	v1 =	vmul.f32 v1, v7  }
0x111: {  	[tilespmem:s5+$0xFFFFFFE0] =	vst v2;
	v3 =	vpop (erf);
	v2 =	vmul.f32 v62, v9  }
0x112: {  	v63 =	vpop (erf);
	[tilespmem:s5+$0xFFFFFFF0] =	vst v1;
	v1 =	vmul.f32 v3, v15  }
0x113: {  	[tilespmem:s5+$0x0] =	vst v2;
	v2 =	vmul.f32 v63, v14  }
0x114: {  	[tilespmem:s5+$0x10] =	vst v1  }
0x115: {  	s9 =	simm.s32 $0x2A00;
	[tilespmem:s5+$0x20] =	vst v2  }
0x116: {  	[spmem:s4] =	stream.indirect.scatter.add.f32 [tilespmem:s21], [sflag:$0x6], $0x10, s9, s17, $0xb8;
	[tilespmem:$0xF990] =	vst v63  }
0x117: {  	s10 =	simm.s32 $0x2A80  }
0x118: {  	[spmem:s4] =	stream.indirect.scatter.add.f32 [tilespmem:s25], [sflag:$0x6], $0x10, s10, s17, $0xb8;
	[tilespmem:$0xF990] =	vst v63  }
0x119: {  	s11 =	simm.s32 $0x300  }
0x11a: {  	[tilespmem:s24], [sflag:$0x2] =	stream.indirect.gather [hbm4b:s1+s17], $0x20, s11, s17, $0xb8;
	[tilespmem:$0xF990] =	vst v63  }
0x11b: {  	s12 =	simm.s32 $0x2C00  }
0x11c: {  	[tilespmem:s26], [sflag:$0x4] =	stream.indirect.gather [hbm4b:s6+s17], $0x10, s12, s17, $0xb8;
	[tilespmem:$0xF990] =	vst v63  }
0x11d: {  	s13 =	simm.s32 $0x380  }
0x11e: {  	[tilespmem:s29], [sflag:$0x2] =	stream.indirect.gather [hbm4b:s1+s17], $0x20, s13, s17, $0xb8;
	[tilespmem:$0xF990] =	vst v63  }
0x11f: {  	s16 =	simm.s32 $0x2C80;
	s10 =	simm.s32 $0x1  }
0x120: {  	[tilespmem:s31], [sflag:$0x4] =	stream.indirect.gather [hbm4b:s6+s17], $0x10, s16, s17, $0xb8;
	[tilespmem:$0xF990] =	vst v63  }
.LBB2_6:
0x121: {  	_ =	swait.ge [sflag:s2], $0x1000  }
0x122: {  	[sflag:s2] =	ssyncset.done $0x0  }
0x123: {  	[sflag:s2] =	ssyncadd.s32 $0xFFFFF000  }
0x124: {  	_ =	swait.ge [sflag:s0], $0x800  }
0x125: {  	[sflag:s0] =	ssyncset.done $0x0  }
0x126: {  	[sflag:s0] =	ssyncadd.s32 $0xFFFFF800  }
0x127: {  	_ =	swait.ge [sflag:s2], $0x1000  }
0x128: {  	[sflag:s2] =	ssyncset.done $0x0  }
0x129: {  	[sflag:s2] =	ssyncadd.s32 $0xFFFFF000  }
0x12a: {  	_ =	swait.ge [sflag:s0], $0x800  }
0x12b: {  	[sflag:s0] =	ssyncset.done $0x0  }
0x12c: {  	[sflag:s0] =	ssyncadd.s32 $0xFFFFF800  }
0x12d: {  	_ =	swait.ge [sflag:s30], $0x800  }
0x12e: {  	[sflag:s30] =	ssyncset.done $0x0  }
0x12f: {  	[sflag:s30] =	ssyncadd.s32 $0xFFFFF800  }
0x130: {  	_ =	swait.ge [sflag:s30], $0x800  }
0x131: {  	[sflag:s30] =	ssyncset.done $0x0  }
0x132: {  	s5 =	simm.s32 $0x5280;
	[sflag:s30] =	ssyncadd.s32 $0xFFFFF800  }
0x133: {  	s8 =	simm.s32 $0x9240;
	v1 =	vld [tilespmem:s5+$0x70]  }
0x134: {  	v2 =	vld [tilespmem:s8+$0x30]  }
0x135: {  	v3 =	vld [tilespmem:s5+$0xFFFFFF90]  }
0x136: {  	v4 =	vld [tilespmem:s8+$0xFFFFFFC0]  }
0x137: {  	v5 =	vld [tilespmem:s5+$0xFFFFFFB0]  }
0x138: {  	v6 =	vld [tilespmem:s8+$0xFFFFFFD0]  }
0x139: {  	v7 =	vld [tilespmem:s5+$0xFFFFFFD0]  }
0x13a: {  	v8 =	vld [tilespmem:s8+$0xFFFFFFE0]  }
0x13b: {  	v9 =	vld [tilespmem:s5+$0xFFFFFFF0]  }
0x13c: {  	v10 =	vld [tilespmem:s8+$0xFFFFFFF0]  }
0x13d: {  	v11 =	vld [tilespmem:s5+$0x10]  }
0x13e: {  	v12 =	vld [tilespmem:s8+$0x0]  }
0x13f: {  	v14 =	vld [tilespmem:s5+$0x50]  }
0x140: {  	v15 =	vld [tilespmem:s8+$0x20];
	_ =	sdelay $0x1  }
0x141: {  	v1 =	vadd.f32 v2, v1;
	v3 =	vadd.f32 v4, v3  }
0x142: {  	v13 =	vld [tilespmem:s5+$0x30];
	v6 =	vadd.f32 v6, v5;
	v7 =	vadd.f32 v8, v7  }
0x143: {  	v4 =	vld [tilespmem:s8+$0x10];
	v9 =	vadd.f32 v10, v9;
	v11 =	vadd.f32 v12, v11;
	v2 =	vmul.f32 $2.000000030e-01, v1  }
0x144: {  	s16 =	simm.s32 $0x5380;
	v14 =	vadd.f32 v15, v14;
	vm0 =	vgt.f32 v1, $0.0e+00;
	v16 =	vmul.f32 $2.000000030e-01, v6  }
0x145: {  	v21 =	vld [tilespmem:s16+$0x50];
	vm1 =	vgt.f32 v6, $0.0e+00;
	v17 =	vmul.f32 $2.000000030e-01, v7;
	v1 =	vsel vm0, v1, v2  }
0x146: {  	v8 =	vld [tilespmem:s5+$0xFFFFFFA0];
	v2 =	vmul.f32 $2.000000030e-01, v3;
	vm0 =	vgt.f32 v3, $0.0e+00;
	v6 =	vsel vm1, v6, v16  }
0x147: {  	v5 =	vld [tilespmem:s5+$0xFFFFFFC0];
	vm1 =	vgt.f32 v9, $0.0e+00;
	v16 =	vmul.f32 $2.000000030e-01, v9;
	v1 =	vsub.f32 v1, v0  }
0x148: {  	v12 =	vld [tilespmem:s5+$0x60];
	v6 =	vsub.f32 v6, v0;
	v13 =	vadd.f32 v4, v13;
	v2 =	vsel vm0, v3, v2  }
0x149: {  	v15 =	vld [tilespmem:s16+$0x70];
	vm0 =	vgt.f32 v7, $0.0e+00;
	v9 =	vsel vm1, v9, v16;
	v3 =	vmul.f32 $1.442695020e+00, v1  }
0x14a: {  	v4 =	vld [tilespmem:s5+$0x40];
	v10 =	vsub.f32 v2, v0;
	v7 =	vsel vm0, v7, v17;
	vm0 =	vgt.f32 v11, $0.0e+00  }
0x14b: {  	v16 =	vld [tilespmem:s5+$0xFFFFFF80];
	v17 =	vmul.f32 $2.000000030e-01, v11;
	vm1 =	vgt.f32 v13, $0.0e+00;
	v18 =	vmul.f32 $2.000000030e-01, v13  }
0x14c: {  	v1 =	vld [tilespmem:s5+$0xFFFFFFE0];
	v7 =	vsub.f32 v7, v0;
	(erf) = vpow2.f32 v3;
	v10 =	vmul.f32 $1.442695020e+00, v10  }
0x14d: {  	s11 =	simm.s32 $0x92C0;
	v11 =	vsel vm0, v11, v17;
	v13 =	vsel vm1, v13, v18;
	v17 =	vmul.f32 $2.000000030e-01, v14;
	v18 =	vld [tilespmem:s16+$0xFFFFFF90]  }
0x14e: {  	v6 =	vmul.f32 $1.442695020e+00, v6;
	vm0 =	vgt.f32 v14, $0.0e+00;
	(erf) = vpow2.f32 v10;
	v10 =	vld [tilespmem:s11+$0x30]  }
0x14f: {  	v9 =	vsub.f32 v9, v0;
	v7 =	vmul.f32 $1.442695020e+00, v7;
	v14 =	vsel vm0, v14, v17;
	v17 =	vld [tilespmem:s16+$0xFFFFFFB0]  }
0x150: {  	v11 =	vsub.f32 v11, v0;
	(erf) = vpow2.f32 v6;
	v6 =	vld [tilespmem:s11+$0xFFFFFFC0]  }
0x151: {  	v9 =	vmul.f32 $1.442695020e+00, v9;
	v13 =	vsub.f32 v13, v0;
	(erf) = vpow2.f32 v7;
	v7 =	vld [tilespmem:s11+$0xFFFFFFD0]  }
0x152: {  	v2 =	vld [tilespmem:s5+$0x0];
	v11 =	vmul.f32 $1.442695020e+00, v11;
	v14 =	vsub.f32 v14, v0  }
0x153: {  	v13 =	vmul.f32 $1.442695020e+00, v13;
	(erf) = vpow2.f32 v9;
	v9 =	vld [tilespmem:s16+$0xFFFFFFD0];
	v10 =	vadd.f32 v10, v15  }
0x154: {  	v14 =	vmul.f32 $1.442695020e+00, v14;
	(erf) = vpow2.f32 v11;
	v11 =	vld [tilespmem:s11+$0xFFFFFFE0]  }
0x155: {  	(erf) = vpow2.f32 v13;
	v13 =	vld [tilespmem:s16+$0xFFFFFFF0];
	v6 =	vadd.f32 v6, v18;
	v18 =	vmul.f32 $2.000000030e-01, v10  }
0x156: {  	(erf) = vpow2.f32 v14;
	v15 =	vpop (erf);
	vm0 =	vgt.f32 v10, $0.0e+00;
	v7 =	vadd.f32 v7, v17;
	v17 =	vld [tilespmem:s16+$0x10]  }
0x157: {  	v15 =	vmul.f32 v15, v12;
	v12 =	vld [tilespmem:s11+$0xFFFFFFF0];
	v19 =	vmul.f32 $2.000000030e-01, v6;
	v10 =	vsel vm0, v10, v18  }
0x158: {  	v14 =	vpop (erf);
	vm0 =	vgt.f32 v6, $0.0e+00;
	v18 =	vld [tilespmem:s11+$0x0];
	vm1 =	vgt.f32 v7, $0.0e+00;
	v10 =	vsub.f32 v10, v0  }
0x159: {  	v20 =	vmul.f32 $2.000000030e-01, v7;
	v9 =	vadd.f32 v11, v9;
	v11 =	vld [tilespmem:s16+$0x30];
	v14 =	vmul.f32 v14, v16;
	v16 =	vpop (erf)  }
0x15a: {  	v6 =	vsel vm0, v6, v19;
	v19 =	vld [tilespmem:s11+$0x10];
	v16 =	vmul.f32 v16, v8;
	v10 =	vmul.f32 $1.442695020e+00, v10  }
0x15b: {  	vm0 =	vgt.f32 v9, $0.0e+00;
	v8 =	vmul.f32 $2.000000030e-01, v9;
	v7 =	vsel vm1, v7, v20;
	v20 =	vld [tilespmem:s11+$0x20]  }
0x15c: {  	s12 =	simm.s32 $0xB240;
	v3 =	vld [tilespmem:s5+$0x20];
	v13 =	vadd.f32 v12, v13;
	v12 =	vsub.f32 v6, v0;
	(erf) = vpow2.f32 v10  }
0x15d: {  	[tilespmem:s12+$0x30] =	vst v15;
	v15 =	vld [tilespmem:s16+$0x20];
	v23 =	vsub.f32 v7, v0;
	v8 =	vsel vm0, v9, v8;
	v22 =	vadd.f32 v18, v17  }
0x15e: {  	v7 =	vld [tilespmem:s16+$0xFFFFFFE0];
	vm1 =	vgt.f32 v13, $0.0e+00;
	v10 =	vmul.f32 $2.000000030e-01, v13;
	v18 =	vmul.f32 $1.442695020e+00, v12  }
0x15f: {  	[tilespmem:s12+$0xFFFFFFC0] =	vst v14;
	v14 =	vld [tilespmem:s16+$0x40];
	v25 =	vadd.f32 v19, v11;
	v19 =	vmul.f32 $1.442695020e+00, v23;
	v11 =	vsub.f32 v8, v0  }
0x160: {  	v17 =	vpop (erf);
	v12 =	vld [tilespmem:s16+$0xFFFFFFC0];
	vm0 =	vgt.f32 v22, $0.0e+00;
	v24 =	vmul.f32 $2.000000030e-01, v22;
	v23 =	vadd.f32 v20, v21  }
0x161: {  	v8 =	vpop (erf);
	v21 =	vld [tilespmem:s16+$0x60];
	v13 =	vsel vm1, v13, v10;
	vm1 =	vgt.f32 v25, $0.0e+00;
	v26 =	vmul.f32 $2.000000030e-01, v25  }
0x162: {  	v6 =	vld [tilespmem:s16+$0xFFFFFFA0];
	v20 =	vmul.f32 $1.442695020e+00, v11;
	v27 =	vsub.f32 v13, v0;
	v24 =	vsel vm0, v22, v24;
	v10 =	vpop (erf)  }
0x163: {  	v9 =	vld [tilespmem:s16+$0x0];
	vm0 =	vgt.f32 v23, $0.0e+00;
	v28 =	vsel vm1, v25, v26;
	v26 =	vmul.f32 $2.000000030e-01, v23;
	v11 =	vpop (erf)  }
0x164: {  	s13 =	simm.s32 $0x5480;
	s8 =	simm.s32 $0x8;
	s5 =	simm.s32 $0xB240;
	[tilespmem:s12+$0xFFFFFFD0] =	vst v16;
	v16 =	vld [tilespmem:s16+$0xFFFFFF80];
	v25 =	vsub.f32 v24, v0;
	v22 =	vmul.f32 $1.442695020e+00, v27;
	v24 =	vsub.f32 v28, v0;
	v13 =	vpop (erf)  }
.LBB2_7:
0x165: {  	v27 =	vld [tilespmem:s13+$0x70];
	v23 =	vsel vm0, v23, v26;
	s11 =	sadd.s32 $0x80, s11;
	(erf) = vpow2.f32 v18;
	v18 =	vpop (erf);
	v17 =	vmul.f32 v17, v5  }
0x166: {  	s8 =	sadd.s32 $0x8, s8;
	v5 =	vmovc v12;
	v26 =	vld [tilespmem:s11+$0x30];
	v25 =	vmul.f32 $1.442695020e+00, v25;
	v23 =	vsub.f32 v23, v0;
	v18 =	vmul.f32 v18, v21  }
0x167: {  	s5 =	sadd.s32 $0x80, s5;
	p0 =	slt.u32 s8, $0xF8;
	v21 =	vmul.f32 $1.442695020e+00, v24;
	v12 =	vld [tilespmem:s13+$0xFFFFFF90];
	(erf) = vpow2.f32 v19;
	[tilespmem:s12+$0xFFFFFFE0] =	vst v17  }
0x168: {  	v17 =	vld [tilespmem:s11+$0xFFFFFFC0];
	v19 =	vmul.f32 $1.442695020e+00, v23;
	[tilespmem:s5+$0x30] =	vst v18;
	(erf) = vpow2.f32 v20  }
0x169: {  	v8 =	vmul.f32 v8, v1;
	v1 =	vmov v7;
	v18 =	vld [tilespmem:s13+$0xFFFFFFB0];
	(erf) = vpow2.f32 v22  }
0x16a: {  	v10 =	vmul.f32 v10, v2;
	v2 =	vmov v9;
	v7 =	vld [tilespmem:s11+$0xFFFFFFD0];
	(erf) = vpow2.f32 v25  }
0x16b: {  	v9 =	vld [tilespmem:s13+$0xFFFFFFD0];
	v20 =	vadd.f32 v26, v27;
	(erf) = vpow2.f32 v21;
	[tilespmem:s12+$0xFFFFFFF0] =	vst v8;
	v21 =	vmul.f32 v11, v3;
	v3 =	vmovc v15  }
0x16c: {  	v11 =	vld [tilespmem:s11+$0xFFFFFFE0];
	(erf) = vpow2.f32 v19;
	[tilespmem:s12+$0x0] =	vst v10;
	v10 =	vmul.f32 v13, v4;
	v4 =	vmov v14  }
0x16d: {  	v12 =	vadd.f32 v17, v12;
	v13 =	vld [tilespmem:s13+$0xFFFFFFF0];
	v14 =	vmul.f32 $2.000000030e-01, v20;
	[tilespmem:s12+$0x10] =	vst v21  }
0x16e: {  	vm0 =	vgt.f32 v20, $0.0e+00;
	v15 =	vld [tilespmem:s11+$0xFFFFFFF0];
	v8 =	vpop (erf);
	[tilespmem:s12+$0x20] =	vst v10;
	s12 =	smov.u32 s5  }
0x16f: {  	v10 =	vmul.f32 $2.000000030e-01, v12;
	v7 =	vadd.f32 v7, v18;
	v18 =	vld [tilespmem:s13+$0x10];
	v14 =	vsel vm0, v20, v14  }
0x170: {  	vm0 =	vgt.f32 v12, $0.0e+00;
	v23 =	vmul.f32 v8, v16;
	v19 =	vld [tilespmem:s11+$0x0];
	v14 =	vsub.f32 v14, v0;
	v16 =	vpop (erf)  }
0x171: {  	vm1 =	vgt.f32 v7, $0.0e+00;
	v20 =	vmul.f32 $2.000000030e-01, v7;
	v9 =	vadd.f32 v11, v9;
	v21 =	vld [tilespmem:s13+$0x30];
	v17 =	vpop (erf)  }
0x172: {  	v24 =	vsel vm0, v12, v10;
	v6 =	vmul.f32 v16, v6;
	v22 =	vld [tilespmem:s11+$0x10];
	v12 =	vmul.f32 $1.442695020e+00, v14;
	[tilespmem:s5+$0xFFFFFFC0] =	vst v23;
	v8 =	vpop (erf)  }
0x173: {  	vm0 =	vgt.f32 v9, $0.0e+00;
	v14 =	vmul.f32 $2.000000030e-01, v9;
	v15 =	vadd.f32 v15, v13;
	v16 =	vld [tilespmem:s13+$0x50];
	v10 =	vpop (erf)  }
0x174: {  	v23 =	vsub.f32 v24, v0;
	v7 =	vsel vm1, v7, v20;
	v20 =	vld [tilespmem:s11+$0x20];
	(erf) = vpow2.f32 v12;
	[tilespmem:s5+$0xFFFFFFD0] =	vst v6;
	v11 =	vpop (erf)  }
0x175: {  	v6 =	vld [tilespmem:s13+$0xFFFFFFA0];
	vm1 =	vgt.f32 v15, $0.0e+00;
	v24 =	vmul.f32 $2.000000030e-01, v15;
	v25 =	vadd.f32 v19, v18;
	v13 =	vpop (erf)  }
0x176: {  	v18 =	vmul.f32 $1.442695020e+00, v23;
	v19 =	vsub.f32 v7, v0;
	v9 =	vsel vm0, v9, v14;
	v12 =	vld [tilespmem:s13+$0xFFFFFFC0]  }
0x177: {  	v7 =	vld [tilespmem:s13+$0xFFFFFFE0];
	vm0 =	vgt.f32 v25, $0.0e+00;
	v14 =	vmul.f32 $2.000000030e-01, v25;
	v22 =	vadd.f32 v22, v21  }
.Ltmp2:
0x178: {  	v26 =	vsub.f32 v9, v0;
	v19 =	vmul.f32 $1.442695020e+00, v19;
	v15 =	vsel vm1, v15, v24;
	v9 =	vld [tilespmem:s13+$0x0];
	(pc) =	sbr.rel @p0 .LBB2_7-.Ltmp2, $4  }
0x179: {  	vm1 =	vgt.f32 v22, $0.0e+00;
	v24 =	vmul.f32 $2.000000030e-01, v22;
	v23 =	vadd.f32 v20, v16;
	v21 =	vld [tilespmem:s13+$0x60]  }
0x17a: {  	v27 =	vsub.f32 v15, v0;
	v20 =	vmul.f32 $1.442695020e+00, v26;
	v25 =	vsel vm0, v25, v14;
	v15 =	vld [tilespmem:s13+$0x20]  }
0x17b: {  	v24 =	vsel vm1, v22, v24;
	v14 =	vld [tilespmem:s13+$0x40];
	vm0 =	vgt.f32 v23, $0.0e+00;
	v26 =	vmul.f32 $2.000000030e-01, v23  }
0x17c: {  	v25 =	vsub.f32 v25, v0;
	v22 =	vmul.f32 $1.442695020e+00, v27;
	v16 =	vld [tilespmem:s13+$0xFFFFFF80];
	v24 =	vsub.f32 v24, v0;
	s13 =	sadd.s32 $0x100, s13  }
0x17d: {  	(erf) = vpow2.f32 v18;
	_ =	sdelay $0x1  }
0x17e: {  	(erf) = vpow2.f32 v19  }
0x17f: {  	v18 =	vsel vm0, v23, v26;
	v5 =	vmul.f32 v17, v5;
	v1 =	vmul.f32 v8, v1  }
0x180: {  	v17 =	vmul.f32 $1.442695020e+00, v25;
	v18 =	vsub.f32 v18, v0;
	(erf) = vpow2.f32 v20  }
0x181: {  	v19 =	vmul.f32 $1.442695020e+00, v24;
	(erf) = vpow2.f32 v22  }
0x182: {  	v18 =	vmul.f32 $1.442695020e+00, v18;
	(erf) = vpow2.f32 v17  }
0x183: {  	v2 =	vmul.f32 v10, v2;
	(erf) = vpow2.f32 v19  }
0x184: {  	v20 =	vpop (erf);
	[tilespmem:s12+$0xFFFFFFF0] =	vst v1;
	v1 =	vmul.f32 v11, v3;
	(erf) = vpow2.f32 v18  }
0x185: {  	[tilespmem:s12+$0x0] =	vst v2;
	v2 =	vmul.f32 v13, v4;
	v3 =	vpop (erf)  }
0x186: {  	[tilespmem:s12+$0x10] =	vst v1;
	v1 =	vmul.f32 v3, v16  }
0x187: {  	[tilespmem:s12+$0xFFFFFFE0] =	vst v5;
	v17 =	vmul.f32 v20, v21;
	v3 =	vpop (erf)  }
0x188: {  	s5 =	sadd.s32 $0x80, s5;
	[tilespmem:s12+$0x20] =	vst v2;
	v3 =	vmul.f32 v3, v6  }
0x189: {  	[tilespmem:s5+$0x30] =	vst v17;
	v2 =	vpop (erf)  }
0x18a: {  	[tilespmem:s5+$0xFFFFFFC0] =	vst v1;
	v2 =	vmul.f32 v2, v12;
	v1 =	vpop (erf)  }
0x18b: {  	[tilespmem:s5+$0xFFFFFFD0] =	vst v3;
	v4 =	vpop (erf);
	v1 =	vmul.f32 v1, v7  }
0x18c: {  	[tilespmem:s5+$0xFFFFFFE0] =	vst v2;
	v3 =	vpop (erf);
	v2 =	vmul.f32 v4, v9  }
0x18d: {  	v4 =	vpop (erf);
	[tilespmem:s5+$0xFFFFFFF0] =	vst v1;
	v1 =	vmul.f32 v3, v15  }
0x18e: {  	s11 =	sshll.u32 s10, $0x9;
	[tilespmem:s5+$0x0] =	vst v2;
	v2 =	vmul.f32 v4, v14  }
0x18f: {  	s12 =	sand.u32 $0x3FFFFE00, s11;
	[tilespmem:s5+$0x10] =	vst v1  }
0x190: {  	s9 =	sadd.s32 $0x2900, s12;
	[tilespmem:s5+$0x20] =	vst v2  }
0x191: {  	[spmem:s4] =	stream.indirect.scatter.add.f32 [tilespmem:s3], [sflag:$0x5], $0x10, s9, s17, $0xb8;
	[tilespmem:$0xF990] =	vst v63  }
0x192: {  	s13 =	sadd.s32 $0x2980, s12  }
0x193: {  	[spmem:s4] =	stream.indirect.scatter.add.f32 [tilespmem:s15], [sflag:$0x5], $0x10, s13, s17, $0xb8;
	[tilespmem:$0xF990] =	vst v63  }
0x194: {  	s16 =	sadd.s32 $0x200, s11  }
0x195: {  	[tilespmem:s18], [sflag:$0x1] =	stream.indirect.gather [hbm4b:s1+s17], $0x20, s16, s17, $0xb8;
	[tilespmem:$0xF990] =	vst v63  }
0x196: {  	s8 =	sadd.s32 $0x2B00, s11  }
0x197: {  	[tilespmem:s19], [sflag:$0x3] =	stream.indirect.gather [hbm4b:s6+s17], $0x10, s8, s17, $0xb8;
	[tilespmem:$0xF990] =	vst v63  }
0x198: {  	s9 =	sadd.s32 $0x280, s11  }
0x199: {  	[tilespmem:s20], [sflag:$0x1] =	stream.indirect.gather [hbm4b:s1+s17], $0x20, s9, s17, $0xb8;
	[tilespmem:$0xF990] =	vst v63  }
0x19a: {  	s13 =	sadd.s32 $0x2B80, s11  }
0x19b: {  	[tilespmem:s22], [sflag:$0x3] =	stream.indirect.gather [hbm4b:s6+s17], $0x10, s13, s17, $0xb8;
	[tilespmem:$0xF990] =	vst v63  }
0x19c: {  	_ =	swait.ge [sflag:s23], $0x1000  }
0x19d: {  	[sflag:s23] =	ssyncset.done $0x0  }
0x19e: {  	[sflag:s23] =	ssyncadd.s32 $0xFFFFF000  }
0x19f: {  	_ =	swait.ge [sflag:s28], $0x800  }
0x1a0: {  	[sflag:s28] =	ssyncset.done $0x0  }
0x1a1: {  	[sflag:s28] =	ssyncadd.s32 $0xFFFFF800  }
0x1a2: {  	_ =	swait.ge [sflag:s23], $0x1000  }
0x1a3: {  	[sflag:s23] =	ssyncset.done $0x0  }
0x1a4: {  	[sflag:s23] =	ssyncadd.s32 $0xFFFFF000  }
0x1a5: {  	_ =	swait.ge [sflag:s28], $0x800  }
0x1a6: {  	[sflag:s28] =	ssyncset.done $0x0  }
0x1a7: {  	[sflag:s28] =	ssyncadd.s32 $0xFFFFF800  }
0x1a8: {  	_ =	swait.ge [sflag:s7], $0x800  }
0x1a9: {  	[sflag:s7] =	ssyncset.done $0x0  }
0x1aa: {  	[sflag:s7] =	ssyncadd.s32 $0xFFFFF800  }
0x1ab: {  	_ =	swait.ge [sflag:s7], $0x800  }
0x1ac: {  	[sflag:s7] =	ssyncset.done $0x0  }
0x1ad: {  	s16 =	simm.s32 $0x7280;
	[sflag:s7] =	ssyncadd.s32 $0xFFFFF800  }
0x1ae: {  	s8 =	simm.s32 $0xA240;
	v1 =	vld [tilespmem:s16+$0x70]  }
0x1af: {  	v2 =	vld [tilespmem:s8+$0x30]  }
0x1b0: {  	v3 =	vld [tilespmem:s16+$0xFFFFFF90]  }
0x1b1: {  	v4 =	vld [tilespmem:s8+$0xFFFFFFC0]  }
0x1b2: {  	v5 =	vld [tilespmem:s16+$0xFFFFFFB0]  }
0x1b3: {  	v6 =	vld [tilespmem:s8+$0xFFFFFFD0]  }
0x1b4: {  	v7 =	vld [tilespmem:s16+$0xFFFFFFD0]  }
0x1b5: {  	v8 =	vld [tilespmem:s8+$0xFFFFFFE0]  }
0x1b6: {  	v9 =	vld [tilespmem:s16+$0xFFFFFFF0]  }
0x1b7: {  	v10 =	vld [tilespmem:s8+$0xFFFFFFF0]  }
0x1b8: {  	v11 =	vld [tilespmem:s16+$0x10]  }
0x1b9: {  	v12 =	vld [tilespmem:s8+$0x0]  }
0x1ba: {  	v14 =	vld [tilespmem:s16+$0x50]  }
0x1bb: {  	v15 =	vld [tilespmem:s8+$0x20];
	_ =	sdelay $0x1  }
0x1bc: {  	v1 =	vadd.f32 v2, v1;
	v3 =	vadd.f32 v4, v3  }
0x1bd: {  	v13 =	vld [tilespmem:s16+$0x30];
	v6 =	vadd.f32 v6, v5;
	v7 =	vadd.f32 v8, v7  }
0x1be: {  	v4 =	vld [tilespmem:s8+$0x10];
	v9 =	vadd.f32 v10, v9;
	v11 =	vadd.f32 v12, v11;
	v2 =	vmul.f32 $2.000000030e-01, v1  }
0x1bf: {  	v8 =	vld [tilespmem:s16+$0xFFFFFFA0];
	v14 =	vadd.f32 v15, v14;
	vm0 =	vgt.f32 v1, $0.0e+00;
	v16 =	vmul.f32 $2.000000030e-01, v6  }
0x1c0: {  	v5 =	vld [tilespmem:s16+$0xFFFFFFC0];
	vm1 =	vgt.f32 v6, $0.0e+00;
	v17 =	vmul.f32 $2.000000030e-01, v7;
	v1 =	vsel vm0, v1, v2  }
0x1c1: {  	s9 =	simm.s32 $0x7380;
	v12 =	vld [tilespmem:s16+$0x60];
	v2 =	vmul.f32 $2.000000030e-01, v3;
	vm0 =	vgt.f32 v3, $0.0e+00;
	v6 =	vsel vm1, v6, v16  }
0x1c2: {  	v15 =	vld [tilespmem:s9+$0x70];
	vm1 =	vgt.f32 v9, $0.0e+00;
	v16 =	vmul.f32 $2.000000030e-01, v9;
	v1 =	vsub.f32 v1, v0  }
0x1c3: {  	v6 =	vsub.f32 v6, v0;
	v13 =	vadd.f32 v4, v13;
	v4 =	vld [tilespmem:s16+$0x40];
	v2 =	vsel vm0, v3, v2  }
0x1c4: {  	vm0 =	vgt.f32 v7, $0.0e+00;
	v9 =	vsel vm1, v9, v16;
	v16 =	vld [tilespmem:s16+$0xFFFFFF80];
	v3 =	vmul.f32 $1.442695020e+00, v1  }
0x1c5: {  	v1 =	vld [tilespmem:s16+$0xFFFFFFE0];
	v10 =	vsub.f32 v2, v0;
	v7 =	vsel vm0, v7, v17;
	vm0 =	vgt.f32 v11, $0.0e+00  }
0x1c6: {  	v2 =	vld [tilespmem:s16+$0x0];
	v17 =	vmul.f32 $2.000000030e-01, v11;
	vm1 =	vgt.f32 v13, $0.0e+00;
	v18 =	vmul.f32 $2.000000030e-01, v13  }
0x1c7: {  	v7 =	vsub.f32 v7, v0;
	(erf) = vpow2.f32 v3;
	v10 =	vmul.f32 $1.442695020e+00, v10;
	v3 =	vld [tilespmem:s16+$0x20]  }
0x1c8: {  	s16 =	simm.s32 $0xA2C0;
	v11 =	vsel vm0, v11, v17;
	v13 =	vsel vm1, v13, v18;
	v17 =	vmul.f32 $2.000000030e-01, v14;
	v18 =	vld [tilespmem:s9+$0xFFFFFF90]  }
0x1c9: {  	v6 =	vmul.f32 $1.442695020e+00, v6;
	vm0 =	vgt.f32 v14, $0.0e+00;
	(erf) = vpow2.f32 v10;
	v10 =	vld [tilespmem:s16+$0x30]  }
0x1ca: {  	v9 =	vsub.f32 v9, v0;
	v7 =	vmul.f32 $1.442695020e+00, v7;
	v14 =	vsel vm0, v14, v17;
	v17 =	vld [tilespmem:s9+$0xFFFFFFB0]  }
0x1cb: {  	v11 =	vsub.f32 v11, v0;
	(erf) = vpow2.f32 v6;
	v6 =	vld [tilespmem:s16+$0xFFFFFFC0]  }
0x1cc: {  	v9 =	vmul.f32 $1.442695020e+00, v9;
	v13 =	vsub.f32 v13, v0;
	(erf) = vpow2.f32 v7;
	v7 =	vld [tilespmem:s16+$0xFFFFFFD0]  }
0x1cd: {  	v21 =	vld [tilespmem:s9+$0x50];
	v11 =	vmul.f32 $1.442695020e+00, v11;
	v14 =	vsub.f32 v14, v0  }
0x1ce: {  	v13 =	vmul.f32 $1.442695020e+00, v13;
	(erf) = vpow2.f32 v9;
	v9 =	vld [tilespmem:s9+$0xFFFFFFD0];
	v10 =	vadd.f32 v10, v15  }
0x1cf: {  	v14 =	vmul.f32 $1.442695020e+00, v14;
	(erf) = vpow2.f32 v11;
	v11 =	vld [tilespmem:s16+$0xFFFFFFE0]  }
0x1d0: {  	v6 =	vadd.f32 v6, v18;
	v15 =	vpop (erf);
	(erf) = vpow2.f32 v13;
	v13 =	vld [tilespmem:s9+$0xFFFFFFF0];
	v18 =	vmul.f32 $2.000000030e-01, v10  }
0x1d1: {  	vm0 =	vgt.f32 v10, $0.0e+00;
	v7 =	vadd.f32 v7, v17;
	v17 =	vld [tilespmem:s9+$0x10];
	v15 =	vmul.f32 v15, v12  }
0x1d2: {  	(erf) = vpow2.f32 v14;
	v12 =	vld [tilespmem:s16+$0xFFFFFFF0];
	v19 =	vmul.f32 $2.000000030e-01, v6;
	v10 =	vsel vm0, v10, v18  }
0x1d3: {  	v14 =	vpop (erf);
	vm0 =	vgt.f32 v6, $0.0e+00;
	v18 =	vld [tilespmem:s16+$0x0];
	vm1 =	vgt.f32 v7, $0.0e+00;
	v10 =	vsub.f32 v10, v0  }
0x1d4: {  	v20 =	vmul.f32 $2.000000030e-01, v7;
	v9 =	vadd.f32 v11, v9;
	v11 =	vld [tilespmem:s9+$0x30];
	v14 =	vmul.f32 v14, v16;
	v16 =	vpop (erf)  }
0x1d5: {  	v6 =	vsel vm0, v6, v19;
	v19 =	vld [tilespmem:s16+$0x10];
	v16 =	vmul.f32 v16, v8;
	v10 =	vmul.f32 $1.442695020e+00, v10  }
0x1d6: {  	vm0 =	vgt.f32 v9, $0.0e+00;
	v8 =	vmul.f32 $2.000000030e-01, v9;
	v7 =	vsel vm1, v7, v20;
	v20 =	vld [tilespmem:s16+$0x20]  }
0x1d7: {  	s5 =	simm.s32 $0xC240;
	v13 =	vadd.f32 v12, v13;
	v12 =	vsub.f32 v6, v0;
	(erf) = vpow2.f32 v10  }
0x1d8: {  	[tilespmem:s5+$0x30] =	vst v15;
	v15 =	vld [tilespmem:s9+$0x20];
	v23 =	vsub.f32 v7, v0;
	v8 =	vsel vm0, v9, v8;
	v22 =	vadd.f32 v18, v17  }
0x1d9: {  	v7 =	vld [tilespmem:s9+$0xFFFFFFE0];
	vm1 =	vgt.f32 v13, $0.0e+00;
	v10 =	vmul.f32 $2.000000030e-01, v13;
	v18 =	vmul.f32 $1.442695020e+00, v12  }
0x1da: {  	[tilespmem:s5+$0xFFFFFFC0] =	vst v14;
	v14 =	vld [tilespmem:s9+$0x40];
	v25 =	vadd.f32 v19, v11;
	v19 =	vmul.f32 $1.442695020e+00, v23;
	v11 =	vsub.f32 v8, v0  }
0x1db: {  	v17 =	vpop (erf);
	v12 =	vld [tilespmem:s9+$0xFFFFFFC0];
	vm0 =	vgt.f32 v22, $0.0e+00;
	v24 =	vmul.f32 $2.000000030e-01, v22;
	v23 =	vadd.f32 v20, v21  }
0x1dc: {  	v8 =	vpop (erf);
	v21 =	vld [tilespmem:s9+$0x60];
	v13 =	vsel vm1, v13, v10;
	vm1 =	vgt.f32 v25, $0.0e+00;
	v26 =	vmul.f32 $2.000000030e-01, v25  }
0x1dd: {  	v6 =	vld [tilespmem:s9+$0xFFFFFFA0];
	v20 =	vmul.f32 $1.442695020e+00, v11;
	v27 =	vsub.f32 v13, v0;
	v24 =	vsel vm0, v22, v24;
	v10 =	vpop (erf)  }
0x1de: {  	v9 =	vld [tilespmem:s9+$0x0];
	vm0 =	vgt.f32 v23, $0.0e+00;
	v28 =	vsel vm1, v25, v26;
	v26 =	vmul.f32 $2.000000030e-01, v23;
	v11 =	vpop (erf)  }
0x1df: {  	s13 =	simm.s32 $0x8;
	s8 =	simm.s32 $0xC240;
	[tilespmem:s5+$0xFFFFFFD0] =	vst v16;
	v16 =	vld [tilespmem:s9+$0xFFFFFF80];
	s9 =	simm.s32 $0x7480;
	v25 =	vsub.f32 v24, v0;
	v22 =	vmul.f32 $1.442695020e+00, v27;
	v24 =	vsub.f32 v28, v0;
	v13 =	vpop (erf)  }
.LBB2_9:
0x1e0: {  	v27 =	vld [tilespmem:s9+$0x70];
	v23 =	vsel vm0, v23, v26;
	s16 =	sadd.s32 $0x80, s16;
	(erf) = vpow2.f32 v18;
	v18 =	vpop (erf);
	v17 =	vmul.f32 v17, v5  }
0x1e1: {  	s13 =	sadd.s32 $0x8, s13;
	v5 =	vmovc v12;
	v26 =	vld [tilespmem:s16+$0x30];
	v25 =	vmul.f32 $1.442695020e+00, v25;
	v23 =	vsub.f32 v23, v0;
	v18 =	vmul.f32 v18, v21  }
0x1e2: {  	s8 =	sadd.s32 $0x80, s8;
	p0 =	slt.u32 s13, $0xF8;
	v21 =	vmul.f32 $1.442695020e+00, v24;
	v12 =	vld [tilespmem:s9+$0xFFFFFF90];
	(erf) = vpow2.f32 v19;
	[tilespmem:s5+$0xFFFFFFE0] =	vst v17  }
0x1e3: {  	v17 =	vld [tilespmem:s16+$0xFFFFFFC0];
	v19 =	vmul.f32 $1.442695020e+00, v23;
	[tilespmem:s8+$0x30] =	vst v18;
	(erf) = vpow2.f32 v20  }
0x1e4: {  	v8 =	vmul.f32 v8, v1;
	v1 =	vmov v7;
	v18 =	vld [tilespmem:s9+$0xFFFFFFB0];
	(erf) = vpow2.f32 v22  }
0x1e5: {  	v10 =	vmul.f32 v10, v2;
	v2 =	vmov v9;
	v7 =	vld [tilespmem:s16+$0xFFFFFFD0];
	(erf) = vpow2.f32 v25  }
0x1e6: {  	v9 =	vld [tilespmem:s9+$0xFFFFFFD0];
	v20 =	vadd.f32 v26, v27;
	(erf) = vpow2.f32 v21;
	[tilespmem:s5+$0xFFFFFFF0] =	vst v8;
	v21 =	vmul.f32 v11, v3;
	v3 =	vmovc v15  }
0x1e7: {  	v11 =	vld [tilespmem:s16+$0xFFFFFFE0];
	(erf) = vpow2.f32 v19;
	[tilespmem:s5+$0x0] =	vst v10;
	v10 =	vmul.f32 v13, v4;
	v4 =	vmov v14  }
0x1e8: {  	v12 =	vadd.f32 v17, v12;
	v13 =	vld [tilespmem:s9+$0xFFFFFFF0];
	v14 =	vmul.f32 $2.000000030e-01, v20;
	[tilespmem:s5+$0x10] =	vst v21  }
0x1e9: {  	vm0 =	vgt.f32 v20, $0.0e+00;
	v15 =	vld [tilespmem:s16+$0xFFFFFFF0];
	v8 =	vpop (erf);
	[tilespmem:s5+$0x20] =	vst v10;
	s5 =	smov.u32 s8  }
0x1ea: {  	v10 =	vmul.f32 $2.000000030e-01, v12;
	v7 =	vadd.f32 v7, v18;
	v18 =	vld [tilespmem:s9+$0x10];
	v14 =	vsel vm0, v20, v14  }
0x1eb: {  	vm0 =	vgt.f32 v12, $0.0e+00;
	v23 =	vmul.f32 v8, v16;
	v19 =	vld [tilespmem:s16+$0x0];
	v14 =	vsub.f32 v14, v0;
	v16 =	vpop (erf)  }
0x1ec: {  	vm1 =	vgt.f32 v7, $0.0e+00;
	v20 =	vmul.f32 $2.000000030e-01, v7;
	v9 =	vadd.f32 v11, v9;
	v21 =	vld [tilespmem:s9+$0x30];
	v17 =	vpop (erf)  }
0x1ed: {  	v24 =	vsel vm0, v12, v10;
	v6 =	vmul.f32 v16, v6;
	v22 =	vld [tilespmem:s16+$0x10];
	v12 =	vmul.f32 $1.442695020e+00, v14;
	[tilespmem:s8+$0xFFFFFFC0] =	vst v23;
	v8 =	vpop (erf)  }
0x1ee: {  	vm0 =	vgt.f32 v9, $0.0e+00;
	v14 =	vmul.f32 $2.000000030e-01, v9;
	v15 =	vadd.f32 v15, v13;
	v16 =	vld [tilespmem:s9+$0x50];
	v10 =	vpop (erf)  }
0x1ef: {  	v23 =	vsub.f32 v24, v0;
	v7 =	vsel vm1, v7, v20;
	v20 =	vld [tilespmem:s16+$0x20];
	(erf) = vpow2.f32 v12;
	[tilespmem:s8+$0xFFFFFFD0] =	vst v6;
	v11 =	vpop (erf)  }
0x1f0: {  	v6 =	vld [tilespmem:s9+$0xFFFFFFA0];
	vm1 =	vgt.f32 v15, $0.0e+00;
	v24 =	vmul.f32 $2.000000030e-01, v15;
	v25 =	vadd.f32 v19, v18;
	v13 =	vpop (erf)  }
0x1f1: {  	v18 =	vmul.f32 $1.442695020e+00, v23;
	v19 =	vsub.f32 v7, v0;
	v9 =	vsel vm0, v9, v14;
	v12 =	vld [tilespmem:s9+$0xFFFFFFC0]  }
0x1f2: {  	v7 =	vld [tilespmem:s9+$0xFFFFFFE0];
	vm0 =	vgt.f32 v25, $0.0e+00;
	v14 =	vmul.f32 $2.000000030e-01, v25;
	v22 =	vadd.f32 v22, v21  }
.Ltmp3:
0x1f3: {  	v26 =	vsub.f32 v9, v0;
	v19 =	vmul.f32 $1.442695020e+00, v19;
	v15 =	vsel vm1, v15, v24;
	v9 =	vld [tilespmem:s9+$0x0];
	(pc) =	sbr.rel @p0 .LBB2_9-.Ltmp3, $4  }
0x1f4: {  	vm1 =	vgt.f32 v22, $0.0e+00;
	v24 =	vmul.f32 $2.000000030e-01, v22;
	v23 =	vadd.f32 v20, v16;
	v21 =	vld [tilespmem:s9+$0x60]  }
0x1f5: {  	v27 =	vsub.f32 v15, v0;
	v20 =	vmul.f32 $1.442695020e+00, v26;
	v25 =	vsel vm0, v25, v14;
	v15 =	vld [tilespmem:s9+$0x20]  }
0x1f6: {  	v24 =	vsel vm1, v22, v24;
	v14 =	vld [tilespmem:s9+$0x40];
	vm0 =	vgt.f32 v23, $0.0e+00;
	v26 =	vmul.f32 $2.000000030e-01, v23  }
0x1f7: {  	v25 =	vsub.f32 v25, v0;
	v22 =	vmul.f32 $1.442695020e+00, v27;
	v16 =	vld [tilespmem:s9+$0xFFFFFF80];
	v24 =	vsub.f32 v24, v0;
	s9 =	sadd.s32 $0x100, s9  }
0x1f8: {  	(erf) = vpow2.f32 v18;
	_ =	sdelay $0x1  }
0x1f9: {  	(erf) = vpow2.f32 v19  }
0x1fa: {  	v57 =	vsel vm0, v23, v26;
	v1 =	vmul.f32 v8, v1  }
0x1fb: {  	v58 =	vmul.f32 $1.442695020e+00, v25;
	v18 =	vsub.f32 v57, v0;
	(erf) = vpow2.f32 v20  }
0x1fc: {  	v59 =	vmul.f32 $1.442695020e+00, v24;
	(erf) = vpow2.f32 v22  }
0x1fd: {  	v60 =	vpop (erf);
	v18 =	vmul.f32 $1.442695020e+00, v18;
	(erf) = vpow2.f32 v58  }
0x1fe: {  	v2 =	vmul.f32 v10, v2;
	(erf) = vpow2.f32 v59  }
0x1ff: {  	[tilespmem:s5+$0xFFFFFFF0] =	vst v1;
	v1 =	vmul.f32 v11, v3;
	(erf) = vpow2.f32 v18  }
0x200: {  	v5 =	vmul.f32 v17, v5;
	[tilespmem:s5+$0x0] =	vst v2;
	v2 =	vmul.f32 v13, v4;
	v3 =	vpop (erf)  }
0x201: {  	v61 =	vmul.f32 v60, v21;
	[tilespmem:s5+$0x10] =	vst v1;
	v1 =	vmul.f32 v3, v16  }
0x202: {  	s8 =	sadd.s32 $0x80, s8;
	[tilespmem:s5+$0xFFFFFFE0] =	vst v5;
	v3 =	vpop (erf)  }
0x203: {  	[tilespmem:s8+$0x30] =	vst v61;
	v3 =	vmul.f32 v3, v6  }
0x204: {  	[tilespmem:s5+$0x20] =	vst v2;
	v2 =	vpop (erf)  }
0x205: {  	[tilespmem:s8+$0xFFFFFFC0] =	vst v1;
	v2 =	vmul.f32 v2, v12;
	v1 =	vpop (erf)  }
0x206: {  	[tilespmem:s8+$0xFFFFFFD0] =	vst v3;
	v62 =	vpop (erf);
	v1 =	vmul.f32 v1, v7  }
0x207: {  	[tilespmem:s8+$0xFFFFFFE0] =	vst v2;
	v3 =	vpop (erf);
	v2 =	vmul.f32 v62, v9  }
0x208: {  	v63 =	vpop (erf);
	[tilespmem:s8+$0xFFFFFFF0] =	vst v1;
	v1 =	vmul.f32 v3, v15  }
0x209: {  	p0 =	seq.s32 s10, $0x13;
	[tilespmem:s8+$0x0] =	vst v2;
	v2 =	vmul.f32 v63, v14  }
.Ltmp4:
0x20a: {  	[tilespmem:s8+$0x10] =	vst v1;
	(pc) =	sbr.rel @p0 .LBB2_12-.Ltmp4, $4  }
0x20b: {  	s13 =	sadd.s32 $0x2A00, s12;
	[tilespmem:s8+$0x20] =	vst v2  }
0x20c: {  	[spmem:s4] =	stream.indirect.scatter.add.f32 [tilespmem:s21], [sflag:$0x6], $0x10, s13, s17, $0xb8;
	[tilespmem:$0xF990] =	vst v63  }
0x20d: {  	s16 =	sadd.s32 $0x2A80, s12  }
0x20e: {  	[spmem:s4] =	stream.indirect.scatter.add.f32 [tilespmem:s25], [sflag:$0x6], $0x10, s16, s17, $0xb8;
	[tilespmem:$0xF990] =	vst v63  }
0x20f: {  	s5 =	sadd.s32 $0x300, s11  }
0x210: {  	[tilespmem:s24], [sflag:$0x2] =	stream.indirect.gather [hbm4b:s1+s17], $0x20, s5, s17, $0xb8;
	[tilespmem:$0xF990] =	vst v63  }
0x211: {  	s12 =	sadd.s32 $0x2C00, s11  }
0x212: {  	[tilespmem:s26], [sflag:$0x4] =	stream.indirect.gather [hbm4b:s6+s17], $0x10, s12, s17, $0xb8;
	[tilespmem:$0xF990] =	vst v63  }
.Ltmp5:
0x213: {  	_ = 	snop;
	(pc) =	sbr.rel .LBB2_6-.Ltmp5, $4  }
0x214: {  	s13 =	sadd.s32 $0x380, s11  }
0x215: {  	[tilespmem:s29], [sflag:$0x2] =	stream.indirect.gather [hbm4b:s1+s17], $0x20, s13, s17, $0xb8;
	[tilespmem:$0xF990] =	vst v63  }
0x216: {  	s16 =	sadd.s32 $0x2C80, s11;
	s10 =	sadd.s32 $0x1, s10  }
0x217: {  	[tilespmem:s31], [sflag:$0x4] =	stream.indirect.gather [hbm4b:s6+s17], $0x10, s16, s17, $0xb8;
	[tilespmem:$0xF990] =	vst v63  }
.LBB2_12:
0x218: {  	_ =	swait.ge [sflag:s2], $0x1000  }
0x219: {  	[sflag:s2] =	ssyncset.done $0x0  }
0x21a: {  	[sflag:s2] =	ssyncadd.s32 $0xFFFFF000  }
0x21b: {  	_ =	swait.ge [sflag:s0], $0x800  }
0x21c: {  	[sflag:s0] =	ssyncset.done $0x0  }
0x21d: {  	[sflag:s0] =	ssyncadd.s32 $0xFFFFF800  }
0x21e: {  	_ =	swait.ge [sflag:s2], $0x1000  }
0x21f: {  	[sflag:s2] =	ssyncset.done $0x0  }
0x220: {  	[sflag:s2] =	ssyncadd.s32 $0xFFFFF000  }
0x221: {  	_ =	swait.ge [sflag:s0], $0x800  }
0x222: {  	[sflag:s0] =	ssyncset.done $0x0  }
0x223: {  	[sflag:s0] =	ssyncadd.s32 $0xFFFFF800  }
0x224: {  	_ =	swait.ge [sflag:s30], $0x800  }
0x225: {  	[sflag:s30] =	ssyncset.done $0x0  }
0x226: {  	[sflag:s30] =	ssyncadd.s32 $0xFFFFF800  }
0x227: {  	_ =	swait.ge [sflag:s30], $0x800  }
0x228: {  	[sflag:s30] =	ssyncset.done $0x0  }
0x229: {  	s5 =	simm.s32 $0x5280;
	[sflag:s30] =	ssyncadd.s32 $0xFFFFF800  }
0x22a: {  	s8 =	simm.s32 $0x9240;
	v1 =	vld [tilespmem:s5+$0x70]  }
0x22b: {  	v2 =	vld [tilespmem:s8+$0x30]  }
0x22c: {  	v3 =	vld [tilespmem:s5+$0xFFFFFF90]  }
0x22d: {  	v4 =	vld [tilespmem:s8+$0xFFFFFFC0]  }
0x22e: {  	v5 =	vld [tilespmem:s5+$0xFFFFFFB0]  }
0x22f: {  	v6 =	vld [tilespmem:s8+$0xFFFFFFD0]  }
0x230: {  	v7 =	vld [tilespmem:s5+$0xFFFFFFD0]  }
0x231: {  	v8 =	vld [tilespmem:s8+$0xFFFFFFE0]  }
0x232: {  	v9 =	vld [tilespmem:s5+$0xFFFFFFF0]  }
0x233: {  	v10 =	vld [tilespmem:s8+$0xFFFFFFF0]  }
0x234: {  	v11 =	vld [tilespmem:s5+$0x10]  }
0x235: {  	v12 =	vld [tilespmem:s8+$0x0]  }
0x236: {  	v14 =	vld [tilespmem:s5+$0x50]  }
0x237: {  	v15 =	vld [tilespmem:s8+$0x20];
	_ =	sdelay $0x1  }
0x238: {  	v1 =	vadd.f32 v2, v1;
	v3 =	vadd.f32 v4, v3  }
0x239: {  	v13 =	vld [tilespmem:s5+$0x30];
	v6 =	vadd.f32 v6, v5;
	v7 =	vadd.f32 v8, v7  }
0x23a: {  	v4 =	vld [tilespmem:s8+$0x10];
	v9 =	vadd.f32 v10, v9;
	v11 =	vadd.f32 v12, v11;
	v2 =	vmul.f32 $2.000000030e-01, v1  }
0x23b: {  	s16 =	simm.s32 $0x5380;
	v14 =	vadd.f32 v15, v14;
	vm0 =	vgt.f32 v1, $0.0e+00;
	v16 =	vmul.f32 $2.000000030e-01, v6  }
0x23c: {  	v21 =	vld [tilespmem:s16+$0x50];
	vm1 =	vgt.f32 v6, $0.0e+00;
	v17 =	vmul.f32 $2.000000030e-01, v7;
	v1 =	vsel vm0, v1, v2  }
0x23d: {  	v8 =	vld [tilespmem:s5+$0xFFFFFFA0];
	v2 =	vmul.f32 $2.000000030e-01, v3;
	vm0 =	vgt.f32 v3, $0.0e+00;
	v6 =	vsel vm1, v6, v16  }
0x23e: {  	v5 =	vld [tilespmem:s5+$0xFFFFFFC0];
	vm1 =	vgt.f32 v9, $0.0e+00;
	v16 =	vmul.f32 $2.000000030e-01, v9;
	v1 =	vsub.f32 v1, v0  }
0x23f: {  	v12 =	vld [tilespmem:s5+$0x60];
	v6 =	vsub.f32 v6, v0;
	v13 =	vadd.f32 v4, v13;
	v2 =	vsel vm0, v3, v2  }
0x240: {  	v15 =	vld [tilespmem:s16+$0x70];
	vm0 =	vgt.f32 v7, $0.0e+00;
	v9 =	vsel vm1, v9, v16;
	v3 =	vmul.f32 $1.442695020e+00, v1  }
0x241: {  	v4 =	vld [tilespmem:s5+$0x40];
	v10 =	vsub.f32 v2, v0;
	v7 =	vsel vm0, v7, v17;
	vm0 =	vgt.f32 v11, $0.0e+00  }
0x242: {  	v16 =	vld [tilespmem:s5+$0xFFFFFF80];
	v17 =	vmul.f32 $2.000000030e-01, v11;
	vm1 =	vgt.f32 v13, $0.0e+00;
	v18 =	vmul.f32 $2.000000030e-01, v13  }
0x243: {  	v1 =	vld [tilespmem:s5+$0xFFFFFFE0];
	v7 =	vsub.f32 v7, v0;
	(erf) = vpow2.f32 v3;
	v10 =	vmul.f32 $1.442695020e+00, v10  }
0x244: {  	s10 =	simm.s32 $0x92C0;
	v11 =	vsel vm0, v11, v17;
	v13 =	vsel vm1, v13, v18;
	v17 =	vmul.f32 $2.000000030e-01, v14;
	v18 =	vld [tilespmem:s16+$0xFFFFFF90]  }
0x245: {  	v6 =	vmul.f32 $1.442695020e+00, v6;
	vm0 =	vgt.f32 v14, $0.0e+00;
	(erf) = vpow2.f32 v10;
	v10 =	vld [tilespmem:s10+$0x30]  }
0x246: {  	v9 =	vsub.f32 v9, v0;
	v7 =	vmul.f32 $1.442695020e+00, v7;
	v14 =	vsel vm0, v14, v17;
	v17 =	vld [tilespmem:s16+$0xFFFFFFB0]  }
0x247: {  	v11 =	vsub.f32 v11, v0;
	(erf) = vpow2.f32 v6;
	v6 =	vld [tilespmem:s10+$0xFFFFFFC0]  }
0x248: {  	v9 =	vmul.f32 $1.442695020e+00, v9;
	v13 =	vsub.f32 v13, v0;
	(erf) = vpow2.f32 v7;
	v7 =	vld [tilespmem:s10+$0xFFFFFFD0]  }
0x249: {  	v2 =	vld [tilespmem:s5+$0x0];
	v11 =	vmul.f32 $1.442695020e+00, v11;
	v14 =	vsub.f32 v14, v0  }
0x24a: {  	v13 =	vmul.f32 $1.442695020e+00, v13;
	(erf) = vpow2.f32 v9;
	v9 =	vld [tilespmem:s16+$0xFFFFFFD0];
	v10 =	vadd.f32 v10, v15  }
0x24b: {  	v14 =	vmul.f32 $1.442695020e+00, v14;
	(erf) = vpow2.f32 v11;
	v11 =	vld [tilespmem:s10+$0xFFFFFFE0]  }
0x24c: {  	(erf) = vpow2.f32 v13;
	v13 =	vld [tilespmem:s16+$0xFFFFFFF0];
	v6 =	vadd.f32 v6, v18;
	v18 =	vmul.f32 $2.000000030e-01, v10  }
0x24d: {  	(erf) = vpow2.f32 v14;
	v15 =	vpop (erf);
	vm0 =	vgt.f32 v10, $0.0e+00;
	v7 =	vadd.f32 v7, v17;
	v17 =	vld [tilespmem:s16+$0x10]  }
0x24e: {  	v15 =	vmul.f32 v15, v12;
	v12 =	vld [tilespmem:s10+$0xFFFFFFF0];
	v19 =	vmul.f32 $2.000000030e-01, v6;
	v10 =	vsel vm0, v10, v18  }
0x24f: {  	v14 =	vpop (erf);
	vm0 =	vgt.f32 v6, $0.0e+00;
	v18 =	vld [tilespmem:s10+$0x0];
	vm1 =	vgt.f32 v7, $0.0e+00;
	v10 =	vsub.f32 v10, v0  }
0x250: {  	v20 =	vmul.f32 $2.000000030e-01, v7;
	v9 =	vadd.f32 v11, v9;
	v11 =	vld [tilespmem:s16+$0x30];
	v14 =	vmul.f32 v14, v16;
	v16 =	vpop (erf)  }
0x251: {  	v6 =	vsel vm0, v6, v19;
	v19 =	vld [tilespmem:s10+$0x10];
	v16 =	vmul.f32 v16, v8;
	v10 =	vmul.f32 $1.442695020e+00, v10  }
0x252: {  	vm0 =	vgt.f32 v9, $0.0e+00;
	v8 =	vmul.f32 $2.000000030e-01, v9;
	v7 =	vsel vm1, v7, v20;
	v20 =	vld [tilespmem:s10+$0x20]  }
0x253: {  	v3 =	vld [tilespmem:s5+$0x20];
	s5 =	simm.s32 $0xB240;
	v13 =	vadd.f32 v12, v13;
	v12 =	vsub.f32 v6, v0;
	(erf) = vpow2.f32 v10  }
0x254: {  	[tilespmem:s5+$0x30] =	vst v15;
	v15 =	vld [tilespmem:s16+$0x20];
	v23 =	vsub.f32 v7, v0;
	v8 =	vsel vm0, v9, v8;
	v22 =	vadd.f32 v18, v17  }
0x255: {  	v7 =	vld [tilespmem:s16+$0xFFFFFFE0];
	vm1 =	vgt.f32 v13, $0.0e+00;
	v10 =	vmul.f32 $2.000000030e-01, v13;
	v18 =	vmul.f32 $1.442695020e+00, v12  }
0x256: {  	[tilespmem:s5+$0xFFFFFFC0] =	vst v14;
	v14 =	vld [tilespmem:s16+$0x40];
	v25 =	vadd.f32 v19, v11;
	v19 =	vmul.f32 $1.442695020e+00, v23;
	v11 =	vsub.f32 v8, v0  }
0x257: {  	v17 =	vpop (erf);
	v12 =	vld [tilespmem:s16+$0xFFFFFFC0];
	vm0 =	vgt.f32 v22, $0.0e+00;
	v24 =	vmul.f32 $2.000000030e-01, v22;
	v23 =	vadd.f32 v20, v21  }
0x258: {  	v8 =	vpop (erf);
	v21 =	vld [tilespmem:s16+$0x60];
	v13 =	vsel vm1, v13, v10;
	vm1 =	vgt.f32 v25, $0.0e+00;
	v26 =	vmul.f32 $2.000000030e-01, v25  }
0x259: {  	v6 =	vld [tilespmem:s16+$0xFFFFFFA0];
	v20 =	vmul.f32 $1.442695020e+00, v11;
	v27 =	vsub.f32 v13, v0;
	v24 =	vsel vm0, v22, v24;
	v10 =	vpop (erf)  }
0x25a: {  	v9 =	vld [tilespmem:s16+$0x0];
	vm0 =	vgt.f32 v23, $0.0e+00;
	v28 =	vsel vm1, v25, v26;
	v26 =	vmul.f32 $2.000000030e-01, v23;
	v11 =	vpop (erf)  }
0x25b: {  	s11 =	simm.s32 $0x8;
	s9 =	simm.s32 $0x5480;
	s8 =	simm.s32 $0xB240;
	[tilespmem:s5+$0xFFFFFFD0] =	vst v16;
	v16 =	vld [tilespmem:s16+$0xFFFFFF80];
	v25 =	vsub.f32 v24, v0;
	v22 =	vmul.f32 $1.442695020e+00, v27;
	v24 =	vsub.f32 v28, v0;
	v13 =	vpop (erf)  }
.LBB2_13:
0x25c: {  	v27 =	vld [tilespmem:s9+$0x70];
	v23 =	vsel vm0, v23, v26;
	s10 =	sadd.s32 $0x80, s10;
	(erf) = vpow2.f32 v18;
	v18 =	vpop (erf);
	v17 =	vmul.f32 v17, v5  }
0x25d: {  	s11 =	sadd.s32 $0x8, s11;
	v5 =	vmovc v12;
	v26 =	vld [tilespmem:s10+$0x30];
	v25 =	vmul.f32 $1.442695020e+00, v25;
	v23 =	vsub.f32 v23, v0;
	v18 =	vmul.f32 v18, v21  }
0x25e: {  	s8 =	sadd.s32 $0x80, s8;
	p0 =	slt.u32 s11, $0xF8;
	v21 =	vmul.f32 $1.442695020e+00, v24;
	v12 =	vld [tilespmem:s9+$0xFFFFFF90];
	(erf) = vpow2.f32 v19;
	[tilespmem:s5+$0xFFFFFFE0] =	vst v17  }
0x25f: {  	v17 =	vld [tilespmem:s10+$0xFFFFFFC0];
	v19 =	vmul.f32 $1.442695020e+00, v23;
	[tilespmem:s8+$0x30] =	vst v18;
	(erf) = vpow2.f32 v20  }
0x260: {  	v8 =	vmul.f32 v8, v1;
	v1 =	vmov v7;
	v18 =	vld [tilespmem:s9+$0xFFFFFFB0];
	(erf) = vpow2.f32 v22  }
0x261: {  	v10 =	vmul.f32 v10, v2;
	v2 =	vmov v9;
	v7 =	vld [tilespmem:s10+$0xFFFFFFD0];
	(erf) = vpow2.f32 v25  }
0x262: {  	v9 =	vld [tilespmem:s9+$0xFFFFFFD0];
	v20 =	vadd.f32 v26, v27;
	(erf) = vpow2.f32 v21;
	[tilespmem:s5+$0xFFFFFFF0] =	vst v8;
	v21 =	vmul.f32 v11, v3;
	v3 =	vmovc v15  }
0x263: {  	v11 =	vld [tilespmem:s10+$0xFFFFFFE0];
	(erf) = vpow2.f32 v19;
	[tilespmem:s5+$0x0] =	vst v10;
	v10 =	vmul.f32 v13, v4;
	v4 =	vmov v14  }
0x264: {  	v12 =	vadd.f32 v17, v12;
	v13 =	vld [tilespmem:s9+$0xFFFFFFF0];
	v14 =	vmul.f32 $2.000000030e-01, v20;
	[tilespmem:s5+$0x10] =	vst v21  }
0x265: {  	vm0 =	vgt.f32 v20, $0.0e+00;
	v15 =	vld [tilespmem:s10+$0xFFFFFFF0];
	v8 =	vpop (erf);
	[tilespmem:s5+$0x20] =	vst v10;
	s5 =	smov.u32 s8  }
0x266: {  	v10 =	vmul.f32 $2.000000030e-01, v12;
	v7 =	vadd.f32 v7, v18;
	v18 =	vld [tilespmem:s9+$0x10];
	v14 =	vsel vm0, v20, v14  }
0x267: {  	vm0 =	vgt.f32 v12, $0.0e+00;
	v23 =	vmul.f32 v8, v16;
	v19 =	vld [tilespmem:s10+$0x0];
	v14 =	vsub.f32 v14, v0;
	v16 =	vpop (erf)  }
0x268: {  	vm1 =	vgt.f32 v7, $0.0e+00;
	v20 =	vmul.f32 $2.000000030e-01, v7;
	v9 =	vadd.f32 v11, v9;
	v21 =	vld [tilespmem:s9+$0x30];
	v17 =	vpop (erf)  }
0x269: {  	v24 =	vsel vm0, v12, v10;
	v6 =	vmul.f32 v16, v6;
	v22 =	vld [tilespmem:s10+$0x10];
	v12 =	vmul.f32 $1.442695020e+00, v14;
	[tilespmem:s8+$0xFFFFFFC0] =	vst v23;
	v8 =	vpop (erf)  }
0x26a: {  	vm0 =	vgt.f32 v9, $0.0e+00;
	v14 =	vmul.f32 $2.000000030e-01, v9;
	v15 =	vadd.f32 v15, v13;
	v16 =	vld [tilespmem:s9+$0x50];
	v10 =	vpop (erf)  }
0x26b: {  	v23 =	vsub.f32 v24, v0;
	v7 =	vsel vm1, v7, v20;
	v20 =	vld [tilespmem:s10+$0x20];
	(erf) = vpow2.f32 v12;
	[tilespmem:s8+$0xFFFFFFD0] =	vst v6;
	v11 =	vpop (erf)  }
0x26c: {  	v6 =	vld [tilespmem:s9+$0xFFFFFFA0];
	vm1 =	vgt.f32 v15, $0.0e+00;
	v24 =	vmul.f32 $2.000000030e-01, v15;
	v25 =	vadd.f32 v19, v18;
	v13 =	vpop (erf)  }
0x26d: {  	v18 =	vmul.f32 $1.442695020e+00, v23;
	v19 =	vsub.f32 v7, v0;
	v9 =	vsel vm0, v9, v14;
	v12 =	vld [tilespmem:s9+$0xFFFFFFC0]  }
0x26e: {  	v7 =	vld [tilespmem:s9+$0xFFFFFFE0];
	vm0 =	vgt.f32 v25, $0.0e+00;
	v14 =	vmul.f32 $2.000000030e-01, v25;
	v22 =	vadd.f32 v22, v21  }
.Ltmp6:
0x26f: {  	v26 =	vsub.f32 v9, v0;
	v19 =	vmul.f32 $1.442695020e+00, v19;
	v15 =	vsel vm1, v15, v24;
	v9 =	vld [tilespmem:s9+$0x0];
	(pc) =	sbr.rel @p0 .LBB2_13-.Ltmp6, $4  }
0x270: {  	vm1 =	vgt.f32 v22, $0.0e+00;
	v24 =	vmul.f32 $2.000000030e-01, v22;
	v23 =	vadd.f32 v20, v16;
	v21 =	vld [tilespmem:s9+$0x60]  }
0x271: {  	v27 =	vsub.f32 v15, v0;
	v20 =	vmul.f32 $1.442695020e+00, v26;
	v25 =	vsel vm0, v25, v14;
	v15 =	vld [tilespmem:s9+$0x20]  }
0x272: {  	v24 =	vsel vm1, v22, v24;
	v14 =	vld [tilespmem:s9+$0x40];
	vm0 =	vgt.f32 v23, $0.0e+00;
	v26 =	vmul.f32 $2.000000030e-01, v23  }
0x273: {  	v25 =	vsub.f32 v25, v0;
	v22 =	vmul.f32 $1.442695020e+00, v27;
	v16 =	vld [tilespmem:s9+$0xFFFFFF80];
	v24 =	vsub.f32 v24, v0;
	s9 =	sadd.s32 $0x100, s9  }
0x274: {  	(erf) = vpow2.f32 v18  }
0x275: {  	v45 =	vsel vm0, v23, v26;
	v5 =	vmul.f32 v17, v5;
	(erf) = vpow2.f32 v19  }
0x276: {  	v46 =	vmul.f32 $1.442695020e+00, v25;
	v0 =	vsub.f32 v45, v0;
	(erf) = vpow2.f32 v20  }
0x277: {  	v47 =	vmul.f32 $1.442695020e+00, v24;
	(erf) = vpow2.f32 v22  }
0x278: {  	v48 =	vpop (erf);
	v0 =	vmul.f32 $1.442695020e+00, v0;
	(erf) = vpow2.f32 v46  }
0x279: {  	v1 =	vmul.f32 v8, v1;
	(erf) = vpow2.f32 v47  }
0x27a: {  	v50 =	vmul.f32 v10, v2;
	[tilespmem:s5+$0xFFFFFFE0] =	vst v5;
	(erf) = vpow2.f32 v0  }
0x27b: {  	v51 =	vmul.f32 v11, v3;
	[tilespmem:s5+$0xFFFFFFF0] =	vst v1  }
0x27c: {  	v52 =	vmul.f32 v13, v4;
	[tilespmem:s5+$0x0] =	vst v50  }
0x27d: {  	v49 =	vmul.f32 v48, v21;
	[tilespmem:s5+$0x10] =	vst v51;
	v53 =	vpop (erf)  }
0x27e: {  	s8 =	sadd.s32 $0x80, s8;
	[tilespmem:s5+$0x20] =	vst v52;
	v54 =	vmul.f32 v53, v16;
	v55 =	vpop (erf)  }
0x27f: {  	[tilespmem:s8+$0x30] =	vst v49;
	v56 =	vpop (erf);
	v2 =	vmul.f32 v55, v6  }
0x280: {  	[tilespmem:s8+$0xFFFFFFC0] =	vst v54;
	v57 =	vpop (erf);
	v0 =	vmul.f32 v56, v12  }
0x281: {  	v58 =	vpop (erf);
	[tilespmem:s8+$0xFFFFFFD0] =	vst v2;
	v1 =	vmul.f32 v57, v7  }
0x282: {  	v59 =	vpop (erf);
	[tilespmem:s8+$0xFFFFFFE0] =	vst v0;
	v60 =	vmul.f32 v58, v9  }
0x283: {  	v61 =	vpop (erf);
	[tilespmem:s8+$0xFFFFFFF0] =	vst v1;
	v62 =	vmul.f32 v59, v15  }
0x284: {  	[tilespmem:s8+$0x0] =	vst v60;
	v63 =	vmul.f32 v61, v14  }
0x285: {  	[tilespmem:s8+$0x10] =	vst v62  }
0x286: {  	s11 =	simm.s32 $0x5100;
	[tilespmem:s8+$0x20] =	vst v63  }
0x287: {  	[spmem:s4] =	stream.indirect.scatter.add.f32 [tilespmem:s3], [sflag:$0x5], $0x10, s11, s17, $0xb8;
	[tilespmem:$0xF990] =	vst v63  }
0x288: {  	s12 =	simm.s32 $0x5180  }
0x289: {  	[spmem:s4] =	stream.indirect.scatter.add.f32 [tilespmem:s15], [sflag:$0x5], $0x10, s12, s17, $0xb8;
	[tilespmem:$0xF990] =	vst v63  }
0x28a: {  	_ =	swait.ge [sflag:s7], $0x800  }
0x28b: {  	[sflag:s7] =	ssyncset.done $0x0  }
0x28c: {  	[sflag:s7] =	ssyncadd.s32 $0xFFFFF800  }
0x28d: {  	_ =	swait.ge [sflag:s7], $0x800  }
0x28e: {  	[sflag:s7] =	ssyncset.done $0x0  }
0x28f: {  	[sflag:s7] =	ssyncadd.s32 $0xFFFFF800  }
0x290: {  	_ =	swait.ge [sflag:s30], $0x800  }
0x291: {  	[sflag:s30] =	ssyncset.done $0x0  }
0x292: {  	[sflag:s30] =	ssyncadd.s32 $0xFFFFF800  }
0x293: {  	_ =	swait.ge [sflag:s30], $0x800  }
0x294: {  	[sflag:s30] =	ssyncset.done $0x0  }
0x295: {  	[sflag:s30] =	ssyncadd.s32 $0xFFFFF800  }
0x296: {  	[bflag:$0x0] =	sbarrier.arrive $0xFFFF  }
0x297: {  	s8 =	rddreg [dreg:$0x5]  }
0x298: {  	s13 =	rddreg [dreg:$0x8]  }
0x299: {  	s9 =	rddreg [dreg:$0xa]  }
0x29a: {  	[hbm:s13], [sflag:s8] =	dma.local [spmem:s9], $0x4F0  }
0x29b: {  	_ =	swait.ge [sflag:s14], $0x4F0  }
0x29c: {  	s10 =	rddreg [dreg:$0xb]  }
0x29d: {  	s16 =	rddreg [dreg:$0x9];
	s10 =	sadd.s32 $0x1, s10  }
0x29e: {  	p0 =	sne.s32 s10, s16  }
.Ltmp7:
0x29f: {  	_ = 	snop;
	(pc) =	sbr.rel @p0 .LBB2_1-.Ltmp7, $3  }
0x2a0: {  	_ =	sdelay $0x1  }
0x2a1: {  	[sflag:s14] =	ssyncset.done $0x0  }
0x2a2: {  	s13 =	simm.s32 $0x2900;
	[sflag:s14] =	ssyncadd.s32 $0xFFFFFB10  }
0x2a3: {  	_ =	sfence.sel $0x180000  }
0x2a4: {  	[bflag:$0x0] =	sbarrier.arrive $0xFFFF  }
0x2a5: {  	_ =	strace $0x9000004A  }
0x2a6: {  	s0 =	stileid.u32;
	[bflag:$0x2] =	sbarrier.arrive $0xFFFF  }
0x2a7: {  	p0 =	sne.s32 s0, $0x0;
	s0 =	rddreg [dreg:$0x3]  }
0x2a8: {  	s0 =	sadd.s32 @!p0 $0x100000, s0  }
0x2a9: {  	[sflag:s0] =	ssyncadd.tile.s32 @!p0 $0x1;
	_ =	shalt  }
.Lfunc_end2:
_tile_overlayer_lowered:
.L_overlay_start_2:
0x2aa: {  	(tag) =	ssettag $0x2  }
0x2ab: {  	s0 =	rddreg [dreg:$0x0];
	s2 =	stileid.u32  }
0x2ac: {  	s1 =	rddreg [dreg:$0x1];
	p0 =	sne.s32 s2, $0x0  }
0x2ad: {  	s3 =	rddreg [dreg:$0x2];
	[bflag:$0x3] =	sbarrier.arrive $0xFFFF;
	s2 =	simm.s32 @!p0 $0x1C07  }
0x2ae: {  	[timem:s3], [sflag:s2] =	dma.local @!p0 [hbm:s0], s1  }
0x2af: {  	s0 =	simm.s32 @!p0 $0x7  }
0x2b0: {  	_ =	swait.ge @!p0 [sflag:s0], s1  }
0x2b1: {  	s1 =	ssub.s32 @!p0 $0x0, s1;
	[sflag:s0] =	ssyncset.done @!p0 $0x0  }
0x2b2: {  	[sflag:s0] =	ssyncadd.s32 @!p0 s1  }
0x2b3: {  	[bflag:$0x3] =	sbarrier.arrive $0xFFFF  }
0x2b4: {  	_ =	shalt  }

// kernel: kernel.7.cloned.1.call-start
scs
__scs_entry_jumppad:
0x0: {  	(pc) =	sbr.rel $0x88, $3  }
0x1: {  	(tag) =	ssettag $0x0;
	lr =	simm.s32 $0x1  }
0x2: {  	[smem:$0x3F97] =	sst lr;
	_ =	strace $0xD0000000  }
0x3: {  	_ = 	snop  }
0x4: {  	_ = 	snop  }
0x5: {  	_ = 	snop  }
0x6: {  	_ = 	snop  }
0x7: {  	_ = 	snop  }
__scs_overlays_trampoline_lowered:
0x8: {  	[smem:$0x3FA6] =	sst s0  }
0x9: {  	[smem:$0x3FA7] =	sst s1  }
0xa: {  	[smem:$0x3FA8] =	sst s2  }
0xb: {  	[smem:$0x3FA9] =	sst s3  }
0xc: {  	[smem:$0x3FAA] =	sst s4  }
0xd: {  	[smem:$0x3FAB] =	sst s5  }
0xe: {  	[smem:$0x3FAC] =	sst s6  }
0xf: {  	[smem:$0x3FAD] =	sst s7  }
0x10: {  	[smem:$0x3FAE] =	sst s8  }
0x11: {  	[smem:$0x3FAF] =	sst s9;
	s0 =	simm.s32 @!p0 $0x0  }
0x12: {  	s1 =	sld [smem:$0x3F95];
	s0 =	simm.s32 @p0 $0x1  }
0x13: {  	[smem:$0x3FB0] =	sst s0;
	s0 =	simm.s32 @!p1 $0x0  }
0x14: {  	s2 =	sld [smem:$0x3F94];
	s0 =	simm.s32 @p1 $0x1  }
0x15: {  	[smem:$0x3FB1] =	sst s0;
	s0 =	simm.s32 @!p2 $0x0  }
0x16: {  	s3 =	sld [smem:$0x3FDB];
	s0 =	simm.s32 @p2 $0x1  }
0x17: {  	s4 =	simm.s32 $0x1BF5;
	[smem:$0x3FB3] =	sst s0  }
0x18: {  	s0 =	sld [smem:$0x3F96];
	_ =	swait.ge [sflag:s4], $0x0  }
0x19: {  	s7 =	sld [smem:$0x3F97]  }
0x1a: {  	s8 =	sadd.s32 $0xFFFFE003, lr  }
0x1b: {  	s9 =	sadd.s32 $0xFFFFFEF7, lr;
	s5 =	simm.s32 $0xFFFFFFFF;
	p2 =	slt.u32 s8, $0xFFFFF086  }
0x1c: {  	p1 =	slt.u32 s9, $0xF7A;
	s5 =	simm.s32 @!p2 $0x0  }
0x1d: {  	s5 =	simm.s32 @p1 $0x1;
	p0 =	seq.s32 s7, s2  }
0x1e: {  	s7 =	smul.u32 @!p0 $0xF7A, s2;
	p2 =	seq.s32 @!p0 s5, $0x0  }
0x1f: {  	s9 =	smul.u32 $0xF7A, s1;
	s8 =	simm.s32 @!p0 $0x1BF5;
	p2 =	por !p2, p0  }
0x20: {  	[sflag:s8] =	ssyncset.s32 @!p0 $0xFFFFF086;
	s6 =	sadd.s32 @!p0 s3, s7;
	s7 =	simm.s32 @!p0 $0x108  }
0x21: {  	s3 =	sadd.s32 s3, s9;
	s6 =	sadd.s32 @!p0 $0x88, s6;
	s7 =	simm.s32 @p2 $0x1082  }
0x22: {  	[simem:s7], [sflag:s8] =	dma.local @!p0 [hbm:s6], $0xF7A  }
0x23: {  	s9 =	sor.u32 $0xD0000000, s2;
	s6 =	simm.s32 $0x108;
	_ =	swait.ge @!p0 [sflag:s8], $0x0  }
0x24: {  	s3 =	sadd.s32 $0x88, s3;
	s6 =	simm.s32 @!p1 $0x1082;
	[sflag:s4] =	ssyncset.s32 $0xFFFFF086  }
0x25: {  	[simem:s6], [sflag:s4] =	dma.local [hbm:s3], $0xF7A  }
0x26: {  	[smem:$0x3F97] =	sst s1;
	(tag) =	ssettag s2;
	_ =	strace s9  }
0x27: {  	s1 =	sld [smem:$0x3FA7]  }
0x28: {  	s2 =	sld [smem:$0x3FA8]  }
0x29: {  	s4 =	sld [smem:$0x3FAA]  }
0x2a: {  	p0 =	seq.s32 s5, $0x0;
	s5 =	sld [smem:$0x3FAB]  }
0x2b: {  	s6 =	sld [smem:$0x3FAC]  }
0x2c: {  	s7 =	sld [smem:$0x3FAD]  }
0x2d: {  	s3 =	simm.s32 $0x108;
	s8 =	sld [smem:$0x3FAE]  }
0x2e: {  	s3 =	simm.s32 @!p0 $0x1082;
	s9 =	sld [smem:$0x3FAF]  }
0x2f: {  	lr =	sadd.s32 s0, s3;
	s0 =	sld [smem:$0x3FA6]  }
0x30: {  	s3 =	sld [smem:$0x3FA9]  }
0x31: {  	[smem:$0x3FB2] =	sst s10  }
0x32: {  	s10 =	sld [smem:$0x3FB0];
	_ =	sdelay $0x3  }
0x33: {  	p0 =	seq.s32 s10, $0x1;
	s10 =	sld [smem:$0x3FB2];
	_ =	sdelay $0x3  }
0x34: {  	[smem:$0x3FB2] =	sst s10  }
0x35: {  	s10 =	sld [smem:$0x3FB1];
	_ =	sdelay $0x3  }
0x36: {  	p1 =	seq.s32 s10, $0x1;
	s10 =	sld [smem:$0x3FB2];
	_ =	sdelay $0x3  }
0x37: {  	[smem:$0x3FB2] =	sst s10  }
0x38: {  	s10 =	sld [smem:$0x3FB3]  }
0x39: {  	_ = 	snop;
	(pc) =	sbr.ind lr, $3  }
0x3a: {  	_ = 	snop  }
0x3b: {  	_ = 	snop  }
0x3c: {  	p2 =	seq.s32 s10, $0x1;
	s10 =	sld [smem:$0x3FB2]  }
0x3d: {  	_ =	shalt  }
0x3e: {  	_ =	shalt  }
0x3f: {  	_ =	shalt  }
0x40: {  	_ =	shalt  }
0x41: {  	_ =	shalt  }
0x42: {  	_ =	shalt  }
0x43: {  	_ =	shalt  }
0x44: {  	_ =	shalt  }
0x45: {  	_ =	shalt  }
0x46: {  	_ =	shalt  }
0x47: {  	_ =	shalt  }
0x48: {  	_ =	shalt  }
0x49: {  	_ =	shalt  }
0x4a: {  	_ =	shalt  }
0x4b: {  	_ =	shalt  }
0x4c: {  	_ =	shalt  }
0x4d: {  	_ =	shalt  }
0x4e: {  	_ =	shalt  }
0x4f: {  	_ =	shalt  }
0x50: {  	_ =	shalt  }
0x51: {  	_ =	shalt  }
0x52: {  	_ =	shalt  }
0x53: {  	_ =	shalt  }
0x54: {  	_ =	shalt  }
0x55: {  	_ =	shalt  }
0x56: {  	_ =	shalt  }
0x57: {  	_ =	shalt  }
0x58: {  	_ =	shalt  }
0x59: {  	_ =	shalt  }
0x5a: {  	_ =	shalt  }
0x5b: {  	_ =	shalt  }
0x5c: {  	_ =	shalt  }
0x5d: {  	_ =	shalt  }
0x5e: {  	_ =	shalt  }
0x5f: {  	_ =	shalt  }
0x60: {  	_ =	shalt  }
0x61: {  	_ =	shalt  }
0x62: {  	_ =	shalt  }
0x63: {  	_ =	shalt  }
0x64: {  	_ =	shalt  }
0x65: {  	_ =	shalt  }
0x66: {  	_ =	shalt  }
0x67: {  	_ =	shalt  }
0x68: {  	_ =	shalt  }
0x69: {  	_ =	shalt  }
0x6a: {  	_ =	shalt  }
0x6b: {  	_ =	shalt  }
0x6c: {  	_ =	shalt  }
0x6d: {  	_ =	shalt  }
0x6e: {  	_ =	shalt  }
0x6f: {  	_ =	shalt  }
0x70: {  	_ =	shalt  }
0x71: {  	_ =	shalt  }
0x72: {  	_ =	shalt  }
0x73: {  	_ =	shalt  }
0x74: {  	_ =	shalt  }
0x75: {  	_ =	shalt  }
0x76: {  	_ =	shalt  }
0x77: {  	_ =	shalt  }
0x78: {  	_ =	shalt  }
0x79: {  	_ =	shalt  }
0x7a: {  	_ =	shalt  }
0x7b: {  	_ =	shalt  }
0x7c: {  	_ =	shalt  }
0x7d: {  	_ =	shalt  }
0x7e: {  	_ =	shalt  }
0x7f: {  	_ =	shalt  }
0x80: {  	_ =	shalt  }
0x81: {  	_ =	shalt  }
0x82: {  	_ =	shalt  }
0x83: {  	_ =	shalt  }
0x84: {  	_ =	shalt  }
0x85: {  	_ =	shalt  }
0x86: {  	_ =	shalt  }
0x87: {  	_ =	shalt  }
.Lfunc_end0:
.L_simem_size_0:
called_computation_lowered:
.L_overlay_start_0:
0x88: {  	s2 =	sld [smem:$0x3FD9]  }
0x89: {  	s3 =	sld [smem:$0x3FFE];
	_ =	sdelay $0x1  }
0x8a: {  	s1 =	srdreg.scid  }
0x8b: {  	s0 =	sand.u32 $0x1, s1  }
0x8c: {  	s17 =	sshll.u32 s0, $0xA;
	s2 =	sadd.s32 s3, s2  }
0x8d: {  	s2 =	sadd.s32 s2, s17  }
0x8e: {  	[smem:$0x3FBE] =	sst s2  }
0x8f: {  	_ = 	snop  }
0x90: {  	s2 =	sld [smem:$0x3FD0];
	(tm) =	ssettm $0x1  }
0x91: {  	s18 =	sld [smem:$0x3FFB];
	_ =	sdelay $0x3  }
0x92: {  	_ =	strace s18  }
0x93: {  	s3 =	sld [smem:$0x3FFC];
	_ =	sdelay $0x3  }
0x94: {  	_ =	strace s3  }
0x95: {  	s3 =	sld [smem:$0x3FFD];
	_ =	sdelay $0x3  }
0x96: {  	_ =	strace s3  }
0x97: {  	_ =	strace $0x8FFFFFFF  }
0x98: {  	s19 =	sld [smem:$0x3FDB];
	_ =	sdelay $0x1  }
0x99: {  	s4 =	simm.s32 $_scs_section_size  }
0x9a: {  	s5 =	simm.s32 $_size__tile_overlayer_lowered;
	s6 =	simm.s32 $_tile_overlayer_lowered  }
0x9b: {  	s22 =	simm.s32 $0x1BFF;
	s21 =	sshll.u32 s6, $0x1;
	s3 =	sadd.s32 s4, s19  }
0x9c: {  	s7 =	simm.s32 $0x0;
	s20 =	sshll.u32 s5, $0x1;
	s5 =	sadd.s32 s21, s3  }
0x9d: {  	[timem:s7], [sflag:s22] =	dma.local [hbm:s5], s20  }
0x9e: {  	_ =	swait.ge [sflag:s22], s20  }
0x9f: {  	s4 =	ssub.s32 $0x0, s20;
	[sflag:s22] =	ssyncset.done $0x0  }
0xa0: {  	[sflag:s22] =	ssyncadd.s32 s4;
	_ =	sdelay $0x1  }
0xa1: {  	s23 =	simm.s32 $0x1B8B  }
0xa2: {  	_ =	swait.ge [sflag:s23], $0x1  }
0xa3: {  	[sflag:s23] =	ssyncset.done $0x0  }
0xa4: {  	s25 =	simm.s32 $0x1B8E;
	s24 =	sld [smem:$0x3FFE];
	[sflag:s23] =	ssyncadd.s32 $0xFFFFFFFF  }
0xa5: {  	s26 =	simm.s32 $execute0_lowered;
	[smem:$0x3FD2] =	sst s25  }
0xa6: {  	s5 =	sshll.u32 s26, $0x1;
	_ =	strace $0x80000046;
	[dreg:$0x1] =	wrdreg $0xFFFFFFFF  }
0xa7: {  	s28 =	simm.s32 $_size_execute0_lowered;
	s3 =	sadd.s32 s3, s5;
	[dreg:$0x0] =	wrdreg $0x0  }
0xa8: {  	s5 =	sshll.u32 s28, $0x1;
	[dreg:$0x2] =	wrdreg s3  }
0xa9: {  	[dreg:$0x3] =	wrdreg s5  }
0xaa: {  	[dreg:$0x4] =	wrdreg $0xC0  }
0xab: {  	_ =	task [dreg:s7], $0x5FFFF  }
0xac: {  	[dreg:$0x1] =	wrdreg $0xFFFFFFFF  }
0xad: {  	[dreg:$0x0] =	wrdreg $0x60  }
0xae: {  	[dreg:$0x2] =	wrdreg s24  }
0xaf: {  	[dreg:$0x3] =	wrdreg s2  }
0xb0: {  	[dreg:$0x4] =	wrdreg $0xE2100  }
0xb1: {  	[dreg:$0x5] =	wrdreg $0x9  }
0xb2: {  	_ =	task.clear_ibuf [dreg:s7], $0x6FFFF;
	_ =	strace $0x90000046  }
0xb3: {  	s29 =	simm.s32 $0x9;
	_ =	strace $0x80000048  }
0xb4: {  	_ =	swait.ge [sflag:s29], $0x1  }
0xb5: {  	[sflag:s29] =	ssyncadd.s32 $0xFFFFFFFF  }
0xb6: {  	_ =	strace $0x90000048  }
0xb7: {  	_ =	sfence  }
0xb8: {  	s30 =	sld [smem:$0x0];
	_ =	sdelay $0x2  }
0xb9: {  	s31 =	sshll.u32 s1, $0xD;
	s1 =	sshrl.u32 s1, $0x2  }
0xba: {  	s3 =	sand.u32 $0x4000, s31;
	s1 =	sadd.s32 s1, s30  }
0xbb: {  	s0 =	sor.u32 s3, s0;
	s1 =	sshll.u32 s1, $0x11  }
0xbc: {  	s0 =	sor.u32 s1, s0  }
0xbd: {  	s0 =	sadd.s32 $0x8F2B, s0  }
0xbe: {  	[sflag:s0] =	ssyncadd.remote.s32 $0x1  }
0xbf: {  	_ =	sfence.sel $0xFFFF  }
0xc0: {  	[dreg:$0x0] =	wrdreg $0xFFFFFFFF;
	(pc) =	sbr.abs _section_cstart, $3  }
0xc1: {  	[dreg:$0x1] =	wrdreg $0xFFFFFFFF  }
0xc2: {  	_ =	task.clear_ibuf [dreg:s7], $0x2FFFF;
	_ =	strace $0x9FFFFFFF  }
0xc3: {  	(tm) =	ssettm $0x7FFFFFFF  }
tec
execute0_lowered:
.L_overlay_start_1:
0x0: {  	(tag) =	ssettag $0x1  }
0x1: {  	s0 =	srdreg.scid;
	s1 =	rddreg [dreg:$0x0]  }
0x2: {  	s9 =	stileid.u32;
	s4 =	rddreg [dreg:$0x2];
	s5 =	simm.s32 $0x0  }
0x3: {  	s14 =	simm.s32 $0x7;
	s16 =	simm.s32 $0x2900;
	s17 =	simm.s32 $0x80  }
0x4: {  	s11 =	simm.s32 $0x5200;
	s12 =	simm.s32 $0x8200;
	s20 =	simm.s32 $0x6A00  }
0x5: {  	s28 =	simm.s32 $0x2980;
	s22 =	simm.s32 $0x8A00;
	s23 =	simm.s32 $0x1  }
0x6: {  	s29 =	simm.s32 $0x2;
	s30 =	simm.s32 $0x4;
	s31 =	simm.s32 $0xBA00  }
0x7: {  	s15 =	simm.s32 $0x6;
	s0 =	sand.u32 $0x1, s0;
	s2 =	sshll.u32 s9, $0x1  }
0x8: {  	s3 =	smul.u32 $0xC580, s9;
	[smem:$0x7FF] =	sst s5;
	s6 =	sadd.s32 $0xEE00, s1  }
0x9: {  	s8 =	sadd.s32 $0x28600, s1;
	s9 =	sshll.u32 s9, $0x6;
	s2 =	sor.u32 s0, s2  }
0xa: {  	s7 =	smul.u32 $0xC5800, s0;
	_ =	strace $0x80000047;
	s0 =	ssub.s32 $0x2, s0  }
0xb: {  	[dreg:$0x4] =	wrdreg s8;
	s2 =	smul.u32 $0x520, s2;
	s24 =	sshrl.u32 s0, $0x1  }
0xc: {  	s8 =	sor.u32 $0x1C07, s9;
	s7 =	sadd.s32 s3, s7;
	s0 =	ssub.s32 s0, s24  }
0xd: {  	s3 =	sadd.s32 s3, s4;
	s24 =	simm.s32 $0x3;
	s2 =	sadd.s32 s2, s1  }
.Ltmp0:
0xe: {  	s7 =	sshrl.u32 s7, $0x3;
	s0 =	smax.u32 s0, $0x1;
	(pc) =	sbr.rel .LBB2_1-.Ltmp0, $4  }
0xf: {  	s13 =	sshrl.u32 s3, $0x3;
	s25 =	sadd.s32 $0x1E200, s2;
	[dreg:$0x8] =	wrdreg s0  }
0x10: {  	s7 =	sadd.s32 s7, s1;
	s2 =	sadd.s32 $0x13E00, s2;
	[dreg:$0x5] =	wrdreg s25  }
0x11: {  	s3 =	simm.s32 $0x5;
	[dreg:$0x6] =	wrdreg s2;
	s26 =	sadd.s32 $0x28800, s7  }
0x12: {  	s25 =	simm.s32 $0x9200;
	[dreg:$0x7] =	wrdreg s26;
	s26 =	simm.s32 $0x0  }
.LBB2_12:
0x13: {  	_ =	swait.ge [sflag:s3], $0x2800  }
0x14: {  	[sflag:s3] =	ssyncset.done $0x0  }
0x15: {  	[sflag:s3] =	ssyncadd.s32 $0xFFFFD800  }
0x16: {  	_ =	swait.ge [sflag:s15], $0x2800  }
0x17: {  	[sflag:s15] =	ssyncset.done $0x0  }
0x18: {  	[sflag:s15] =	ssyncadd.s32 $0xFFFFD800  }
0x19: {  	[bflag:$0x0] =	sbarrier.arrive $0xFFFF  }
0x1a: {  	s0 =	rddreg [dreg:$0x7]  }
0x1b: {  	[hbm:s0], [sflag:s8] =	dma.local [spmem:s13], $0x18B0  }
0x1c: {  	_ =	swait.ge [sflag:s14], $0x18B0  }
0x1d: {  	s26 =	sadd.s32 $0x1, s26;
	s21 =	rddreg [dreg:$0x8]  }
0x1e: {  	p0 =	sne.s32 s26, s21  }
.Ltmp1:
0x1f: {  	_ = 	snop;
	(pc) =	sbr.rel @!p0 .LBB2_13-.Ltmp1, $3  }
0x20: {  	_ =	sdelay $0x1  }
0x21: {  	s11 =	simm.s32 $0x5200;
	[sflag:s14] =	ssyncset.done $0x0  }
0x22: {  	s12 =	simm.s32 $0x8200;
	s28 =	simm.s32 $0x2980;
	[sflag:s14] =	ssyncadd.s32 $0xFFFFE750  }
.LBB2_1:
0x23: {  	s0 =	rddreg [dreg:$0x1]  }
0x24: {  	[spmem:s13], [sflag:s8] =	dma.local [hbm:s0], $0x18B0  }
0x25: {  	_ =	swait.ge [sflag:s14], $0x18B0  }
0x26: {  	[sflag:s14] =	ssyncset.done $0x0  }
0x27: {  	s2 =	simm.s32 $0xE200;
	s9 =	rddreg [dreg:$0x4];
	[sflag:s14] =	ssyncadd.s32 $0xFFFFE750  }
0x28: {  	[tilespmem:s2], [sflag:$0x7] =	stream.linear.gather [hbm4b:s9+s5], $0x10, $0x38;
	[tilespmem:$0x1A790] =	vst v63  }
0x29: {  	_ =	swait.ge [sflag:s14], $0x10  }
0x2a: {  	[sflag:s14] =	ssyncset.done $0x0  }
0x2b: {  	s10 =	rddreg [dreg:$0x5];
	[sflag:s14] =	ssyncadd.s32 $0xFFFFFFF0  }
0x2c: {  	[tilespmem:s5], [sflag:$0x7] =	stream.linear.gather [hbm4b:s10+s5], $0x2900, $0x38;
	[tilespmem:$0x1A790] =	vst v63  }
0x2d: {  	_ =	swait.ge [sflag:s14], $0x2900  }
0x2e: {  	[sflag:s14] =	ssyncset.done $0x0  }
0x2f: {  	s18 =	rddreg [dreg:$0x6];
	[sflag:s14] =	ssyncadd.s32 $0xFFFFD700  }
0x30: {  	[tilespmem:s16], [sflag:$0x7] =	stream.linear.gather [hbm4b:s18+s5], $0x2900, $0x38;
	[tilespmem:$0x1A790] =	vst v63  }
0x31: {  	_ =	swait.ge [sflag:s14], $0x2900  }
0x32: {  	[sflag:s14] =	ssyncset.done $0x0  }
0x33: {  	[sflag:s14] =	ssyncadd.s32 $0xFFFFD700  }
0x34: {  	[bflag:$0x0] =	sbarrier.arrive $0xFFFF  }
0x35: {  	v0 =	vld [tilespmem:$0xE200];
	[tilespmem:s11], [sflag:$0x1] =	stream.indirect.gather [hbm4b:s1+s17], $0x30, s5, s17, $0xb8  }
0x36: {  	_ = 	snop  }
0x37: {  	[tilespmem:s12], [sflag:$0x3] =	stream.indirect.gather [hbm4b:s6+s17], $0x10, s16, s17, $0xb8;
	[tilespmem:$0x1A790] =	vst v63  }
0x38: {  	_ = 	snop  }
0x39: {  	[tilespmem:s20], [sflag:$0x2] =	stream.indirect.gather [hbm4b:s1+s17], $0x30, s17, s17, $0xb8;
	[tilespmem:$0x1A790] =	vst v63  }
0x3a: {  	_ = 	snop  }
0x3b: {  	[tilespmem:s22], [sflag:$0x4] =	stream.indirect.gather [hbm4b:s6+s17], $0x10, s28, s17, $0xb8;
	[tilespmem:$0x1A790] =	vst v63  }
0x3c: {  	_ =	swait.ge [sflag:s23], $0x1800  }
0x3d: {  	[sflag:s23] =	ssyncset.done $0x0  }
0x3e: {  	[sflag:s23] =	ssyncadd.s32 $0xFFFFE800  }
0x3f: {  	_ =	swait.ge [sflag:s24], $0x800  }
0x40: {  	[sflag:s24] =	ssyncset.done $0x0  }
0x41: {  	s9 =	simm.s32 $0x5260;
	[sflag:s24] =	ssyncadd.s32 $0xFFFFF800  }
0x42: {  	s19 =	simm.s32 $0x8220;
	v1 =	vld [tilespmem:s9+$0xFFFFFFA0]  }
0x43: {  	v2 =	vld [tilespmem:s19+$0x10]  }
0x44: {  	v3 =	vld [tilespmem:s9+$0x30]  }
0x45: {  	v4 =	vld [tilespmem:s9+$0xFFFFFFD0]  }
0x46: {  	v5 =	vld [tilespmem:s19+$0xFFFFFFF0]  }
0x47: {  	v6 =	vld [tilespmem:s19+$0xFFFFFFE0];
	_ =	sdelay $0x2  }
0x48: {  	v7 =	vld [tilespmem:s9+$0x0];
	v2 =	vadd.f32 v2, v3  }
0x49: {  	v3 =	vld [tilespmem:s19+$0x0];
	v4 =	vadd.f32 v5, v4  }
0x4a: {  	s0 =	simm.s32 $0x5320;
	v1 =	vadd.f32 v6, v1;
	v5 =	vmul.f32 $2.000000030e-01, v2  }
0x4b: {  	v10 =	vld [tilespmem:s0+$0x30];
	vm0 =	vgt.f32 v2, $0.0e+00;
	v8 =	vmul.f32 $2.000000030e-01, v4  }
0x4c: {  	s21 =	simm.s32 $0x8260;
	v6 =	vld [tilespmem:s0+$0xFFFFFFD0];
	vm7 =	vgt.f32 v4, $0.0e+00;
	v9 =	vmul.f32 $2.000000030e-01, v1;
	v2 =	vsel vm0, v2, v5  }
0x4d: {  	vm8 =	vgt.f32 v1, $0.0e+00;
	v5 =	vld [tilespmem:s21+$0x10];
	v4 =	vsel vm7, v4, v8;
	v2 =	vsub.f32 v2, v0  }
0x4e: {  	v8 =	vld [tilespmem:s21+$0xFFFFFFF0];
	v1 =	vsel vm8, v1, v9;
	v4 =	vsub.f32 v4, v0;
	v3 =	vadd.f32 v3, v7  }
0x4f: {  	v16 =	vld [tilespmem:s0+$0xFFFFFFE0];
	v1 =	vsub.f32 v1, v0;
	v2 =	vmul.f32 $1.442695020e+00, v2  }
0x50: {  	v7 =	vld [tilespmem:s0+$0xFFFFFFA0];
	v4 =	vmul.f32 $1.442695020e+00, v4;
	v9 =	vmul.f32 $2.000000030e-01, v3  }
0x51: {  	v1 =	vmul.f32 $1.442695020e+00, v1;
	(erf) = vpow2.f32 v2;
	v2 =	vld [tilespmem:s21+$0xFFFFFFE0]  }
0x52: {  	vm9 =	vgt.f32 v3, $0.0e+00;
	v5 =	vadd.f32 v5, v10;
	(erf) = vpow2.f32 v4  }
0x53: {  	v11 =	vld [tilespmem:s0+$0x0];
	v4 =	vadd.f32 v8, v6;
	(erf) = vpow2.f32 v1;
	v1 =	vsel vm9, v3, v9  }
0x54: {  	v21 =	vunpack.i.u.bf16.f32 v16;
	v10 =	vld [tilespmem:s9+$0xFFFFFFE0];
	v3 =	vmul.f32 $2.000000030e-01, v5;
	v1 =	vsub.f32 v1, v0  }
0x55: {  	v8 =	vld [tilespmem:s21+$0x0];
	vm10 =	vgt.f32 v5, $0.0e+00;
	v9 =	vmul.f32 $2.000000030e-01, v4;
	vm1 =	vgt.f32 v4, $0.0e+00  }
0x56: {  	v6 =	vld [tilespmem:s9+$0x40];
	v3 =	vsel vm10, v5, v3;
	v2 =	vadd.f32 v2, v7;
	v7 =	vmul.f32 $1.442695020e+00, v1  }
0x57: {  	v16 =	vunpack.i.l.bf16.f32 v16;
	v5 =	vld [tilespmem:s9+$0xFFFFFFB0];
	v4 =	vsel vm1, v4, v9;
	v3 =	vsub.f32 v3, v0  }
0x58: {  	s2 =	simm.s32 $0x53E0;
	v13 =	vld [tilespmem:s9+$0x10];
	v4 =	vsub.f32 v4, v0;
	v12 =	vmul.f32 $2.000000030e-01, v2;
	(erf) = vpow2.f32 v7  }
0x59: {  	s7 =	simm.s32 $0x82A0;
	v18 =	vld [tilespmem:s2+$0xFFFFFFA0];
	v9 =	vunpack.i.u.bf16.f32 v10;
	v14 =	vmul.f32 $1.442695020e+00, v3;
	vm11 =	vgt.f32 v2, $0.0e+00  }
0x5a: {  	v19 =	vld [tilespmem:s7+$0x10];
	v10 =	vunpack.i.l.bf16.f32 v10;
	v8 =	vadd.f32 v8, v11;
	v2 =	vsel vm11, v2, v12  }
0x5b: {  	v1 =	vld [tilespmem:s0+$0x40];
	v7 =	vunpack.i.l.bf16.f32 v6;
	v15 =	vmul.f32 $1.442695020e+00, v4;
	v3 =	vpop (erf);
	(erf) = vpow2.f32 v14  }
0x5c: {  	v17 =	vmul.f32 $2.000000030e-01, v8;
	v12 =	vld [tilespmem:s2+$0xFFFFFFD0];
	v14 =	vunpack.i.l.bf16.f32 v5;
	v5 =	vunpack.i.u.bf16.f32 v5;
	v4 =	vpop (erf)  }
0x5d: {  	v11 =	vsub.f32 v2, v0;
	(erf) = vpow2.f32 v15;
	v15 =	vld [tilespmem:s7+$0xFFFFFFF0];
	v9 =	vmul.f32 v4, v9;
	v2 =	vpop (erf)  }
0x5e: {  	s18 =	simm.s32 $0x92A0;
	v6 =	vunpack.i.u.bf16.f32 v6;
	v10 =	vmul.f32 v4, v10;
	v20 =	vmul.f32 v2, v5;
	v5 =	vld [tilespmem:s2+$0x30]  }
0x5f: {  	vm12 =	vgt.f32 v8, $0.0e+00;
	v7 =	vmul.f32 v3, v7;
	v11 =	vmul.f32 $1.442695020e+00, v11;
	[tilespmem:s18+$0xFFFFFFC0] =	vst v9;
	v9 =	vld [tilespmem:s7+$0x0]  }
0x60: {  	v6 =	vmul.f32 v3, v6;
	v17 =	vsel vm12, v8, v17;
	v14 =	vmul.f32 v2, v14;
	[tilespmem:s18+$0xFFFFFFB0] =	vst v10;
	v10 =	vld [tilespmem:s2+$0x0]  }
0x61: {  	[tilespmem:s18+$0x50] =	vst v7;
	v7 =	vld [tilespmem:s7+$0xFFFFFFE0];
	(erf) = vpow2.f32 v11;
	v11 =	vunpack.i.l.bf16.f32 v13;
	v13 =	vunpack.i.u.bf16.f32 v13;
	v8 =	vpop (erf)  }
0x62: {  	v15 =	vadd.f32 v15, v12;
	v12 =	vld [tilespmem:s9+$0xFFFFFFF0];
	[tilespmem:s18+$0xFFFFFF60] =	vst v14;
	v14 =	vsub.f32 v17, v0;
	v11 =	vmul.f32 v8, v11  }
0x63: {  	[tilespmem:s18+$0x60] =	vst v6;
	v22 =	vmul.f32 v8, v13;
	v19 =	vadd.f32 v19, v5;
	v5 =	vunpack.i.l.bf16.f32 v1  }
0x64: {  	v23 =	vmul.f32 $2.000000030e-01, v15;
	v13 =	vld [tilespmem:s9+$0x50];
	vm13 =	vgt.f32 v15, $0.0e+00;
	v28 =	vmul.f32 $1.442695020e+00, v14;
	v6 =	vpop (erf)  }
0x65: {  	v9 =	vadd.f32 v9, v10;
	v17 =	vmul.f32 v6, v5;
	[tilespmem:s18+$0x0] =	vst v11;
	v24 =	vmul.f32 $2.000000030e-01, v19  }
0x66: {  	v11 =	vld [tilespmem:s0+$0xFFFFFFB0];
	[tilespmem:s18+$0x10] =	vst v22;
	v22 =	vadd.f32 v7, v18;
	v10 =	vsel vm13, v15, v23;
	vm14 =	vgt.f32 v19, $0.0e+00;
	v5 =	vpop (erf)  }
0x67: {  	[tilespmem:s18+$0xFFFFFF70] =	vst v20;
	v18 =	vunpack.i.u.bf16.f32 v12;
	v7 =	vmul.f32 v5, v21;
	v15 =	vsel vm14, v19, v24;
	v19 =	vld [tilespmem:s9+$0x20]  }
0x68: {  	[tilespmem:s18+$0x90] =	vst v3;
	v26 =	vsub.f32 v10, v0;
	vm15 =	vgt.f32 v22, $0.0e+00;
	v21 =	vmul.f32 $2.000000030e-01, v22  }
0x69: {  	s7 =	simm.s32 $0x93E0;
	v20 =	vld [tilespmem:s9+$0xFFFFFFC0];
	v25 =	vmul.f32 v5, v16;
	[tilespmem:s18+$0x40] =	vst v8;
	v23 =	vunpack.i.l.bf16.f32 v13;
	v15 =	vsub.f32 v15, v0  }
0x6a: {  	v10 =	vld [tilespmem:s2+$0x40];
	v14 =	vmul.f32 $2.000000030e-01, v9;
	v27 =	vmul.f32 v23, v3;
	[tilespmem:s7+$0xFFFFFFC0] =	vst v7;
	v24 =	vsel vm15, v22, v21  }
0x6b: {  	s10 =	simm.s32 $0x82E0;
	v16 =	vld [tilespmem:s0+$0x10];
	[tilespmem:s7+$0xFFFFFFB0] =	vst v25;
	v25 =	vmul.f32 $1.442695020e+00, v26;
	v23 =	vmul.f32 $1.442695020e+00, v15;
	v15 =	vunpack.i.l.bf16.f32 v11;
	v7 =	vpop (erf)  }
0x6c: {  	s19 =	simm.s32 $0x93E0;
	s21 =	simm.s32 $0x8;
	s9 =	simm.s32 $0x54A0;
	[tilespmem:s18+$0x70] =	vst v27;
	(erf) = vpow2.f32 v28;
	v21 =	vmul.f32 v7, v15;
	v15 =	vld [tilespmem:s2+$0xFFFFFFE0];
	v22 =	vunpack.i.u.bf16.f32 v19  }
.LBB2_2:
0x6d: {  	v26 =	vld [tilespmem:s9+$0xFFFFFFA0];
	s21 =	sadd.s32 $0x4, s21;
	v24 =	vsub.f32 v24, v0;
	s7 =	sadd.s32 $0x140, s7;
	[tilespmem:s18+$0xFFFFFFA0] =	vst v2;
	v12 =	vunpack.i.l.bf16.f32 v12;
	v19 =	vunpack.i.l.bf16.f32 v19  }
0x6e: {  	v13 =	vunpack.i.u.bf16.f32 v13;
	v27 =	vld [tilespmem:s9+$0xFFFFFFD0];
	p0 =	slt.u32 s21, $0x7C;
	(erf) = vpow2.f32 v23;
	[tilespmem:s19+$0x50] =	vst v17;
	v12 =	vmul.f32 v12, v4  }
0x6f: {  	v11 =	vunpack.i.u.bf16.f32 v11;
	v13 =	vmul.f32 v13, v3;
	v3 =	vmovc v6;
	v17 =	vld [tilespmem:s10+$0x10];
	(erf) = vpow2.f32 v25;
	[tilespmem:s18+$0xFFFFFFF0] =	vst v4  }
0x70: {  	v23 =	vmul.f32 $1.442695020e+00, v24;
	v6 =	vld [tilespmem:s10+$0xFFFFFFF0];
	v24 =	vunpack.i.u.bf16.f32 v20;
	[tilespmem:s18+$0xFFFFFFD0] =	vst v12;
	v12 =	vmul.f32 v19, v8  }
0x71: {  	v18 =	vmul.f32 v18, v4;
	v25 =	vmul.f32 v7, v11;
	v4 =	vmovc v5;
	v11 =	vunpack.i.l.bf16.f32 v20;
	v19 =	vld [tilespmem:s10+$0x0];
	[tilespmem:s18+$0x80] =	vst v13  }
0x72: {  	v13 =	vunpack.i.u.bf16.f32 v1;
	v20 =	vmul.f32 v24, v2;
	v1 =	vmovc v10;
	v5 =	vld [tilespmem:s9+$0x30];
	(erf) = vpow2.f32 v23;
	[tilespmem:s19+$0xFFFFFF60] =	vst v21  }
0x73: {  	v10 =	vunpack.i.l.bf16.f32 v16;
	v13 =	vmul.f32 v3, v13;
	v21 =	vmul.f32 v22, v8;
	[tilespmem:s18+$0x20] =	vst v12  }
0x74: {  	vm0 =	vgt.f32 v9, $0.0e+00;
	v16 =	vunpack.i.u.bf16.f32 v16;
	v23 =	vmul.f32 v11, v2;
	v2 =	vmovc v7;
	v22 =	vld [tilespmem:s9+$0x0];
	[tilespmem:s18+$0xFFFFFFE0] =	vst v18  }
0x75: {  	v9 =	vsel vm0, v9, v14;
	v24 =	vunpack.i.u.bf16.f32 v15;
	v7 =	vld [tilespmem:s10+$0xFFFFFFE0];
	v18 =	vadd.f32 v6, v27;
	[tilespmem:s19+$0x60] =	vst v13;
	v8 =	vpop (erf)  }
0x76: {  	v14 =	vunpack.i.l.bf16.f32 v15;
	v12 =	vld [tilespmem:s0+$0xFFFFFFF0];
	v10 =	vmul.f32 v8, v10;
	v15 =	vmul.f32 v8, v16;
	[tilespmem:s18+$0x30] =	vst v21  }
0x77: {  	v11 =	vunpack.i.l.bf16.f32 v1;
	v16 =	vmul.f32 $2.000000030e-01, v18;
	v21 =	vadd.f32 v17, v5;
	v6 =	vpop (erf);
	v13 =	vld [tilespmem:s0+$0x50];
	[tilespmem:s18+$0xFFFFFF90] =	vst v20  }
0x78: {  	vm0 =	vgt.f32 v18, $0.0e+00;
	v20 =	vsub.f32 v9, v0;
	v17 =	vmul.f32 v6, v11;
	v5 =	vpop (erf);
	[tilespmem:s19+$0x0] =	vst v10  }
0x79: {  	vm1 =	vgt.f32 v21, $0.0e+00;
	v10 =	vmul.f32 $2.000000030e-01, v21;
	v11 =	vld [tilespmem:s2+$0xFFFFFFB0];
	v27 =	vmul.f32 v5, v14;
	[tilespmem:s19+$0x10] =	vst v15  }
0x7a: {  	v9 =	vadd.f32 v19, v22;
	v15 =	vmul.f32 v5, v24;
	v14 =	vadd.f32 v7, v26;
	[tilespmem:s18+$0xFFFFFF80] =	vst v23;
	s18 =	smov.u32 s19;
	s19 =	smov.u32 s7  }
0x7b: {  	v16 =	vsel vm0, v18, v16;
	v10 =	vsel vm1, v21, v10;
	v7 =	vpop (erf);
	v18 =	vunpack.i.u.bf16.f32 v12;
	v19 =	vld [tilespmem:s0+$0x20];
	[tilespmem:s18+$0x90] =	vst v3  }
.Ltmp2:
0x7c: {  	v21 =	vmul.f32 $2.000000030e-01, v14;
	v10 =	vsub.f32 v10, v0;
	[tilespmem:s18+$0x40] =	vst v8;
	v22 =	vunpack.i.l.bf16.f32 v13;
	(pc) =	sbr.rel @p0 .LBB2_2-.Ltmp2, $4  }
0x7d: {  	v26 =	vsub.f32 v16, v0;
	vm0 =	vgt.f32 v14, $0.0e+00;
	[tilespmem:s7+$0xFFFFFFC0] =	vst v15;
	v16 =	vld [tilespmem:s2+$0x10];
	v28 =	vmul.f32 v22, v3  }
0x7e: {  	v22 =	vmul.f32 $1.442695020e+00, v20;
	v23 =	vmul.f32 $1.442695020e+00, v10;
	v10 =	vld [tilespmem:s9+$0x40];
	v15 =	vunpack.i.l.bf16.f32 v11;
	[tilespmem:s18+$0xFFFFFF70] =	vst v25  }
0x7f: {  	v24 =	vsel vm0, v14, v21;
	v14 =	vmul.f32 $2.000000030e-01, v9;
	v21 =	vmul.f32 v7, v15;
	[tilespmem:s7+$0xFFFFFFB0] =	vst v27;
	v20 =	vld [tilespmem:s0+$0xFFFFFFC0];
	s0 =	smov.u32 s2;
	s2 =	smov.u32 s9  }
0x80: {  	s10 =	sadd.s32 $0x40, s10;
	v25 =	vmul.f32 $1.442695020e+00, v26;
	s9 =	sadd.s32 $0xC0, s9;
	v15 =	vld [tilespmem:s2+$0xFFFFFFE0];
	(erf) = vpow2.f32 v22;
	v22 =	vunpack.i.u.bf16.f32 v19;
	[tilespmem:s18+$0x70] =	vst v28  }
0x81: {  	[tilespmem:s18+$0xFFFFFFA0] =	vst v2  }
0x82: {  	[tilespmem:s19+$0x50] =	vst v17  }
0x83: {  	v12 =	vunpack.i.l.bf16.f32 v12;
	[tilespmem:s18+$0xFFFFFFF0] =	vst v4  }
0x84: {  	v13 =	vunpack.i.u.bf16.f32 v13;
	[tilespmem:s19+$0xFFFFFF60] =	vst v21;
	vm0 =	vgt.f32 v9, $0.0e+00;
	v12 =	vmul.f32 v12, v4  }
0x85: {  	v1 =	vunpack.i.u.bf16.f32 v1;
	v3 =	vmul.f32 v13, v3;
	v9 =	vsel vm0, v9, v14;
	v14 =	vld [tilespmem:s0+$0xFFFFFFF0];
	[tilespmem:s19+$0xFFFFFFF0] =	vst v5  }
0x86: {  	v13 =	vunpack.i.l.bf16.f32 v19;
	v1 =	vmul.f32 v6, v1;
	[tilespmem:s18+$0xFFFFFFD0] =	vst v12  }
0x87: {  	(erf) = vpow2.f32 v23;
	v12 =	vmul.f32 v13, v8;
	[tilespmem:s18+$0x80] =	vst v3  }
0x88: {  	v8 =	vmul.f32 v22, v8;
	[tilespmem:s19+$0x60] =	vst v1  }
0x89: {  	v3 =	vmul.f32 v18, v4;
	[tilespmem:s18+$0x20] =	vst v12  }
0x8a: {  	(erf) = vpow2.f32 v25;
	v4 =	vunpack.i.u.bf16.f32 v20;
	[tilespmem:s18+$0x30] =	vst v8;
	v8 =	vunpack.i.l.bf16.f32 v20  }
0x8b: {  	[tilespmem:s18+$0xFFFFFFE0] =	vst v3;
	v3 =	vmul.f32 v4, v2;
	v4 =	vunpack.i.l.bf16.f32 v16;
	v2 =	vmul.f32 v8, v2;
	v8 =	vld [tilespmem:s0+$0x50];
	v1 =	vpop (erf)  }
0x8c: {  	v13 =	vunpack.i.u.bf16.f32 v16;
	v12 =	vsub.f32 v24, v0;
	[tilespmem:s19+$0x90] =	vst v6;
	v4 =	vmul.f32 v1, v4  }
0x8d: {  	[tilespmem:s18+$0xFFFFFF90] =	vst v3;
	v13 =	vmul.f32 v1, v13  }
0x8e: {  	v3 =	vmul.f32 $1.442695020e+00, v12;
	[tilespmem:s18+$0xFFFFFF80] =	vst v2;
	v2 =	vunpack.i.u.bf16.f32 v11  }
0x8f: {  	v2 =	vmul.f32 v7, v2;
	[tilespmem:s19+$0x10] =	vst v13;
	v13 =	vunpack.i.l.bf16.f32 v15  }
0x90: {  	[tilespmem:s19+$0x0] =	vst v4;
	v4 =	vpop (erf);
	(erf) = vpow2.f32 v3;
	v3 =	vunpack.i.u.bf16.f32 v15;
	v15 =	vunpack.i.l.bf16.f32 v8  }
0x91: {  	v9 =	vsub.f32 v9, v0;
	[tilespmem:s19+$0xFFFFFF70] =	vst v2;
	v2 =	vunpack.i.l.bf16.f32 v10;
	v15 =	vmul.f32 v15, v6  }
0x92: {  	v11 =	vld [tilespmem:s0+$0x20];
	[tilespmem:s19+$0x40] =	vst v1;
	v8 =	vunpack.i.u.bf16.f32 v8;
	v2 =	vmul.f32 v4, v2  }
0x93: {  	s7 =	sadd.s32 $0x140, s7;
	v9 =	vmul.f32 $1.442695020e+00, v9;
	v12 =	vpop (erf);
	v6 =	vmul.f32 v8, v6;
	[tilespmem:s19+$0x70] =	vst v15  }
0x94: {  	v3 =	vmul.f32 v12, v3;
	[tilespmem:s7+$0x50] =	vst v2  }
0x95: {  	(erf) = vpow2.f32 v9;
	v9 =	vunpack.i.l.bf16.f32 v14;
	v13 =	vmul.f32 v12, v13;
	[tilespmem:s19+$0x80] =	vst v6  }
0x96: {  	v2 =	vmul.f32 v9, v5;
	[tilespmem:s7+$0xFFFFFFC0] =	vst v3  }
0x97: {  	v3 =	vld [tilespmem:s2+$0xFFFFFFB0];
	[tilespmem:s7+$0xFFFFFFB0] =	vst v13;
	v16 =	vunpack.i.l.bf16.f32 v11  }
0x98: {  	v13 =	vld [tilespmem:s0+$0xFFFFFFC0];
	v6 =	vunpack.i.u.bf16.f32 v11;
	[tilespmem:s19+$0xFFFFFFD0] =	vst v2;
	v2 =	vunpack.i.u.bf16.f32 v14;
	v14 =	vmul.f32 v16, v1  }
0x99: {  	v8 =	vld [tilespmem:s2+$0x10];
	[tilespmem:s19+$0xFFFFFFA0] =	vst v7;
	v1 =	vmul.f32 v6, v1;
	v2 =	vmul.f32 v2, v5;
	v5 =	vunpack.i.u.bf16.f32 v10  }
0x9a: {  	v5 =	vmul.f32 v4, v5;
	[tilespmem:s19+$0x20] =	vst v14  }
0x9b: {  	[tilespmem:s19+$0x30] =	vst v1  }
0x9c: {  	[tilespmem:s19+$0xFFFFFFE0] =	vst v2;
	v9 =	vpop (erf);
	v15 =	vunpack.i.l.bf16.f32 v3  }
0x9d: {  	v10 =	vunpack.i.u.bf16.f32 v13;
	[tilespmem:s7+$0x60] =	vst v5;
	v15 =	vmul.f32 v9, v15  }
0x9e: {  	v6 =	vunpack.i.l.bf16.f32 v8;
	v2 =	vmul.f32 v10, v7;
	v1 =	vld [tilespmem:s2+$0x50];
	[tilespmem:s7+$0x90] =	vst v4;
	v5 =	vpop (erf)  }
0x9f: {  	v8 =	vunpack.i.u.bf16.f32 v8;
	[tilespmem:s7+$0xFFFFFF60] =	vst v15;
	v6 =	vmul.f32 v5, v6  }
0xa0: {  	v10 =	vunpack.i.l.bf16.f32 v13;
	v8 =	vmul.f32 v5, v8;
	[tilespmem:s19+$0xFFFFFF90] =	vst v2  }
0xa1: {  	v2 =	vmul.f32 v10, v7;
	[tilespmem:s7+$0x0] =	vst v6  }
0xa2: {  	v3 =	vunpack.i.u.bf16.f32 v3;
	v6 =	vld [tilespmem:s2+$0xFFFFFFF0];
	[tilespmem:s7+$0x10] =	vst v8  }
0xa3: {  	[tilespmem:s19+$0xFFFFFF80] =	vst v2;
	v2 =	vmul.f32 v9, v3  }
0xa4: {  	[tilespmem:s7+$0xFFFFFFF0] =	vst v12;
	v3 =	vld [tilespmem:s2+$0x20];
	v7 =	vunpack.i.l.bf16.f32 v1  }
0xa5: {  	v7 =	vmul.f32 v7, v4;
	[tilespmem:s7+$0xFFFFFF70] =	vst v2  }
0xa6: {  	[tilespmem:s7+$0x40] =	vst v5;
	v1 =	vunpack.i.u.bf16.f32 v1;
	v2 =	vld [tilespmem:s2+$0xFFFFFFC0]  }
0xa7: {  	v1 =	vmul.f32 v1, v4;
	[tilespmem:s7+$0x70] =	vst v7;
	v7 =	vunpack.i.l.bf16.f32 v6  }
0xa8: {  	[tilespmem:s7+$0xFFFFFFA0] =	vst v9;
	v4 =	vunpack.i.u.bf16.f32 v6;
	v7 =	vmul.f32 v7, v12  }
0xa9: {  	[tilespmem:s7+$0x80] =	vst v1;
	v8 =	vunpack.i.l.bf16.f32 v3;
	v4 =	vmul.f32 v4, v12  }
0xaa: {  	v3 =	vunpack.i.u.bf16.f32 v3;
	v6 =	vmul.f32 v8, v5;
	[tilespmem:s7+$0xFFFFFFD0] =	vst v7  }
0xab: {  	v3 =	vmul.f32 v3, v5;
	v1 =	vunpack.i.u.bf16.f32 v2;
	[tilespmem:s7+$0xFFFFFFE0] =	vst v4  }
0xac: {  	v2 =	vunpack.i.l.bf16.f32 v2;
	[tilespmem:s7+$0x20] =	vst v6;
	v1 =	vmul.f32 v1, v9  }
0xad: {  	v2 =	vmul.f32 v2, v9;
	[tilespmem:s7+$0x30] =	vst v3  }
0xae: {  	[tilespmem:s7+$0xFFFFFF90] =	vst v1  }
0xaf: {  	[tilespmem:s7+$0xFFFFFF80] =	vst v2  }
0xb0: {  	[spmem:s4] =	stream.indirect.scatter.add.f32 [tilespmem:s25], [sflag:$0x5], $0x50, s16, s17, $0xb8;
	[tilespmem:$0x1A790] =	vst v63  }
0xb1: {  	s10 =	simm.s32 $0x100  }
0xb2: {  	[tilespmem:s11], [sflag:$0x1] =	stream.indirect.gather [hbm4b:s1+s17], $0x30, s10, s17, $0xb8;
	[tilespmem:$0x1A790] =	vst v63  }
0xb3: {  	s11 =	simm.s32 $0x2A00  }
0xb4: {  	[tilespmem:s12], [sflag:$0x3] =	stream.indirect.gather [hbm4b:s6+s17], $0x10, s11, s17, $0xb8;
	[tilespmem:$0x1A790] =	vst v63  }
0xb5: {  	_ =	swait.ge [sflag:s29], $0x1800  }
0xb6: {  	[sflag:s29] =	ssyncset.done $0x0  }
0xb7: {  	[sflag:s29] =	ssyncadd.s32 $0xFFFFE800  }
0xb8: {  	_ =	swait.ge [sflag:s30], $0x800  }
0xb9: {  	[sflag:s30] =	ssyncset.done $0x0  }
0xba: {  	s9 =	simm.s32 $0x6A60;
	[sflag:s30] =	ssyncadd.s32 $0xFFFFF800  }
0xbb: {  	s18 =	simm.s32 $0x8A20;
	v1 =	vld [tilespmem:s9+$0xFFFFFFA0]  }
0xbc: {  	v2 =	vld [tilespmem:s18+$0x10]  }
0xbd: {  	v3 =	vld [tilespmem:s9+$0x30]  }
0xbe: {  	v4 =	vld [tilespmem:s9+$0xFFFFFFD0]  }
0xbf: {  	v5 =	vld [tilespmem:s18+$0xFFFFFFF0]  }
0xc0: {  	v6 =	vld [tilespmem:s18+$0xFFFFFFE0];
	_ =	sdelay $0x2  }
0xc1: {  	v7 =	vld [tilespmem:s9+$0x0];
	v2 =	vadd.f32 v2, v3  }
0xc2: {  	v3 =	vld [tilespmem:s18+$0x0];
	v4 =	vadd.f32 v5, v4  }
0xc3: {  	s0 =	simm.s32 $0x6B20;
	v1 =	vadd.f32 v6, v1;
	v5 =	vmul.f32 $2.000000030e-01, v2  }
0xc4: {  	v10 =	vld [tilespmem:s0+$0x30];
	vm6 =	vgt.f32 v2, $0.0e+00;
	v8 =	vmul.f32 $2.000000030e-01, v4  }
0xc5: {  	s19 =	simm.s32 $0x8A60;
	v6 =	vld [tilespmem:s0+$0xFFFFFFD0];
	vm7 =	vgt.f32 v4, $0.0e+00;
	v9 =	vmul.f32 $2.000000030e-01, v1;
	v2 =	vsel vm6, v2, v5  }
0xc6: {  	vm8 =	vgt.f32 v1, $0.0e+00;
	v5 =	vld [tilespmem:s19+$0x10];
	v4 =	vsel vm7, v4, v8;
	v2 =	vsub.f32 v2, v0  }
0xc7: {  	v8 =	vld [tilespmem:s19+$0xFFFFFFF0];
	v1 =	vsel vm8, v1, v9;
	v4 =	vsub.f32 v4, v0;
	v3 =	vadd.f32 v3, v7  }
0xc8: {  	v16 =	vld [tilespmem:s0+$0xFFFFFFE0];
	v1 =	vsub.f32 v1, v0;
	v2 =	vmul.f32 $1.442695020e+00, v2  }
0xc9: {  	v7 =	vld [tilespmem:s0+$0xFFFFFFA0];
	v4 =	vmul.f32 $1.442695020e+00, v4;
	v9 =	vmul.f32 $2.000000030e-01, v3  }
0xca: {  	v1 =	vmul.f32 $1.442695020e+00, v1;
	(erf) = vpow2.f32 v2;
	v2 =	vld [tilespmem:s19+$0xFFFFFFE0]  }
0xcb: {  	vm9 =	vgt.f32 v3, $0.0e+00;
	v5 =	vadd.f32 v5, v10;
	(erf) = vpow2.f32 v4  }
0xcc: {  	v11 =	vld [tilespmem:s0+$0x0];
	v4 =	vadd.f32 v8, v6;
	(erf) = vpow2.f32 v1;
	v1 =	vsel vm9, v3, v9  }
0xcd: {  	v21 =	vunpack.i.u.bf16.f32 v16;
	v10 =	vld [tilespmem:s9+$0xFFFFFFE0];
	v3 =	vmul.f32 $2.000000030e-01, v5;
	v1 =	vsub.f32 v1, v0  }
0xce: {  	v8 =	vld [tilespmem:s19+$0x0];
	vm10 =	vgt.f32 v5, $0.0e+00;
	v9 =	vmul.f32 $2.000000030e-01, v4;
	vm1 =	vgt.f32 v4, $0.0e+00  }
0xcf: {  	v6 =	vld [tilespmem:s9+$0x40];
	v3 =	vsel vm10, v5, v3;
	v2 =	vadd.f32 v2, v7;
	v7 =	vmul.f32 $1.442695020e+00, v1  }
0xd0: {  	v16 =	vunpack.i.l.bf16.f32 v16;
	v5 =	vld [tilespmem:s9+$0xFFFFFFB0];
	v4 =	vsel vm1, v4, v9;
	v3 =	vsub.f32 v3, v0  }
0xd1: {  	s2 =	simm.s32 $0x6BE0;
	v13 =	vld [tilespmem:s9+$0x10];
	v4 =	vsub.f32 v4, v0;
	v12 =	vmul.f32 $2.000000030e-01, v2;
	(erf) = vpow2.f32 v7  }
0xd2: {  	s21 =	simm.s32 $0x8AA0;
	v18 =	vld [tilespmem:s2+$0xFFFFFFA0];
	v9 =	vunpack.i.u.bf16.f32 v10;
	v14 =	vmul.f32 $1.442695020e+00, v3;
	vm11 =	vgt.f32 v2, $0.0e+00  }
0xd3: {  	v19 =	vld [tilespmem:s21+$0x10];
	v10 =	vunpack.i.l.bf16.f32 v10;
	v8 =	vadd.f32 v8, v11;
	v2 =	vsel vm11, v2, v12  }
0xd4: {  	v1 =	vld [tilespmem:s0+$0x40];
	v7 =	vunpack.i.l.bf16.f32 v6;
	v15 =	vmul.f32 $1.442695020e+00, v4;
	v3 =	vpop (erf);
	(erf) = vpow2.f32 v14  }
0xd5: {  	v17 =	vmul.f32 $2.000000030e-01, v8;
	v12 =	vld [tilespmem:s2+$0xFFFFFFD0];
	v14 =	vunpack.i.l.bf16.f32 v5;
	v5 =	vunpack.i.u.bf16.f32 v5;
	v4 =	vpop (erf)  }
0xd6: {  	v11 =	vsub.f32 v2, v0;
	(erf) = vpow2.f32 v15;
	v15 =	vld [tilespmem:s21+$0xFFFFFFF0];
	v9 =	vmul.f32 v4, v9;
	v2 =	vpop (erf)  }
0xd7: {  	s18 =	simm.s32 $0xBAA0;
	v6 =	vunpack.i.u.bf16.f32 v6;
	v10 =	vmul.f32 v4, v10;
	v20 =	vmul.f32 v2, v5;
	v5 =	vld [tilespmem:s2+$0x30]  }
0xd8: {  	vm12 =	vgt.f32 v8, $0.0e+00;
	v7 =	vmul.f32 v3, v7;
	v11 =	vmul.f32 $1.442695020e+00, v11;
	[tilespmem:s18+$0xFFFFFFC0] =	vst v9;
	v9 =	vld [tilespmem:s21+$0x0]  }
0xd9: {  	v6 =	vmul.f32 v3, v6;
	v17 =	vsel vm12, v8, v17;
	v14 =	vmul.f32 v2, v14;
	[tilespmem:s18+$0xFFFFFFB0] =	vst v10;
	v10 =	vld [tilespmem:s2+$0x0]  }
0xda: {  	[tilespmem:s18+$0x50] =	vst v7;
	v7 =	vld [tilespmem:s21+$0xFFFFFFE0];
	(erf) = vpow2.f32 v11;
	v11 =	vunpack.i.l.bf16.f32 v13;
	v13 =	vunpack.i.u.bf16.f32 v13;
	v8 =	vpop (erf)  }
0xdb: {  	v15 =	vadd.f32 v15, v12;
	v12 =	vld [tilespmem:s9+$0xFFFFFFF0];
	[tilespmem:s18+$0xFFFFFF60] =	vst v14;
	v14 =	vsub.f32 v17, v0;
	v11 =	vmul.f32 v8, v11  }
0xdc: {  	[tilespmem:s18+$0x60] =	vst v6;
	v22 =	vmul.f32 v8, v13;
	v19 =	vadd.f32 v19, v5;
	v5 =	vunpack.i.l.bf16.f32 v1  }
0xdd: {  	v23 =	vmul.f32 $2.000000030e-01, v15;
	v13 =	vld [tilespmem:s9+$0x50];
	vm13 =	vgt.f32 v15, $0.0e+00;
	v28 =	vmul.f32 $1.442695020e+00, v14;
	v6 =	vpop (erf)  }
0xde: {  	v9 =	vadd.f32 v9, v10;
	v17 =	vmul.f32 v6, v5;
	[tilespmem:s18+$0x0] =	vst v11;
	v24 =	vmul.f32 $2.000000030e-01, v19  }
0xdf: {  	v11 =	vld [tilespmem:s0+$0xFFFFFFB0];
	[tilespmem:s18+$0x10] =	vst v22;
	v22 =	vadd.f32 v7, v18;
	v10 =	vsel vm13, v15, v23;
	vm14 =	vgt.f32 v19, $0.0e+00;
	v5 =	vpop (erf)  }
0xe0: {  	[tilespmem:s18+$0xFFFFFF70] =	vst v20;
	v18 =	vunpack.i.u.bf16.f32 v12;
	v7 =	vmul.f32 v5, v21;
	v15 =	vsel vm14, v19, v24;
	v19 =	vld [tilespmem:s9+$0x20]  }
0xe1: {  	[tilespmem:s18+$0x90] =	vst v3;
	v26 =	vsub.f32 v10, v0;
	vm15 =	vgt.f32 v22, $0.0e+00;
	v21 =	vmul.f32 $2.000000030e-01, v22  }
0xe2: {  	s7 =	simm.s32 $0xBBE0;
	v20 =	vld [tilespmem:s9+$0xFFFFFFC0];
	v25 =	vmul.f32 v5, v16;
	[tilespmem:s18+$0x40] =	vst v8;
	v23 =	vunpack.i.l.bf16.f32 v13;
	v15 =	vsub.f32 v15, v0  }
0xe3: {  	v10 =	vld [tilespmem:s2+$0x40];
	v14 =	vmul.f32 $2.000000030e-01, v9;
	v27 =	vmul.f32 v23, v3;
	[tilespmem:s7+$0xFFFFFFC0] =	vst v7;
	v24 =	vsel vm15, v22, v21  }
0xe4: {  	s10 =	simm.s32 $0x8AE0;
	v16 =	vld [tilespmem:s0+$0x10];
	[tilespmem:s7+$0xFFFFFFB0] =	vst v25;
	v25 =	vmul.f32 $1.442695020e+00, v26;
	v23 =	vmul.f32 $1.442695020e+00, v15;
	v15 =	vunpack.i.l.bf16.f32 v11;
	v7 =	vpop (erf)  }
0xe5: {  	s19 =	simm.s32 $0xBBE0;
	s21 =	simm.s32 $0x8;
	s9 =	simm.s32 $0x6CA0;
	[tilespmem:s18+$0x70] =	vst v27;
	(erf) = vpow2.f32 v28;
	v21 =	vmul.f32 v7, v15;
	v15 =	vld [tilespmem:s2+$0xFFFFFFE0];
	v22 =	vunpack.i.u.bf16.f32 v19  }
.LBB2_4:
0xe6: {  	v26 =	vld [tilespmem:s9+$0xFFFFFFA0];
	s21 =	sadd.s32 $0x4, s21;
	v24 =	vsub.f32 v24, v0;
	s7 =	sadd.s32 $0x140, s7;
	[tilespmem:s18+$0xFFFFFFA0] =	vst v2;
	v12 =	vunpack.i.l.bf16.f32 v12;
	v19 =	vunpack.i.l.bf16.f32 v19  }
0xe7: {  	v13 =	vunpack.i.u.bf16.f32 v13;
	v27 =	vld [tilespmem:s9+$0xFFFFFFD0];
	p0 =	slt.u32 s21, $0x7C;
	(erf) = vpow2.f32 v23;
	[tilespmem:s19+$0x50] =	vst v17;
	v12 =	vmul.f32 v12, v4  }
0xe8: {  	v11 =	vunpack.i.u.bf16.f32 v11;
	v13 =	vmul.f32 v13, v3;
	v3 =	vmovc v6;
	v17 =	vld [tilespmem:s10+$0x10];
	(erf) = vpow2.f32 v25;
	[tilespmem:s18+$0xFFFFFFF0] =	vst v4  }
0xe9: {  	v23 =	vmul.f32 $1.442695020e+00, v24;
	v6 =	vld [tilespmem:s10+$0xFFFFFFF0];
	v24 =	vunpack.i.u.bf16.f32 v20;
	[tilespmem:s18+$0xFFFFFFD0] =	vst v12;
	v12 =	vmul.f32 v19, v8  }
0xea: {  	v18 =	vmul.f32 v18, v4;
	v25 =	vmul.f32 v7, v11;
	v4 =	vmovc v5;
	v11 =	vunpack.i.l.bf16.f32 v20;
	v19 =	vld [tilespmem:s10+$0x0];
	[tilespmem:s18+$0x80] =	vst v13  }
0xeb: {  	v13 =	vunpack.i.u.bf16.f32 v1;
	v20 =	vmul.f32 v24, v2;
	v1 =	vmovc v10;
	v5 =	vld [tilespmem:s9+$0x30];
	(erf) = vpow2.f32 v23;
	[tilespmem:s19+$0xFFFFFF60] =	vst v21  }
0xec: {  	v10 =	vunpack.i.l.bf16.f32 v16;
	v13 =	vmul.f32 v3, v13;
	v21 =	vmul.f32 v22, v8;
	[tilespmem:s18+$0x20] =	vst v12  }
0xed: {  	vm0 =	vgt.f32 v9, $0.0e+00;
	v16 =	vunpack.i.u.bf16.f32 v16;
	v23 =	vmul.f32 v11, v2;
	v2 =	vmovc v7;
	v22 =	vld [tilespmem:s9+$0x0];
	[tilespmem:s18+$0xFFFFFFE0] =	vst v18  }
0xee: {  	v9 =	vsel vm0, v9, v14;
	v24 =	vunpack.i.u.bf16.f32 v15;
	v7 =	vld [tilespmem:s10+$0xFFFFFFE0];
	v18 =	vadd.f32 v6, v27;
	[tilespmem:s19+$0x60] =	vst v13;
	v8 =	vpop (erf)  }
0xef: {  	v14 =	vunpack.i.l.bf16.f32 v15;
	v12 =	vld [tilespmem:s0+$0xFFFFFFF0];
	v10 =	vmul.f32 v8, v10;
	v15 =	vmul.f32 v8, v16;
	[tilespmem:s18+$0x30] =	vst v21  }
0xf0: {  	v11 =	vunpack.i.l.bf16.f32 v1;
	v16 =	vmul.f32 $2.000000030e-01, v18;
	v21 =	vadd.f32 v17, v5;
	v6 =	vpop (erf);
	v13 =	vld [tilespmem:s0+$0x50];
	[tilespmem:s18+$0xFFFFFF90] =	vst v20  }
0xf1: {  	vm0 =	vgt.f32 v18, $0.0e+00;
	v20 =	vsub.f32 v9, v0;
	v17 =	vmul.f32 v6, v11;
	v5 =	vpop (erf);
	[tilespmem:s19+$0x0] =	vst v10  }
0xf2: {  	vm1 =	vgt.f32 v21, $0.0e+00;
	v10 =	vmul.f32 $2.000000030e-01, v21;
	v11 =	vld [tilespmem:s2+$0xFFFFFFB0];
	v27 =	vmul.f32 v5, v14;
	[tilespmem:s19+$0x10] =	vst v15  }
0xf3: {  	v9 =	vadd.f32 v19, v22;
	v15 =	vmul.f32 v5, v24;
	v14 =	vadd.f32 v7, v26;
	[tilespmem:s18+$0xFFFFFF80] =	vst v23;
	s18 =	smov.u32 s19;
	s19 =	smov.u32 s7  }
0xf4: {  	v16 =	vsel vm0, v18, v16;
	v10 =	vsel vm1, v21, v10;
	v7 =	vpop (erf);
	v18 =	vunpack.i.u.bf16.f32 v12;
	v19 =	vld [tilespmem:s0+$0x20];
	[tilespmem:s18+$0x90] =	vst v3  }
.Ltmp3:
0xf5: {  	v21 =	vmul.f32 $2.000000030e-01, v14;
	v10 =	vsub.f32 v10, v0;
	[tilespmem:s18+$0x40] =	vst v8;
	v22 =	vunpack.i.l.bf16.f32 v13;
	(pc) =	sbr.rel @p0 .LBB2_4-.Ltmp3, $4  }
0xf6: {  	v26 =	vsub.f32 v16, v0;
	vm0 =	vgt.f32 v14, $0.0e+00;
	[tilespmem:s7+$0xFFFFFFC0] =	vst v15;
	v16 =	vld [tilespmem:s2+$0x10];
	v28 =	vmul.f32 v22, v3  }
0xf7: {  	v22 =	vmul.f32 $1.442695020e+00, v20;
	v23 =	vmul.f32 $1.442695020e+00, v10;
	v10 =	vld [tilespmem:s9+$0x40];
	v15 =	vunpack.i.l.bf16.f32 v11;
	[tilespmem:s18+$0xFFFFFF70] =	vst v25  }
0xf8: {  	v24 =	vsel vm0, v14, v21;
	v14 =	vmul.f32 $2.000000030e-01, v9;
	v21 =	vmul.f32 v7, v15;
	[tilespmem:s7+$0xFFFFFFB0] =	vst v27;
	v20 =	vld [tilespmem:s0+$0xFFFFFFC0];
	s0 =	smov.u32 s2;
	s2 =	smov.u32 s9  }
0xf9: {  	s10 =	sadd.s32 $0x40, s10;
	v25 =	vmul.f32 $1.442695020e+00, v26;
	s9 =	sadd.s32 $0xC0, s9;
	v15 =	vld [tilespmem:s2+$0xFFFFFFE0];
	(erf) = vpow2.f32 v22;
	v22 =	vunpack.i.u.bf16.f32 v19;
	[tilespmem:s18+$0x70] =	vst v28  }
0xfa: {  	[tilespmem:s18+$0xFFFFFFA0] =	vst v2  }
0xfb: {  	[tilespmem:s19+$0x50] =	vst v17  }
0xfc: {  	[tilespmem:s18+$0xFFFFFFF0] =	vst v4  }
0xfd: {  	v12 =	vunpack.i.l.bf16.f32 v12;
	[tilespmem:s19+$0xFFFFFF60] =	vst v21;
	v32 =	vmul.f32 v22, v8  }
0xfe: {  	v13 =	vunpack.i.u.bf16.f32 v13;
	v42 =	vld [tilespmem:s0+$0xFFFFFFF0];
	[tilespmem:s19+$0xFFFFFFF0] =	vst v5;
	v12 =	vmul.f32 v12, v4  }
0xff: {  	v29 =	vunpack.i.l.bf16.f32 v19;
	v3 =	vmul.f32 v13, v3;
	[tilespmem:s18+$0x30] =	vst v32  }
0x100: {  	v30 =	vmul.f32 v29, v8;
	[tilespmem:s18+$0xFFFFFFD0] =	vst v12  }
0x101: {  	(erf) = vpow2.f32 v23;
	v1 =	vunpack.i.u.bf16.f32 v1;
	[tilespmem:s18+$0x80] =	vst v3;
	v3 =	vmul.f32 v18, v4  }
0x102: {  	v1 =	vmul.f32 v6, v1;
	[tilespmem:s18+$0x20] =	vst v30;
	v31 =	vunpack.i.u.bf16.f32 v20;
	v36 =	vunpack.i.l.bf16.f32 v20  }
0x103: {  	[tilespmem:s18+$0xFFFFFFE0] =	vst v3;
	v3 =	vmul.f32 v31, v2;
	v2 =	vmul.f32 v36, v2  }
0x104: {  	(erf) = vpow2.f32 v25;
	[tilespmem:s19+$0x60] =	vst v1  }
0x105: {  	v37 =	vld [tilespmem:s0+$0x50];
	[tilespmem:s18+$0xFFFFFF80] =	vst v2;
	v2 =	vunpack.i.u.bf16.f32 v11  }
0x106: {  	v34 =	vsub.f32 v24, v0;
	v33 =	vunpack.i.l.bf16.f32 v16;
	[tilespmem:s19+$0x90] =	vst v6;
	v1 =	vpop (erf);
	v2 =	vmul.f32 v7, v2  }
0x107: {  	vm0 =	vgt.f32 v9, $0.0e+00;
	v35 =	vunpack.i.u.bf16.f32 v16;
	[tilespmem:s18+$0xFFFFFF90] =	vst v3;
	v4 =	vmul.f32 v1, v33  }
0x108: {  	v9 =	vsel vm0, v9, v14;
	v3 =	vmul.f32 $1.442695020e+00, v34;
	v13 =	vmul.f32 v1, v35;
	[tilespmem:s19+$0xFFFFFF70] =	vst v2  }
0x109: {  	v9 =	vsub.f32 v9, v0;
	[tilespmem:s19+$0x0] =	vst v4  }
0x10a: {  	v41 =	vunpack.i.l.bf16.f32 v15;
	(erf) = vpow2.f32 v3;
	v43 =	vunpack.i.l.bf16.f32 v37;
	[tilespmem:s19+$0x10] =	vst v13  }
0x10b: {  	v3 =	vunpack.i.u.bf16.f32 v15;
	v8 =	vunpack.i.u.bf16.f32 v37;
	v15 =	vmul.f32 v43, v6;
	v44 =	vld [tilespmem:s0+$0xFFFFFFC0];
	[tilespmem:s19+$0xFFFFFFA0] =	vst v7  }
0x10c: {  	v9 =	vmul.f32 $1.442695020e+00, v9;
	v38 =	vpop (erf);
	v2 =	vunpack.i.l.bf16.f32 v10;
	v48 =	vmul.f32 v8, v6;
	v40 =	vld [tilespmem:s0+$0x20];
	[tilespmem:s19+$0x40] =	vst v1  }
0x10d: {  	v39 =	vpop (erf);
	v2 =	vmul.f32 v38, v2;
	[tilespmem:s19+$0x70] =	vst v15  }
0x10e: {  	s7 =	sadd.s32 $0x140, s7;
	v45 =	vunpack.i.l.bf16.f32 v42;
	(erf) = vpow2.f32 v9;
	v3 =	vmul.f32 v39, v3;
	[tilespmem:s19+$0x80] =	vst v48  }
0x10f: {  	[tilespmem:s7+$0x50] =	vst v2;
	v2 =	vmul.f32 v45, v5  }
0x110: {  	v13 =	vmul.f32 v39, v41;
	[tilespmem:s7+$0xFFFFFFC0] =	vst v3  }
0x111: {  	[tilespmem:s19+$0xFFFFFFD0] =	vst v2;
	v2 =	vunpack.i.u.bf16.f32 v42  }
0x112: {  	v49 =	vld [tilespmem:s2+$0x10];
	v52 =	vunpack.i.u.bf16.f32 v10;
	[tilespmem:s7+$0xFFFFFFB0] =	vst v13;
	v2 =	vmul.f32 v2, v5  }
0x113: {  	v58 =	vld [tilespmem:s2+$0xFFFFFFF0];
	[tilespmem:s7+$0xFFFFFFF0] =	vst v39;
	v5 =	vmul.f32 v38, v52;
	v50 =	vunpack.i.l.bf16.f32 v40  }
0x114: {  	v53 =	vunpack.i.u.bf16.f32 v40;
	v51 =	vmul.f32 v50, v1;
	[tilespmem:s19+$0xFFFFFFE0] =	vst v2  }
0x115: {  	v3 =	vld [tilespmem:s2+$0xFFFFFFB0];
	v54 =	vunpack.i.u.bf16.f32 v44;
	v1 =	vmul.f32 v53, v1;
	[tilespmem:s7+$0x60] =	vst v5  }
0x116: {  	v46 =	vpop (erf);
	v2 =	vmul.f32 v54, v7;
	[tilespmem:s19+$0x20] =	vst v51  }
0x117: {  	v55 =	vunpack.i.l.bf16.f32 v49;
	v56 =	vpop (erf);
	[tilespmem:s19+$0x30] =	vst v1  }
0x118: {  	v8 =	vunpack.i.u.bf16.f32 v49;
	v6 =	vmul.f32 v56, v55;
	[tilespmem:s19+$0xFFFFFF90] =	vst v2  }
0x119: {  	v57 =	vunpack.i.l.bf16.f32 v44;
	v1 =	vld [tilespmem:s2+$0x50];
	v8 =	vmul.f32 v56, v8;
	[tilespmem:s7+$0x90] =	vst v38  }
0x11a: {  	v47 =	vunpack.i.l.bf16.f32 v3;
	v2 =	vmul.f32 v57, v7;
	[tilespmem:s7+$0x0] =	vst v6  }
0x11b: {  	v3 =	vunpack.i.u.bf16.f32 v3;
	v15 =	vmul.f32 v46, v47;
	[tilespmem:s7+$0x10] =	vst v8  }
0x11c: {  	v62 =	vunpack.i.u.bf16.f32 v58;
	[tilespmem:s19+$0xFFFFFF80] =	vst v2;
	v2 =	vmul.f32 v46, v3  }
0x11d: {  	v4 =	vmul.f32 v62, v39;
	[tilespmem:s7+$0xFFFFFF60] =	vst v15;
	v3 =	vld [tilespmem:s2+$0x20]  }
0x11e: {  	[tilespmem:s7+$0xFFFFFF70] =	vst v2  }
0x11f: {  	[tilespmem:s7+$0xFFFFFFE0] =	vst v4;
	v59 =	vunpack.i.l.bf16.f32 v1;
	v2 =	vld [tilespmem:s2+$0xFFFFFFC0]  }
0x120: {  	[tilespmem:s7+$0x40] =	vst v56;
	v1 =	vunpack.i.u.bf16.f32 v1;
	v7 =	vmul.f32 v59, v38  }
0x121: {  	v60 =	vunpack.i.l.bf16.f32 v58;
	[tilespmem:s7+$0xFFFFFFA0] =	vst v46;
	v1 =	vmul.f32 v1, v38  }
0x122: {  	[tilespmem:s7+$0x70] =	vst v7;
	v7 =	vmul.f32 v60, v39;
	v61 =	vunpack.i.l.bf16.f32 v3  }
0x123: {  	v3 =	vunpack.i.u.bf16.f32 v3;
	[tilespmem:s7+$0x80] =	vst v1;
	v63 =	vmul.f32 v61, v56  }
0x124: {  	v3 =	vmul.f32 v3, v56;
	[tilespmem:s7+$0xFFFFFFD0] =	vst v7;
	v1 =	vunpack.i.u.bf16.f32 v2  }
0x125: {  	v2 =	vunpack.i.l.bf16.f32 v2;
	[tilespmem:s7+$0x20] =	vst v63;
	v1 =	vmul.f32 v1, v46  }
0x126: {  	v2 =	vmul.f32 v2, v46;
	[tilespmem:s7+$0x30] =	vst v3  }
0x127: {  	[tilespmem:s7+$0xFFFFFF90] =	vst v1  }
0x128: {  	[tilespmem:s7+$0xFFFFFF80] =	vst v2  }
0x129: {  	[spmem:s4] =	stream.indirect.scatter.add.f32 [tilespmem:s31], [sflag:$0x6], $0x50, s28, s17, $0xb8;
	[tilespmem:$0x1A790] =	vst v63  }
0x12a: {  	s19 =	simm.s32 $0x180  }
0x12b: {  	[tilespmem:s20], [sflag:$0x2] =	stream.indirect.gather [hbm4b:s1+s17], $0x30, s19, s17, $0xb8;
	[tilespmem:$0x1A790] =	vst v63  }
0x12c: {  	s21 =	simm.s32 $0x2A80;
	s28 =	simm.s32 $0x1  }
0x12d: {  	[tilespmem:s22], [sflag:$0x4] =	stream.indirect.gather [hbm4b:s6+s17], $0x10, s21, s17, $0xb8;
	[tilespmem:$0x1A790] =	vst v63  }
.LBB2_6:
0x12e: {  	_ =	swait.ge [sflag:s23], $0x1800  }
0x12f: {  	[sflag:s23] =	ssyncset.done $0x0  }
0x130: {  	[sflag:s23] =	ssyncadd.s32 $0xFFFFE800  }
0x131: {  	_ =	swait.ge [sflag:s24], $0x800  }
0x132: {  	[sflag:s24] =	ssyncset.done $0x0  }
0x133: {  	[sflag:s24] =	ssyncadd.s32 $0xFFFFF800  }
0x134: {  	_ =	swait.ge [sflag:s3], $0x2800  }
0x135: {  	[sflag:s3] =	ssyncset.done $0x0  }
0x136: {  	s9 =	simm.s32 $0x5260;
	[sflag:s3] =	ssyncadd.s32 $0xFFFFD800  }
0x137: {  	s0 =	simm.s32 $0x8220;
	v1 =	vld [tilespmem:s9+$0xFFFFFFA0]  }
0x138: {  	v2 =	vld [tilespmem:s0+$0x10]  }
0x139: {  	v3 =	vld [tilespmem:s9+$0x30]  }
0x13a: {  	v4 =	vld [tilespmem:s9+$0xFFFFFFD0]  }
0x13b: {  	v5 =	vld [tilespmem:s0+$0xFFFFFFF0]  }
0x13c: {  	v6 =	vld [tilespmem:s0+$0xFFFFFFE0];
	_ =	sdelay $0x2  }
0x13d: {  	v7 =	vld [tilespmem:s9+$0x0];
	v2 =	vadd.f32 v2, v3  }
0x13e: {  	v3 =	vld [tilespmem:s0+$0x0];
	v4 =	vadd.f32 v5, v4  }
0x13f: {  	s0 =	simm.s32 $0x5320;
	v1 =	vadd.f32 v6, v1;
	v5 =	vmul.f32 $2.000000030e-01, v2  }
0x140: {  	v6 =	vld [tilespmem:s0+$0xFFFFFFD0];
	vm0 =	vgt.f32 v2, $0.0e+00;
	v8 =	vmul.f32 $2.000000030e-01, v4  }
0x141: {  	s2 =	simm.s32 $0x8260;
	v10 =	vld [tilespmem:s0+$0x30];
	vm7 =	vgt.f32 v4, $0.0e+00;
	v9 =	vmul.f32 $2.000000030e-01, v1;
	v2 =	vsel vm0, v2, v5  }
0x142: {  	vm8 =	vgt.f32 v1, $0.0e+00;
	v5 =	vld [tilespmem:s2+$0x10];
	v4 =	vsel vm7, v4, v8;
	v2 =	vsub.f32 v2, v0  }
0x143: {  	v8 =	vld [tilespmem:s2+$0xFFFFFFF0];
	v1 =	vsel vm8, v1, v9;
	v4 =	vsub.f32 v4, v0;
	v3 =	vadd.f32 v3, v7  }
0x144: {  	v16 =	vld [tilespmem:s0+$0xFFFFFFE0];
	v1 =	vsub.f32 v1, v0;
	v2 =	vmul.f32 $1.442695020e+00, v2  }
0x145: {  	v7 =	vld [tilespmem:s0+$0xFFFFFFA0];
	v4 =	vmul.f32 $1.442695020e+00, v4;
	v9 =	vmul.f32 $2.000000030e-01, v3  }
0x146: {  	v1 =	vmul.f32 $1.442695020e+00, v1;
	(erf) = vpow2.f32 v2;
	v2 =	vld [tilespmem:s2+$0xFFFFFFE0]  }
0x147: {  	vm9 =	vgt.f32 v3, $0.0e+00;
	v5 =	vadd.f32 v5, v10;
	(erf) = vpow2.f32 v4  }
0x148: {  	v11 =	vld [tilespmem:s0+$0x0];
	v4 =	vadd.f32 v8, v6;
	(erf) = vpow2.f32 v1;
	v1 =	vsel vm9, v3, v9  }
0x149: {  	v21 =	vunpack.i.u.bf16.f32 v16;
	v10 =	vld [tilespmem:s9+$0xFFFFFFE0];
	v3 =	vmul.f32 $2.000000030e-01, v5;
	v1 =	vsub.f32 v1, v0  }
0x14a: {  	v8 =	vld [tilespmem:s2+$0x0];
	vm10 =	vgt.f32 v5, $0.0e+00;
	v9 =	vmul.f32 $2.000000030e-01, v4;
	vm1 =	vgt.f32 v4, $0.0e+00  }
0x14b: {  	v6 =	vld [tilespmem:s9+$0x40];
	v3 =	vsel vm10, v5, v3;
	v2 =	vadd.f32 v2, v7;
	v7 =	vmul.f32 $1.442695020e+00, v1  }
0x14c: {  	v16 =	vunpack.i.l.bf16.f32 v16;
	v5 =	vld [tilespmem:s9+$0xFFFFFFB0];
	v4 =	vsel vm1, v4, v9;
	v3 =	vsub.f32 v3, v0  }
0x14d: {  	s7 =	simm.s32 $0x82A0;
	v13 =	vld [tilespmem:s9+$0x10];
	v4 =	vsub.f32 v4, v0;
	v12 =	vmul.f32 $2.000000030e-01, v2;
	(erf) = vpow2.f32 v7  }
0x14e: {  	v19 =	vld [tilespmem:s7+$0x10];
	s2 =	simm.s32 $0x53E0;
	v9 =	vunpack.i.u.bf16.f32 v10;
	v14 =	vmul.f32 $1.442695020e+00, v3;
	vm11 =	vgt.f32 v2, $0.0e+00  }
0x14f: {  	v18 =	vld [tilespmem:s2+$0xFFFFFFA0];
	v10 =	vunpack.i.l.bf16.f32 v10;
	v8 =	vadd.f32 v8, v11;
	v2 =	vsel vm11, v2, v12  }
0x150: {  	v1 =	vld [tilespmem:s0+$0x40];
	v7 =	vunpack.i.l.bf16.f32 v6;
	v15 =	vmul.f32 $1.442695020e+00, v4;
	v3 =	vpop (erf);
	(erf) = vpow2.f32 v14  }
0x151: {  	v17 =	vmul.f32 $2.000000030e-01, v8;
	v12 =	vld [tilespmem:s2+$0xFFFFFFD0];
	v14 =	vunpack.i.l.bf16.f32 v5;
	v5 =	vunpack.i.u.bf16.f32 v5;
	v4 =	vpop (erf)  }
0x152: {  	v11 =	vsub.f32 v2, v0;
	(erf) = vpow2.f32 v15;
	v15 =	vld [tilespmem:s7+$0xFFFFFFF0];
	v9 =	vmul.f32 v4, v9;
	v2 =	vpop (erf)  }
0x153: {  	s18 =	simm.s32 $0x92A0;
	v6 =	vunpack.i.u.bf16.f32 v6;
	v10 =	vmul.f32 v4, v10;
	v20 =	vmul.f32 v2, v5;
	v5 =	vld [tilespmem:s2+$0x30]  }
0x154: {  	vm12 =	vgt.f32 v8, $0.0e+00;
	v7 =	vmul.f32 v3, v7;
	v11 =	vmul.f32 $1.442695020e+00, v11;
	[tilespmem:s18+$0xFFFFFFC0] =	vst v9;
	v9 =	vld [tilespmem:s7+$0x0]  }
0x155: {  	v6 =	vmul.f32 v3, v6;
	v17 =	vsel vm12, v8, v17;
	v14 =	vmul.f32 v2, v14;
	[tilespmem:s18+$0xFFFFFFB0] =	vst v10;
	v10 =	vld [tilespmem:s2+$0x0]  }
0x156: {  	[tilespmem:s18+$0x50] =	vst v7;
	v7 =	vld [tilespmem:s7+$0xFFFFFFE0];
	(erf) = vpow2.f32 v11;
	v11 =	vunpack.i.l.bf16.f32 v13;
	v13 =	vunpack.i.u.bf16.f32 v13;
	v8 =	vpop (erf)  }
0x157: {  	v15 =	vadd.f32 v15, v12;
	v12 =	vld [tilespmem:s9+$0xFFFFFFF0];
	[tilespmem:s18+$0xFFFFFF60] =	vst v14;
	v14 =	vsub.f32 v17, v0;
	v11 =	vmul.f32 v8, v11  }
0x158: {  	[tilespmem:s18+$0x60] =	vst v6;
	v22 =	vmul.f32 v8, v13;
	v19 =	vadd.f32 v19, v5;
	v5 =	vunpack.i.l.bf16.f32 v1  }
0x159: {  	v23 =	vmul.f32 $2.000000030e-01, v15;
	v13 =	vld [tilespmem:s9+$0x50];
	vm13 =	vgt.f32 v15, $0.0e+00;
	v28 =	vmul.f32 $1.442695020e+00, v14;
	v6 =	vpop (erf)  }
0x15a: {  	v9 =	vadd.f32 v9, v10;
	v17 =	vmul.f32 v6, v5;
	[tilespmem:s18+$0x0] =	vst v11;
	v24 =	vmul.f32 $2.000000030e-01, v19  }
0x15b: {  	v11 =	vld [tilespmem:s0+$0xFFFFFFB0];
	[tilespmem:s18+$0x10] =	vst v22;
	v22 =	vadd.f32 v7, v18;
	v10 =	vsel vm13, v15, v23;
	vm14 =	vgt.f32 v19, $0.0e+00;
	v5 =	vpop (erf)  }
0x15c: {  	[tilespmem:s18+$0xFFFFFF70] =	vst v20;
	v18 =	vunpack.i.u.bf16.f32 v12;
	v7 =	vmul.f32 v5, v21;
	v15 =	vsel vm14, v19, v24;
	v19 =	vld [tilespmem:s9+$0x20]  }
0x15d: {  	[tilespmem:s18+$0x90] =	vst v3;
	v26 =	vsub.f32 v10, v0;
	vm15 =	vgt.f32 v22, $0.0e+00;
	v21 =	vmul.f32 $2.000000030e-01, v22  }
0x15e: {  	s7 =	simm.s32 $0x93E0;
	v20 =	vld [tilespmem:s9+$0xFFFFFFC0];
	v25 =	vmul.f32 v5, v16;
	[tilespmem:s18+$0x40] =	vst v8;
	v23 =	vunpack.i.l.bf16.f32 v13;
	v15 =	vsub.f32 v15, v0  }
0x15f: {  	v10 =	vld [tilespmem:s2+$0x40];
	v14 =	vmul.f32 $2.000000030e-01, v9;
	v27 =	vmul.f32 v23, v3;
	[tilespmem:s7+$0xFFFFFFC0] =	vst v7;
	v24 =	vsel vm15, v22, v21  }
0x160: {  	s21 =	simm.s32 $0x8;
	v16 =	vld [tilespmem:s0+$0x10];
	[tilespmem:s7+$0xFFFFFFB0] =	vst v25;
	v25 =	vmul.f32 $1.442695020e+00, v26;
	v23 =	vmul.f32 $1.442695020e+00, v15;
	v15 =	vunpack.i.l.bf16.f32 v11;
	v7 =	vpop (erf)  }
0x161: {  	s10 =	simm.s32 $0x82E0;
	s19 =	simm.s32 $0x93E0;
	s9 =	simm.s32 $0x54A0;
	[tilespmem:s18+$0x70] =	vst v27;
	(erf) = vpow2.f32 v28;
	v21 =	vmul.f32 v7, v15;
	v15 =	vld [tilespmem:s2+$0xFFFFFFE0];
	v22 =	vunpack.i.u.bf16.f32 v19  }
.LBB2_7:
0x162: {  	v26 =	vld [tilespmem:s9+$0xFFFFFFA0];
	s21 =	sadd.s32 $0x4, s21;
	v24 =	vsub.f32 v24, v0;
	s7 =	sadd.s32 $0x140, s7;
	[tilespmem:s18+$0xFFFFFFA0] =	vst v2;
	v12 =	vunpack.i.l.bf16.f32 v12;
	v19 =	vunpack.i.l.bf16.f32 v19  }
0x163: {  	v13 =	vunpack.i.u.bf16.f32 v13;
	v27 =	vld [tilespmem:s9+$0xFFFFFFD0];
	p0 =	slt.u32 s21, $0x7C;
	(erf) = vpow2.f32 v23;
	[tilespmem:s19+$0x50] =	vst v17;
	v12 =	vmul.f32 v12, v4  }
0x164: {  	v11 =	vunpack.i.u.bf16.f32 v11;
	v13 =	vmul.f32 v13, v3;
	v3 =	vmovc v6;
	v17 =	vld [tilespmem:s10+$0x10];
	(erf) = vpow2.f32 v25;
	[tilespmem:s18+$0xFFFFFFF0] =	vst v4  }
0x165: {  	v23 =	vmul.f32 $1.442695020e+00, v24;
	v6 =	vld [tilespmem:s10+$0xFFFFFFF0];
	v24 =	vunpack.i.u.bf16.f32 v20;
	[tilespmem:s18+$0xFFFFFFD0] =	vst v12;
	v12 =	vmul.f32 v19, v8  }
0x166: {  	v18 =	vmul.f32 v18, v4;
	v25 =	vmul.f32 v7, v11;
	v4 =	vmovc v5;
	v11 =	vunpack.i.l.bf16.f32 v20;
	v19 =	vld [tilespmem:s10+$0x0];
	[tilespmem:s18+$0x80] =	vst v13  }
0x167: {  	v13 =	vunpack.i.u.bf16.f32 v1;
	v20 =	vmul.f32 v24, v2;
	v1 =	vmovc v10;
	v5 =	vld [tilespmem:s9+$0x30];
	(erf) = vpow2.f32 v23;
	[tilespmem:s19+$0xFFFFFF60] =	vst v21  }
0x168: {  	v10 =	vunpack.i.l.bf16.f32 v16;
	v13 =	vmul.f32 v3, v13;
	v21 =	vmul.f32 v22, v8;
	[tilespmem:s18+$0x20] =	vst v12  }
0x169: {  	vm0 =	vgt.f32 v9, $0.0e+00;
	v16 =	vunpack.i.u.bf16.f32 v16;
	v23 =	vmul.f32 v11, v2;
	v2 =	vmovc v7;
	v22 =	vld [tilespmem:s9+$0x0];
	[tilespmem:s18+$0xFFFFFFE0] =	vst v18  }
0x16a: {  	v9 =	vsel vm0, v9, v14;
	v24 =	vunpack.i.u.bf16.f32 v15;
	v7 =	vld [tilespmem:s10+$0xFFFFFFE0];
	v18 =	vadd.f32 v6, v27;
	[tilespmem:s19+$0x60] =	vst v13;
	v8 =	vpop (erf)  }
0x16b: {  	v14 =	vunpack.i.l.bf16.f32 v15;
	v12 =	vld [tilespmem:s0+$0xFFFFFFF0];
	v10 =	vmul.f32 v8, v10;
	v15 =	vmul.f32 v8, v16;
	[tilespmem:s18+$0x30] =	vst v21  }
0x16c: {  	v11 =	vunpack.i.l.bf16.f32 v1;
	v16 =	vmul.f32 $2.000000030e-01, v18;
	v21 =	vadd.f32 v17, v5;
	v6 =	vpop (erf);
	v13 =	vld [tilespmem:s0+$0x50];
	[tilespmem:s18+$0xFFFFFF90] =	vst v20  }
0x16d: {  	vm0 =	vgt.f32 v18, $0.0e+00;
	v20 =	vsub.f32 v9, v0;
	v17 =	vmul.f32 v6, v11;
	v5 =	vpop (erf);
	[tilespmem:s19+$0x0] =	vst v10  }
0x16e: {  	vm1 =	vgt.f32 v21, $0.0e+00;
	v10 =	vmul.f32 $2.000000030e-01, v21;
	v11 =	vld [tilespmem:s2+$0xFFFFFFB0];
	v27 =	vmul.f32 v5, v14;
	[tilespmem:s19+$0x10] =	vst v15  }
0x16f: {  	v9 =	vadd.f32 v19, v22;
	v15 =	vmul.f32 v5, v24;
	v14 =	vadd.f32 v7, v26;
	[tilespmem:s18+$0xFFFFFF80] =	vst v23;
	s18 =	smov.u32 s19;
	s19 =	smov.u32 s7  }
0x170: {  	v16 =	vsel vm0, v18, v16;
	v10 =	vsel vm1, v21, v10;
	v7 =	vpop (erf);
	v18 =	vunpack.i.u.bf16.f32 v12;
	v19 =	vld [tilespmem:s0+$0x20];
	[tilespmem:s18+$0x90] =	vst v3  }
.Ltmp4:
0x171: {  	v21 =	vmul.f32 $2.000000030e-01, v14;
	v10 =	vsub.f32 v10, v0;
	[tilespmem:s18+$0x40] =	vst v8;
	v22 =	vunpack.i.l.bf16.f32 v13;
	(pc) =	sbr.rel @p0 .LBB2_7-.Ltmp4, $4  }
0x172: {  	v26 =	vsub.f32 v16, v0;
	vm0 =	vgt.f32 v14, $0.0e+00;
	[tilespmem:s7+$0xFFFFFFC0] =	vst v15;
	v16 =	vld [tilespmem:s2+$0x10];
	v28 =	vmul.f32 v22, v3  }
0x173: {  	v22 =	vmul.f32 $1.442695020e+00, v20;
	v23 =	vmul.f32 $1.442695020e+00, v10;
	v10 =	vld [tilespmem:s9+$0x40];
	v15 =	vunpack.i.l.bf16.f32 v11;
	[tilespmem:s18+$0xFFFFFF70] =	vst v25  }
0x174: {  	v24 =	vsel vm0, v14, v21;
	v14 =	vmul.f32 $2.000000030e-01, v9;
	v21 =	vmul.f32 v7, v15;
	[tilespmem:s7+$0xFFFFFFB0] =	vst v27;
	v20 =	vld [tilespmem:s0+$0xFFFFFFC0];
	s0 =	smov.u32 s2;
	s2 =	smov.u32 s9  }
0x175: {  	s10 =	sadd.s32 $0x40, s10;
	v25 =	vmul.f32 $1.442695020e+00, v26;
	s9 =	sadd.s32 $0xC0, s9;
	v15 =	vld [tilespmem:s2+$0xFFFFFFE0];
	(erf) = vpow2.f32 v22;
	v22 =	vunpack.i.u.bf16.f32 v19;
	[tilespmem:s18+$0x70] =	vst v28  }
0x176: {  	[tilespmem:s18+$0xFFFFFFA0] =	vst v2  }
0x177: {  	[tilespmem:s19+$0x50] =	vst v17  }
0x178: {  	v12 =	vunpack.i.l.bf16.f32 v12;
	[tilespmem:s18+$0xFFFFFFF0] =	vst v4  }
0x179: {  	v13 =	vunpack.i.u.bf16.f32 v13;
	[tilespmem:s19+$0xFFFFFF60] =	vst v21;
	vm0 =	vgt.f32 v9, $0.0e+00;
	v12 =	vmul.f32 v12, v4  }
0x17a: {  	v1 =	vunpack.i.u.bf16.f32 v1;
	v3 =	vmul.f32 v13, v3;
	v9 =	vsel vm0, v9, v14;
	v14 =	vld [tilespmem:s0+$0xFFFFFFF0];
	[tilespmem:s19+$0xFFFFFFF0] =	vst v5  }
0x17b: {  	v13 =	vunpack.i.l.bf16.f32 v19;
	v1 =	vmul.f32 v6, v1;
	[tilespmem:s18+$0xFFFFFFD0] =	vst v12  }
0x17c: {  	(erf) = vpow2.f32 v23;
	v12 =	vmul.f32 v13, v8;
	[tilespmem:s18+$0x80] =	vst v3  }
0x17d: {  	v8 =	vmul.f32 v22, v8;
	[tilespmem:s19+$0x60] =	vst v1  }
0x17e: {  	v3 =	vmul.f32 v18, v4;
	[tilespmem:s18+$0x20] =	vst v12  }
0x17f: {  	(erf) = vpow2.f32 v25;
	v4 =	vunpack.i.u.bf16.f32 v20;
	[tilespmem:s18+$0x30] =	vst v8;
	v8 =	vunpack.i.l.bf16.f32 v20  }
0x180: {  	[tilespmem:s18+$0xFFFFFFE0] =	vst v3;
	v3 =	vmul.f32 v4, v2;
	v4 =	vunpack.i.l.bf16.f32 v16;
	v2 =	vmul.f32 v8, v2;
	v8 =	vld [tilespmem:s0+$0x50];
	v1 =	vpop (erf)  }
0x181: {  	v13 =	vunpack.i.u.bf16.f32 v16;
	v12 =	vsub.f32 v24, v0;
	[tilespmem:s19+$0x90] =	vst v6;
	v4 =	vmul.f32 v1, v4  }
0x182: {  	[tilespmem:s18+$0xFFFFFF90] =	vst v3;
	v13 =	vmul.f32 v1, v13  }
0x183: {  	v3 =	vmul.f32 $1.442695020e+00, v12;
	[tilespmem:s18+$0xFFFFFF80] =	vst v2;
	v2 =	vunpack.i.u.bf16.f32 v11  }
0x184: {  	v2 =	vmul.f32 v7, v2;
	[tilespmem:s19+$0x10] =	vst v13;
	v13 =	vunpack.i.l.bf16.f32 v15  }
0x185: {  	[tilespmem:s19+$0x0] =	vst v4;
	v4 =	vpop (erf);
	(erf) = vpow2.f32 v3;
	v3 =	vunpack.i.u.bf16.f32 v15;
	v15 =	vunpack.i.l.bf16.f32 v8  }
0x186: {  	v9 =	vsub.f32 v9, v0;
	[tilespmem:s19+$0xFFFFFF70] =	vst v2;
	v2 =	vunpack.i.l.bf16.f32 v10;
	v15 =	vmul.f32 v15, v6  }
0x187: {  	v11 =	vld [tilespmem:s0+$0x20];
	[tilespmem:s19+$0x40] =	vst v1;
	v8 =	vunpack.i.u.bf16.f32 v8;
	v2 =	vmul.f32 v4, v2  }
0x188: {  	s7 =	sadd.s32 $0x140, s7;
	v9 =	vmul.f32 $1.442695020e+00, v9;
	v12 =	vpop (erf);
	v6 =	vmul.f32 v8, v6;
	[tilespmem:s19+$0x70] =	vst v15  }
0x189: {  	v3 =	vmul.f32 v12, v3;
	[tilespmem:s7+$0x50] =	vst v2  }
0x18a: {  	(erf) = vpow2.f32 v9;
	v9 =	vunpack.i.l.bf16.f32 v14;
	v13 =	vmul.f32 v12, v13;
	[tilespmem:s19+$0x80] =	vst v6  }
0x18b: {  	v2 =	vmul.f32 v9, v5;
	[tilespmem:s7+$0xFFFFFFC0] =	vst v3  }
0x18c: {  	v3 =	vld [tilespmem:s2+$0xFFFFFFB0];
	[tilespmem:s7+$0xFFFFFFB0] =	vst v13;
	v16 =	vunpack.i.l.bf16.f32 v11  }
0x18d: {  	v13 =	vld [tilespmem:s0+$0xFFFFFFC0];
	v6 =	vunpack.i.u.bf16.f32 v11;
	[tilespmem:s19+$0xFFFFFFD0] =	vst v2;
	v2 =	vunpack.i.u.bf16.f32 v14;
	v14 =	vmul.f32 v16, v1  }
0x18e: {  	v8 =	vld [tilespmem:s2+$0x10];
	[tilespmem:s19+$0xFFFFFFA0] =	vst v7;
	v1 =	vmul.f32 v6, v1;
	v2 =	vmul.f32 v2, v5;
	v5 =	vunpack.i.u.bf16.f32 v10  }
0x18f: {  	v5 =	vmul.f32 v4, v5;
	[tilespmem:s19+$0x20] =	vst v14  }
0x190: {  	[tilespmem:s19+$0x30] =	vst v1  }
0x191: {  	[tilespmem:s19+$0xFFFFFFE0] =	vst v2;
	v9 =	vpop (erf);
	v15 =	vunpack.i.l.bf16.f32 v3  }
0x192: {  	v10 =	vunpack.i.u.bf16.f32 v13;
	[tilespmem:s7+$0x60] =	vst v5;
	v15 =	vmul.f32 v9, v15  }
0x193: {  	v6 =	vunpack.i.l.bf16.f32 v8;
	v2 =	vmul.f32 v10, v7;
	v1 =	vld [tilespmem:s2+$0x50];
	[tilespmem:s7+$0x90] =	vst v4;
	v5 =	vpop (erf)  }
0x194: {  	v8 =	vunpack.i.u.bf16.f32 v8;
	[tilespmem:s7+$0xFFFFFF60] =	vst v15;
	v6 =	vmul.f32 v5, v6  }
0x195: {  	v10 =	vunpack.i.l.bf16.f32 v13;
	v8 =	vmul.f32 v5, v8;
	[tilespmem:s19+$0xFFFFFF90] =	vst v2  }
0x196: {  	v2 =	vmul.f32 v10, v7;
	[tilespmem:s7+$0x0] =	vst v6  }
0x197: {  	v3 =	vunpack.i.u.bf16.f32 v3;
	v6 =	vld [tilespmem:s2+$0xFFFFFFF0];
	[tilespmem:s7+$0x10] =	vst v8  }
0x198: {  	[tilespmem:s19+$0xFFFFFF80] =	vst v2;
	v2 =	vmul.f32 v9, v3  }
0x199: {  	[tilespmem:s7+$0xFFFFFFF0] =	vst v12;
	v3 =	vld [tilespmem:s2+$0x20];
	v7 =	vunpack.i.l.bf16.f32 v1  }
0x19a: {  	v7 =	vmul.f32 v7, v4;
	[tilespmem:s7+$0xFFFFFF70] =	vst v2  }
0x19b: {  	[tilespmem:s7+$0x40] =	vst v5;
	v1 =	vunpack.i.u.bf16.f32 v1;
	v2 =	vld [tilespmem:s2+$0xFFFFFFC0]  }
0x19c: {  	v1 =	vmul.f32 v1, v4;
	[tilespmem:s7+$0x70] =	vst v7;
	v7 =	vunpack.i.l.bf16.f32 v6  }
0x19d: {  	[tilespmem:s7+$0xFFFFFFA0] =	vst v9;
	v4 =	vunpack.i.u.bf16.f32 v6;
	v7 =	vmul.f32 v7, v12  }
0x19e: {  	[tilespmem:s7+$0x80] =	vst v1;
	v8 =	vunpack.i.l.bf16.f32 v3;
	v4 =	vmul.f32 v4, v12  }
0x19f: {  	v3 =	vunpack.i.u.bf16.f32 v3;
	v6 =	vmul.f32 v8, v5;
	[tilespmem:s7+$0xFFFFFFD0] =	vst v7  }
0x1a0: {  	v3 =	vmul.f32 v3, v5;
	v1 =	vunpack.i.u.bf16.f32 v2;
	[tilespmem:s7+$0xFFFFFFE0] =	vst v4  }
0x1a1: {  	v2 =	vunpack.i.l.bf16.f32 v2;
	[tilespmem:s7+$0x20] =	vst v6;
	v1 =	vmul.f32 v1, v9  }
0x1a2: {  	s2 =	sshll.u32 s28, $0x8;
	v2 =	vmul.f32 v2, v9;
	[tilespmem:s7+$0x30] =	vst v3  }
0x1a3: {  	s0 =	sand.u32 $0x3FFFFF00, s2;
	[tilespmem:s7+$0xFFFFFF90] =	vst v1  }
0x1a4: {  	p0 =	seq.s32 s28, $0x28;
	s9 =	sadd.s32 $0x2900, s0;
	[tilespmem:s7+$0xFFFFFF80] =	vst v2  }
0x1a5: {  	[spmem:s4] =	stream.indirect.scatter.add.f32 [tilespmem:s25], [sflag:$0x5], $0x50, s9, s17, $0xb8;
	[tilespmem:$0x1A790] =	vst v63  }
0x1a6: {  	s10 =	simm.s32 @!p0 $0x5200;
	s7 =	sadd.s32 @!p0 $0x100, s2;
	s9 =	simm.s32 @!p0 $0x80  }
0x1a7: {  	[tilespmem:s10], [sflag:$0x1] =	stream.indirect.gather @!p0 [hbm4b:s1+s9], $0x30, s7, s9, $0xb8;
	[tilespmem:$0x1A790] =	vst v63  }
0x1a8: {  	s7 =	sadd.s32 @!p0 $0x2A00, s2;
	s10 =	simm.s32 @!p0 $0x8200  }
0x1a9: {  	[tilespmem:s10], [sflag:$0x3] =	stream.indirect.gather @!p0 [hbm4b:s6+s9], $0x10, s7, s9, $0xb8;
	[tilespmem:$0x1A790] =	vst v63  }
0x1aa: {  	_ =	swait.ge [sflag:s29], $0x1800  }
0x1ab: {  	[sflag:s29] =	ssyncset.done $0x0  }
0x1ac: {  	[sflag:s29] =	ssyncadd.s32 $0xFFFFE800  }
0x1ad: {  	_ =	swait.ge [sflag:s30], $0x800  }
0x1ae: {  	[sflag:s30] =	ssyncset.done $0x0  }
0x1af: {  	[sflag:s30] =	ssyncadd.s32 $0xFFFFF800  }
0x1b0: {  	_ =	swait.ge [sflag:s15], $0x2800  }
0x1b1: {  	[sflag:s15] =	ssyncset.done $0x0  }
0x1b2: {  	s7 =	simm.s32 $0x6A60;
	[sflag:s15] =	ssyncadd.s32 $0xFFFFD800  }
0x1b3: {  	s10 =	simm.s32 $0x8A20;
	v1 =	vld [tilespmem:s7+$0xFFFFFFA0]  }
0x1b4: {  	v2 =	vld [tilespmem:s10+$0x10]  }
0x1b5: {  	v3 =	vld [tilespmem:s7+$0x30]  }
0x1b6: {  	v4 =	vld [tilespmem:s7+$0xFFFFFFD0]  }
0x1b7: {  	v5 =	vld [tilespmem:s10+$0xFFFFFFF0]  }
0x1b8: {  	v6 =	vld [tilespmem:s10+$0xFFFFFFE0];
	_ =	sdelay $0x2  }
0x1b9: {  	v7 =	vld [tilespmem:s7+$0x0];
	v2 =	vadd.f32 v2, v3  }
0x1ba: {  	v3 =	vld [tilespmem:s10+$0x0];
	v4 =	vadd.f32 v5, v4  }
0x1bb: {  	s18 =	simm.s32 $0x6B20;
	v1 =	vadd.f32 v6, v1;
	v5 =	vmul.f32 $2.000000030e-01, v2  }
0x1bc: {  	v10 =	vld [tilespmem:s18+$0x30];
	vm6 =	vgt.f32 v2, $0.0e+00;
	v8 =	vmul.f32 $2.000000030e-01, v4  }
0x1bd: {  	s11 =	simm.s32 $0x8A60;
	v6 =	vld [tilespmem:s18+$0xFFFFFFD0];
	vm7 =	vgt.f32 v4, $0.0e+00;
	v9 =	vmul.f32 $2.000000030e-01, v1;
	v2 =	vsel vm6, v2, v5  }
0x1be: {  	vm8 =	vgt.f32 v1, $0.0e+00;
	v5 =	vld [tilespmem:s11+$0x10];
	v4 =	vsel vm7, v4, v8;
	v2 =	vsub.f32 v2, v0  }
0x1bf: {  	v8 =	vld [tilespmem:s11+$0xFFFFFFF0];
	v1 =	vsel vm8, v1, v9;
	v4 =	vsub.f32 v4, v0;
	v3 =	vadd.f32 v3, v7  }
0x1c0: {  	v16 =	vld [tilespmem:s18+$0xFFFFFFE0];
	v1 =	vsub.f32 v1, v0;
	v2 =	vmul.f32 $1.442695020e+00, v2  }
0x1c1: {  	v7 =	vld [tilespmem:s18+$0xFFFFFFA0];
	v4 =	vmul.f32 $1.442695020e+00, v4;
	v9 =	vmul.f32 $2.000000030e-01, v3  }
0x1c2: {  	v1 =	vmul.f32 $1.442695020e+00, v1;
	(erf) = vpow2.f32 v2;
	v2 =	vld [tilespmem:s11+$0xFFFFFFE0]  }
0x1c3: {  	vm9 =	vgt.f32 v3, $0.0e+00;
	v5 =	vadd.f32 v5, v10;
	(erf) = vpow2.f32 v4  }
0x1c4: {  	v11 =	vld [tilespmem:s18+$0x0];
	v4 =	vadd.f32 v8, v6;
	(erf) = vpow2.f32 v1;
	v1 =	vsel vm9, v3, v9  }
0x1c5: {  	v21 =	vunpack.i.u.bf16.f32 v16;
	v10 =	vld [tilespmem:s7+$0xFFFFFFE0];
	v3 =	vmul.f32 $2.000000030e-01, v5;
	v1 =	vsub.f32 v1, v0  }
0x1c6: {  	v8 =	vld [tilespmem:s11+$0x0];
	vm10 =	vgt.f32 v5, $0.0e+00;
	v9 =	vmul.f32 $2.000000030e-01, v4;
	vm1 =	vgt.f32 v4, $0.0e+00  }
0x1c7: {  	v6 =	vld [tilespmem:s7+$0x40];
	v3 =	vsel vm10, v5, v3;
	v2 =	vadd.f32 v2, v7;
	v7 =	vmul.f32 $1.442695020e+00, v1  }
0x1c8: {  	v16 =	vunpack.i.l.bf16.f32 v16;
	v5 =	vld [tilespmem:s7+$0xFFFFFFB0];
	v4 =	vsel vm1, v4, v9;
	v3 =	vsub.f32 v3, v0  }
0x1c9: {  	s19 =	simm.s32 $0x6BE0;
	v13 =	vld [tilespmem:s7+$0x10];
	v4 =	vsub.f32 v4, v0;
	v12 =	vmul.f32 $2.000000030e-01, v2;
	(erf) = vpow2.f32 v7  }
0x1ca: {  	s12 =	simm.s32 $0x8AA0;
	v18 =	vld [tilespmem:s19+$0xFFFFFFA0];
	v9 =	vunpack.i.u.bf16.f32 v10;
	v14 =	vmul.f32 $1.442695020e+00, v3;
	vm11 =	vgt.f32 v2, $0.0e+00  }
0x1cb: {  	v19 =	vld [tilespmem:s12+$0x10];
	v10 =	vunpack.i.l.bf16.f32 v10;
	v8 =	vadd.f32 v8, v11;
	v2 =	vsel vm11, v2, v12  }
0x1cc: {  	v1 =	vld [tilespmem:s18+$0x40];
	v7 =	vunpack.i.l.bf16.f32 v6;
	v15 =	vmul.f32 $1.442695020e+00, v4;
	v3 =	vpop (erf);
	(erf) = vpow2.f32 v14  }
0x1cd: {  	v17 =	vmul.f32 $2.000000030e-01, v8;
	v12 =	vld [tilespmem:s19+$0xFFFFFFD0];
	v14 =	vunpack.i.l.bf16.f32 v5;
	v5 =	vunpack.i.u.bf16.f32 v5;
	v4 =	vpop (erf)  }
0x1ce: {  	v11 =	vsub.f32 v2, v0;
	(erf) = vpow2.f32 v15;
	v15 =	vld [tilespmem:s12+$0xFFFFFFF0];
	v9 =	vmul.f32 v4, v9;
	v2 =	vpop (erf)  }
0x1cf: {  	s21 =	simm.s32 $0xBAA0;
	v6 =	vunpack.i.u.bf16.f32 v6;
	v10 =	vmul.f32 v4, v10;
	v20 =	vmul.f32 v2, v5;
	v5 =	vld [tilespmem:s19+$0x30]  }
0x1d0: {  	vm12 =	vgt.f32 v8, $0.0e+00;
	v7 =	vmul.f32 v3, v7;
	v11 =	vmul.f32 $1.442695020e+00, v11;
	[tilespmem:s21+$0xFFFFFFC0] =	vst v9;
	v9 =	vld [tilespmem:s12+$0x0]  }
0x1d1: {  	v6 =	vmul.f32 v3, v6;
	v17 =	vsel vm12, v8, v17;
	v14 =	vmul.f32 v2, v14;
	[tilespmem:s21+$0xFFFFFFB0] =	vst v10;
	v10 =	vld [tilespmem:s19+$0x0]  }
0x1d2: {  	[tilespmem:s21+$0x50] =	vst v7;
	v7 =	vld [tilespmem:s12+$0xFFFFFFE0];
	(erf) = vpow2.f32 v11;
	v11 =	vunpack.i.l.bf16.f32 v13;
	v13 =	vunpack.i.u.bf16.f32 v13;
	v8 =	vpop (erf)  }
0x1d3: {  	v15 =	vadd.f32 v15, v12;
	v12 =	vld [tilespmem:s7+$0xFFFFFFF0];
	[tilespmem:s21+$0xFFFFFF60] =	vst v14;
	v14 =	vsub.f32 v17, v0;
	v11 =	vmul.f32 v8, v11  }
0x1d4: {  	[tilespmem:s21+$0x60] =	vst v6;
	v22 =	vmul.f32 v8, v13;
	v19 =	vadd.f32 v19, v5;
	v5 =	vunpack.i.l.bf16.f32 v1  }
0x1d5: {  	v23 =	vmul.f32 $2.000000030e-01, v15;
	v13 =	vld [tilespmem:s7+$0x50];
	vm13 =	vgt.f32 v15, $0.0e+00;
	v28 =	vmul.f32 $1.442695020e+00, v14;
	v6 =	vpop (erf)  }
0x1d6: {  	v9 =	vadd.f32 v9, v10;
	v17 =	vmul.f32 v6, v5;
	[tilespmem:s21+$0x0] =	vst v11;
	v24 =	vmul.f32 $2.000000030e-01, v19  }
0x1d7: {  	v11 =	vld [tilespmem:s18+$0xFFFFFFB0];
	[tilespmem:s21+$0x10] =	vst v22;
	v22 =	vadd.f32 v7, v18;
	v10 =	vsel vm13, v15, v23;
	vm14 =	vgt.f32 v19, $0.0e+00;
	v5 =	vpop (erf)  }
0x1d8: {  	[tilespmem:s21+$0xFFFFFF70] =	vst v20;
	v18 =	vunpack.i.u.bf16.f32 v12;
	v7 =	vmul.f32 v5, v21;
	v15 =	vsel vm14, v19, v24;
	v19 =	vld [tilespmem:s7+$0x20]  }
0x1d9: {  	[tilespmem:s21+$0x90] =	vst v3;
	v26 =	vsub.f32 v10, v0;
	vm15 =	vgt.f32 v22, $0.0e+00;
	v21 =	vmul.f32 $2.000000030e-01, v22  }
0x1da: {  	s9 =	simm.s32 $0xBBE0;
	v20 =	vld [tilespmem:s7+$0xFFFFFFC0];
	v25 =	vmul.f32 v5, v16;
	[tilespmem:s21+$0x40] =	vst v8;
	v23 =	vunpack.i.l.bf16.f32 v13;
	v15 =	vsub.f32 v15, v0  }
0x1db: {  	v10 =	vld [tilespmem:s19+$0x40];
	v14 =	vmul.f32 $2.000000030e-01, v9;
	v27 =	vmul.f32 v23, v3;
	[tilespmem:s9+$0xFFFFFFC0] =	vst v7;
	v24 =	vsel vm15, v22, v21  }
0x1dc: {  	s10 =	simm.s32 $0x8;
	v16 =	vld [tilespmem:s18+$0x10];
	[tilespmem:s9+$0xFFFFFFB0] =	vst v25;
	v25 =	vmul.f32 $1.442695020e+00, v26;
	v23 =	vmul.f32 $1.442695020e+00, v15;
	v15 =	vunpack.i.l.bf16.f32 v11;
	v7 =	vpop (erf)  }
0x1dd: {  	s11 =	simm.s32 $0x6CA0;
	s12 =	simm.s32 $0x8AE0;
	s7 =	simm.s32 $0xBBE0;
	[tilespmem:s21+$0x70] =	vst v27;
	(erf) = vpow2.f32 v28;
	v21 =	vmul.f32 v7, v15;
	v15 =	vld [tilespmem:s19+$0xFFFFFFE0];
	v22 =	vunpack.i.u.bf16.f32 v19  }
.LBB2_9:
0x1de: {  	v26 =	vld [tilespmem:s11+$0xFFFFFFA0];
	s10 =	sadd.s32 $0x4, s10;
	v24 =	vsub.f32 v24, v0;
	s9 =	sadd.s32 $0x140, s9;
	[tilespmem:s21+$0xFFFFFFA0] =	vst v2;
	v12 =	vunpack.i.l.bf16.f32 v12;
	v19 =	vunpack.i.l.bf16.f32 v19  }
0x1df: {  	v13 =	vunpack.i.u.bf16.f32 v13;
	v27 =	vld [tilespmem:s11+$0xFFFFFFD0];
	p1 =	slt.u32 s10, $0x7C;
	(erf) = vpow2.f32 v23;
	[tilespmem:s7+$0x50] =	vst v17;
	v12 =	vmul.f32 v12, v4  }
0x1e0: {  	v11 =	vunpack.i.u.bf16.f32 v11;
	v13 =	vmul.f32 v13, v3;
	v3 =	vmovc v6;
	v17 =	vld [tilespmem:s12+$0x10];
	(erf) = vpow2.f32 v25;
	[tilespmem:s21+$0xFFFFFFF0] =	vst v4  }
0x1e1: {  	v23 =	vmul.f32 $1.442695020e+00, v24;
	v6 =	vld [tilespmem:s12+$0xFFFFFFF0];
	v24 =	vunpack.i.u.bf16.f32 v20;
	[tilespmem:s21+$0xFFFFFFD0] =	vst v12;
	v12 =	vmul.f32 v19, v8  }
0x1e2: {  	v18 =	vmul.f32 v18, v4;
	v25 =	vmul.f32 v7, v11;
	v4 =	vmovc v5;
	v11 =	vunpack.i.l.bf16.f32 v20;
	v19 =	vld [tilespmem:s12+$0x0];
	[tilespmem:s21+$0x80] =	vst v13  }
0x1e3: {  	v13 =	vunpack.i.u.bf16.f32 v1;
	v20 =	vmul.f32 v24, v2;
	v1 =	vmovc v10;
	v5 =	vld [tilespmem:s11+$0x30];
	(erf) = vpow2.f32 v23;
	[tilespmem:s7+$0xFFFFFF60] =	vst v21  }
0x1e4: {  	v10 =	vunpack.i.l.bf16.f32 v16;
	v13 =	vmul.f32 v3, v13;
	v21 =	vmul.f32 v22, v8;
	[tilespmem:s21+$0x20] =	vst v12  }
0x1e5: {  	vm0 =	vgt.f32 v9, $0.0e+00;
	v16 =	vunpack.i.u.bf16.f32 v16;
	v23 =	vmul.f32 v11, v2;
	v2 =	vmovc v7;
	v22 =	vld [tilespmem:s11+$0x0];
	[tilespmem:s21+$0xFFFFFFE0] =	vst v18  }
0x1e6: {  	v9 =	vsel vm0, v9, v14;
	v24 =	vunpack.i.u.bf16.f32 v15;
	v7 =	vld [tilespmem:s12+$0xFFFFFFE0];
	v18 =	vadd.f32 v6, v27;
	[tilespmem:s7+$0x60] =	vst v13;
	v8 =	vpop (erf)  }
0x1e7: {  	v14 =	vunpack.i.l.bf16.f32 v15;
	v12 =	vld [tilespmem:s18+$0xFFFFFFF0];
	v10 =	vmul.f32 v8, v10;
	v15 =	vmul.f32 v8, v16;
	[tilespmem:s21+$0x30] =	vst v21  }
0x1e8: {  	v11 =	vunpack.i.l.bf16.f32 v1;
	v16 =	vmul.f32 $2.000000030e-01, v18;
	v21 =	vadd.f32 v17, v5;
	v6 =	vpop (erf);
	v13 =	vld [tilespmem:s18+$0x50];
	[tilespmem:s21+$0xFFFFFF90] =	vst v20  }
0x1e9: {  	vm0 =	vgt.f32 v18, $0.0e+00;
	v20 =	vsub.f32 v9, v0;
	v17 =	vmul.f32 v6, v11;
	v5 =	vpop (erf);
	[tilespmem:s7+$0x0] =	vst v10  }
0x1ea: {  	vm1 =	vgt.f32 v21, $0.0e+00;
	v10 =	vmul.f32 $2.000000030e-01, v21;
	v11 =	vld [tilespmem:s19+$0xFFFFFFB0];
	v27 =	vmul.f32 v5, v14;
	[tilespmem:s7+$0x10] =	vst v15  }
0x1eb: {  	v9 =	vadd.f32 v19, v22;
	v15 =	vmul.f32 v5, v24;
	v14 =	vadd.f32 v7, v26;
	[tilespmem:s21+$0xFFFFFF80] =	vst v23;
	s21 =	smov.u32 s7;
	s7 =	smov.u32 s9  }
0x1ec: {  	v16 =	vsel vm0, v18, v16;
	v10 =	vsel vm1, v21, v10;
	v7 =	vpop (erf);
	v18 =	vunpack.i.u.bf16.f32 v12;
	v19 =	vld [tilespmem:s18+$0x20];
	[tilespmem:s21+$0x90] =	vst v3  }
.Ltmp5:
0x1ed: {  	v21 =	vmul.f32 $2.000000030e-01, v14;
	v10 =	vsub.f32 v10, v0;
	[tilespmem:s21+$0x40] =	vst v8;
	v22 =	vunpack.i.l.bf16.f32 v13;
	(pc) =	sbr.rel @p1 .LBB2_9-.Ltmp5, $4  }
0x1ee: {  	v26 =	vsub.f32 v16, v0;
	vm0 =	vgt.f32 v14, $0.0e+00;
	[tilespmem:s9+$0xFFFFFFC0] =	vst v15;
	v16 =	vld [tilespmem:s19+$0x10];
	v28 =	vmul.f32 v22, v3  }
0x1ef: {  	v22 =	vmul.f32 $1.442695020e+00, v20;
	v23 =	vmul.f32 $1.442695020e+00, v10;
	v10 =	vld [tilespmem:s11+$0x40];
	v15 =	vunpack.i.l.bf16.f32 v11;
	[tilespmem:s21+$0xFFFFFF70] =	vst v25  }
0x1f0: {  	v24 =	vsel vm0, v14, v21;
	v14 =	vmul.f32 $2.000000030e-01, v9;
	v21 =	vmul.f32 v7, v15;
	[tilespmem:s9+$0xFFFFFFB0] =	vst v27;
	v20 =	vld [tilespmem:s18+$0xFFFFFFC0];
	s18 =	smov.u32 s19;
	s19 =	smov.u32 s11  }
0x1f1: {  	s12 =	sadd.s32 $0x40, s12;
	v25 =	vmul.f32 $1.442695020e+00, v26;
	s11 =	sadd.s32 $0xC0, s11;
	v15 =	vld [tilespmem:s19+$0xFFFFFFE0];
	(erf) = vpow2.f32 v22;
	v22 =	vunpack.i.u.bf16.f32 v19;
	[tilespmem:s21+$0x70] =	vst v28  }
0x1f2: {  	[tilespmem:s21+$0xFFFFFFA0] =	vst v2  }
0x1f3: {  	[tilespmem:s7+$0x50] =	vst v17  }
0x1f4: {  	[tilespmem:s21+$0xFFFFFFF0] =	vst v4  }
0x1f5: {  	v12 =	vunpack.i.l.bf16.f32 v12;
	[tilespmem:s7+$0xFFFFFF60] =	vst v21;
	v32 =	vmul.f32 v22, v8  }
0x1f6: {  	v13 =	vunpack.i.u.bf16.f32 v13;
	v42 =	vld [tilespmem:s18+$0xFFFFFFF0];
	[tilespmem:s7+$0xFFFFFFF0] =	vst v5;
	v12 =	vmul.f32 v12, v4  }
0x1f7: {  	v29 =	vunpack.i.l.bf16.f32 v19;
	v3 =	vmul.f32 v13, v3;
	[tilespmem:s21+$0x30] =	vst v32  }
0x1f8: {  	v30 =	vmul.f32 v29, v8;
	[tilespmem:s21+$0xFFFFFFD0] =	vst v12  }
0x1f9: {  	(erf) = vpow2.f32 v23;
	v1 =	vunpack.i.u.bf16.f32 v1;
	[tilespmem:s21+$0x80] =	vst v3;
	v3 =	vmul.f32 v18, v4  }
0x1fa: {  	v1 =	vmul.f32 v6, v1;
	[tilespmem:s21+$0x20] =	vst v30;
	v31 =	vunpack.i.u.bf16.f32 v20;
	v36 =	vunpack.i.l.bf16.f32 v20  }
0x1fb: {  	[tilespmem:s21+$0xFFFFFFE0] =	vst v3;
	v3 =	vmul.f32 v31, v2;
	v2 =	vmul.f32 v36, v2  }
0x1fc: {  	(erf) = vpow2.f32 v25;
	[tilespmem:s7+$0x60] =	vst v1  }
0x1fd: {  	v37 =	vld [tilespmem:s18+$0x50];
	[tilespmem:s21+$0xFFFFFF80] =	vst v2;
	v2 =	vunpack.i.u.bf16.f32 v11  }
0x1fe: {  	v34 =	vsub.f32 v24, v0;
	v33 =	vunpack.i.l.bf16.f32 v16;
	[tilespmem:s7+$0x90] =	vst v6;
	v1 =	vpop (erf);
	v2 =	vmul.f32 v7, v2  }
0x1ff: {  	vm0 =	vgt.f32 v9, $0.0e+00;
	v35 =	vunpack.i.u.bf16.f32 v16;
	[tilespmem:s21+$0xFFFFFF90] =	vst v3;
	v4 =	vmul.f32 v1, v33  }
0x200: {  	v9 =	vsel vm0, v9, v14;
	v3 =	vmul.f32 $1.442695020e+00, v34;
	v13 =	vmul.f32 v1, v35;
	[tilespmem:s7+$0xFFFFFF70] =	vst v2  }
0x201: {  	v9 =	vsub.f32 v9, v0;
	[tilespmem:s7+$0x0] =	vst v4  }
0x202: {  	v41 =	vunpack.i.l.bf16.f32 v15;
	(erf) = vpow2.f32 v3;
	v43 =	vunpack.i.l.bf16.f32 v37;
	[tilespmem:s7+$0x10] =	vst v13  }
0x203: {  	v3 =	vunpack.i.u.bf16.f32 v15;
	v8 =	vunpack.i.u.bf16.f32 v37;
	v15 =	vmul.f32 v43, v6;
	v44 =	vld [tilespmem:s18+$0xFFFFFFC0];
	[tilespmem:s7+$0xFFFFFFA0] =	vst v7  }
0x204: {  	v9 =	vmul.f32 $1.442695020e+00, v9;
	v38 =	vpop (erf);
	v2 =	vunpack.i.l.bf16.f32 v10;
	v48 =	vmul.f32 v8, v6;
	v40 =	vld [tilespmem:s18+$0x20];
	[tilespmem:s7+$0x40] =	vst v1  }
0x205: {  	v39 =	vpop (erf);
	v2 =	vmul.f32 v38, v2;
	[tilespmem:s7+$0x70] =	vst v15  }
0x206: {  	s9 =	sadd.s32 $0x140, s9;
	v45 =	vunpack.i.l.bf16.f32 v42;
	(erf) = vpow2.f32 v9;
	v3 =	vmul.f32 v39, v3;
	[tilespmem:s7+$0x80] =	vst v48  }
0x207: {  	[tilespmem:s9+$0x50] =	vst v2;
	v2 =	vmul.f32 v45, v5  }
0x208: {  	v13 =	vmul.f32 v39, v41;
	[tilespmem:s9+$0xFFFFFFC0] =	vst v3  }
0x209: {  	[tilespmem:s7+$0xFFFFFFD0] =	vst v2;
	v2 =	vunpack.i.u.bf16.f32 v42  }
0x20a: {  	v49 =	vld [tilespmem:s19+$0x10];
	v52 =	vunpack.i.u.bf16.f32 v10;
	[tilespmem:s9+$0xFFFFFFB0] =	vst v13;
	v2 =	vmul.f32 v2, v5  }
0x20b: {  	v58 =	vld [tilespmem:s19+$0xFFFFFFF0];
	[tilespmem:s9+$0xFFFFFFF0] =	vst v39;
	v5 =	vmul.f32 v38, v52;
	v50 =	vunpack.i.l.bf16.f32 v40  }
0x20c: {  	v53 =	vunpack.i.u.bf16.f32 v40;
	v51 =	vmul.f32 v50, v1;
	[tilespmem:s7+$0xFFFFFFE0] =	vst v2  }
0x20d: {  	v3 =	vld [tilespmem:s19+$0xFFFFFFB0];
	v54 =	vunpack.i.u.bf16.f32 v44;
	v1 =	vmul.f32 v53, v1;
	[tilespmem:s9+$0x60] =	vst v5  }
0x20e: {  	v46 =	vpop (erf);
	v2 =	vmul.f32 v54, v7;
	[tilespmem:s7+$0x20] =	vst v51  }
0x20f: {  	v55 =	vunpack.i.l.bf16.f32 v49;
	v56 =	vpop (erf);
	[tilespmem:s7+$0x30] =	vst v1  }
0x210: {  	v8 =	vunpack.i.u.bf16.f32 v49;
	v6 =	vmul.f32 v56, v55;
	[tilespmem:s7+$0xFFFFFF90] =	vst v2  }
0x211: {  	v57 =	vunpack.i.l.bf16.f32 v44;
	v1 =	vld [tilespmem:s19+$0x50];
	v8 =	vmul.f32 v56, v8;
	[tilespmem:s9+$0x90] =	vst v38  }
0x212: {  	v47 =	vunpack.i.l.bf16.f32 v3;
	v2 =	vmul.f32 v57, v7;
	[tilespmem:s9+$0x0] =	vst v6  }
0x213: {  	v3 =	vunpack.i.u.bf16.f32 v3;
	v15 =	vmul.f32 v46, v47;
	[tilespmem:s9+$0x10] =	vst v8  }
0x214: {  	v62 =	vunpack.i.u.bf16.f32 v58;
	[tilespmem:s7+$0xFFFFFF80] =	vst v2;
	v2 =	vmul.f32 v46, v3  }
0x215: {  	v4 =	vmul.f32 v62, v39;
	[tilespmem:s9+$0xFFFFFF60] =	vst v15;
	v3 =	vld [tilespmem:s19+$0x20]  }
0x216: {  	[tilespmem:s9+$0xFFFFFF70] =	vst v2  }
0x217: {  	[tilespmem:s9+$0xFFFFFFE0] =	vst v4;
	v59 =	vunpack.i.l.bf16.f32 v1;
	v2 =	vld [tilespmem:s19+$0xFFFFFFC0]  }
0x218: {  	[tilespmem:s9+$0x40] =	vst v56;
	v1 =	vunpack.i.u.bf16.f32 v1;
	v7 =	vmul.f32 v59, v38  }
0x219: {  	v60 =	vunpack.i.l.bf16.f32 v58;
	[tilespmem:s9+$0xFFFFFFA0] =	vst v46;
	v1 =	vmul.f32 v1, v38  }
0x21a: {  	[tilespmem:s9+$0x70] =	vst v7;
	v7 =	vmul.f32 v60, v39;
	v61 =	vunpack.i.l.bf16.f32 v3  }
0x21b: {  	v3 =	vunpack.i.u.bf16.f32 v3;
	[tilespmem:s9+$0x80] =	vst v1;
	v63 =	vmul.f32 v61, v56  }
0x21c: {  	v3 =	vmul.f32 v3, v56;
	[tilespmem:s9+$0xFFFFFFD0] =	vst v7;
	v1 =	vunpack.i.u.bf16.f32 v2  }
.Ltmp6:
0x21d: {  	v2 =	vunpack.i.l.bf16.f32 v2;
	[tilespmem:s9+$0x20] =	vst v63;
	v1 =	vmul.f32 v1, v46;
	(pc) =	sbr.rel @p0 .LBB2_12-.Ltmp6, $4  }
0x21e: {  	v2 =	vmul.f32 v2, v46;
	[tilespmem:s9+$0x30] =	vst v3  }
0x21f: {  	[tilespmem:s9+$0xFFFFFF90] =	vst v1  }
0x220: {  	s0 =	sadd.s32 $0x2980, s0;
	[tilespmem:s9+$0xFFFFFF80] =	vst v2  }
0x221: {  	[spmem:s4] =	stream.indirect.scatter.add.f32 [tilespmem:s31], [sflag:$0x6], $0x50, s0, s17, $0xb8;
	[tilespmem:$0x1A790] =	vst v63  }
.Ltmp7:
0x222: {  	(pc) =	sbr.rel .LBB2_6-.Ltmp7, $4  }
0x223: {  	s0 =	sadd.s32 $0x180, s2  }
0x224: {  	[tilespmem:s20], [sflag:$0x2] =	stream.indirect.gather [hbm4b:s1+s17], $0x30, s0, s17, $0xb8;
	[tilespmem:$0x1A790] =	vst v63  }
0x225: {  	s21 =	sadd.s32 $0x2A80, s2;
	s28 =	sadd.s32 $0x1, s28  }
0x226: {  	[tilespmem:s22], [sflag:$0x4] =	stream.indirect.gather [hbm4b:s6+s17], $0x10, s21, s17, $0xb8;
	[tilespmem:$0x1A790] =	vst v63  }
.LBB2_13:
0x227: {  	_ =	sfence.sel $0x180000  }
0x228: {  	[bflag:$0x0] =	sbarrier.arrive $0xFFFF  }
0x229: {  	_ =	strace $0x90000047  }
0x22a: {  	s0 =	stileid.u32;
	[bflag:$0x2] =	sbarrier.arrive $0xFFFF  }
0x22b: {  	p0 =	sne.s32 s0, $0x0;
	s0 =	rddreg [dreg:$0x3]  }
0x22c: {  	s0 =	sadd.s32 @!p0 $0x100000, s0  }
0x22d: {  	[sflag:s0] =	ssyncadd.tile.s32 @!p0 $0x1;
	_ =	shalt  }
.Lfunc_end2:
_tile_overlayer_lowered:
.L_overlay_start_2:
0x22e: {  	(tag) =	ssettag $0x2  }
0x22f: {  	s0 =	rddreg [dreg:$0x0];
	s2 =	stileid.u32  }
0x230: {  	s1 =	rddreg [dreg:$0x1];
	p0 =	sne.s32 s2, $0x0  }
0x231: {  	s3 =	rddreg [dreg:$0x2];
	[bflag:$0x3] =	sbarrier.arrive $0xFFFF;
	s2 =	simm.s32 @!p0 $0x1C07  }
0x232: {  	[timem:s3], [sflag:s2] =	dma.local @!p0 [hbm:s0], s1  }
0x233: {  	s0 =	simm.s32 @!p0 $0x7  }
0x234: {  	_ =	swait.ge @!p0 [sflag:s0], s1  }
0x235: {  	s1 =	ssub.s32 @!p0 $0x0, s1;
	[sflag:s0] =	ssyncset.done @!p0 $0x0  }
0x236: {  	[sflag:s0] =	ssyncadd.s32 @!p0 s1  }
0x237: {  	[bflag:$0x3] =	sbarrier.arrive $0xFFFF  }
0x238: {  	_ =	shalt  }

</sc_bundles>
